<compile_context>
chip_gen: v7x
topology: tpu7x:2x2x1
jax: 0.10.2.dev20260603
libtpu: 0.0.44.dev20260713+nightly
codegen_flags: <defaults>
</compile_context>

<pallas_src>
import functools

import jax
import jax.numpy as jnp
from jax import lax
from jax.experimental import pallas as pl
from jax.experimental.pallas import tpu as pltpu
from jax.experimental.pallas import tpu_sc as plsc

N = 10000
E = 320000
D = 128
G = 64

NC = 2
NS = 16
NW = NC * NS
EPW = E // NW
CH = 80
NCHUNK = EPW // CH
ZR = 624
RCH = 104

_f32 = jnp.float32
_i32 = jnp.int32

@functools.cache
def _mesh():
  return plsc.VectorSubcoreMesh(
      core_axis_name="c", subcore_axis_name="s", num_cores=NC, num_subcores=NS)


def _sc_zero_acc(seq_hbm, zeros_hbm, acc, idxz, zbuf, sid):
  pltpu.sync_copy(zeros_hbm, zbuf)
  rbase = sid * ZR
  for k in range(ZR // RCH):
    pltpu.sync_copy(seq_hbm.at[pl.ds(rbase + k * RCH, RCH)], idxz)
    pltpu.sync_copy(zbuf, acc.at[idxz])
  pltpu.sync_copy(seq_hbm.at[pl.ds(N - RCH, RCH)], idxz)
  pltpu.sync_copy(zbuf, acc.at[idxz])


def _sc_copy_out(seq_hbm, acc, out_hbm, idxz, zbuf, cid, sid):
  for k in range(ZR // RCH):
    r = sid * ZR + k * RCH
    pltpu.sync_copy(seq_hbm.at[pl.ds(r, RCH)], idxz)
    pltpu.sync_copy(acc.at[idxz], zbuf)
    pltpu.sync_copy(zbuf, out_hbm.at[pl.ds(cid * N + r, RCH)])
  pltpu.sync_copy(seq_hbm.at[pl.ds(N - RCH, RCH)], idxz)
  pltpu.sync_copy(acc.at[idxz], zbuf)
  pltpu.sync_copy(zbuf, out_hbm.at[pl.ds(cid * N + N - RCH, RCH)])


def _sc_agg_common(h_hbm, src_r, dst_hbm, seq_hbm, zeros_hbm,
                   agg_out, acc, idxs_all, idxdA, idxdB, idxz,
                   rowsA, rowsB, zbuf, semA, semB, isemA, isemB):
  cid = lax.axis_index("c")
  sid = lax.axis_index("s")
  wid = cid * NS + sid

  _sc_zero_acc(seq_hbm, zeros_hbm, acc, idxz, zbuf, sid)
  pltpu.sync_copy(src_r.at[wid], idxs_all)
  plsc.subcore_barrier()

  ebase = wid * EPW
  pltpu.sync_copy(dst_hbm.at[pl.ds(pl.multiple_of(ebase, CH), CH)], idxdA)
  pltpu.async_copy(h_hbm.at[idxs_all.at[0]], rowsA, semA)

  def _dst_slice(j):
    return dst_hbm.at[pl.ds(pl.multiple_of(ebase + j * CH, CH), CH)]

  def _step(j, cur, cursem, icur, nxt, nxtsem, inxt, inxtsem):
    @pl.when(j < NCHUNK - 1)
    def _():
      pltpu.async_copy(h_hbm.at[idxs_all.at[j + 1]], nxt, nxtsem)
      pltpu.async_copy(_dst_slice(j + 1), inxt, inxtsem)

    pltpu.make_async_copy(h_hbm.at[idxs_all.at[j]], cur, cursem).wait()
    pltpu.sync_copy(cur, acc.at[icur], add=True)

    @pl.when(j < NCHUNK - 1)
    def _():
      pltpu.make_async_copy(_dst_slice(j + 1), inxt, inxtsem).wait()

  def body(j, _):
    @pl.when(j % 2 == 0)
    def _():
      _step(j, rowsA, semA, idxdA, rowsB, semB, idxdB, isemB)

    @pl.when(j % 2 == 1)
    def _():
      _step(j, rowsB, semB, idxdB, rowsA, semA, idxdA, isemA)

    return 0

  lax.fori_loop(0, NCHUNK, body, 0)
  plsc.subcore_barrier()
  _sc_copy_out(seq_hbm, acc, agg_out, idxz, zbuf, cid, sid)


def _sc_deg_common(dst_hbm, seq_hbm, zeros_hbm, ones_hbm, deg_out,
                   acc, idxdA, idxdB, idxz, ones_v, zbuf, semA, semB):
  cid = lax.axis_index("c")
  sid = lax.axis_index("s")
  wid = cid * NS + sid

  _sc_zero_acc(seq_hbm, zeros_hbm, acc, idxz, zbuf, sid)
  pltpu.sync_copy(ones_hbm, ones_v)
  plsc.subcore_barrier()

  ebase = wid * EPW
  pltpu.sync_copy(dst_hbm.at[pl.ds(pl.multiple_of(ebase, CH), CH)], idxdA)

  def _nxt_slice(j):
    return dst_hbm.at[pl.ds(pl.multiple_of(ebase + (j + 1) * CH, CH), CH)]

  def _step(j, icur, inxt, nxtsem):
    @pl.when(j < NCHUNK - 1)
    def _():
      pltpu.async_copy(_nxt_slice(j), inxt, nxtsem)

    pltpu.sync_copy(ones_v, acc.at[icur], add=True)

    @pl.when(j < NCHUNK - 1)
    def _():
      pltpu.make_async_copy(_nxt_slice(j), inxt, nxtsem).wait()

  def body(j, _):
    @pl.when(j % 2 == 0)
    def _():
      _step(j, idxdA, idxdB, semB)

    @pl.when(j % 2 == 1)
    def _():
      _step(j, idxdB, idxdA, semA)

    return 0

  lax.fori_loop(0, NCHUNK, body, 0)
  plsc.subcore_barrier()
  _sc_copy_out(seq_hbm, acc, deg_out, idxz, zbuf, cid, sid)


@functools.cache
def _make_sc_agg():
  @functools.partial(
      pl.kernel,
      out_type=jax.ShapeDtypeStruct((NC * N, D), _f32),
      mesh=_mesh(),
      scratch_types=[
          pltpu.VMEM_SHARED((N, D), _f32),
          pltpu.VMEM((NCHUNK, CH), _i32),
          pltpu.VMEM((CH,), _i32),
          pltpu.VMEM((CH,), _i32),
          pltpu.VMEM((RCH,), _i32),
          pltpu.VMEM((CH, D), _f32),
          pltpu.VMEM((CH, D), _f32),
          pltpu.VMEM((RCH, D), _f32),
          pltpu.SemaphoreType.DMA,
          pltpu.SemaphoreType.DMA,
          pltpu.SemaphoreType.DMA,
          pltpu.SemaphoreType.DMA,
      ],
  )
  def _sc_agg(h_hbm, src_r, dst_hbm, seq_hbm, zeros_hbm, agg_out, acc,
              idxs_all, idxdA, idxdB, idxz, rowsA, rowsB, zbuf,
              semA, semB, isemA, isemB):
    _sc_agg_common(h_hbm, src_r, dst_hbm, seq_hbm, zeros_hbm,
                   agg_out, acc, idxs_all, idxdA, idxdB, idxz,
                   rowsA, rowsB, zbuf, semA, semB, isemA, isemB)

  return _sc_agg


@functools.cache
def _make_sc_deg():
  @functools.partial(
      pl.kernel,
      out_type=jax.ShapeDtypeStruct((NC * N, D), _f32),
      mesh=_mesh(),
      scratch_types=[
          pltpu.VMEM_SHARED((N, D), _f32),
          pltpu.VMEM((CH,), _i32),
          pltpu.VMEM((CH,), _i32),
          pltpu.VMEM((RCH,), _i32),
          pltpu.VMEM((CH, D), _f32),
          pltpu.VMEM((RCH, D), _f32),
          pltpu.SemaphoreType.DMA,
          pltpu.SemaphoreType.DMA,
      ],
  )
  def _sc_deg(dst_hbm, seq_hbm, zeros_hbm, ones_hbm, deg_out, acc,
              idxdA, idxdB, idxz, ones_v, zbuf, semA, semB):
    _sc_deg_common(dst_hbm, seq_hbm, zeros_hbm, ones_hbm, deg_out,
                   acc, idxdA, idxdB, idxz, ones_v, zbuf, semA, semB)

  return _sc_deg


def _bn_relu(h, g, b):
  m = jnp.mean(h, axis=0, keepdims=True)
  d = h - m
  v = jnp.mean(d * d, axis=0, keepdims=True)
  return jnp.maximum(d * lax.rsqrt(v + 1e-5) * g + b, 0.0)


def _mm(a, b):
  return jnp.dot(a, b, preferred_element_type=_f32)


RB = 2000
NRB = N // RB


def _gin_pre_body(x_ref, agg_ref, deg_ref, w1_ref, b1_ref, w2_ref, b2_ref,
                  out_ref, invdeg_ref):
  h = x_ref[...] + agg_ref[0] + agg_ref[1]
  out_ref[...] = _mm(jnp.maximum(_mm(h, w1_ref[...]) + b1_ref[...], 0.0),
                     w2_ref[...]) + b2_ref[...]
  degsum = deg_ref[0] + deg_ref[1]
  invdeg_ref[...] = 1.0 / jnp.maximum(degsum, 1.0)


def _sage_pre_body(h_ref, agg_ref, invdeg_ref, wl_ref, bl_ref, wr_ref,
                   out_ref):
  invdeg = jnp.max(invdeg_ref[...], axis=1, keepdims=True)
  aggm = (agg_ref[0] + agg_ref[1]) * invdeg
  out_ref[...] = (_mm(aggm, wl_ref[...]) + bl_ref[...]
                  + _mm(h_ref[...], wr_ref[...]))


def _bn_relu_body(h_ref, g_ref, bb_ref, out_ref):
  out_ref[...] = _bn_relu(h_ref[...], g_ref[...], bb_ref[...])


def _bn_relu_pool_body(h_ref, g_ref, bb_ref, batch_ref, out_ref):
  h = _bn_relu(h_ref[...], g_ref[...], bb_ref[...])
  gid = lax.broadcasted_iota(_i32, (G, N), 0)
  onehot = jnp.where(batch_ref[...] == gid, 1.0, 0.0)
  sums = _mm(onehot, h)
  counts = jnp.sum(onehot, axis=1, keepdims=True)
  out_ref[...] = sums / jnp.maximum(counts, 1.0)


_rowblk = pl.BlockSpec((RB, D), lambda i: (i, 0))
_aggblk = pl.BlockSpec((NC, RB, D), lambda i: (0, i, 0))
_wblk = pl.BlockSpec((D, D), lambda i: (0, 0))
_bblk = pl.BlockSpec((1, D), lambda i: (0, 0))

_tc_gin_pre = pl.pallas_call(
    _gin_pre_body,
    grid=(NRB,),
    in_specs=[_rowblk, _aggblk, _aggblk, _wblk, _bblk, _wblk, _bblk],
    out_specs=[_rowblk, _rowblk],
    out_shape=[jax.ShapeDtypeStruct((N, D), _f32),
               jax.ShapeDtypeStruct((N, D), _f32)])
_tc_sage_pre = pl.pallas_call(
    _sage_pre_body,
    grid=(NRB,),
    in_specs=[_rowblk, _aggblk, _rowblk, _wblk, _bblk, _wblk],
    out_specs=_rowblk,
    out_shape=jax.ShapeDtypeStruct((N, D), _f32))
_tc_bn_relu = pl.pallas_call(
    _bn_relu_body, out_shape=jax.ShapeDtypeStruct((N, D), _f32))
_tc_bn_relu_pool = pl.pallas_call(
    _bn_relu_pool_body, out_shape=jax.ShapeDtypeStruct((G, D), _f32))


def kernel(x, edge_index, batch, gin_W1, gin_b1, gin_W2, gin_b2,
           sage1_Wl, sage1_bl, sage1_Wr, sage2_Wl, sage2_bl, sage2_Wr,
           bn1_g, bn1_b, bn2_g, bn2_b, bn3_g, bn3_b):
  src = edge_index[0]
  dst = edge_index[1]
  src_r = src.reshape(NW, NCHUNK, CH)
  r1 = lambda a: a.reshape(1, D)
  zeros = jnp.zeros((RCH, D), _f32)
  ones = jnp.ones((CH, D), _f32)
  seq = jnp.arange(N, dtype=_i32)

  agg1 = _make_sc_agg()(x, src_r, dst, seq, zeros).reshape(NC, N, D)
  deg = _make_sc_deg()(dst, seq, zeros, ones).reshape(NC, N, D)
  p1, invdeg = _tc_gin_pre(x, agg1, deg, gin_W1, r1(gin_b1), gin_W2,
                           r1(gin_b2))
  h1 = _tc_bn_relu(p1, r1(bn1_g), r1(bn1_b))
  agg2 = _make_sc_agg()(h1, src_r, dst, seq, zeros).reshape(NC, N, D)
  p2 = _tc_sage_pre(h1, agg2, invdeg, sage1_Wl, r1(sage1_bl), sage1_Wr)
  h2 = _tc_bn_relu(p2, r1(bn2_g), r1(bn2_b))
  agg3 = _make_sc_agg()(h2, src_r, dst, seq, zeros).reshape(NC, N, D)
  p3 = _tc_sage_pre(h2, agg3, invdeg, sage2_Wl, r1(sage2_bl), sage2_Wr)
  return _tc_bn_relu_pool(p3, r1(bn3_g), r1(bn3_b), batch.reshape(1, N))

# --- scband reference (transcript-rebuilt; emitter-appended) ---
"""Pipeline reference for scband-custom-gnn-26285199851521 (READ-ONLY COPY).

The authoritative reference and input builder live on the scoring server;
editing this copy changes nothing except your own understanding.
"""

import jax, jax.numpy as jnp
import numpy as np

N = 10000
E = 320000
D = 128
NUM_GRAPHS = 64


def setup_inputs(seed: int = 0) -> dict:
    key = jax.random.key(seed)
    ks = jax.random.split(key, 20)
    s = 1.0 / np.sqrt(D)
    inp = {
        "x": jax.random.normal(ks[0], (N, D), dtype=jnp.float32),
        "edge_index": jax.random.randint(ks[1], (2, E), 0, N, dtype=jnp.int32),
        "batch": jnp.sort(jax.random.randint(ks[2], (N,), 0, NUM_GRAPHS, dtype=jnp.int32)),
        "gin_W1": jax.random.normal(ks[3], (D, D), dtype=jnp.float32) * s,
        "gin_b1": jnp.zeros((D,), jnp.float32),
        "gin_W2": jax.random.normal(ks[4], (D, D), dtype=jnp.float32) * s,
        "gin_b2": jnp.zeros((D,), jnp.float32),
        "sage1_Wl": jax.random.normal(ks[5], (D, D), dtype=jnp.float32) * s,
        "sage1_bl": jnp.zeros((D,), jnp.float32),
        "sage1_Wr": jax.random.normal(ks[6], (D, D), dtype=jnp.float32) * s,
        "sage2_Wl": jax.random.normal(ks[7], (D, D), dtype=jnp.float32) * s,
        "sage2_bl": jnp.zeros((D,), jnp.float32),
        "sage2_Wr": jax.random.normal(ks[8], (D, D), dtype=jnp.float32) * s,
        "bn1_g": jnp.ones((D,), jnp.float32),
        "bn1_b": jnp.zeros((D,), jnp.float32),
        "bn2_g": jnp.ones((D,), jnp.float32),
        "bn2_b": jnp.zeros((D,), jnp.float32),
        "bn3_g": jnp.ones((D,), jnp.float32),
        "bn3_b": jnp.zeros((D,), jnp.float32),
    }
    return inp


def _bn(h, g, b):
    m = jnp.mean(h, axis=0)
    v = jnp.var(h, axis=0)
    return (h - m) / jnp.sqrt(v + 1e-5) * g + b


def reference(x, edge_index, batch, gin_W1, gin_b1, gin_W2, gin_b2,
              sage1_Wl, sage1_bl, sage1_Wr, sage2_Wl, sage2_bl, sage2_Wr,
              bn1_g, bn1_b, bn2_g, bn2_b, bn3_g, bn3_b):
    src = edge_index[0]
    dst = edge_index[1]
    n = x.shape[0]
    # Layer 1: GINConv (eps=0, sum aggregation) + MLP
    agg = jax.ops.segment_sum(x[src], dst, num_segments=n)
    h = x + agg
    h = jnp.maximum(h @ gin_W1 + gin_b1, 0.0) @ gin_W2 + gin_b2
    h = jnp.maximum(_bn(h, bn1_g, bn1_b), 0.0)
    # degree for mean aggregation (SAGE)
    deg = jax.ops.segment_sum(jnp.ones((src.shape[0],), jnp.float32), dst, num_segments=n)
    deg = jnp.maximum(deg, 1.0)[:, None]
    # Layers 2..3: SAGEConv (mean aggr): lin_l(mean_j x_j) + lin_r(x_i)
    for Wl, bl, Wr, g, b in ((sage1_Wl, sage1_bl, sage1_Wr, bn2_g, bn2_b),
                             (sage2_Wl, sage2_bl, sage2_Wr, bn3_g, bn3_b)):
        aggm = jax.ops.segment_sum(h[src], dst, num_segments=n) / deg
        h = aggm @ Wl + bl + h @ Wr
        h = jnp.maximum(_bn(h, g, b), 0.0)
    # global_mean_pool over batch assignment
    counts = jax.ops.segment_sum(jnp.ones((n,), jnp.float32), batch, num_segments=NUM_GRAPHS)
    sums = jax.ops.segment_sum(h, batch, num_segments=NUM_GRAPHS)
    return sums / jnp.maximum(counts, 1.0)[:, None]

if __name__ == "__main__":
    import jax
    _d = setup_inputs()
    print(jax.jit(kernel)(*tuple(_d.values())))

</pallas_src>

<mosaic_0001>
#map = affine_map<(d0, d1) -> (0)>
#map1 = affine_map<(d0, d1) -> (0, 0)>
module attributes {stable_mosaic.version = 14 : i64} {
  func.func @_sc_deg(%arg0: i32, %arg1: i32, %arg2: memref<320000xi32, #tpu.memory_space<hbm>>, %arg3: memref<10000xi32, #tpu.memory_space<hbm>>, %arg4: memref<104x128xf32, #tpu.memory_space<hbm>>, %arg5: memref<80x128xf32, #tpu.memory_space<hbm>>, %arg6: memref<20000x128xf32, #tpu.memory_space<hbm>>, %arg7: memref<10000x128xf32, #tpu.memory_space<vmem_shared>>, %arg8: memref<80xi32, #tpu.memory_space<vmem>>, %arg9: memref<80xi32, #tpu.memory_space<vmem>>, %arg10: memref<104xi32, #tpu.memory_space<vmem>>, %arg11: memref<80x128xf32, #tpu.memory_space<vmem>>, %arg12: memref<104x128xf32, #tpu.memory_space<vmem>>, %arg13: memref<!tpu.dma_semaphore, #tpu.memory_space<semaphore_mem>>, %arg14: memref<!tpu.dma_semaphore, #tpu.memory_space<semaphore_mem>>) attributes {dimension_semantics = [#tpu.dimension_semantics<core_parallel>, #tpu.dimension_semantics<subcore_parallel>], iteration_bounds = array<i64: 2, 16>, scalar_prefetch = 0 : i64, scratch_operands = 8 : i64, tpu.core_type = #tpu.core_type<sc_vector_subcore>, window_params = [{transform_indices = #map}, {transform_indices = #map}, {transform_indices = #map1}, {transform_indices = #map1}, {transform_indices = #map1}]} {
    %mul3A = arith.constant 16 : i32
    %mul3A_0 = arith.muli %arg0, %mul3A : i32
    %add3A = arith.addi %mul3A_0, %arg1 : i32
    "tpu.region"() ({
      %run_scoped3A = tpu.sem_alloc : memref<!tpu.dma_semaphore, #tpu.memory_space<semaphore_mem>>
      tpu.enqueue_dma source(%arg4 : memref<104x128xf32, #tpu.memory_space<hbm>>) target(%arg12 : memref<104x128xf32, #tpu.memory_space<vmem>>) target_semaphore(%run_scoped3A : memref<!tpu.dma_semaphore, #tpu.memory_space<semaphore_mem>>)
      tpu.wait_dma2 semaphore(%run_scoped3A : memref<!tpu.dma_semaphore, #tpu.memory_space<semaphore_mem>>) src(%arg4 : memref<104x128xf32, #tpu.memory_space<hbm>>) dst(%arg12 : memref<104x128xf32, #tpu.memory_space<vmem>>)
      tpu.yield
    }) : () -> ()
    %mul3A_1 = arith.constant 624 : i32
    %mul3A_2 = arith.muli %arg1, %mul3A_1 : i32
    %add3A_3 = arith.constant 0 : i32
    %add3A_4 = arith.addi %mul3A_2, %add3A_3 : i32
    "tpu.region"() ({
      %run_scoped3A = tpu.sem_alloc : memref<!tpu.dma_semaphore, #tpu.memory_space<semaphore_mem>>
      %dma_start3A = tpu.memref_slice %arg3[%add3A_4] : memref<10000xi32, #tpu.memory_space<hbm>> -> memref<104xi32, #tpu.memory_space<hbm>>
      %dma_start3A_71 = tpu.memref_slice %arg3[%add3A_4] : memref<10000xi32, #tpu.memory_space<hbm>> -> memref<104xi32, #tpu.memory_space<hbm>>
      tpu.enqueue_dma source(%dma_start3A_71 : memref<104xi32, #tpu.memory_space<hbm>>) target(%arg10 : memref<104xi32, #tpu.memory_space<vmem>>) target_semaphore(%run_scoped3A : memref<!tpu.dma_semaphore, #tpu.memory_space<semaphore_mem>>)
      %dma_wait3A = tpu.memref_slice %arg3[%add3A_4] : memref<10000xi32, #tpu.memory_space<hbm>> -> memref<104xi32, #tpu.memory_space<hbm>>
      %dma_wait3A_72 = tpu.memref_slice %arg3[%add3A_4] : memref<10000xi32, #tpu.memory_space<hbm>> -> memref<104xi32, #tpu.memory_space<hbm>>
      tpu.wait_dma2 semaphore(%run_scoped3A : memref<!tpu.dma_semaphore, #tpu.memory_space<semaphore_mem>>) src(%dma_wait3A_72 : memref<104xi32, #tpu.memory_space<hbm>>) dst(%arg10 : memref<104xi32, #tpu.memory_space<vmem>>)
      tpu.yield
    }) : () -> ()
    "tpu.region"() ({
      %run_scoped3A = tpu.sem_alloc : memref<!tpu.dma_semaphore, #tpu.memory_space<semaphore_mem>>
      %dma_start3A = arith.constant 0 : i32
      %dma_start3A_71 = arith.constant 0 : i32
      %dma_start3A_72 = tpu.memref_slice %arg7[%dma_start3A, %dma_start3A_71] : memref<10000x128xf32, #tpu.memory_space<vmem_shared>> -> memref<10000x128xf32, #tpu.memory_space<vmem_shared>>
      tpu.enqueue_indirect_dma source(%arg12 : memref<104x128xf32, #tpu.memory_space<vmem>>) target(%dma_start3A_72 : memref<10000x128xf32, #tpu.memory_space<vmem_shared>>) offsets(%arg10 : memref<104xi32, #tpu.memory_space<vmem>>) semaphore(%run_scoped3A : memref<!tpu.dma_semaphore, #tpu.memory_space<semaphore_mem>>)
      %dma_wait3A = arith.constant 0 : i32
      %dma_wait3A_73 = arith.constant 0 : i32
      %dma_wait3A_74 = tpu.memref_slice %arg7[%dma_wait3A, %dma_wait3A_73] : memref<10000x128xf32, #tpu.memory_space<vmem_shared>> -> memref<10000x128xf32, #tpu.memory_space<vmem_shared>>
      tpu.wait_indirect_dma semaphore(%run_scoped3A : memref<!tpu.dma_semaphore, #tpu.memory_space<semaphore_mem>>) src(%arg12 : memref<104x128xf32, #tpu.memory_space<vmem>>) dst(%dma_wait3A_74 : memref<10000x128xf32, #tpu.memory_space<vmem_shared>>)
      tpu.yield
    }) : () -> ()
    %add3A_5 = arith.constant 104 : i32
    %add3A_6 = arith.addi %mul3A_2, %add3A_5 : i32
    "tpu.region"() ({
      %run_scoped3A = tpu.sem_alloc : memref<!tpu.dma_semaphore, #tpu.memory_space<semaphore_mem>>
      %dma_start3A = tpu.memref_slice %arg3[%add3A_6] : memref<10000xi32, #tpu.memory_space<hbm>> -> memref<104xi32, #tpu.memory_space<hbm>>
      %dma_start3A_71 = tpu.memref_slice %arg3[%add3A_6] : memref<10000xi32, #tpu.memory_space<hbm>> -> memref<104xi32, #tpu.memory_space<hbm>>
      tpu.enqueue_dma source(%dma_start3A_71 : memref<104xi32, #tpu.memory_space<hbm>>) target(%arg10 : memref<104xi32, #tpu.memory_space<vmem>>) target_semaphore(%run_scoped3A : memref<!tpu.dma_semaphore, #tpu.memory_space<semaphore_mem>>)
      %dma_wait3A = tpu.memref_slice %arg3[%add3A_6] : memref<10000xi32, #tpu.memory_space<hbm>> -> memref<104xi32, #tpu.memory_space<hbm>>
      %dma_wait3A_72 = tpu.memref_slice %arg3[%add3A_6] : memref<10000xi32, #tpu.memory_space<hbm>> -> memref<104xi32, #tpu.memory_space<hbm>>
      tpu.wait_dma2 semaphore(%run_scoped3A : memref<!tpu.dma_semaphore, #tpu.memory_space<semaphore_mem>>) src(%dma_wait3A_72 : memref<104xi32, #tpu.memory_space<hbm>>) dst(%arg10 : memref<104xi32, #tpu.memory_space<vmem>>)
      tpu.yield
    }) : () -> ()
    "tpu.region"() ({
      %run_scoped3A = tpu.sem_alloc : memref<!tpu.dma_semaphore, #tpu.memory_space<semaphore_mem>>
      %dma_start3A = arith.constant 0 : i32
      %dma_start3A_71 = arith.constant 0 : i32
      %dma_start3A_72 = tpu.memref_slice %arg7[%dma_start3A, %dma_start3A_71] : memref<10000x128xf32, #tpu.memory_space<vmem_shared>> -> memref<10000x128xf32, #tpu.memory_space<vmem_shared>>
      tpu.enqueue_indirect_dma source(%arg12 : memref<104x128xf32, #tpu.memory_space<vmem>>) target(%dma_start3A_72 : memref<10000x128xf32, #tpu.memory_space<vmem_shared>>) offsets(%arg10 : memref<104xi32, #tpu.memory_space<vmem>>) semaphore(%run_scoped3A : memref<!tpu.dma_semaphore, #tpu.memory_space<semaphore_mem>>)
      %dma_wait3A = arith.constant 0 : i32
      %dma_wait3A_73 = arith.constant 0 : i32
      %dma_wait3A_74 = tpu.memref_slice %arg7[%dma_wait3A, %dma_wait3A_73] : memref<10000x128xf32, #tpu.memory_space<vmem_shared>> -> memref<10000x128xf32, #tpu.memory_space<vmem_shared>>
      tpu.wait_indirect_dma semaphore(%run_scoped3A : memref<!tpu.dma_semaphore, #tpu.memory_space<semaphore_mem>>) src(%arg12 : memref<104x128xf32, #tpu.memory_space<vmem>>) dst(%dma_wait3A_74 : memref<10000x128xf32, #tpu.memory_space<vmem_shared>>)
      tpu.yield
    }) : () -> ()
    %add3A_7 = arith.constant 208 : i32
    %add3A_8 = arith.addi %mul3A_2, %add3A_7 : i32
    "tpu.region"() ({
      %run_scoped3A = tpu.sem_alloc : memref<!tpu.dma_semaphore, #tpu.memory_space<semaphore_mem>>
      %dma_start3A = tpu.memref_slice %arg3[%add3A_8] : memref<10000xi32, #tpu.memory_space<hbm>> -> memref<104xi32, #tpu.memory_space<hbm>>
      %dma_start3A_71 = tpu.memref_slice %arg3[%add3A_8] : memref<10000xi32, #tpu.memory_space<hbm>> -> memref<104xi32, #tpu.memory_space<hbm>>
      tpu.enqueue_dma source(%dma_start3A_71 : memref<104xi32, #tpu.memory_space<hbm>>) target(%arg10 : memref<104xi32, #tpu.memory_space<vmem>>) target_semaphore(%run_scoped3A : memref<!tpu.dma_semaphore, #tpu.memory_space<semaphore_mem>>)
      %dma_wait3A = tpu.memref_slice %arg3[%add3A_8] : memref<10000xi32, #tpu.memory_space<hbm>> -> memref<104xi32, #tpu.memory_space<hbm>>
      %dma_wait3A_72 = tpu.memref_slice %arg3[%add3A_8] : memref<10000xi32, #tpu.memory_space<hbm>> -> memref<104xi32, #tpu.memory_space<hbm>>
      tpu.wait_dma2 semaphore(%run_scoped3A : memref<!tpu.dma_semaphore, #tpu.memory_space<semaphore_mem>>) src(%dma_wait3A_72 : memref<104xi32, #tpu.memory_space<hbm>>) dst(%arg10 : memref<104xi32, #tpu.memory_space<vmem>>)
      tpu.yield
    }) : () -> ()
    "tpu.region"() ({
      %run_scoped3A = tpu.sem_alloc : memref<!tpu.dma_semaphore, #tpu.memory_space<semaphore_mem>>
      %dma_start3A = arith.constant 0 : i32
      %dma_start3A_71 = arith.constant 0 : i32
      %dma_start3A_72 = tpu.memref_slice %arg7[%dma_start3A, %dma_start3A_71] : memref<10000x128xf32, #tpu.memory_space<vmem_shared>> -> memref<10000x128xf32, #tpu.memory_space<vmem_shared>>
      tpu.enqueue_indirect_dma source(%arg12 : memref<104x128xf32, #tpu.memory_space<vmem>>) target(%dma_start3A_72 : memref<10000x128xf32, #tpu.memory_space<vmem_shared>>) offsets(%arg10 : memref<104xi32, #tpu.memory_space<vmem>>) semaphore(%run_scoped3A : memref<!tpu.dma_semaphore, #tpu.memory_space<semaphore_mem>>)
      %dma_wait3A = arith.constant 0 : i32
      %dma_wait3A_73 = arith.constant 0 : i32
      %dma_wait3A_74 = tpu.memref_slice %arg7[%dma_wait3A, %dma_wait3A_73] : memref<10000x128xf32, #tpu.memory_space<vmem_shared>> -> memref<10000x128xf32, #tpu.memory_space<vmem_shared>>
      tpu.wait_indirect_dma semaphore(%run_scoped3A : memref<!tpu.dma_semaphore, #tpu.memory_space<semaphore_mem>>) src(%arg12 : memref<104x128xf32, #tpu.memory_space<vmem>>) dst(%dma_wait3A_74 : memref<10000x128xf32, #tpu.memory_space<vmem_shared>>)
      tpu.yield
    }) : () -> ()
    %add3A_9 = arith.constant 312 : i32
    %add3A_10 = arith.addi %mul3A_2, %add3A_9 : i32
    "tpu.region"() ({
      %run_scoped3A = tpu.sem_alloc : memref<!tpu.dma_semaphore, #tpu.memory_space<semaphore_mem>>
      %dma_start3A = tpu.memref_slice %arg3[%add3A_10] : memref<10000xi32, #tpu.memory_space<hbm>> -> memref<104xi32, #tpu.memory_space<hbm>>
      %dma_start3A_71 = tpu.memref_slice %arg3[%add3A_10] : memref<10000xi32, #tpu.memory_space<hbm>> -> memref<104xi32, #tpu.memory_space<hbm>>
      tpu.enqueue_dma source(%dma_start3A_71 : memref<104xi32, #tpu.memory_space<hbm>>) target(%arg10 : memref<104xi32, #tpu.memory_space<vmem>>) target_semaphore(%run_scoped3A : memref<!tpu.dma_semaphore, #tpu.memory_space<semaphore_mem>>)
      %dma_wait3A = tpu.memref_slice %arg3[%add3A_10] : memref<10000xi32, #tpu.memory_space<hbm>> -> memref<104xi32, #tpu.memory_space<hbm>>
      %dma_wait3A_72 = tpu.memref_slice %arg3[%add3A_10] : memref<10000xi32, #tpu.memory_space<hbm>> -> memref<104xi32, #tpu.memory_space<hbm>>
      tpu.wait_dma2 semaphore(%run_scoped3A : memref<!tpu.dma_semaphore, #tpu.memory_space<semaphore_mem>>) src(%dma_wait3A_72 : memref<104xi32, #tpu.memory_space<hbm>>) dst(%arg10 : memref<104xi32, #tpu.memory_space<vmem>>)
      tpu.yield
    }) : () -> ()
    "tpu.region"() ({
      %run_scoped3A = tpu.sem_alloc : memref<!tpu.dma_semaphore, #tpu.memory_space<semaphore_mem>>
      %dma_start3A = arith.constant 0 : i32
      %dma_start3A_71 = arith.constant 0 : i32
      %dma_start3A_72 = tpu.memref_slice %arg7[%dma_start3A, %dma_start3A_71] : memref<10000x128xf32, #tpu.memory_space<vmem_shared>> -> memref<10000x128xf32, #tpu.memory_space<vmem_shared>>
      tpu.enqueue_indirect_dma source(%arg12 : memref<104x128xf32, #tpu.memory_space<vmem>>) target(%dma_start3A_72 : memref<10000x128xf32, #tpu.memory_space<vmem_shared>>) offsets(%arg10 : memref<104xi32, #tpu.memory_space<vmem>>) semaphore(%run_scoped3A : memref<!tpu.dma_semaphore, #tpu.memory_space<semaphore_mem>>)
      %dma_wait3A = arith.constant 0 : i32
      %dma_wait3A_73 = arith.constant 0 : i32
      %dma_wait3A_74 = tpu.memref_slice %arg7[%dma_wait3A, %dma_wait3A_73] : memref<10000x128xf32, #tpu.memory_space<vmem_shared>> -> memref<10000x128xf32, #tpu.memory_space<vmem_shared>>
      tpu.wait_indirect_dma semaphore(%run_scoped3A : memref<!tpu.dma_semaphore, #tpu.memory_space<semaphore_mem>>) src(%arg12 : memref<104x128xf32, #tpu.memory_space<vmem>>) dst(%dma_wait3A_74 : memref<10000x128xf32, #tpu.memory_space<vmem_shared>>)
      tpu.yield
    }) : () -> ()
    %add3A_11 = arith.constant 416 : i32
    %add3A_12 = arith.addi %mul3A_2, %add3A_11 : i32
    "tpu.region"() ({
      %run_scoped3A = tpu.sem_alloc : memref<!tpu.dma_semaphore, #tpu.memory_space<semaphore_mem>>
      %dma_start3A = tpu.memref_slice %arg3[%add3A_12] : memref<10000xi32, #tpu.memory_space<hbm>> -> memref<104xi32, #tpu.memory_space<hbm>>
      %dma_start3A_71 = tpu.memref_slice %arg3[%add3A_12] : memref<10000xi32, #tpu.memory_space<hbm>> -> memref<104xi32, #tpu.memory_space<hbm>>
      tpu.enqueue_dma source(%dma_start3A_71 : memref<104xi32, #tpu.memory_space<hbm>>) target(%arg10 : memref<104xi32, #tpu.memory_space<vmem>>) target_semaphore(%run_scoped3A : memref<!tpu.dma_semaphore, #tpu.memory_space<semaphore_mem>>)
      %dma_wait3A = tpu.memref_slice %arg3[%add3A_12] : memref<10000xi32, #tpu.memory_space<hbm>> -> memref<104xi32, #tpu.memory_space<hbm>>
      %dma_wait3A_72 = tpu.memref_slice %arg3[%add3A_12] : memref<10000xi32, #tpu.memory_space<hbm>> -> memref<104xi32, #tpu.memory_space<hbm>>
      tpu.wait_dma2 semaphore(%run_scoped3A : memref<!tpu.dma_semaphore, #tpu.memory_space<semaphore_mem>>) src(%dma_wait3A_72 : memref<104xi32, #tpu.memory_space<hbm>>) dst(%arg10 : memref<104xi32, #tpu.memory_space<vmem>>)
      tpu.yield
    }) : () -> ()
    "tpu.region"() ({
      %run_scoped3A = tpu.sem_alloc : memref<!tpu.dma_semaphore, #tpu.memory_space<semaphore_mem>>
      %dma_start3A = arith.constant 0 : i32
      %dma_start3A_71 = arith.constant 0 : i32
      %dma_start3A_72 = tpu.memref_slice %arg7[%dma_start3A, %dma_start3A_71] : memref<10000x128xf32, #tpu.memory_space<vmem_shared>> -> memref<10000x128xf32, #tpu.memory_space<vmem_shared>>
      tpu.enqueue_indirect_dma source(%arg12 : memref<104x128xf32, #tpu.memory_space<vmem>>) target(%dma_start3A_72 : memref<10000x128xf32, #tpu.memory_space<vmem_shared>>) offsets(%arg10 : memref<104xi32, #tpu.memory_space<vmem>>) semaphore(%run_scoped3A : memref<!tpu.dma_semaphore, #tpu.memory_space<semaphore_mem>>)
      %dma_wait3A = arith.constant 0 : i32
      %dma_wait3A_73 = arith.constant 0 : i32
      %dma_wait3A_74 = tpu.memref_slice %arg7[%dma_wait3A, %dma_wait3A_73] : memref<10000x128xf32, #tpu.memory_space<vmem_shared>> -> memref<10000x128xf32, #tpu.memory_space<vmem_shared>>
      tpu.wait_indirect_dma semaphore(%run_scoped3A : memref<!tpu.dma_semaphore, #tpu.memory_space<semaphore_mem>>) src(%arg12 : memref<104x128xf32, #tpu.memory_space<vmem>>) dst(%dma_wait3A_74 : memref<10000x128xf32, #tpu.memory_space<vmem_shared>>)
      tpu.yield
    }) : () -> ()
    %add3A_13 = arith.constant 520 : i32
    %add3A_14 = arith.addi %mul3A_2, %add3A_13 : i32
    "tpu.region"() ({
      %run_scoped3A = tpu.sem_alloc : memref<!tpu.dma_semaphore, #tpu.memory_space<semaphore_mem>>
      %dma_start3A = tpu.memref_slice %arg3[%add3A_14] : memref<10000xi32, #tpu.memory_space<hbm>> -> memref<104xi32, #tpu.memory_space<hbm>>
      %dma_start3A_71 = tpu.memref_slice %arg3[%add3A_14] : memref<10000xi32, #tpu.memory_space<hbm>> -> memref<104xi32, #tpu.memory_space<hbm>>
      tpu.enqueue_dma source(%dma_start3A_71 : memref<104xi32, #tpu.memory_space<hbm>>) target(%arg10 : memref<104xi32, #tpu.memory_space<vmem>>) target_semaphore(%run_scoped3A : memref<!tpu.dma_semaphore, #tpu.memory_space<semaphore_mem>>)
      %dma_wait3A = tpu.memref_slice %arg3[%add3A_14] : memref<10000xi32, #tpu.memory_space<hbm>> -> memref<104xi32, #tpu.memory_space<hbm>>
      %dma_wait3A_72 = tpu.memref_slice %arg3[%add3A_14] : memref<10000xi32, #tpu.memory_space<hbm>> -> memref<104xi32, #tpu.memory_space<hbm>>
      tpu.wait_dma2 semaphore(%run_scoped3A : memref<!tpu.dma_semaphore, #tpu.memory_space<semaphore_mem>>) src(%dma_wait3A_72 : memref<104xi32, #tpu.memory_space<hbm>>) dst(%arg10 : memref<104xi32, #tpu.memory_space<vmem>>)
      tpu.yield
    }) : () -> ()
    "tpu.region"() ({
      %run_scoped3A = tpu.sem_alloc : memref<!tpu.dma_semaphore, #tpu.memory_space<semaphore_mem>>
      %dma_start3A = arith.constant 0 : i32
      %dma_start3A_71 = arith.constant 0 : i32
      %dma_start3A_72 = tpu.memref_slice %arg7[%dma_start3A, %dma_start3A_71] : memref<10000x128xf32, #tpu.memory_space<vmem_shared>> -> memref<10000x128xf32, #tpu.memory_space<vmem_shared>>
      tpu.enqueue_indirect_dma source(%arg12 : memref<104x128xf32, #tpu.memory_space<vmem>>) target(%dma_start3A_72 : memref<10000x128xf32, #tpu.memory_space<vmem_shared>>) offsets(%arg10 : memref<104xi32, #tpu.memory_space<vmem>>) semaphore(%run_scoped3A : memref<!tpu.dma_semaphore, #tpu.memory_space<semaphore_mem>>)
      %dma_wait3A = arith.constant 0 : i32
      %dma_wait3A_73 = arith.constant 0 : i32
      %dma_wait3A_74 = tpu.memref_slice %arg7[%dma_wait3A, %dma_wait3A_73] : memref<10000x128xf32, #tpu.memory_space<vmem_shared>> -> memref<10000x128xf32, #tpu.memory_space<vmem_shared>>
      tpu.wait_indirect_dma semaphore(%run_scoped3A : memref<!tpu.dma_semaphore, #tpu.memory_space<semaphore_mem>>) src(%arg12 : memref<104x128xf32, #tpu.memory_space<vmem>>) dst(%dma_wait3A_74 : memref<10000x128xf32, #tpu.memory_space<vmem_shared>>)
      tpu.yield
    }) : () -> ()
    "tpu.region"() ({
      %run_scoped3A = tpu.sem_alloc : memref<!tpu.dma_semaphore, #tpu.memory_space<semaphore_mem>>
      %dma_start3A = arith.constant 9896 : i32
      %dma_start3A_71 = tpu.memref_slice %arg3[%dma_start3A] : memref<10000xi32, #tpu.memory_space<hbm>> -> memref<104xi32, #tpu.memory_space<hbm>>
      %dma_start3A_72 = arith.constant 9896 : i32
      %dma_start3A_73 = tpu.memref_slice %arg3[%dma_start3A_72] : memref<10000xi32, #tpu.memory_space<hbm>> -> memref<104xi32, #tpu.memory_space<hbm>>
      tpu.enqueue_dma source(%dma_start3A_73 : memref<104xi32, #tpu.memory_space<hbm>>) target(%arg10 : memref<104xi32, #tpu.memory_space<vmem>>) target_semaphore(%run_scoped3A : memref<!tpu.dma_semaphore, #tpu.memory_space<semaphore_mem>>)
      %dma_wait3A = arith.constant 9896 : i32
      %dma_wait3A_74 = tpu.memref_slice %arg3[%dma_wait3A] : memref<10000xi32, #tpu.memory_space<hbm>> -> memref<104xi32, #tpu.memory_space<hbm>>
      %dma_wait3A_75 = arith.constant 9896 : i32
      %dma_wait3A_76 = tpu.memref_slice %arg3[%dma_wait3A_75] : memref<10000xi32, #tpu.memory_space<hbm>> -> memref<104xi32, #tpu.memory_space<hbm>>
      tpu.wait_dma2 semaphore(%run_scoped3A : memref<!tpu.dma_semaphore, #tpu.memory_space<semaphore_mem>>) src(%dma_wait3A_76 : memref<104xi32, #tpu.memory_space<hbm>>) dst(%arg10 : memref<104xi32, #tpu.memory_space<vmem>>)
      tpu.yield
    }) : () -> ()
    "tpu.region"() ({
      %run_scoped3A = tpu.sem_alloc : memref<!tpu.dma_semaphore, #tpu.memory_space<semaphore_mem>>
      %dma_start3A = arith.constant 0 : i32
      %dma_start3A_71 = arith.constant 0 : i32
      %dma_start3A_72 = tpu.memref_slice %arg7[%dma_start3A, %dma_start3A_71] : memref<10000x128xf32, #tpu.memory_space<vmem_shared>> -> memref<10000x128xf32, #tpu.memory_space<vmem_shared>>
      tpu.enqueue_indirect_dma source(%arg12 : memref<104x128xf32, #tpu.memory_space<vmem>>) target(%dma_start3A_72 : memref<10000x128xf32, #tpu.memory_space<vmem_shared>>) offsets(%arg10 : memref<104xi32, #tpu.memory_space<vmem>>) semaphore(%run_scoped3A : memref<!tpu.dma_semaphore, #tpu.memory_space<semaphore_mem>>)
      %dma_wait3A = arith.constant 0 : i32
      %dma_wait3A_73 = arith.constant 0 : i32
      %dma_wait3A_74 = tpu.memref_slice %arg7[%dma_wait3A, %dma_wait3A_73] : memref<10000x128xf32, #tpu.memory_space<vmem_shared>> -> memref<10000x128xf32, #tpu.memory_space<vmem_shared>>
      tpu.wait_indirect_dma semaphore(%run_scoped3A : memref<!tpu.dma_semaphore, #tpu.memory_space<semaphore_mem>>) src(%arg12 : memref<104x128xf32, #tpu.memory_space<vmem>>) dst(%dma_wait3A_74 : memref<10000x128xf32, #tpu.memory_space<vmem_shared>>)
      tpu.yield
    }) : () -> ()
    "tpu.region"() ({
      %run_scoped3A = tpu.sem_alloc : memref<!tpu.dma_semaphore, #tpu.memory_space<semaphore_mem>>
      tpu.enqueue_dma source(%arg5 : memref<80x128xf32, #tpu.memory_space<hbm>>) target(%arg11 : memref<80x128xf32, #tpu.memory_space<vmem>>) target_semaphore(%run_scoped3A : memref<!tpu.dma_semaphore, #tpu.memory_space<semaphore_mem>>)
      tpu.wait_dma2 semaphore(%run_scoped3A : memref<!tpu.dma_semaphore, #tpu.memory_space<semaphore_mem>>) src(%arg5 : memref<80x128xf32, #tpu.memory_space<hbm>>) dst(%arg11 : memref<80x128xf32, #tpu.memory_space<vmem>>)
      tpu.yield
    }) : () -> ()
    %barrier3A = arith.constant 0 : index
    tpu.barrier barrier_id(%barrier3A)
    %mul3A_15 = arith.constant 10000 : i32
    %mul3A_16 = arith.muli %add3A, %mul3A_15 : i32
    %multiple_of3A = tpu.assume_multiple %mul3A_16, 80 : i32
    "tpu.region"() ({
      %run_scoped3A = tpu.sem_alloc : memref<!tpu.dma_semaphore, #tpu.memory_space<semaphore_mem>>
      %dma_start3A = tpu.memref_slice %arg2[%multiple_of3A] : memref<320000xi32, #tpu.memory_space<hbm>> -> memref<80xi32, #tpu.memory_space<hbm>>
      %dma_start3A_71 = tpu.memref_slice %arg2[%multiple_of3A] : memref<320000xi32, #tpu.memory_space<hbm>> -> memref<80xi32, #tpu.memory_space<hbm>>
      tpu.enqueue_dma source(%dma_start3A_71 : memref<80xi32, #tpu.memory_space<hbm>>) target(%arg8 : memref<80xi32, #tpu.memory_space<vmem>>) target_semaphore(%run_scoped3A : memref<!tpu.dma_semaphore, #tpu.memory_space<semaphore_mem>>)
      %dma_wait3A = tpu.memref_slice %arg2[%multiple_of3A] : memref<320000xi32, #tpu.memory_space<hbm>> -> memref<80xi32, #tpu.memory_space<hbm>>
      %dma_wait3A_72 = tpu.memref_slice %arg2[%multiple_of3A] : memref<320000xi32, #tpu.memory_space<hbm>> -> memref<80xi32, #tpu.memory_space<hbm>>
      tpu.wait_dma2 semaphore(%run_scoped3A : memref<!tpu.dma_semaphore, #tpu.memory_space<semaphore_mem>>) src(%dma_wait3A_72 : memref<80xi32, #tpu.memory_space<hbm>>) dst(%arg8 : memref<80xi32, #tpu.memory_space<vmem>>)
      tpu.yield
    }) : () -> ()
    %scan3A = arith.constant 0 : i32
    %scan3A_17 = arith.constant 0 : i32
    %scan3A_18 = arith.constant 125 : i32
    %scan3A_19 = arith.addi %scan3A_17, %scan3A_18 : i32
    %scan3A_20 = arith.constant 1 : i32
    %scan3A_21 = scf.for %scan3A_71 = %scan3A_17 to %scan3A_19 step %scan3A_20 iter_args(%scan3A_72 = %scan3A) -> (i32)  : i32 {
      %jit3A = arith.constant 2 : i32
      %eq3A = arith.constant 0 : i32
      %eq3A_73 = arith.cmpi eq, %jit3A, %eq3A : i32
      %jit3A_74 = arith.constant 1 : i32
      %select_n3A = arith.select %eq3A_73, %jit3A_74, %jit3A : i32
      %rem3A = arith.remsi %scan3A_71, %select_n3A : i32
      %ne3A = arith.constant 0 : i32
      %ne3A_75 = arith.cmpi ne, %rem3A, %ne3A : i32
      %lt3A = arith.constant 0 : i32
      %lt3A_76 = arith.cmpi slt, %rem3A, %lt3A : i32
      %lt3A_77 = arith.constant 0 : i32
      %lt3A_78 = arith.cmpi slt, %select_n3A, %lt3A_77 : i32
      %ne3A_79 = arith.xori %lt3A_76, %lt3A_78 : i1
      %and3A = arith.andi %ne3A_79, %ne3A_75 : i1
      %add3A_80 = arith.addi %rem3A, %select_n3A : i32
      %select_n3A_81 = arith.select %and3A, %add3A_80, %rem3A : i32
      %eq3A_82 = arith.constant 0 : i32
      %eq3A_83 = arith.cmpi eq, %select_n3A_81, %eq3A_82 : i32
      %convert_element_type3A = arith.extui %eq3A_83 : i1 to i32
      %cond3A = arith.constant 0 : i32
      %cond3A_84 = arith.cmpi ne, %convert_element_type3A, %cond3A : i32
      scf.if %cond3A_84 {
        %lt3A_107 = arith.constant 124 : i32
        %lt3A_108 = arith.cmpi slt, %scan3A_71, %lt3A_107 : i32
        %convert_element_type3A_109 = arith.extui %lt3A_108 : i1 to i32
        %cond3A_110 = arith.constant 0 : i32
        %cond3A_111 = arith.cmpi ne, %convert_element_type3A_109, %cond3A_110 : i32
        scf.if %cond3A_111 {
          %add3A_117 = arith.constant 1 : i32
          %add3A_118 = arith.addi %scan3A_71, %add3A_117 : i32
          %mul3A_119 = arith.constant 80 : i32
          %mul3A_120 = arith.muli %add3A_118, %mul3A_119 : i32
          %add3A_121 = arith.addi %mul3A_16, %mul3A_120 : i32
          %multiple_of3A_122 = tpu.assume_multiple %add3A_121, 80 : i32
          %dma_start3A = tpu.memref_slice %arg2[%multiple_of3A_122] : memref<320000xi32, #tpu.memory_space<hbm>> -> memref<80xi32, #tpu.memory_space<hbm>>
          %dma_start3A_123 = tpu.memref_slice %arg2[%multiple_of3A_122] : memref<320000xi32, #tpu.memory_space<hbm>> -> memref<80xi32, #tpu.memory_space<hbm>>
          tpu.enqueue_dma source(%dma_start3A_123 : memref<80xi32, #tpu.memory_space<hbm>>) target(%arg9 : memref<80xi32, #tpu.memory_space<vmem>>) target_semaphore(%arg14 : memref<!tpu.dma_semaphore, #tpu.memory_space<semaphore_mem>>)
        } else {
        }
        "tpu.region"() ({
          %run_scoped3A = tpu.sem_alloc : memref<!tpu.dma_semaphore, #tpu.memory_space<semaphore_mem>>
          %dma_start3A = arith.constant 0 : i32
          %dma_start3A_117 = arith.constant 0 : i32
          %dma_start3A_118 = tpu.memref_slice %arg7[%dma_start3A, %dma_start3A_117] : memref<10000x128xf32, #tpu.memory_space<vmem_shared>> -> memref<10000x128xf32, #tpu.memory_space<vmem_shared>>
          tpu.enqueue_indirect_dma source(%arg11 : memref<80x128xf32, #tpu.memory_space<vmem>>) target(%dma_start3A_118 : memref<10000x128xf32, #tpu.memory_space<vmem_shared>>) offsets(%arg8 : memref<80xi32, #tpu.memory_space<vmem>>) semaphore(%run_scoped3A : memref<!tpu.dma_semaphore, #tpu.memory_space<semaphore_mem>>) {add = true}
          %dma_wait3A = arith.constant 0 : i32
          %dma_wait3A_119 = arith.constant 0 : i32
          %dma_wait3A_120 = tpu.memref_slice %arg7[%dma_wait3A, %dma_wait3A_119] : memref<10000x128xf32, #tpu.memory_space<vmem_shared>> -> memref<10000x128xf32, #tpu.memory_space<vmem_shared>>
          tpu.wait_indirect_dma semaphore(%run_scoped3A : memref<!tpu.dma_semaphore, #tpu.memory_space<semaphore_mem>>) src(%arg11 : memref<80x128xf32, #tpu.memory_space<vmem>>) dst(%dma_wait3A_120 : memref<10000x128xf32, #tpu.memory_space<vmem_shared>>)
          tpu.yield
        }) : () -> ()
        %lt3A_112 = arith.constant 124 : i32
        %lt3A_113 = arith.cmpi slt, %scan3A_71, %lt3A_112 : i32
        %convert_element_type3A_114 = arith.extui %lt3A_113 : i1 to i32
        %cond3A_115 = arith.constant 0 : i32
        %cond3A_116 = arith.cmpi ne, %convert_element_type3A_114, %cond3A_115 : i32
        scf.if %cond3A_116 {
          %add3A_117 = arith.constant 1 : i32
          %add3A_118 = arith.addi %scan3A_71, %add3A_117 : i32
          %mul3A_119 = arith.constant 80 : i32
          %mul3A_120 = arith.muli %add3A_118, %mul3A_119 : i32
          %add3A_121 = arith.addi %mul3A_16, %mul3A_120 : i32
          %multiple_of3A_122 = tpu.assume_multiple %add3A_121, 80 : i32
          %dma_wait3A = tpu.memref_slice %arg2[%multiple_of3A_122] : memref<320000xi32, #tpu.memory_space<hbm>> -> memref<80xi32, #tpu.memory_space<hbm>>
          %dma_wait3A_123 = tpu.memref_slice %arg2[%multiple_of3A_122] : memref<320000xi32, #tpu.memory_space<hbm>> -> memref<80xi32, #tpu.memory_space<hbm>>
          tpu.wait_dma2 semaphore(%arg14 : memref<!tpu.dma_semaphore, #tpu.memory_space<semaphore_mem>>) src(%dma_wait3A_123 : memref<80xi32, #tpu.memory_space<hbm>>) dst(%arg9 : memref<80xi32, #tpu.memory_space<vmem>>)
        } else {
        }
      } else {
      }
      %jit3A_85 = arith.constant 2 : i32
      %eq3A_86 = arith.constant 0 : i32
      %eq3A_87 = arith.cmpi eq, %jit3A_85, %eq3A_86 : i32
      %jit3A_88 = arith.constant 1 : i32
      %select_n3A_89 = arith.select %eq3A_87, %jit3A_88, %jit3A_85 : i32
      %rem3A_90 = arith.remsi %scan3A_71, %select_n3A_89 : i32
      %ne3A_91 = arith.constant 0 : i32
      %ne3A_92 = arith.cmpi ne, %rem3A_90, %ne3A_91 : i32
      %lt3A_93 = arith.constant 0 : i32
      %lt3A_94 = arith.cmpi slt, %rem3A_90, %lt3A_93 : i32
      %lt3A_95 = arith.constant 0 : i32
      %lt3A_96 = arith.cmpi slt, %select_n3A_89, %lt3A_95 : i32
      %ne3A_97 = arith.xori %lt3A_94, %lt3A_96 : i1
      %and3A_98 = arith.andi %ne3A_97, %ne3A_92 : i1
      %add3A_99 = arith.addi %rem3A_90, %select_n3A_89 : i32
      %select_n3A_100 = arith.select %and3A_98, %add3A_99, %rem3A_90 : i32
      %eq3A_101 = arith.constant 1 : i32
      %eq3A_102 = arith.cmpi eq, %select_n3A_100, %eq3A_101 : i32
      %convert_element_type3A_103 = arith.extui %eq3A_102 : i1 to i32
      %cond3A_104 = arith.constant 0 : i32
      %cond3A_105 = arith.cmpi ne, %convert_element_type3A_103, %cond3A_104 : i32
      scf.if %cond3A_105 {
        %lt3A_107 = arith.constant 124 : i32
        %lt3A_108 = arith.cmpi slt, %scan3A_71, %lt3A_107 : i32
        %convert_element_type3A_109 = arith.extui %lt3A_108 : i1 to i32
        %cond3A_110 = arith.constant 0 : i32
        %cond3A_111 = arith.cmpi ne, %convert_element_type3A_109, %cond3A_110 : i32
        scf.if %cond3A_111 {
          %add3A_117 = arith.constant 1 : i32
          %add3A_118 = arith.addi %scan3A_71, %add3A_117 : i32
          %mul3A_119 = arith.constant 80 : i32
          %mul3A_120 = arith.muli %add3A_118, %mul3A_119 : i32
          %add3A_121 = arith.addi %mul3A_16, %mul3A_120 : i32
          %multiple_of3A_122 = tpu.assume_multiple %add3A_121, 80 : i32
          %dma_start3A = tpu.memref_slice %arg2[%multiple_of3A_122] : memref<320000xi32, #tpu.memory_space<hbm>> -> memref<80xi32, #tpu.memory_space<hbm>>
          %dma_start3A_123 = tpu.memref_slice %arg2[%multiple_of3A_122] : memref<320000xi32, #tpu.memory_space<hbm>> -> memref<80xi32, #tpu.memory_space<hbm>>
          tpu.enqueue_dma source(%dma_start3A_123 : memref<80xi32, #tpu.memory_space<hbm>>) target(%arg8 : memref<80xi32, #tpu.memory_space<vmem>>) target_semaphore(%arg13 : memref<!tpu.dma_semaphore, #tpu.memory_space<semaphore_mem>>)
        } else {
        }
        "tpu.region"() ({
          %run_scoped3A = tpu.sem_alloc : memref<!tpu.dma_semaphore, #tpu.memory_space<semaphore_mem>>
          %dma_start3A = arith.constant 0 : i32
          %dma_start3A_117 = arith.constant 0 : i32
          %dma_start3A_118 = tpu.memref_slice %arg7[%dma_start3A, %dma_start3A_117] : memref<10000x128xf32, #tpu.memory_space<vmem_shared>> -> memref<10000x128xf32, #tpu.memory_space<vmem_shared>>
          tpu.enqueue_indirect_dma source(%arg11 : memref<80x128xf32, #tpu.memory_space<vmem>>) target(%dma_start3A_118 : memref<10000x128xf32, #tpu.memory_space<vmem_shared>>) offsets(%arg9 : memref<80xi32, #tpu.memory_space<vmem>>) semaphore(%run_scoped3A : memref<!tpu.dma_semaphore, #tpu.memory_space<semaphore_mem>>) {add = true}
          %dma_wait3A = arith.constant 0 : i32
          %dma_wait3A_119 = arith.constant 0 : i32
          %dma_wait3A_120 = tpu.memref_slice %arg7[%dma_wait3A, %dma_wait3A_119] : memref<10000x128xf32, #tpu.memory_space<vmem_shared>> -> memref<10000x128xf32, #tpu.memory_space<vmem_shared>>
          tpu.wait_indirect_dma semaphore(%run_scoped3A : memref<!tpu.dma_semaphore, #tpu.memory_space<semaphore_mem>>) src(%arg11 : memref<80x128xf32, #tpu.memory_space<vmem>>) dst(%dma_wait3A_120 : memref<10000x128xf32, #tpu.memory_space<vmem_shared>>)
          tpu.yield
        }) : () -> ()
        %lt3A_112 = arith.constant 124 : i32
        %lt3A_113 = arith.cmpi slt, %scan3A_71, %lt3A_112 : i32
        %convert_element_type3A_114 = arith.extui %lt3A_113 : i1 to i32
        %cond3A_115 = arith.constant 0 : i32
        %cond3A_116 = arith.cmpi ne, %convert_element_type3A_114, %cond3A_115 : i32
        scf.if %cond3A_116 {
          %add3A_117 = arith.constant 1 : i32
          %add3A_118 = arith.addi %scan3A_71, %add3A_117 : i32
          %mul3A_119 = arith.constant 80 : i32
          %mul3A_120 = arith.muli %add3A_118, %mul3A_119 : i32
          %add3A_121 = arith.addi %mul3A_16, %mul3A_120 : i32
          %multiple_of3A_122 = tpu.assume_multiple %add3A_121, 80 : i32
          %dma_wait3A = tpu.memref_slice %arg2[%multiple_of3A_122] : memref<320000xi32, #tpu.memory_space<hbm>> -> memref<80xi32, #tpu.memory_space<hbm>>
          %dma_wait3A_123 = tpu.memref_slice %arg2[%multiple_of3A_122] : memref<320000xi32, #tpu.memory_space<hbm>> -> memref<80xi32, #tpu.memory_space<hbm>>
          tpu.wait_dma2 semaphore(%arg13 : memref<!tpu.dma_semaphore, #tpu.memory_space<semaphore_mem>>) src(%dma_wait3A_123 : memref<80xi32, #tpu.memory_space<hbm>>) dst(%arg8 : memref<80xi32, #tpu.memory_space<vmem>>)
        } else {
        }
      } else {
      }
      %scan3A_106 = arith.constant 0 : i32
      scf.yield %scan3A_106 : i32
    }
    %scan3A_22 = arith.constant 125 : i32
    %barrier3A_23 = arith.constant 0 : index
    tpu.barrier barrier_id(%barrier3A_23)
    %mul3A_24 = arith.constant 624 : i32
    %mul3A_25 = arith.muli %arg1, %mul3A_24 : i32
    %add3A_26 = arith.constant 0 : i32
    %add3A_27 = arith.addi %mul3A_25, %add3A_26 : i32
    "tpu.region"() ({
      %run_scoped3A = tpu.sem_alloc : memref<!tpu.dma_semaphore, #tpu.memory_space<semaphore_mem>>
      %dma_start3A = tpu.memref_slice %arg3[%add3A_27] : memref<10000xi32, #tpu.memory_space<hbm>> -> memref<104xi32, #tpu.memory_space<hbm>>
      %dma_start3A_71 = tpu.memref_slice %arg3[%add3A_27] : memref<10000xi32, #tpu.memory_space<hbm>> -> memref<104xi32, #tpu.memory_space<hbm>>
      tpu.enqueue_dma source(%dma_start3A_71 : memref<104xi32, #tpu.memory_space<hbm>>) target(%arg10 : memref<104xi32, #tpu.memory_space<vmem>>) target_semaphore(%run_scoped3A : memref<!tpu.dma_semaphore, #tpu.memory_space<semaphore_mem>>)
      %dma_wait3A = tpu.memref_slice %arg3[%add3A_27] : memref<10000xi32, #tpu.memory_space<hbm>> -> memref<104xi32, #tpu.memory_space<hbm>>
      %dma_wait3A_72 = tpu.memref_slice %arg3[%add3A_27] : memref<10000xi32, #tpu.memory_space<hbm>> -> memref<104xi32, #tpu.memory_space<hbm>>
      tpu.wait_dma2 semaphore(%run_scoped3A : memref<!tpu.dma_semaphore, #tpu.memory_space<semaphore_mem>>) src(%dma_wait3A_72 : memref<104xi32, #tpu.memory_space<hbm>>) dst(%arg10 : memref<104xi32, #tpu.memory_space<vmem>>)
      tpu.yield
    }) : () -> ()
    "tpu.region"() ({
      %run_scoped3A = tpu.sem_alloc : memref<!tpu.dma_semaphore, #tpu.memory_space<semaphore_mem>>
      %dma_start3A = arith.constant 0 : i32
      %dma_start3A_71 = arith.constant 0 : i32
      %dma_start3A_72 = tpu.memref_slice %arg7[%dma_start3A, %dma_start3A_71] : memref<10000x128xf32, #tpu.memory_space<vmem_shared>> -> memref<10000x128xf32, #tpu.memory_space<vmem_shared>>
      tpu.enqueue_indirect_dma source(%dma_start3A_72 : memref<10000x128xf32, #tpu.memory_space<vmem_shared>>) target(%arg12 : memref<104x128xf32, #tpu.memory_space<vmem>>) offsets(%arg10 : memref<104xi32, #tpu.memory_space<vmem>>) semaphore(%run_scoped3A : memref<!tpu.dma_semaphore, #tpu.memory_space<semaphore_mem>>)
      %dma_wait3A = arith.constant 0 : i32
      %dma_wait3A_73 = arith.constant 0 : i32
      %dma_wait3A_74 = tpu.memref_slice %arg7[%dma_wait3A, %dma_wait3A_73] : memref<10000x128xf32, #tpu.memory_space<vmem_shared>> -> memref<10000x128xf32, #tpu.memory_space<vmem_shared>>
      tpu.wait_indirect_dma semaphore(%run_scoped3A : memref<!tpu.dma_semaphore, #tpu.memory_space<semaphore_mem>>) src(%dma_wait3A_74 : memref<10000x128xf32, #tpu.memory_space<vmem_shared>>) dst(%arg12 : memref<104x128xf32, #tpu.memory_space<vmem>>)
      tpu.yield
    }) : () -> ()
    %mul3A_28 = arith.constant 10000 : i32
    %mul3A_29 = arith.muli %arg0, %mul3A_28 : i32
    %add3A_30 = arith.addi %mul3A_29, %add3A_27 : i32
    "tpu.region"() ({
      %run_scoped3A = tpu.sem_alloc : memref<!tpu.dma_semaphore, #tpu.memory_space<semaphore_mem>>
      %dma_start3A = arith.constant 0 : i32
      %dma_start3A_71 = tpu.memref_slice %arg6[%add3A_30, %dma_start3A] : memref<20000x128xf32, #tpu.memory_space<hbm>> -> memref<104x128xf32, #tpu.memory_space<hbm>>
      %dma_start3A_72 = arith.constant 0 : i32
      %dma_start3A_73 = tpu.memref_slice %arg6[%add3A_30, %dma_start3A_72] : memref<20000x128xf32, #tpu.memory_space<hbm>> -> memref<104x128xf32, #tpu.memory_space<hbm>>
      tpu.enqueue_dma source(%arg12 : memref<104x128xf32, #tpu.memory_space<vmem>>) target(%dma_start3A_73 : memref<104x128xf32, #tpu.memory_space<hbm>>) target_semaphore(%run_scoped3A : memref<!tpu.dma_semaphore, #tpu.memory_space<semaphore_mem>>)
      %dma_wait3A = arith.constant 0 : i32
      %dma_wait3A_74 = tpu.memref_slice %arg6[%add3A_30, %dma_wait3A] : memref<20000x128xf32, #tpu.memory_space<hbm>> -> memref<104x128xf32, #tpu.memory_space<hbm>>
      %dma_wait3A_75 = arith.constant 0 : i32
      %dma_wait3A_76 = tpu.memref_slice %arg6[%add3A_30, %dma_wait3A_75] : memref<20000x128xf32, #tpu.memory_space<hbm>> -> memref<104x128xf32, #tpu.memory_space<hbm>>
      tpu.wait_dma2 semaphore(%run_scoped3A : memref<!tpu.dma_semaphore, #tpu.memory_space<semaphore_mem>>) src(%arg12 : memref<104x128xf32, #tpu.memory_space<vmem>>) dst(%dma_wait3A_76 : memref<104x128xf32, #tpu.memory_space<hbm>>)
      tpu.yield
    }) : () -> ()
    %mul3A_31 = arith.constant 624 : i32
    %mul3A_32 = arith.muli %arg1, %mul3A_31 : i32
    %add3A_33 = arith.constant 104 : i32
    %add3A_34 = arith.addi %mul3A_32, %add3A_33 : i32
    "tpu.region"() ({
      %run_scoped3A = tpu.sem_alloc : memref<!tpu.dma_semaphore, #tpu.memory_space<semaphore_mem>>
      %dma_start3A = tpu.memref_slice %arg3[%add3A_34] : memref<10000xi32, #tpu.memory_space<hbm>> -> memref<104xi32, #tpu.memory_space<hbm>>
      %dma_start3A_71 = tpu.memref_slice %arg3[%add3A_34] : memref<10000xi32, #tpu.memory_space<hbm>> -> memref<104xi32, #tpu.memory_space<hbm>>
      tpu.enqueue_dma source(%dma_start3A_71 : memref<104xi32, #tpu.memory_space<hbm>>) target(%arg10 : memref<104xi32, #tpu.memory_space<vmem>>) target_semaphore(%run_scoped3A : memref<!tpu.dma_semaphore, #tpu.memory_space<semaphore_mem>>)
      %dma_wait3A = tpu.memref_slice %arg3[%add3A_34] : memref<10000xi32, #tpu.memory_space<hbm>> -> memref<104xi32, #tpu.memory_space<hbm>>
      %dma_wait3A_72 = tpu.memref_slice %arg3[%add3A_34] : memref<10000xi32, #tpu.memory_space<hbm>> -> memref<104xi32, #tpu.memory_space<hbm>>
      tpu.wait_dma2 semaphore(%run_scoped3A : memref<!tpu.dma_semaphore, #tpu.memory_space<semaphore_mem>>) src(%dma_wait3A_72 : memref<104xi32, #tpu.memory_space<hbm>>) dst(%arg10 : memref<104xi32, #tpu.memory_space<vmem>>)
      tpu.yield
    }) : () -> ()
    "tpu.region"() ({
      %run_scoped3A = tpu.sem_alloc : memref<!tpu.dma_semaphore, #tpu.memory_space<semaphore_mem>>
      %dma_start3A = arith.constant 0 : i32
      %dma_start3A_71 = arith.constant 0 : i32
      %dma_start3A_72 = tpu.memref_slice %arg7[%dma_start3A, %dma_start3A_71] : memref<10000x128xf32, #tpu.memory_space<vmem_shared>> -> memref<10000x128xf32, #tpu.memory_space<vmem_shared>>
      tpu.enqueue_indirect_dma source(%dma_start3A_72 : memref<10000x128xf32, #tpu.memory_space<vmem_shared>>) target(%arg12 : memref<104x128xf32, #tpu.memory_space<vmem>>) offsets(%arg10 : memref<104xi32, #tpu.memory_space<vmem>>) semaphore(%run_scoped3A : memref<!tpu.dma_semaphore, #tpu.memory_space<semaphore_mem>>)
      %dma_wait3A = arith.constant 0 : i32
      %dma_wait3A_73 = arith.constant 0 : i32
      %dma_wait3A_74 = tpu.memref_slice %arg7[%dma_wait3A, %dma_wait3A_73] : memref<10000x128xf32, #tpu.memory_space<vmem_shared>> -> memref<10000x128xf32, #tpu.memory_space<vmem_shared>>
      tpu.wait_indirect_dma semaphore(%run_scoped3A : memref<!tpu.dma_semaphore, #tpu.memory_space<semaphore_mem>>) src(%dma_wait3A_74 : memref<10000x128xf32, #tpu.memory_space<vmem_shared>>) dst(%arg12 : memref<104x128xf32, #tpu.memory_space<vmem>>)
      tpu.yield
    }) : () -> ()
    %mul3A_35 = arith.constant 10000 : i32
    %mul3A_36 = arith.muli %arg0, %mul3A_35 : i32
    %add3A_37 = arith.addi %mul3A_36, %add3A_34 : i32
    "tpu.region"() ({
      %run_scoped3A = tpu.sem_alloc : memref<!tpu.dma_semaphore, #tpu.memory_space<semaphore_mem>>
      %dma_start3A = arith.constant 0 : i32
      %dma_start3A_71 = tpu.memref_slice %arg6[%add3A_37, %dma_start3A] : memref<20000x128xf32, #tpu.memory_space<hbm>> -> memref<104x128xf32, #tpu.memory_space<hbm>>
      %dma_start3A_72 = arith.constant 0 : i32
      %dma_start3A_73 = tpu.memref_slice %arg6[%add3A_37, %dma_start3A_72] : memref<20000x128xf32, #tpu.memory_space<hbm>> -> memref<104x128xf32, #tpu.memory_space<hbm>>
      tpu.enqueue_dma source(%arg12 : memref<104x128xf32, #tpu.memory_space<vmem>>) target(%dma_start3A_73 : memref<104x128xf32, #tpu.memory_space<hbm>>) target_semaphore(%run_scoped3A : memref<!tpu.dma_semaphore, #tpu.memory_space<semaphore_mem>>)
      %dma_wait3A = arith.constant 0 : i32
      %dma_wait3A_74 = tpu.memref_slice %arg6[%add3A_37, %dma_wait3A] : memref<20000x128xf32, #tpu.memory_space<hbm>> -> memref<104x128xf32, #tpu.memory_space<hbm>>
      %dma_wait3A_75 = arith.constant 0 : i32
      %dma_wait3A_76 = tpu.memref_slice %arg6[%add3A_37, %dma_wait3A_75] : memref<20000x128xf32, #tpu.memory_space<hbm>> -> memref<104x128xf32, #tpu.memory_space<hbm>>
      tpu.wait_dma2 semaphore(%run_scoped3A : memref<!tpu.dma_semaphore, #tpu.memory_space<semaphore_mem>>) src(%arg12 : memref<104x128xf32, #tpu.memory_space<vmem>>) dst(%dma_wait3A_76 : memref<104x128xf32, #tpu.memory_space<hbm>>)
      tpu.yield
    }) : () -> ()
    %mul3A_38 = arith.constant 624 : i32
    %mul3A_39 = arith.muli %arg1, %mul3A_38 : i32
    %add3A_40 = arith.constant 208 : i32
    %add3A_41 = arith.addi %mul3A_39, %add3A_40 : i32
    "tpu.region"() ({
      %run_scoped3A = tpu.sem_alloc : memref<!tpu.dma_semaphore, #tpu.memory_space<semaphore_mem>>
      %dma_start3A = tpu.memref_slice %arg3[%add3A_41] : memref<10000xi32, #tpu.memory_space<hbm>> -> memref<104xi32, #tpu.memory_space<hbm>>
      %dma_start3A_71 = tpu.memref_slice %arg3[%add3A_41] : memref<10000xi32, #tpu.memory_space<hbm>> -> memref<104xi32, #tpu.memory_space<hbm>>
      tpu.enqueue_dma source(%dma_start3A_71 : memref<104xi32, #tpu.memory_space<hbm>>) target(%arg10 : memref<104xi32, #tpu.memory_space<vmem>>) target_semaphore(%run_scoped3A : memref<!tpu.dma_semaphore, #tpu.memory_space<semaphore_mem>>)
      %dma_wait3A = tpu.memref_slice %arg3[%add3A_41] : memref<10000xi32, #tpu.memory_space<hbm>> -> memref<104xi32, #tpu.memory_space<hbm>>
      %dma_wait3A_72 = tpu.memref_slice %arg3[%add3A_41] : memref<10000xi32, #tpu.memory_space<hbm>> -> memref<104xi32, #tpu.memory_space<hbm>>
      tpu.wait_dma2 semaphore(%run_scoped3A : memref<!tpu.dma_semaphore, #tpu.memory_space<semaphore_mem>>) src(%dma_wait3A_72 : memref<104xi32, #tpu.memory_space<hbm>>) dst(%arg10 : memref<104xi32, #tpu.memory_space<vmem>>)
      tpu.yield
    }) : () -> ()
    "tpu.region"() ({
      %run_scoped3A = tpu.sem_alloc : memref<!tpu.dma_semaphore, #tpu.memory_space<semaphore_mem>>
      %dma_start3A = arith.constant 0 : i32
      %dma_start3A_71 = arith.constant 0 : i32
      %dma_start3A_72 = tpu.memref_slice %arg7[%dma_start3A, %dma_start3A_71] : memref<10000x128xf32, #tpu.memory_space<vmem_shared>> -> memref<10000x128xf32, #tpu.memory_space<vmem_shared>>
      tpu.enqueue_indirect_dma source(%dma_start3A_72 : memref<10000x128xf32, #tpu.memory_space<vmem_shared>>) target(%arg12 : memref<104x128xf32, #tpu.memory_space<vmem>>) offsets(%arg10 : memref<104xi32, #tpu.memory_space<vmem>>) semaphore(%run_scoped3A : memref<!tpu.dma_semaphore, #tpu.memory_space<semaphore_mem>>)
      %dma_wait3A = arith.constant 0 : i32
      %dma_wait3A_73 = arith.constant 0 : i32
      %dma_wait3A_74 = tpu.memref_slice %arg7[%dma_wait3A, %dma_wait3A_73] : memref<10000x128xf32, #tpu.memory_space<vmem_shared>> -> memref<10000x128xf32, #tpu.memory_space<vmem_shared>>
      tpu.wait_indirect_dma semaphore(%run_scoped3A : memref<!tpu.dma_semaphore, #tpu.memory_space<semaphore_mem>>) src(%dma_wait3A_74 : memref<10000x128xf32, #tpu.memory_space<vmem_shared>>) dst(%arg12 : memref<104x128xf32, #tpu.memory_space<vmem>>)
      tpu.yield
    }) : () -> ()
    %mul3A_42 = arith.constant 10000 : i32
    %mul3A_43 = arith.muli %arg0, %mul3A_42 : i32
    %add3A_44 = arith.addi %mul3A_43, %add3A_41 : i32
    "tpu.region"() ({
      %run_scoped3A = tpu.sem_alloc : memref<!tpu.dma_semaphore, #tpu.memory_space<semaphore_mem>>
      %dma_start3A = arith.constant 0 : i32
      %dma_start3A_71 = tpu.memref_slice %arg6[%add3A_44, %dma_start3A] : memref<20000x128xf32, #tpu.memory_space<hbm>> -> memref<104x128xf32, #tpu.memory_space<hbm>>
      %dma_start3A_72 = arith.constant 0 : i32
      %dma_start3A_73 = tpu.memref_slice %arg6[%add3A_44, %dma_start3A_72] : memref<20000x128xf32, #tpu.memory_space<hbm>> -> memref<104x128xf32, #tpu.memory_space<hbm>>
      tpu.enqueue_dma source(%arg12 : memref<104x128xf32, #tpu.memory_space<vmem>>) target(%dma_start3A_73 : memref<104x128xf32, #tpu.memory_space<hbm>>) target_semaphore(%run_scoped3A : memref<!tpu.dma_semaphore, #tpu.memory_space<semaphore_mem>>)
      %dma_wait3A = arith.constant 0 : i32
      %dma_wait3A_74 = tpu.memref_slice %arg6[%add3A_44, %dma_wait3A] : memref<20000x128xf32, #tpu.memory_space<hbm>> -> memref<104x128xf32, #tpu.memory_space<hbm>>
      %dma_wait3A_75 = arith.constant 0 : i32
      %dma_wait3A_76 = tpu.memref_slice %arg6[%add3A_44, %dma_wait3A_75] : memref<20000x128xf32, #tpu.memory_space<hbm>> -> memref<104x128xf32, #tpu.memory_space<hbm>>
      tpu.wait_dma2 semaphore(%run_scoped3A : memref<!tpu.dma_semaphore, #tpu.memory_space<semaphore_mem>>) src(%arg12 : memref<104x128xf32, #tpu.memory_space<vmem>>) dst(%dma_wait3A_76 : memref<104x128xf32, #tpu.memory_space<hbm>>)
      tpu.yield
    }) : () -> ()
    %mul3A_45 = arith.constant 624 : i32
    %mul3A_46 = arith.muli %arg1, %mul3A_45 : i32
    %add3A_47 = arith.constant 312 : i32
    %add3A_48 = arith.addi %mul3A_46, %add3A_47 : i32
    "tpu.region"() ({
      %run_scoped3A = tpu.sem_alloc : memref<!tpu.dma_semaphore, #tpu.memory_space<semaphore_mem>>
      %dma_start3A = tpu.memref_slice %arg3[%add3A_48] : memref<10000xi32, #tpu.memory_space<hbm>> -> memref<104xi32, #tpu.memory_space<hbm>>
      %dma_start3A_71 = tpu.memref_slice %arg3[%add3A_48] : memref<10000xi32, #tpu.memory_space<hbm>> -> memref<104xi32, #tpu.memory_space<hbm>>
      tpu.enqueue_dma source(%dma_start3A_71 : memref<104xi32, #tpu.memory_space<hbm>>) target(%arg10 : memref<104xi32, #tpu.memory_space<vmem>>) target_semaphore(%run_scoped3A : memref<!tpu.dma_semaphore, #tpu.memory_space<semaphore_mem>>)
      %dma_wait3A = tpu.memref_slice %arg3[%add3A_48] : memref<10000xi32, #tpu.memory_space<hbm>> -> memref<104xi32, #tpu.memory_space<hbm>>
      %dma_wait3A_72 = tpu.memref_slice %arg3[%add3A_48] : memref<10000xi32, #tpu.memory_space<hbm>> -> memref<104xi32, #tpu.memory_space<hbm>>
      tpu.wait_dma2 semaphore(%run_scoped3A : memref<!tpu.dma_semaphore, #tpu.memory_space<semaphore_mem>>) src(%dma_wait3A_72 : memref<104xi32, #tpu.memory_space<hbm>>) dst(%arg10 : memref<104xi32, #tpu.memory_space<vmem>>)
      tpu.yield
    }) : () -> ()
    "tpu.region"() ({
      %run_scoped3A = tpu.sem_alloc : memref<!tpu.dma_semaphore, #tpu.memory_space<semaphore_mem>>
      %dma_start3A = arith.constant 0 : i32
      %dma_start3A_71 = arith.constant 0 : i32
      %dma_start3A_72 = tpu.memref_slice %arg7[%dma_start3A, %dma_start3A_71] : memref<10000x128xf32, #tpu.memory_space<vmem_shared>> -> memref<10000x128xf32, #tpu.memory_space<vmem_shared>>
      tpu.enqueue_indirect_dma source(%dma_start3A_72 : memref<10000x128xf32, #tpu.memory_space<vmem_shared>>) target(%arg12 : memref<104x128xf32, #tpu.memory_space<vmem>>) offsets(%arg10 : memref<104xi32, #tpu.memory_space<vmem>>) semaphore(%run_scoped3A : memref<!tpu.dma_semaphore, #tpu.memory_space<semaphore_mem>>)
      %dma_wait3A = arith.constant 0 : i32
      %dma_wait3A_73 = arith.constant 0 : i32
      %dma_wait3A_74 = tpu.memref_slice %arg7[%dma_wait3A, %dma_wait3A_73] : memref<10000x128xf32, #tpu.memory_space<vmem_shared>> -> memref<10000x128xf32, #tpu.memory_space<vmem_shared>>
      tpu.wait_indirect_dma semaphore(%run_scoped3A : memref<!tpu.dma_semaphore, #tpu.memory_space<semaphore_mem>>) src(%dma_wait3A_74 : memref<10000x128xf32, #tpu.memory_space<vmem_shared>>) dst(%arg12 : memref<104x128xf32, #tpu.memory_space<vmem>>)
      tpu.yield
    }) : () -> ()
    %mul3A_49 = arith.constant 10000 : i32
    %mul3A_50 = arith.muli %arg0, %mul3A_49 : i32
    %add3A_51 = arith.addi %mul3A_50, %add3A_48 : i32
    "tpu.region"() ({
      %run_scoped3A = tpu.sem_alloc : memref<!tpu.dma_semaphore, #tpu.memory_space<semaphore_mem>>
      %dma_start3A = arith.constant 0 : i32
      %dma_start3A_71 = tpu.memref_slice %arg6[%add3A_51, %dma_start3A] : memref<20000x128xf32, #tpu.memory_space<hbm>> -> memref<104x128xf32, #tpu.memory_space<hbm>>
      %dma_start3A_72 = arith.constant 0 : i32
      %dma_start3A_73 = tpu.memref_slice %arg6[%add3A_51, %dma_start3A_72] : memref<20000x128xf32, #tpu.memory_space<hbm>> -> memref<104x128xf32, #tpu.memory_space<hbm>>
      tpu.enqueue_dma source(%arg12 : memref<104x128xf32, #tpu.memory_space<vmem>>) target(%dma_start3A_73 : memref<104x128xf32, #tpu.memory_space<hbm>>) target_semaphore(%run_scoped3A : memref<!tpu.dma_semaphore, #tpu.memory_space<semaphore_mem>>)
      %dma_wait3A = arith.constant 0 : i32
      %dma_wait3A_74 = tpu.memref_slice %arg6[%add3A_51, %dma_wait3A] : memref<20000x128xf32, #tpu.memory_space<hbm>> -> memref<104x128xf32, #tpu.memory_space<hbm>>
      %dma_wait3A_75 = arith.constant 0 : i32
      %dma_wait3A_76 = tpu.memref_slice %arg6[%add3A_51, %dma_wait3A_75] : memref<20000x128xf32, #tpu.memory_space<hbm>> -> memref<104x128xf32, #tpu.memory_space<hbm>>
      tpu.wait_dma2 semaphore(%run_scoped3A : memref<!tpu.dma_semaphore, #tpu.memory_space<semaphore_mem>>) src(%arg12 : memref<104x128xf32, #tpu.memory_space<vmem>>) dst(%dma_wait3A_76 : memref<104x128xf32, #tpu.memory_space<hbm>>)
      tpu.yield
    }) : () -> ()
    %mul3A_52 = arith.constant 624 : i32
    %mul3A_53 = arith.muli %arg1, %mul3A_52 : i32
    %add3A_54 = arith.constant 416 : i32
    %add3A_55 = arith.addi %mul3A_53, %add3A_54 : i32
    "tpu.region"() ({
      %run_scoped3A = tpu.sem_alloc : memref<!tpu.dma_semaphore, #tpu.memory_space<semaphore_mem>>
      %dma_start3A = tpu.memref_slice %arg3[%add3A_55] : memref<10000xi32, #tpu.memory_space<hbm>> -> memref<104xi32, #tpu.memory_space<hbm>>
      %dma_start3A_71 = tpu.memref_slice %arg3[%add3A_55] : memref<10000xi32, #tpu.memory_space<hbm>> -> memref<104xi32, #tpu.memory_space<hbm>>
      tpu.enqueue_dma source(%dma_start3A_71 : memref<104xi32, #tpu.memory_space<hbm>>) target(%arg10 : memref<104xi32, #tpu.memory_space<vmem>>) target_semaphore(%run_scoped3A : memref<!tpu.dma_semaphore, #tpu.memory_space<semaphore_mem>>)
      %dma_wait3A = tpu.memref_slice %arg3[%add3A_55] : memref<10000xi32, #tpu.memory_space<hbm>> -> memref<104xi32, #tpu.memory_space<hbm>>
      %dma_wait3A_72 = tpu.memref_slice %arg3[%add3A_55] : memref<10000xi32, #tpu.memory_space<hbm>> -> memref<104xi32, #tpu.memory_space<hbm>>
      tpu.wait_dma2 semaphore(%run_scoped3A : memref<!tpu.dma_semaphore, #tpu.memory_space<semaphore_mem>>) src(%dma_wait3A_72 : memref<104xi32, #tpu.memory_space<hbm>>) dst(%arg10 : memref<104xi32, #tpu.memory_space<vmem>>)
      tpu.yield
    }) : () -> ()
    "tpu.region"() ({
      %run_scoped3A = tpu.sem_alloc : memref<!tpu.dma_semaphore, #tpu.memory_space<semaphore_mem>>
      %dma_start3A = arith.constant 0 : i32
      %dma_start3A_71 = arith.constant 0 : i32
      %dma_start3A_72 = tpu.memref_slice %arg7[%dma_start3A, %dma_start3A_71] : memref<10000x128xf32, #tpu.memory_space<vmem_shared>> -> memref<10000x128xf32, #tpu.memory_space<vmem_shared>>
      tpu.enqueue_indirect_dma source(%dma_start3A_72 : memref<10000x128xf32, #tpu.memory_space<vmem_shared>>) target(%arg12 : memref<104x128xf32, #tpu.memory_space<vmem>>) offsets(%arg10 : memref<104xi32, #tpu.memory_space<vmem>>) semaphore(%run_scoped3A : memref<!tpu.dma_semaphore, #tpu.memory_space<semaphore_mem>>)
      %dma_wait3A = arith.constant 0 : i32
      %dma_wait3A_73 = arith.constant 0 : i32
      %dma_wait3A_74 = tpu.memref_slice %arg7[%dma_wait3A, %dma_wait3A_73] : memref<10000x128xf32, #tpu.memory_space<vmem_shared>> -> memref<10000x128xf32, #tpu.memory_space<vmem_shared>>
      tpu.wait_indirect_dma semaphore(%run_scoped3A : memref<!tpu.dma_semaphore, #tpu.memory_space<semaphore_mem>>) src(%dma_wait3A_74 : memref<10000x128xf32, #tpu.memory_space<vmem_shared>>) dst(%arg12 : memref<104x128xf32, #tpu.memory_space<vmem>>)
      tpu.yield
    }) : () -> ()
    %mul3A_56 = arith.constant 10000 : i32
    %mul3A_57 = arith.muli %arg0, %mul3A_56 : i32
    %add3A_58 = arith.addi %mul3A_57, %add3A_55 : i32
    "tpu.region"() ({
      %run_scoped3A = tpu.sem_alloc : memref<!tpu.dma_semaphore, #tpu.memory_space<semaphore_mem>>
      %dma_start3A = arith.constant 0 : i32
      %dma_start3A_71 = tpu.memref_slice %arg6[%add3A_58, %dma_start3A] : memref<20000x128xf32, #tpu.memory_space<hbm>> -> memref<104x128xf32, #tpu.memory_space<hbm>>
      %dma_start3A_72 = arith.constant 0 : i32
      %dma_start3A_73 = tpu.memref_slice %arg6[%add3A_58, %dma_start3A_72] : memref<20000x128xf32, #tpu.memory_space<hbm>> -> memref<104x128xf32, #tpu.memory_space<hbm>>
      tpu.enqueue_dma source(%arg12 : memref<104x128xf32, #tpu.memory_space<vmem>>) target(%dma_start3A_73 : memref<104x128xf32, #tpu.memory_space<hbm>>) target_semaphore(%run_scoped3A : memref<!tpu.dma_semaphore, #tpu.memory_space<semaphore_mem>>)
      %dma_wait3A = arith.constant 0 : i32
      %dma_wait3A_74 = tpu.memref_slice %arg6[%add3A_58, %dma_wait3A] : memref<20000x128xf32, #tpu.memory_space<hbm>> -> memref<104x128xf32, #tpu.memory_space<hbm>>
      %dma_wait3A_75 = arith.constant 0 : i32
      %dma_wait3A_76 = tpu.memref_slice %arg6[%add3A_58, %dma_wait3A_75] : memref<20000x128xf32, #tpu.memory_space<hbm>> -> memref<104x128xf32, #tpu.memory_space<hbm>>
      tpu.wait_dma2 semaphore(%run_scoped3A : memref<!tpu.dma_semaphore, #tpu.memory_space<semaphore_mem>>) src(%arg12 : memref<104x128xf32, #tpu.memory_space<vmem>>) dst(%dma_wait3A_76 : memref<104x128xf32, #tpu.memory_space<hbm>>)
      tpu.yield
    }) : () -> ()
    %mul3A_59 = arith.constant 624 : i32
    %mul3A_60 = arith.muli %arg1, %mul3A_59 : i32
    %add3A_61 = arith.constant 520 : i32
    %add3A_62 = arith.addi %mul3A_60, %add3A_61 : i32
    "tpu.region"() ({
      %run_scoped3A = tpu.sem_alloc : memref<!tpu.dma_semaphore, #tpu.memory_space<semaphore_mem>>
      %dma_start3A = tpu.memref_slice %arg3[%add3A_62] : memref<10000xi32, #tpu.memory_space<hbm>> -> memref<104xi32, #tpu.memory_space<hbm>>
      %dma_start3A_71 = tpu.memref_slice %arg3[%add3A_62] : memref<10000xi32, #tpu.memory_space<hbm>> -> memref<104xi32, #tpu.memory_space<hbm>>
      tpu.enqueue_dma source(%dma_start3A_71 : memref<104xi32, #tpu.memory_space<hbm>>) target(%arg10 : memref<104xi32, #tpu.memory_space<vmem>>) target_semaphore(%run_scoped3A : memref<!tpu.dma_semaphore, #tpu.memory_space<semaphore_mem>>)
      %dma_wait3A = tpu.memref_slice %arg3[%add3A_62] : memref<10000xi32, #tpu.memory_space<hbm>> -> memref<104xi32, #tpu.memory_space<hbm>>
      %dma_wait3A_72 = tpu.memref_slice %arg3[%add3A_62] : memref<10000xi32, #tpu.memory_space<hbm>> -> memref<104xi32, #tpu.memory_space<hbm>>
      tpu.wait_dma2 semaphore(%run_scoped3A : memref<!tpu.dma_semaphore, #tpu.memory_space<semaphore_mem>>) src(%dma_wait3A_72 : memref<104xi32, #tpu.memory_space<hbm>>) dst(%arg10 : memref<104xi32, #tpu.memory_space<vmem>>)
      tpu.yield
    }) : () -> ()
    "tpu.region"() ({
      %run_scoped3A = tpu.sem_alloc : memref<!tpu.dma_semaphore, #tpu.memory_space<semaphore_mem>>
      %dma_start3A = arith.constant 0 : i32
      %dma_start3A_71 = arith.constant 0 : i32
      %dma_start3A_72 = tpu.memref_slice %arg7[%dma_start3A, %dma_start3A_71] : memref<10000x128xf32, #tpu.memory_space<vmem_shared>> -> memref<10000x128xf32, #tpu.memory_space<vmem_shared>>
      tpu.enqueue_indirect_dma source(%dma_start3A_72 : memref<10000x128xf32, #tpu.memory_space<vmem_shared>>) target(%arg12 : memref<104x128xf32, #tpu.memory_space<vmem>>) offsets(%arg10 : memref<104xi32, #tpu.memory_space<vmem>>) semaphore(%run_scoped3A : memref<!tpu.dma_semaphore, #tpu.memory_space<semaphore_mem>>)
      %dma_wait3A = arith.constant 0 : i32
      %dma_wait3A_73 = arith.constant 0 : i32
      %dma_wait3A_74 = tpu.memref_slice %arg7[%dma_wait3A, %dma_wait3A_73] : memref<10000x128xf32, #tpu.memory_space<vmem_shared>> -> memref<10000x128xf32, #tpu.memory_space<vmem_shared>>
      tpu.wait_indirect_dma semaphore(%run_scoped3A : memref<!tpu.dma_semaphore, #tpu.memory_space<semaphore_mem>>) src(%dma_wait3A_74 : memref<10000x128xf32, #tpu.memory_space<vmem_shared>>) dst(%arg12 : memref<104x128xf32, #tpu.memory_space<vmem>>)
      tpu.yield
    }) : () -> ()
    %mul3A_63 = arith.constant 10000 : i32
    %mul3A_64 = arith.muli %arg0, %mul3A_63 : i32
    %add3A_65 = arith.addi %mul3A_64, %add3A_62 : i32
    "tpu.region"() ({
      %run_scoped3A = tpu.sem_alloc : memref<!tpu.dma_semaphore, #tpu.memory_space<semaphore_mem>>
      %dma_start3A = arith.constant 0 : i32
      %dma_start3A_71 = tpu.memref_slice %arg6[%add3A_65, %dma_start3A] : memref<20000x128xf32, #tpu.memory_space<hbm>> -> memref<104x128xf32, #tpu.memory_space<hbm>>
      %dma_start3A_72 = arith.constant 0 : i32
      %dma_start3A_73 = tpu.memref_slice %arg6[%add3A_65, %dma_start3A_72] : memref<20000x128xf32, #tpu.memory_space<hbm>> -> memref<104x128xf32, #tpu.memory_space<hbm>>
      tpu.enqueue_dma source(%arg12 : memref<104x128xf32, #tpu.memory_space<vmem>>) target(%dma_start3A_73 : memref<104x128xf32, #tpu.memory_space<hbm>>) target_semaphore(%run_scoped3A : memref<!tpu.dma_semaphore, #tpu.memory_space<semaphore_mem>>)
      %dma_wait3A = arith.constant 0 : i32
      %dma_wait3A_74 = tpu.memref_slice %arg6[%add3A_65, %dma_wait3A] : memref<20000x128xf32, #tpu.memory_space<hbm>> -> memref<104x128xf32, #tpu.memory_space<hbm>>
      %dma_wait3A_75 = arith.constant 0 : i32
      %dma_wait3A_76 = tpu.memref_slice %arg6[%add3A_65, %dma_wait3A_75] : memref<20000x128xf32, #tpu.memory_space<hbm>> -> memref<104x128xf32, #tpu.memory_space<hbm>>
      tpu.wait_dma2 semaphore(%run_scoped3A : memref<!tpu.dma_semaphore, #tpu.memory_space<semaphore_mem>>) src(%arg12 : memref<104x128xf32, #tpu.memory_space<vmem>>) dst(%dma_wait3A_76 : memref<104x128xf32, #tpu.memory_space<hbm>>)
      tpu.yield
    }) : () -> ()
    "tpu.region"() ({
      %run_scoped3A = tpu.sem_alloc : memref<!tpu.dma_semaphore, #tpu.memory_space<semaphore_mem>>
      %dma_start3A = arith.constant 9896 : i32
      %dma_start3A_71 = tpu.memref_slice %arg3[%dma_start3A] : memref<10000xi32, #tpu.memory_space<hbm>> -> memref<104xi32, #tpu.memory_space<hbm>>
      %dma_start3A_72 = arith.constant 9896 : i32
      %dma_start3A_73 = tpu.memref_slice %arg3[%dma_start3A_72] : memref<10000xi32, #tpu.memory_space<hbm>> -> memref<104xi32, #tpu.memory_space<hbm>>
      tpu.enqueue_dma source(%dma_start3A_73 : memref<104xi32, #tpu.memory_space<hbm>>) target(%arg10 : memref<104xi32, #tpu.memory_space<vmem>>) target_semaphore(%run_scoped3A : memref<!tpu.dma_semaphore, #tpu.memory_space<semaphore_mem>>)
      %dma_wait3A = arith.constant 9896 : i32
      %dma_wait3A_74 = tpu.memref_slice %arg3[%dma_wait3A] : memref<10000xi32, #tpu.memory_space<hbm>> -> memref<104xi32, #tpu.memory_space<hbm>>
      %dma_wait3A_75 = arith.constant 9896 : i32
      %dma_wait3A_76 = tpu.memref_slice %arg3[%dma_wait3A_75] : memref<10000xi32, #tpu.memory_space<hbm>> -> memref<104xi32, #tpu.memory_space<hbm>>
      tpu.wait_dma2 semaphore(%run_scoped3A : memref<!tpu.dma_semaphore, #tpu.memory_space<semaphore_mem>>) src(%dma_wait3A_76 : memref<104xi32, #tpu.memory_space<hbm>>) dst(%arg10 : memref<104xi32, #tpu.memory_space<vmem>>)
      tpu.yield
    }) : () -> ()
    "tpu.region"() ({
      %run_scoped3A = tpu.sem_alloc : memref<!tpu.dma_semaphore, #tpu.memory_space<semaphore_mem>>
      %dma_start3A = arith.constant 0 : i32
      %dma_start3A_71 = arith.constant 0 : i32
      %dma_start3A_72 = tpu.memref_slice %arg7[%dma_start3A, %dma_start3A_71] : memref<10000x128xf32, #tpu.memory_space<vmem_shared>> -> memref<10000x128xf32, #tpu.memory_space<vmem_shared>>
      tpu.enqueue_indirect_dma source(%dma_start3A_72 : memref<10000x128xf32, #tpu.memory_space<vmem_shared>>) target(%arg12 : memref<104x128xf32, #tpu.memory_space<vmem>>) offsets(%arg10 : memref<104xi32, #tpu.memory_space<vmem>>) semaphore(%run_scoped3A : memref<!tpu.dma_semaphore, #tpu.memory_space<semaphore_mem>>)
      %dma_wait3A = arith.constant 0 : i32
      %dma_wait3A_73 = arith.constant 0 : i32
      %dma_wait3A_74 = tpu.memref_slice %arg7[%dma_wait3A, %dma_wait3A_73] : memref<10000x128xf32, #tpu.memory_space<vmem_shared>> -> memref<10000x128xf32, #tpu.memory_space<vmem_shared>>
      tpu.wait_indirect_dma semaphore(%run_scoped3A : memref<!tpu.dma_semaphore, #tpu.memory_space<semaphore_mem>>) src(%dma_wait3A_74 : memref<10000x128xf32, #tpu.memory_space<vmem_shared>>) dst(%arg12 : memref<104x128xf32, #tpu.memory_space<vmem>>)
      tpu.yield
    }) : () -> ()
    %mul3A_66 = arith.constant 10000 : i32
    %mul3A_67 = arith.muli %arg0, %mul3A_66 : i32
    %add3A_68 = arith.constant 10000 : i32
    %add3A_69 = arith.addi %mul3A_67, %add3A_68 : i32
    %sub3A = arith.constant 104 : i32
    %sub3A_70 = arith.subi %add3A_69, %sub3A : i32
    "tpu.region"() ({
      %run_scoped3A = tpu.sem_alloc : memref<!tpu.dma_semaphore, #tpu.memory_space<semaphore_mem>>
      %dma_start3A = arith.constant 0 : i32
      %dma_start3A_71 = tpu.memref_slice %arg6[%sub3A_70, %dma_start3A] : memref<20000x128xf32, #tpu.memory_space<hbm>> -> memref<104x128xf32, #tpu.memory_space<hbm>>
      %dma_start3A_72 = arith.constant 0 : i32
      %dma_start3A_73 = tpu.memref_slice %arg6[%sub3A_70, %dma_start3A_72] : memref<20000x128xf32, #tpu.memory_space<hbm>> -> memref<104x128xf32, #tpu.memory_space<hbm>>
      tpu.enqueue_dma source(%arg12 : memref<104x128xf32, #tpu.memory_space<vmem>>) target(%dma_start3A_73 : memref<104x128xf32, #tpu.memory_space<hbm>>) target_semaphore(%run_scoped3A : memref<!tpu.dma_semaphore, #tpu.memory_space<semaphore_mem>>)
      %dma_wait3A = arith.constant 0 : i32
      %dma_wait3A_74 = tpu.memref_slice %arg6[%sub3A_70, %dma_wait3A] : memref<20000x128xf32, #tpu.memory_space<hbm>> -> memref<104x128xf32, #tpu.memory_space<hbm>>
      %dma_wait3A_75 = arith.constant 0 : i32
      %dma_wait3A_76 = tpu.memref_slice %arg6[%sub3A_70, %dma_wait3A_75] : memref<20000x128xf32, #tpu.memory_space<hbm>> -> memref<104x128xf32, #tpu.memory_space<hbm>>
      tpu.wait_dma2 semaphore(%run_scoped3A : memref<!tpu.dma_semaphore, #tpu.memory_space<semaphore_mem>>) src(%arg12 : memref<104x128xf32, #tpu.memory_space<vmem>>) dst(%dma_wait3A_76 : memref<104x128xf32, #tpu.memory_space<hbm>>)
      tpu.yield
    }) : () -> ()
    return
  }
}

#map = affine_map<(d0, d1) -> (0, 0)>
#map1 = affine_map<(d0, d1) -> (0, 0, 0)>
#map2 = affine_map<(d0, d1) -> (0)>
module attributes {stable_mosaic.version = 14 : i64} {
  func.func @_sc_agg(%arg0: i32, %arg1: i32, %arg2: memref<10000x128xf32, #tpu.memory_space<hbm>>, %arg3: memref<32x125x80xi32, #tpu.memory_space<hbm>>, %arg4: memref<320000xi32, #tpu.memory_space<hbm>>, %arg5: memref<10000xi32, #tpu.memory_space<hbm>>, %arg6: memref<104x128xf32, #tpu.memory_space<hbm>>, %arg7: memref<20000x128xf32, #tpu.memory_space<hbm>>, %arg8: memref<10000x128xf32, #tpu.memory_space<vmem_shared>>, %arg9: memref<125x80xi32, #tpu.memory_space<vmem>>, %arg10: memref<80xi32, #tpu.memory_space<vmem>>, %arg11: memref<80xi32, #tpu.memory_space<vmem>>, %arg12: memref<104xi32, #tpu.memory_space<vmem>>, %arg13: memref<80x128xf32, #tpu.memory_space<vmem>>, %arg14: memref<80x128xf32, #tpu.memory_space<vmem>>, %arg15: memref<104x128xf32, #tpu.memory_space<vmem>>, %arg16: memref<!tpu.dma_semaphore, #tpu.memory_space<semaphore_mem>>, %arg17: memref<!tpu.dma_semaphore, #tpu.memory_space<semaphore_mem>>, %arg18: memref<!tpu.dma_semaphore, #tpu.memory_space<semaphore_mem>>, %arg19: memref<!tpu.dma_semaphore, #tpu.memory_space<semaphore_mem>>) attributes {dimension_semantics = [#tpu.dimension_semantics<core_parallel>, #tpu.dimension_semantics<subcore_parallel>], iteration_bounds = array<i64: 2, 16>, scalar_prefetch = 0 : i64, scratch_operands = 12 : i64, tpu.core_type = #tpu.core_type<sc_vector_subcore>, window_params = [{transform_indices = #map}, {transform_indices = #map1}, {transform_indices = #map2}, {transform_indices = #map2}, {transform_indices = #map}, {transform_indices = #map}]} {
    %mul3A = arith.constant 16 : i32
    %mul3A_0 = arith.muli %arg0, %mul3A : i32
    %add3A = arith.addi %mul3A_0, %arg1 : i32
    "tpu.region"() ({
      %run_scoped3A = tpu.sem_alloc : memref<!tpu.dma_semaphore, #tpu.memory_space<semaphore_mem>>
      tpu.enqueue_dma source(%arg6 : memref<104x128xf32, #tpu.memory_space<hbm>>) target(%arg15 : memref<104x128xf32, #tpu.memory_space<vmem>>) target_semaphore(%run_scoped3A : memref<!tpu.dma_semaphore, #tpu.memory_space<semaphore_mem>>)
      tpu.wait_dma2 semaphore(%run_scoped3A : memref<!tpu.dma_semaphore, #tpu.memory_space<semaphore_mem>>) src(%arg6 : memref<104x128xf32, #tpu.memory_space<hbm>>) dst(%arg15 : memref<104x128xf32, #tpu.memory_space<vmem>>)
      tpu.yield
    }) : () -> ()
    %mul3A_1 = arith.constant 624 : i32
    %mul3A_2 = arith.muli %arg1, %mul3A_1 : i32
    %add3A_3 = arith.constant 0 : i32
    %add3A_4 = arith.addi %mul3A_2, %add3A_3 : i32
    "tpu.region"() ({
      %run_scoped3A = tpu.sem_alloc : memref<!tpu.dma_semaphore, #tpu.memory_space<semaphore_mem>>
      %dma_start3A_77 = tpu.memref_slice %arg5[%add3A_4] : memref<10000xi32, #tpu.memory_space<hbm>> -> memref<104xi32, #tpu.memory_space<hbm>>
      %dma_start3A_78 = tpu.memref_slice %arg5[%add3A_4] : memref<10000xi32, #tpu.memory_space<hbm>> -> memref<104xi32, #tpu.memory_space<hbm>>
      tpu.enqueue_dma source(%dma_start3A_78 : memref<104xi32, #tpu.memory_space<hbm>>) target(%arg12 : memref<104xi32, #tpu.memory_space<vmem>>) target_semaphore(%run_scoped3A : memref<!tpu.dma_semaphore, #tpu.memory_space<semaphore_mem>>)
      %dma_wait3A = tpu.memref_slice %arg5[%add3A_4] : memref<10000xi32, #tpu.memory_space<hbm>> -> memref<104xi32, #tpu.memory_space<hbm>>
      %dma_wait3A_79 = tpu.memref_slice %arg5[%add3A_4] : memref<10000xi32, #tpu.memory_space<hbm>> -> memref<104xi32, #tpu.memory_space<hbm>>
      tpu.wait_dma2 semaphore(%run_scoped3A : memref<!tpu.dma_semaphore, #tpu.memory_space<semaphore_mem>>) src(%dma_wait3A_79 : memref<104xi32, #tpu.memory_space<hbm>>) dst(%arg12 : memref<104xi32, #tpu.memory_space<vmem>>)
      tpu.yield
    }) : () -> ()
    "tpu.region"() ({
      %run_scoped3A = tpu.sem_alloc : memref<!tpu.dma_semaphore, #tpu.memory_space<semaphore_mem>>
      %dma_start3A_77 = arith.constant 0 : i32
      %dma_start3A_78 = arith.constant 0 : i32
      %dma_start3A_79 = tpu.memref_slice %arg8[%dma_start3A_77, %dma_start3A_78] : memref<10000x128xf32, #tpu.memory_space<vmem_shared>> -> memref<10000x128xf32, #tpu.memory_space<vmem_shared>>
      tpu.enqueue_indirect_dma source(%arg15 : memref<104x128xf32, #tpu.memory_space<vmem>>) target(%dma_start3A_79 : memref<10000x128xf32, #tpu.memory_space<vmem_shared>>) offsets(%arg12 : memref<104xi32, #tpu.memory_space<vmem>>) semaphore(%run_scoped3A : memref<!tpu.dma_semaphore, #tpu.memory_space<semaphore_mem>>)
      %dma_wait3A = arith.constant 0 : i32
      %dma_wait3A_80 = arith.constant 0 : i32
      %dma_wait3A_81 = tpu.memref_slice %arg8[%dma_wait3A, %dma_wait3A_80] : memref<10000x128xf32, #tpu.memory_space<vmem_shared>> -> memref<10000x128xf32, #tpu.memory_space<vmem_shared>>
      tpu.wait_indirect_dma semaphore(%run_scoped3A : memref<!tpu.dma_semaphore, #tpu.memory_space<semaphore_mem>>) src(%arg15 : memref<104x128xf32, #tpu.memory_space<vmem>>) dst(%dma_wait3A_81 : memref<10000x128xf32, #tpu.memory_space<vmem_shared>>)
      tpu.yield
    }) : () -> ()
    %add3A_5 = arith.constant 104 : i32
    %add3A_6 = arith.addi %mul3A_2, %add3A_5 : i32
    "tpu.region"() ({
      %run_scoped3A = tpu.sem_alloc : memref<!tpu.dma_semaphore, #tpu.memory_space<semaphore_mem>>
      %dma_start3A_77 = tpu.memref_slice %arg5[%add3A_6] : memref<10000xi32, #tpu.memory_space<hbm>> -> memref<104xi32, #tpu.memory_space<hbm>>
      %dma_start3A_78 = tpu.memref_slice %arg5[%add3A_6] : memref<10000xi32, #tpu.memory_space<hbm>> -> memref<104xi32, #tpu.memory_space<hbm>>
      tpu.enqueue_dma source(%dma_start3A_78 : memref<104xi32, #tpu.memory_space<hbm>>) target(%arg12 : memref<104xi32, #tpu.memory_space<vmem>>) target_semaphore(%run_scoped3A : memref<!tpu.dma_semaphore, #tpu.memory_space<semaphore_mem>>)
      %dma_wait3A = tpu.memref_slice %arg5[%add3A_6] : memref<10000xi32, #tpu.memory_space<hbm>> -> memref<104xi32, #tpu.memory_space<hbm>>
      %dma_wait3A_79 = tpu.memref_slice %arg5[%add3A_6] : memref<10000xi32, #tpu.memory_space<hbm>> -> memref<104xi32, #tpu.memory_space<hbm>>
      tpu.wait_dma2 semaphore(%run_scoped3A : memref<!tpu.dma_semaphore, #tpu.memory_space<semaphore_mem>>) src(%dma_wait3A_79 : memref<104xi32, #tpu.memory_space<hbm>>) dst(%arg12 : memref<104xi32, #tpu.memory_space<vmem>>)
      tpu.yield
    }) : () -> ()
    "tpu.region"() ({
      %run_scoped3A = tpu.sem_alloc : memref<!tpu.dma_semaphore, #tpu.memory_space<semaphore_mem>>
      %dma_start3A_77 = arith.constant 0 : i32
      %dma_start3A_78 = arith.constant 0 : i32
      %dma_start3A_79 = tpu.memref_slice %arg8[%dma_start3A_77, %dma_start3A_78] : memref<10000x128xf32, #tpu.memory_space<vmem_shared>> -> memref<10000x128xf32, #tpu.memory_space<vmem_shared>>
      tpu.enqueue_indirect_dma source(%arg15 : memref<104x128xf32, #tpu.memory_space<vmem>>) target(%dma_start3A_79 : memref<10000x128xf32, #tpu.memory_space<vmem_shared>>) offsets(%arg12 : memref<104xi32, #tpu.memory_space<vmem>>) semaphore(%run_scoped3A : memref<!tpu.dma_semaphore, #tpu.memory_space<semaphore_mem>>)
      %dma_wait3A = arith.constant 0 : i32
      %dma_wait3A_80 = arith.constant 0 : i32
      %dma_wait3A_81 = tpu.memref_slice %arg8[%dma_wait3A, %dma_wait3A_80] : memref<10000x128xf32, #tpu.memory_space<vmem_shared>> -> memref<10000x128xf32, #tpu.memory_space<vmem_shared>>
      tpu.wait_indirect_dma semaphore(%run_scoped3A : memref<!tpu.dma_semaphore, #tpu.memory_space<semaphore_mem>>) src(%arg15 : memref<104x128xf32, #tpu.memory_space<vmem>>) dst(%dma_wait3A_81 : memref<10000x128xf32, #tpu.memory_space<vmem_shared>>)
      tpu.yield
    }) : () -> ()
    %add3A_7 = arith.constant 208 : i32
    %add3A_8 = arith.addi %mul3A_2, %add3A_7 : i32
    "tpu.region"() ({
      %run_scoped3A = tpu.sem_alloc : memref<!tpu.dma_semaphore, #tpu.memory_space<semaphore_mem>>
      %dma_start3A_77 = tpu.memref_slice %arg5[%add3A_8] : memref<10000xi32, #tpu.memory_space<hbm>> -> memref<104xi32, #tpu.memory_space<hbm>>
      %dma_start3A_78 = tpu.memref_slice %arg5[%add3A_8] : memref<10000xi32, #tpu.memory_space<hbm>> -> memref<104xi32, #tpu.memory_space<hbm>>
      tpu.enqueue_dma source(%dma_start3A_78 : memref<104xi32, #tpu.memory_space<hbm>>) target(%arg12 : memref<104xi32, #tpu.memory_space<vmem>>) target_semaphore(%run_scoped3A : memref<!tpu.dma_semaphore, #tpu.memory_space<semaphore_mem>>)
      %dma_wait3A = tpu.memref_slice %arg5[%add3A_8] : memref<10000xi32, #tpu.memory_space<hbm>> -> memref<104xi32, #tpu.memory_space<hbm>>
      %dma_wait3A_79 = tpu.memref_slice %arg5[%add3A_8] : memref<10000xi32, #tpu.memory_space<hbm>> -> memref<104xi32, #tpu.memory_space<hbm>>
      tpu.wait_dma2 semaphore(%run_scoped3A : memref<!tpu.dma_semaphore, #tpu.memory_space<semaphore_mem>>) src(%dma_wait3A_79 : memref<104xi32, #tpu.memory_space<hbm>>) dst(%arg12 : memref<104xi32, #tpu.memory_space<vmem>>)
      tpu.yield
    }) : () -> ()
    "tpu.region"() ({
      %run_scoped3A = tpu.sem_alloc : memref<!tpu.dma_semaphore, #tpu.memory_space<semaphore_mem>>
      %dma_start3A_77 = arith.constant 0 : i32
      %dma_start3A_78 = arith.constant 0 : i32
      %dma_start3A_79 = tpu.memref_slice %arg8[%dma_start3A_77, %dma_start3A_78] : memref<10000x128xf32, #tpu.memory_space<vmem_shared>> -> memref<10000x128xf32, #tpu.memory_space<vmem_shared>>
      tpu.enqueue_indirect_dma source(%arg15 : memref<104x128xf32, #tpu.memory_space<vmem>>) target(%dma_start3A_79 : memref<10000x128xf32, #tpu.memory_space<vmem_shared>>) offsets(%arg12 : memref<104xi32, #tpu.memory_space<vmem>>) semaphore(%run_scoped3A : memref<!tpu.dma_semaphore, #tpu.memory_space<semaphore_mem>>)
      %dma_wait3A = arith.constant 0 : i32
      %dma_wait3A_80 = arith.constant 0 : i32
      %dma_wait3A_81 = tpu.memref_slice %arg8[%dma_wait3A, %dma_wait3A_80] : memref<10000x128xf32, #tpu.memory_space<vmem_shared>> -> memref<10000x128xf32, #tpu.memory_space<vmem_shared>>
      tpu.wait_indirect_dma semaphore(%run_scoped3A : memref<!tpu.dma_semaphore, #tpu.memory_space<semaphore_mem>>) src(%arg15 : memref<104x128xf32, #tpu.memory_space<vmem>>) dst(%dma_wait3A_81 : memref<10000x128xf32, #tpu.memory_space<vmem_shared>>)
      tpu.yield
    }) : () -> ()
    %add3A_9 = arith.constant 312 : i32
    %add3A_10 = arith.addi %mul3A_2, %add3A_9 : i32
    "tpu.region"() ({
      %run_scoped3A = tpu.sem_alloc : memref<!tpu.dma_semaphore, #tpu.memory_space<semaphore_mem>>
      %dma_start3A_77 = tpu.memref_slice %arg5[%add3A_10] : memref<10000xi32, #tpu.memory_space<hbm>> -> memref<104xi32, #tpu.memory_space<hbm>>
      %dma_start3A_78 = tpu.memref_slice %arg5[%add3A_10] : memref<10000xi32, #tpu.memory_space<hbm>> -> memref<104xi32, #tpu.memory_space<hbm>>
      tpu.enqueue_dma source(%dma_start3A_78 : memref<104xi32, #tpu.memory_space<hbm>>) target(%arg12 : memref<104xi32, #tpu.memory_space<vmem>>) target_semaphore(%run_scoped3A : memref<!tpu.dma_semaphore, #tpu.memory_space<semaphore_mem>>)
      %dma_wait3A = tpu.memref_slice %arg5[%add3A_10] : memref<10000xi32, #tpu.memory_space<hbm>> -> memref<104xi32, #tpu.memory_space<hbm>>
      %dma_wait3A_79 = tpu.memref_slice %arg5[%add3A_10] : memref<10000xi32, #tpu.memory_space<hbm>> -> memref<104xi32, #tpu.memory_space<hbm>>
      tpu.wait_dma2 semaphore(%run_scoped3A : memref<!tpu.dma_semaphore, #tpu.memory_space<semaphore_mem>>) src(%dma_wait3A_79 : memref<104xi32, #tpu.memory_space<hbm>>) dst(%arg12 : memref<104xi32, #tpu.memory_space<vmem>>)
      tpu.yield
    }) : () -> ()
    "tpu.region"() ({
      %run_scoped3A = tpu.sem_alloc : memref<!tpu.dma_semaphore, #tpu.memory_space<semaphore_mem>>
      %dma_start3A_77 = arith.constant 0 : i32
      %dma_start3A_78 = arith.constant 0 : i32
      %dma_start3A_79 = tpu.memref_slice %arg8[%dma_start3A_77, %dma_start3A_78] : memref<10000x128xf32, #tpu.memory_space<vmem_shared>> -> memref<10000x128xf32, #tpu.memory_space<vmem_shared>>
      tpu.enqueue_indirect_dma source(%arg15 : memref<104x128xf32, #tpu.memory_space<vmem>>) target(%dma_start3A_79 : memref<10000x128xf32, #tpu.memory_space<vmem_shared>>) offsets(%arg12 : memref<104xi32, #tpu.memory_space<vmem>>) semaphore(%run_scoped3A : memref<!tpu.dma_semaphore, #tpu.memory_space<semaphore_mem>>)
      %dma_wait3A = arith.constant 0 : i32
      %dma_wait3A_80 = arith.constant 0 : i32
      %dma_wait3A_81 = tpu.memref_slice %arg8[%dma_wait3A, %dma_wait3A_80] : memref<10000x128xf32, #tpu.memory_space<vmem_shared>> -> memref<10000x128xf32, #tpu.memory_space<vmem_shared>>
      tpu.wait_indirect_dma semaphore(%run_scoped3A : memref<!tpu.dma_semaphore, #tpu.memory_space<semaphore_mem>>) src(%arg15 : memref<104x128xf32, #tpu.memory_space<vmem>>) dst(%dma_wait3A_81 : memref<10000x128xf32, #tpu.memory_space<vmem_shared>>)
      tpu.yield
    }) : () -> ()
    %add3A_11 = arith.constant 416 : i32
    %add3A_12 = arith.addi %mul3A_2, %add3A_11 : i32
    "tpu.region"() ({
      %run_scoped3A = tpu.sem_alloc : memref<!tpu.dma_semaphore, #tpu.memory_space<semaphore_mem>>
      %dma_start3A_77 = tpu.memref_slice %arg5[%add3A_12] : memref<10000xi32, #tpu.memory_space<hbm>> -> memref<104xi32, #tpu.memory_space<hbm>>
      %dma_start3A_78 = tpu.memref_slice %arg5[%add3A_12] : memref<10000xi32, #tpu.memory_space<hbm>> -> memref<104xi32, #tpu.memory_space<hbm>>
      tpu.enqueue_dma source(%dma_start3A_78 : memref<104xi32, #tpu.memory_space<hbm>>) target(%arg12 : memref<104xi32, #tpu.memory_space<vmem>>) target_semaphore(%run_scoped3A : memref<!tpu.dma_semaphore, #tpu.memory_space<semaphore_mem>>)
      %dma_wait3A = tpu.memref_slice %arg5[%add3A_12] : memref<10000xi32, #tpu.memory_space<hbm>> -> memref<104xi32, #tpu.memory_space<hbm>>
      %dma_wait3A_79 = tpu.memref_slice %arg5[%add3A_12] : memref<10000xi32, #tpu.memory_space<hbm>> -> memref<104xi32, #tpu.memory_space<hbm>>
      tpu.wait_dma2 semaphore(%run_scoped3A : memref<!tpu.dma_semaphore, #tpu.memory_space<semaphore_mem>>) src(%dma_wait3A_79 : memref<104xi32, #tpu.memory_space<hbm>>) dst(%arg12 : memref<104xi32, #tpu.memory_space<vmem>>)
      tpu.yield
    }) : () -> ()
    "tpu.region"() ({
      %run_scoped3A = tpu.sem_alloc : memref<!tpu.dma_semaphore, #tpu.memory_space<semaphore_mem>>
      %dma_start3A_77 = arith.constant 0 : i32
      %dma_start3A_78 = arith.constant 0 : i32
      %dma_start3A_79 = tpu.memref_slice %arg8[%dma_start3A_77, %dma_start3A_78] : memref<10000x128xf32, #tpu.memory_space<vmem_shared>> -> memref<10000x128xf32, #tpu.memory_space<vmem_shared>>
      tpu.enqueue_indirect_dma source(%arg15 : memref<104x128xf32, #tpu.memory_space<vmem>>) target(%dma_start3A_79 : memref<10000x128xf32, #tpu.memory_space<vmem_shared>>) offsets(%arg12 : memref<104xi32, #tpu.memory_space<vmem>>) semaphore(%run_scoped3A : memref<!tpu.dma_semaphore, #tpu.memory_space<semaphore_mem>>)
      %dma_wait3A = arith.constant 0 : i32
      %dma_wait3A_80 = arith.constant 0 : i32
      %dma_wait3A_81 = tpu.memref_slice %arg8[%dma_wait3A, %dma_wait3A_80] : memref<10000x128xf32, #tpu.memory_space<vmem_shared>> -> memref<10000x128xf32, #tpu.memory_space<vmem_shared>>
      tpu.wait_indirect_dma semaphore(%run_scoped3A : memref<!tpu.dma_semaphore, #tpu.memory_space<semaphore_mem>>) src(%arg15 : memref<104x128xf32, #tpu.memory_space<vmem>>) dst(%dma_wait3A_81 : memref<10000x128xf32, #tpu.memory_space<vmem_shared>>)
      tpu.yield
    }) : () -> ()
    %add3A_13 = arith.constant 520 : i32
    %add3A_14 = arith.addi %mul3A_2, %add3A_13 : i32
    "tpu.region"() ({
      %run_scoped3A = tpu.sem_alloc : memref<!tpu.dma_semaphore, #tpu.memory_space<semaphore_mem>>
      %dma_start3A_77 = tpu.memref_slice %arg5[%add3A_14] : memref<10000xi32, #tpu.memory_space<hbm>> -> memref<104xi32, #tpu.memory_space<hbm>>
      %dma_start3A_78 = tpu.memref_slice %arg5[%add3A_14] : memref<10000xi32, #tpu.memory_space<hbm>> -> memref<104xi32, #tpu.memory_space<hbm>>
      tpu.enqueue_dma source(%dma_start3A_78 : memref<104xi32, #tpu.memory_space<hbm>>) target(%arg12 : memref<104xi32, #tpu.memory_space<vmem>>) target_semaphore(%run_scoped3A : memref<!tpu.dma_semaphore, #tpu.memory_space<semaphore_mem>>)
      %dma_wait3A = tpu.memref_slice %arg5[%add3A_14] : memref<10000xi32, #tpu.memory_space<hbm>> -> memref<104xi32, #tpu.memory_space<hbm>>
      %dma_wait3A_79 = tpu.memref_slice %arg5[%add3A_14] : memref<10000xi32, #tpu.memory_space<hbm>> -> memref<104xi32, #tpu.memory_space<hbm>>
      tpu.wait_dma2 semaphore(%run_scoped3A : memref<!tpu.dma_semaphore, #tpu.memory_space<semaphore_mem>>) src(%dma_wait3A_79 : memref<104xi32, #tpu.memory_space<hbm>>) dst(%arg12 : memref<104xi32, #tpu.memory_space<vmem>>)
      tpu.yield
    }) : () -> ()
    "tpu.region"() ({
      %run_scoped3A = tpu.sem_alloc : memref<!tpu.dma_semaphore, #tpu.memory_space<semaphore_mem>>
      %dma_start3A_77 = arith.constant 0 : i32
      %dma_start3A_78 = arith.constant 0 : i32
      %dma_start3A_79 = tpu.memref_slice %arg8[%dma_start3A_77, %dma_start3A_78] : memref<10000x128xf32, #tpu.memory_space<vmem_shared>> -> memref<10000x128xf32, #tpu.memory_space<vmem_shared>>
      tpu.enqueue_indirect_dma source(%arg15 : memref<104x128xf32, #tpu.memory_space<vmem>>) target(%dma_start3A_79 : memref<10000x128xf32, #tpu.memory_space<vmem_shared>>) offsets(%arg12 : memref<104xi32, #tpu.memory_space<vmem>>) semaphore(%run_scoped3A : memref<!tpu.dma_semaphore, #tpu.memory_space<semaphore_mem>>)
      %dma_wait3A = arith.constant 0 : i32
      %dma_wait3A_80 = arith.constant 0 : i32
      %dma_wait3A_81 = tpu.memref_slice %arg8[%dma_wait3A, %dma_wait3A_80] : memref<10000x128xf32, #tpu.memory_space<vmem_shared>> -> memref<10000x128xf32, #tpu.memory_space<vmem_shared>>
      tpu.wait_indirect_dma semaphore(%run_scoped3A : memref<!tpu.dma_semaphore, #tpu.memory_space<semaphore_mem>>) src(%arg15 : memref<104x128xf32, #tpu.memory_space<vmem>>) dst(%dma_wait3A_81 : memref<10000x128xf32, #tpu.memory_space<vmem_shared>>)
      tpu.yield
    }) : () -> ()
    "tpu.region"() ({
      %run_scoped3A = tpu.sem_alloc : memref<!tpu.dma_semaphore, #tpu.memory_space<semaphore_mem>>
      %dma_start3A_77 = arith.constant 9896 : i32
      %dma_start3A_78 = tpu.memref_slice %arg5[%dma_start3A_77] : memref<10000xi32, #tpu.memory_space<hbm>> -> memref<104xi32, #tpu.memory_space<hbm>>
      %dma_start3A_79 = arith.constant 9896 : i32
      %dma_start3A_80 = tpu.memref_slice %arg5[%dma_start3A_79] : memref<10000xi32, #tpu.memory_space<hbm>> -> memref<104xi32, #tpu.memory_space<hbm>>
      tpu.enqueue_dma source(%dma_start3A_80 : memref<104xi32, #tpu.memory_space<hbm>>) target(%arg12 : memref<104xi32, #tpu.memory_space<vmem>>) target_semaphore(%run_scoped3A : memref<!tpu.dma_semaphore, #tpu.memory_space<semaphore_mem>>)
      %dma_wait3A = arith.constant 9896 : i32
      %dma_wait3A_81 = tpu.memref_slice %arg5[%dma_wait3A] : memref<10000xi32, #tpu.memory_space<hbm>> -> memref<104xi32, #tpu.memory_space<hbm>>
      %dma_wait3A_82 = arith.constant 9896 : i32
      %dma_wait3A_83 = tpu.memref_slice %arg5[%dma_wait3A_82] : memref<10000xi32, #tpu.memory_space<hbm>> -> memref<104xi32, #tpu.memory_space<hbm>>
      tpu.wait_dma2 semaphore(%run_scoped3A : memref<!tpu.dma_semaphore, #tpu.memory_space<semaphore_mem>>) src(%dma_wait3A_83 : memref<104xi32, #tpu.memory_space<hbm>>) dst(%arg12 : memref<104xi32, #tpu.memory_space<vmem>>)
      tpu.yield
    }) : () -> ()
    "tpu.region"() ({
      %run_scoped3A = tpu.sem_alloc : memref<!tpu.dma_semaphore, #tpu.memory_space<semaphore_mem>>
      %dma_start3A_77 = arith.constant 0 : i32
      %dma_start3A_78 = arith.constant 0 : i32
      %dma_start3A_79 = tpu.memref_slice %arg8[%dma_start3A_77, %dma_start3A_78] : memref<10000x128xf32, #tpu.memory_space<vmem_shared>> -> memref<10000x128xf32, #tpu.memory_space<vmem_shared>>
      tpu.enqueue_indirect_dma source(%arg15 : memref<104x128xf32, #tpu.memory_space<vmem>>) target(%dma_start3A_79 : memref<10000x128xf32, #tpu.memory_space<vmem_shared>>) offsets(%arg12 : memref<104xi32, #tpu.memory_space<vmem>>) semaphore(%run_scoped3A : memref<!tpu.dma_semaphore, #tpu.memory_space<semaphore_mem>>)
      %dma_wait3A = arith.constant 0 : i32
      %dma_wait3A_80 = arith.constant 0 : i32
      %dma_wait3A_81 = tpu.memref_slice %arg8[%dma_wait3A, %dma_wait3A_80] : memref<10000x128xf32, #tpu.memory_space<vmem_shared>> -> memref<10000x128xf32, #tpu.memory_space<vmem_shared>>
      tpu.wait_indirect_dma semaphore(%run_scoped3A : memref<!tpu.dma_semaphore, #tpu.memory_space<semaphore_mem>>) src(%arg15 : memref<104x128xf32, #tpu.memory_space<vmem>>) dst(%dma_wait3A_81 : memref<10000x128xf32, #tpu.memory_space<vmem_shared>>)
      tpu.yield
    }) : () -> ()
    "tpu.region"() ({
      %run_scoped3A = tpu.sem_alloc : memref<!tpu.dma_semaphore, #tpu.memory_space<semaphore_mem>>
      %dma_start3A_77 = arith.constant 0 : i32
      %dma_start3A_78 = arith.constant 0 : i32
      %dma_start3A_79 = tpu.memref_slice %arg3[%add3A, %dma_start3A_77, %dma_start3A_78] : memref<32x125x80xi32, #tpu.memory_space<hbm>> -> memref<1x125x80xi32, #tpu.memory_space<hbm>>
      %dma_start3A_80 = tpu.memref_squeeze %dma_start3A_79 : memref<1x125x80xi32, #tpu.memory_space<hbm>> -> memref<125x80xi32, #tpu.memory_space<hbm>>
      %dma_start3A_81 = arith.constant 0 : i32
      %dma_start3A_82 = arith.constant 0 : i32
      %dma_start3A_83 = tpu.memref_slice %arg3[%add3A, %dma_start3A_81, %dma_start3A_82] : memref<32x125x80xi32, #tpu.memory_space<hbm>> -> memref<1x125x80xi32, #tpu.memory_space<hbm>>
      %dma_start3A_84 = tpu.memref_squeeze %dma_start3A_83 : memref<1x125x80xi32, #tpu.memory_space<hbm>> -> memref<125x80xi32, #tpu.memory_space<hbm>>
      tpu.enqueue_dma source(%dma_start3A_84 : memref<125x80xi32, #tpu.memory_space<hbm>>) target(%arg9 : memref<125x80xi32, #tpu.memory_space<vmem>>) target_semaphore(%run_scoped3A : memref<!tpu.dma_semaphore, #tpu.memory_space<semaphore_mem>>)
      %dma_wait3A = arith.constant 0 : i32
      %dma_wait3A_85 = arith.constant 0 : i32
      %dma_wait3A_86 = tpu.memref_slice %arg3[%add3A, %dma_wait3A, %dma_wait3A_85] : memref<32x125x80xi32, #tpu.memory_space<hbm>> -> memref<1x125x80xi32, #tpu.memory_space<hbm>>
      %dma_wait3A_87 = tpu.memref_squeeze %dma_wait3A_86 : memref<1x125x80xi32, #tpu.memory_space<hbm>> -> memref<125x80xi32, #tpu.memory_space<hbm>>
      %dma_wait3A_88 = arith.constant 0 : i32
      %dma_wait3A_89 = arith.constant 0 : i32
      %dma_wait3A_90 = tpu.memref_slice %arg3[%add3A, %dma_wait3A_88, %dma_wait3A_89] : memref<32x125x80xi32, #tpu.memory_space<hbm>> -> memref<1x125x80xi32, #tpu.memory_space<hbm>>
      %dma_wait3A_91 = tpu.memref_squeeze %dma_wait3A_90 : memref<1x125x80xi32, #tpu.memory_space<hbm>> -> memref<125x80xi32, #tpu.memory_space<hbm>>
      tpu.wait_dma2 semaphore(%run_scoped3A : memref<!tpu.dma_semaphore, #tpu.memory_space<semaphore_mem>>) src(%dma_wait3A_91 : memref<125x80xi32, #tpu.memory_space<hbm>>) dst(%arg9 : memref<125x80xi32, #tpu.memory_space<vmem>>)
      tpu.yield
    }) : () -> ()
    %barrier3A = arith.constant 0 : index
    tpu.barrier barrier_id(%barrier3A)
    %mul3A_15 = arith.constant 10000 : i32
    %mul3A_16 = arith.muli %add3A, %mul3A_15 : i32
    %multiple_of3A = tpu.assume_multiple %mul3A_16, 80 : i32
    "tpu.region"() ({
      %run_scoped3A = tpu.sem_alloc : memref<!tpu.dma_semaphore, #tpu.memory_space<semaphore_mem>>
      %dma_start3A_77 = tpu.memref_slice %arg4[%multiple_of3A] : memref<320000xi32, #tpu.memory_space<hbm>> -> memref<80xi32, #tpu.memory_space<hbm>>
      %dma_start3A_78 = tpu.memref_slice %arg4[%multiple_of3A] : memref<320000xi32, #tpu.memory_space<hbm>> -> memref<80xi32, #tpu.memory_space<hbm>>
      tpu.enqueue_dma source(%dma_start3A_78 : memref<80xi32, #tpu.memory_space<hbm>>) target(%arg10 : memref<80xi32, #tpu.memory_space<vmem>>) target_semaphore(%run_scoped3A : memref<!tpu.dma_semaphore, #tpu.memory_space<semaphore_mem>>)
      %dma_wait3A = tpu.memref_slice %arg4[%multiple_of3A] : memref<320000xi32, #tpu.memory_space<hbm>> -> memref<80xi32, #tpu.memory_space<hbm>>
      %dma_wait3A_79 = tpu.memref_slice %arg4[%multiple_of3A] : memref<320000xi32, #tpu.memory_space<hbm>> -> memref<80xi32, #tpu.memory_space<hbm>>
      tpu.wait_dma2 semaphore(%run_scoped3A : memref<!tpu.dma_semaphore, #tpu.memory_space<semaphore_mem>>) src(%dma_wait3A_79 : memref<80xi32, #tpu.memory_space<hbm>>) dst(%arg10 : memref<80xi32, #tpu.memory_space<vmem>>)
      tpu.yield
    }) : () -> ()
    %dma_start3A = arith.constant 0 : i32
    %dma_start3A_17 = arith.constant 0 : i32
    %dma_start3A_18 = tpu.memref_slice %arg9[%dma_start3A, %dma_start3A_17] : memref<125x80xi32, #tpu.memory_space<vmem>> -> memref<1x80xi32, #tpu.memory_space<vmem>>
    %dma_start3A_19 = tpu.memref_squeeze %dma_start3A_18 : memref<1x80xi32, #tpu.memory_space<vmem>> -> memref<80xi32, #tpu.memory_space<vmem>>
    %dma_start3A_20 = arith.constant 0 : i32
    %dma_start3A_21 = arith.constant 0 : i32
    %dma_start3A_22 = tpu.memref_slice %arg2[%dma_start3A_20, %dma_start3A_21] : memref<10000x128xf32, #tpu.memory_space<hbm>> -> memref<10000x128xf32, #tpu.memory_space<hbm>>
    tpu.enqueue_indirect_dma source(%dma_start3A_22 : memref<10000x128xf32, #tpu.memory_space<hbm>>) target(%arg13 : memref<80x128xf32, #tpu.memory_space<vmem>>) offsets(%dma_start3A_19 : memref<80xi32, #tpu.memory_space<vmem>>) semaphore(%arg16 : memref<!tpu.dma_semaphore, #tpu.memory_space<semaphore_mem>>)
    %scan3A = arith.constant 0 : i32
    %scan3A_23 = arith.constant 0 : i32
    %scan3A_24 = arith.constant 125 : i32
    %scan3A_25 = arith.addi %scan3A_23, %scan3A_24 : i32
    %scan3A_26 = arith.constant 1 : i32
    %scan3A_27 = scf.for %scan3A_77 = %scan3A_23 to %scan3A_25 step %scan3A_26 iter_args(%scan3A_78 = %scan3A) -> (i32)  : i32 {
      %jit3A = arith.constant 2 : i32
      %eq3A = arith.constant 0 : i32
      %eq3A_79 = arith.cmpi eq, %jit3A, %eq3A : i32
      %jit3A_80 = arith.constant 1 : i32
      %select_n3A = arith.select %eq3A_79, %jit3A_80, %jit3A : i32
      %rem3A = arith.remsi %scan3A_77, %select_n3A : i32
      %ne3A = arith.constant 0 : i32
      %ne3A_81 = arith.cmpi ne, %rem3A, %ne3A : i32
      %lt3A = arith.constant 0 : i32
      %lt3A_82 = arith.cmpi slt, %rem3A, %lt3A : i32
      %lt3A_83 = arith.constant 0 : i32
      %lt3A_84 = arith.cmpi slt, %select_n3A, %lt3A_83 : i32
      %ne3A_85 = arith.xori %lt3A_82, %lt3A_84 : i1
      %and3A = arith.andi %ne3A_85, %ne3A_81 : i1
      %add3A_86 = arith.addi %rem3A, %select_n3A : i32
      %select_n3A_87 = arith.select %and3A, %add3A_86, %rem3A : i32
      %eq3A_88 = arith.constant 0 : i32
      %eq3A_89 = arith.cmpi eq, %select_n3A_87, %eq3A_88 : i32
      %convert_element_type3A = arith.extui %eq3A_89 : i1 to i32
      %cond3A = arith.constant 0 : i32
      %cond3A_90 = arith.cmpi ne, %convert_element_type3A, %cond3A : i32
      scf.if %cond3A_90 {
        %lt3A_113 = arith.constant 124 : i32
        %lt3A_114 = arith.cmpi slt, %scan3A_77, %lt3A_113 : i32
        %convert_element_type3A_115 = arith.extui %lt3A_114 : i1 to i32
        %cond3A_116 = arith.constant 0 : i32
        %cond3A_117 = arith.cmpi ne, %convert_element_type3A_115, %cond3A_116 : i32
        scf.if %cond3A_117 {
          %add3A_128 = arith.constant 1 : i32
          %add3A_129 = arith.addi %scan3A_77, %add3A_128 : i32
          %dma_start3A_130 = arith.constant 0 : i32
          %dma_start3A_131 = tpu.memref_slice %arg9[%add3A_129, %dma_start3A_130] : memref<125x80xi32, #tpu.memory_space<vmem>> -> memref<1x80xi32, #tpu.memory_space<vmem>>
          %dma_start3A_132 = tpu.memref_squeeze %dma_start3A_131 : memref<1x80xi32, #tpu.memory_space<vmem>> -> memref<80xi32, #tpu.memory_space<vmem>>
          %dma_start3A_133 = arith.constant 0 : i32
          %dma_start3A_134 = arith.constant 0 : i32
          %dma_start3A_135 = tpu.memref_slice %arg2[%dma_start3A_133, %dma_start3A_134] : memref<10000x128xf32, #tpu.memory_space<hbm>> -> memref<10000x128xf32, #tpu.memory_space<hbm>>
          tpu.enqueue_indirect_dma source(%dma_start3A_135 : memref<10000x128xf32, #tpu.memory_space<hbm>>) target(%arg14 : memref<80x128xf32, #tpu.memory_space<vmem>>) offsets(%dma_start3A_132 : memref<80xi32, #tpu.memory_space<vmem>>) semaphore(%arg17 : memref<!tpu.dma_semaphore, #tpu.memory_space<semaphore_mem>>)
          %add3A_136 = arith.constant 1 : i32
          %add3A_137 = arith.addi %scan3A_77, %add3A_136 : i32
          %mul3A_138 = arith.constant 80 : i32
          %mul3A_139 = arith.muli %add3A_137, %mul3A_138 : i32
          %add3A_140 = arith.addi %mul3A_16, %mul3A_139 : i32
          %multiple_of3A_141 = tpu.assume_multiple %add3A_140, 80 : i32
          %dma_start3A_142 = tpu.memref_slice %arg4[%multiple_of3A_141] : memref<320000xi32, #tpu.memory_space<hbm>> -> memref<80xi32, #tpu.memory_space<hbm>>
          %dma_start3A_143 = tpu.memref_slice %arg4[%multiple_of3A_141] : memref<320000xi32, #tpu.memory_space<hbm>> -> memref<80xi32, #tpu.memory_space<hbm>>
          tpu.enqueue_dma source(%dma_start3A_143 : memref<80xi32, #tpu.memory_space<hbm>>) target(%arg11 : memref<80xi32, #tpu.memory_space<vmem>>) target_semaphore(%arg19 : memref<!tpu.dma_semaphore, #tpu.memory_space<semaphore_mem>>)
        } else {
        }
        %dma_wait3A = arith.constant 0 : i32
        %dma_wait3A_118 = tpu.memref_slice %arg9[%scan3A_77, %dma_wait3A] : memref<125x80xi32, #tpu.memory_space<vmem>> -> memref<1x80xi32, #tpu.memory_space<vmem>>
        %dma_wait3A_119 = tpu.memref_squeeze %dma_wait3A_118 : memref<1x80xi32, #tpu.memory_space<vmem>> -> memref<80xi32, #tpu.memory_space<vmem>>
        %dma_wait3A_120 = arith.constant 0 : i32
        %dma_wait3A_121 = arith.constant 0 : i32
        %dma_wait3A_122 = tpu.memref_slice %arg2[%dma_wait3A_120, %dma_wait3A_121] : memref<10000x128xf32, #tpu.memory_space<hbm>> -> memref<10000x128xf32, #tpu.memory_space<hbm>>
        tpu.wait_indirect_dma semaphore(%arg16 : memref<!tpu.dma_semaphore, #tpu.memory_space<semaphore_mem>>) src(%dma_wait3A_122 : memref<10000x128xf32, #tpu.memory_space<hbm>>) dst(%arg13 : memref<80x128xf32, #tpu.memory_space<vmem>>)
        "tpu.region"() ({
          %run_scoped3A = tpu.sem_alloc : memref<!tpu.dma_semaphore, #tpu.memory_space<semaphore_mem>>
          %dma_start3A_128 = arith.constant 0 : i32
          %dma_start3A_129 = arith.constant 0 : i32
          %dma_start3A_130 = tpu.memref_slice %arg8[%dma_start3A_128, %dma_start3A_129] : memref<10000x128xf32, #tpu.memory_space<vmem_shared>> -> memref<10000x128xf32, #tpu.memory_space<vmem_shared>>
          tpu.enqueue_indirect_dma source(%arg13 : memref<80x128xf32, #tpu.memory_space<vmem>>) target(%dma_start3A_130 : memref<10000x128xf32, #tpu.memory_space<vmem_shared>>) offsets(%arg10 : memref<80xi32, #tpu.memory_space<vmem>>) semaphore(%run_scoped3A : memref<!tpu.dma_semaphore, #tpu.memory_space<semaphore_mem>>) {add = true}
          %dma_wait3A_131 = arith.constant 0 : i32
          %dma_wait3A_132 = arith.constant 0 : i32
          %dma_wait3A_133 = tpu.memref_slice %arg8[%dma_wait3A_131, %dma_wait3A_132] : memref<10000x128xf32, #tpu.memory_space<vmem_shared>> -> memref<10000x128xf32, #tpu.memory_space<vmem_shared>>
          tpu.wait_indirect_dma semaphore(%run_scoped3A : memref<!tpu.dma_semaphore, #tpu.memory_space<semaphore_mem>>) src(%arg13 : memref<80x128xf32, #tpu.memory_space<vmem>>) dst(%dma_wait3A_133 : memref<10000x128xf32, #tpu.memory_space<vmem_shared>>)
          tpu.yield
        }) : () -> ()
        %lt3A_123 = arith.constant 124 : i32
        %lt3A_124 = arith.cmpi slt, %scan3A_77, %lt3A_123 : i32
        %convert_element_type3A_125 = arith.extui %lt3A_124 : i1 to i32
        %cond3A_126 = arith.constant 0 : i32
        %cond3A_127 = arith.cmpi ne, %convert_element_type3A_125, %cond3A_126 : i32
        scf.if %cond3A_127 {
          %add3A_128 = arith.constant 1 : i32
          %add3A_129 = arith.addi %scan3A_77, %add3A_128 : i32
          %mul3A_130 = arith.constant 80 : i32
          %mul3A_131 = arith.muli %add3A_129, %mul3A_130 : i32
          %add3A_132 = arith.addi %mul3A_16, %mul3A_131 : i32
          %multiple_of3A_133 = tpu.assume_multiple %add3A_132, 80 : i32
          %dma_wait3A_134 = tpu.memref_slice %arg4[%multiple_of3A_133] : memref<320000xi32, #tpu.memory_space<hbm>> -> memref<80xi32, #tpu.memory_space<hbm>>
          %dma_wait3A_135 = tpu.memref_slice %arg4[%multiple_of3A_133] : memref<320000xi32, #tpu.memory_space<hbm>> -> memref<80xi32, #tpu.memory_space<hbm>>
          tpu.wait_dma2 semaphore(%arg19 : memref<!tpu.dma_semaphore, #tpu.memory_space<semaphore_mem>>) src(%dma_wait3A_135 : memref<80xi32, #tpu.memory_space<hbm>>) dst(%arg11 : memref<80xi32, #tpu.memory_space<vmem>>)
        } else {
        }
      } else {
      }
      %jit3A_91 = arith.constant 2 : i32
      %eq3A_92 = arith.constant 0 : i32
      %eq3A_93 = arith.cmpi eq, %jit3A_91, %eq3A_92 : i32
      %jit3A_94 = arith.constant 1 : i32
      %select_n3A_95 = arith.select %eq3A_93, %jit3A_94, %jit3A_91 : i32
      %rem3A_96 = arith.remsi %scan3A_77, %select_n3A_95 : i32
      %ne3A_97 = arith.constant 0 : i32
      %ne3A_98 = arith.cmpi ne, %rem3A_96, %ne3A_97 : i32
      %lt3A_99 = arith.constant 0 : i32
      %lt3A_100 = arith.cmpi slt, %rem3A_96, %lt3A_99 : i32
      %lt3A_101 = arith.constant 0 : i32
      %lt3A_102 = arith.cmpi slt, %select_n3A_95, %lt3A_101 : i32
      %ne3A_103 = arith.xori %lt3A_100, %lt3A_102 : i1
      %and3A_104 = arith.andi %ne3A_103, %ne3A_98 : i1
      %add3A_105 = arith.addi %rem3A_96, %select_n3A_95 : i32
      %select_n3A_106 = arith.select %and3A_104, %add3A_105, %rem3A_96 : i32
      %eq3A_107 = arith.constant 1 : i32
      %eq3A_108 = arith.cmpi eq, %select_n3A_106, %eq3A_107 : i32
      %convert_element_type3A_109 = arith.extui %eq3A_108 : i1 to i32
      %cond3A_110 = arith.constant 0 : i32
      %cond3A_111 = arith.cmpi ne, %convert_element_type3A_109, %cond3A_110 : i32
      scf.if %cond3A_111 {
        %lt3A_113 = arith.constant 124 : i32
        %lt3A_114 = arith.cmpi slt, %scan3A_77, %lt3A_113 : i32
        %convert_element_type3A_115 = arith.extui %lt3A_114 : i1 to i32
        %cond3A_116 = arith.constant 0 : i32
        %cond3A_117 = arith.cmpi ne, %convert_element_type3A_115, %cond3A_116 : i32
        scf.if %cond3A_117 {
          %add3A_128 = arith.constant 1 : i32
          %add3A_129 = arith.addi %scan3A_77, %add3A_128 : i32
          %dma_start3A_130 = arith.constant 0 : i32
          %dma_start3A_131 = tpu.memref_slice %arg9[%add3A_129, %dma_start3A_130] : memref<125x80xi32, #tpu.memory_space<vmem>> -> memref<1x80xi32, #tpu.memory_space<vmem>>
          %dma_start3A_132 = tpu.memref_squeeze %dma_start3A_131 : memref<1x80xi32, #tpu.memory_space<vmem>> -> memref<80xi32, #tpu.memory_space<vmem>>
          %dma_start3A_133 = arith.constant 0 : i32
          %dma_start3A_134 = arith.constant 0 : i32
          %dma_start3A_135 = tpu.memref_slice %arg2[%dma_start3A_133, %dma_start3A_134] : memref<10000x128xf32, #tpu.memory_space<hbm>> -> memref<10000x128xf32, #tpu.memory_space<hbm>>
          tpu.enqueue_indirect_dma source(%dma_start3A_135 : memref<10000x128xf32, #tpu.memory_space<hbm>>) target(%arg13 : memref<80x128xf32, #tpu.memory_space<vmem>>) offsets(%dma_start3A_132 : memref<80xi32, #tpu.memory_space<vmem>>) semaphore(%arg16 : memref<!tpu.dma_semaphore, #tpu.memory_space<semaphore_mem>>)
          %add3A_136 = arith.constant 1 : i32
          %add3A_137 = arith.addi %scan3A_77, %add3A_136 : i32
          %mul3A_138 = arith.constant 80 : i32
          %mul3A_139 = arith.muli %add3A_137, %mul3A_138 : i32
          %add3A_140 = arith.addi %mul3A_16, %mul3A_139 : i32
          %multiple_of3A_141 = tpu.assume_multiple %add3A_140, 80 : i32
          %dma_start3A_142 = tpu.memref_slice %arg4[%multiple_of3A_141] : memref<320000xi32, #tpu.memory_space<hbm>> -> memref<80xi32, #tpu.memory_space<hbm>>
          %dma_start3A_143 = tpu.memref_slice %arg4[%multiple_of3A_141] : memref<320000xi32, #tpu.memory_space<hbm>> -> memref<80xi32, #tpu.memory_space<hbm>>
          tpu.enqueue_dma source(%dma_start3A_143 : memref<80xi32, #tpu.memory_space<hbm>>) target(%arg10 : memref<80xi32, #tpu.memory_space<vmem>>) target_semaphore(%arg18 : memref<!tpu.dma_semaphore, #tpu.memory_space<semaphore_mem>>)
        } else {
        }
        %dma_wait3A = arith.constant 0 : i32
        %dma_wait3A_118 = tpu.memref_slice %arg9[%scan3A_77, %dma_wait3A] : memref<125x80xi32, #tpu.memory_space<vmem>> -> memref<1x80xi32, #tpu.memory_space<vmem>>
        %dma_wait3A_119 = tpu.memref_squeeze %dma_wait3A_118 : memref<1x80xi32, #tpu.memory_space<vmem>> -> memref<80xi32, #tpu.memory_space<vmem>>
        %dma_wait3A_120 = arith.constant 0 : i32
        %dma_wait3A_121 = arith.constant 0 : i32
        %dma_wait3A_122 = tpu.memref_slice %arg2[%dma_wait3A_120, %dma_wait3A_121] : memref<10000x128xf32, #tpu.memory_space<hbm>> -> memref<10000x128xf32, #tpu.memory_space<hbm>>
        tpu.wait_indirect_dma semaphore(%arg17 : memref<!tpu.dma_semaphore, #tpu.memory_space<semaphore_mem>>) src(%dma_wait3A_122 : memref<10000x128xf32, #tpu.memory_space<hbm>>) dst(%arg14 : memref<80x128xf32, #tpu.memory_space<vmem>>)
        "tpu.region"() ({
          %run_scoped3A = tpu.sem_alloc : memref<!tpu.dma_semaphore, #tpu.memory_space<semaphore_mem>>
          %dma_start3A_128 = arith.constant 0 : i32
          %dma_start3A_129 = arith.constant 0 : i32
          %dma_start3A_130 = tpu.memref_slice %arg8[%dma_start3A_128, %dma_start3A_129] : memref<10000x128xf32, #tpu.memory_space<vmem_shared>> -> memref<10000x128xf32, #tpu.memory_space<vmem_shared>>
          tpu.enqueue_indirect_dma source(%arg14 : memref<80x128xf32, #tpu.memory_space<vmem>>) target(%dma_start3A_130 : memref<10000x128xf32, #tpu.memory_space<vmem_shared>>) offsets(%arg11 : memref<80xi32, #tpu.memory_space<vmem>>) semaphore(%run_scoped3A : memref<!tpu.dma_semaphore, #tpu.memory_space<semaphore_mem>>) {add = true}
          %dma_wait3A_131 = arith.constant 0 : i32
          %dma_wait3A_132 = arith.constant 0 : i32
          %dma_wait3A_133 = tpu.memref_slice %arg8[%dma_wait3A_131, %dma_wait3A_132] : memref<10000x128xf32, #tpu.memory_space<vmem_shared>> -> memref<10000x128xf32, #tpu.memory_space<vmem_shared>>
          tpu.wait_indirect_dma semaphore(%run_scoped3A : memref<!tpu.dma_semaphore, #tpu.memory_space<semaphore_mem>>) src(%arg14 : memref<80x128xf32, #tpu.memory_space<vmem>>) dst(%dma_wait3A_133 : memref<10000x128xf32, #tpu.memory_space<vmem_shared>>)
          tpu.yield
        }) : () -> ()
        %lt3A_123 = arith.constant 124 : i32
        %lt3A_124 = arith.cmpi slt, %scan3A_77, %lt3A_123 : i32
        %convert_element_type3A_125 = arith.extui %lt3A_124 : i1 to i32
        %cond3A_126 = arith.constant 0 : i32
        %cond3A_127 = arith.cmpi ne, %convert_element_type3A_125, %cond3A_126 : i32
        scf.if %cond3A_127 {
          %add3A_128 = arith.constant 1 : i32
          %add3A_129 = arith.addi %scan3A_77, %add3A_128 : i32
          %mul3A_130 = arith.constant 80 : i32
          %mul3A_131 = arith.muli %add3A_129, %mul3A_130 : i32
          %add3A_132 = arith.addi %mul3A_16, %mul3A_131 : i32
          %multiple_of3A_133 = tpu.assume_multiple %add3A_132, 80 : i32
          %dma_wait3A_134 = tpu.memref_slice %arg4[%multiple_of3A_133] : memref<320000xi32, #tpu.memory_space<hbm>> -> memref<80xi32, #tpu.memory_space<hbm>>
          %dma_wait3A_135 = tpu.memref_slice %arg4[%multiple_of3A_133] : memref<320000xi32, #tpu.memory_space<hbm>> -> memref<80xi32, #tpu.memory_space<hbm>>
          tpu.wait_dma2 semaphore(%arg18 : memref<!tpu.dma_semaphore, #tpu.memory_space<semaphore_mem>>) src(%dma_wait3A_135 : memref<80xi32, #tpu.memory_space<hbm>>) dst(%arg10 : memref<80xi32, #tpu.memory_space<vmem>>)
        } else {
        }
      } else {
      }
      %scan3A_112 = arith.constant 0 : i32
      scf.yield %scan3A_112 : i32
    }
    %scan3A_28 = arith.constant 125 : i32
    %barrier3A_29 = arith.constant 0 : index
    tpu.barrier barrier_id(%barrier3A_29)
    %mul3A_30 = arith.constant 624 : i32
    %mul3A_31 = arith.muli %arg1, %mul3A_30 : i32
    %add3A_32 = arith.constant 0 : i32
    %add3A_33 = arith.addi %mul3A_31, %add3A_32 : i32
    "tpu.region"() ({
      %run_scoped3A = tpu.sem_alloc : memref<!tpu.dma_semaphore, #tpu.memory_space<semaphore_mem>>
      %dma_start3A_77 = tpu.memref_slice %arg5[%add3A_33] : memref<10000xi32, #tpu.memory_space<hbm>> -> memref<104xi32, #tpu.memory_space<hbm>>
      %dma_start3A_78 = tpu.memref_slice %arg5[%add3A_33] : memref<10000xi32, #tpu.memory_space<hbm>> -> memref<104xi32, #tpu.memory_space<hbm>>
      tpu.enqueue_dma source(%dma_start3A_78 : memref<104xi32, #tpu.memory_space<hbm>>) target(%arg12 : memref<104xi32, #tpu.memory_space<vmem>>) target_semaphore(%run_scoped3A : memref<!tpu.dma_semaphore, #tpu.memory_space<semaphore_mem>>)
      %dma_wait3A = tpu.memref_slice %arg5[%add3A_33] : memref<10000xi32, #tpu.memory_space<hbm>> -> memref<104xi32, #tpu.memory_space<hbm>>
      %dma_wait3A_79 = tpu.memref_slice %arg5[%add3A_33] : memref<10000xi32, #tpu.memory_space<hbm>> -> memref<104xi32, #tpu.memory_space<hbm>>
      tpu.wait_dma2 semaphore(%run_scoped3A : memref<!tpu.dma_semaphore, #tpu.memory_space<semaphore_mem>>) src(%dma_wait3A_79 : memref<104xi32, #tpu.memory_space<hbm>>) dst(%arg12 : memref<104xi32, #tpu.memory_space<vmem>>)
      tpu.yield
    }) : () -> ()
    "tpu.region"() ({
      %run_scoped3A = tpu.sem_alloc : memref<!tpu.dma_semaphore, #tpu.memory_space<semaphore_mem>>
      %dma_start3A_77 = arith.constant 0 : i32
      %dma_start3A_78 = arith.constant 0 : i32
      %dma_start3A_79 = tpu.memref_slice %arg8[%dma_start3A_77, %dma_start3A_78] : memref<10000x128xf32, #tpu.memory_space<vmem_shared>> -> memref<10000x128xf32, #tpu.memory_space<vmem_shared>>
      tpu.enqueue_indirect_dma source(%dma_start3A_79 : memref<10000x128xf32, #tpu.memory_space<vmem_shared>>) target(%arg15 : memref<104x128xf32, #tpu.memory_space<vmem>>) offsets(%arg12 : memref<104xi32, #tpu.memory_space<vmem>>) semaphore(%run_scoped3A : memref<!tpu.dma_semaphore, #tpu.memory_space<semaphore_mem>>)
      %dma_wait3A = arith.constant 0 : i32
      %dma_wait3A_80 = arith.constant 0 : i32
      %dma_wait3A_81 = tpu.memref_slice %arg8[%dma_wait3A, %dma_wait3A_80] : memref<10000x128xf32, #tpu.memory_space<vmem_shared>> -> memref<10000x128xf32, #tpu.memory_space<vmem_shared>>
      tpu.wait_indirect_dma semaphore(%run_scoped3A : memref<!tpu.dma_semaphore, #tpu.memory_space<semaphore_mem>>) src(%dma_wait3A_81 : memref<10000x128xf32, #tpu.memory_space<vmem_shared>>) dst(%arg15 : memref<104x128xf32, #tpu.memory_space<vmem>>)
      tpu.yield
    }) : () -> ()
    %mul3A_34 = arith.constant 10000 : i32
    %mul3A_35 = arith.muli %arg0, %mul3A_34 : i32
    %add3A_36 = arith.addi %mul3A_35, %add3A_33 : i32
    "tpu.region"() ({
      %run_scoped3A = tpu.sem_alloc : memref<!tpu.dma_semaphore, #tpu.memory_space<semaphore_mem>>
      %dma_start3A_77 = arith.constant 0 : i32
      %dma_start3A_78 = tpu.memref_slice %arg7[%add3A_36, %dma_start3A_77] : memref<20000x128xf32, #tpu.memory_space<hbm>> -> memref<104x128xf32, #tpu.memory_space<hbm>>
      %dma_start3A_79 = arith.constant 0 : i32
      %dma_start3A_80 = tpu.memref_slice %arg7[%add3A_36, %dma_start3A_79] : memref<20000x128xf32, #tpu.memory_space<hbm>> -> memref<104x128xf32, #tpu.memory_space<hbm>>
      tpu.enqueue_dma source(%arg15 : memref<104x128xf32, #tpu.memory_space<vmem>>) target(%dma_start3A_80 : memref<104x128xf32, #tpu.memory_space<hbm>>) target_semaphore(%run_scoped3A : memref<!tpu.dma_semaphore, #tpu.memory_space<semaphore_mem>>)
      %dma_wait3A = arith.constant 0 : i32
      %dma_wait3A_81 = tpu.memref_slice %arg7[%add3A_36, %dma_wait3A] : memref<20000x128xf32, #tpu.memory_space<hbm>> -> memref<104x128xf32, #tpu.memory_space<hbm>>
      %dma_wait3A_82 = arith.constant 0 : i32
      %dma_wait3A_83 = tpu.memref_slice %arg7[%add3A_36, %dma_wait3A_82] : memref<20000x128xf32, #tpu.memory_space<hbm>> -> memref<104x128xf32, #tpu.memory_space<hbm>>
      tpu.wait_dma2 semaphore(%run_scoped3A : memref<!tpu.dma_semaphore, #tpu.memory_space<semaphore_mem>>) src(%arg15 : memref<104x128xf32, #tpu.memory_space<vmem>>) dst(%dma_wait3A_83 : memref<104x128xf32, #tpu.memory_space<hbm>>)
      tpu.yield
    }) : () -> ()
    %mul3A_37 = arith.constant 624 : i32
    %mul3A_38 = arith.muli %arg1, %mul3A_37 : i32
    %add3A_39 = arith.constant 104 : i32
    %add3A_40 = arith.addi %mul3A_38, %add3A_39 : i32
    "tpu.region"() ({
      %run_scoped3A = tpu.sem_alloc : memref<!tpu.dma_semaphore, #tpu.memory_space<semaphore_mem>>
      %dma_start3A_77 = tpu.memref_slice %arg5[%add3A_40] : memref<10000xi32, #tpu.memory_space<hbm>> -> memref<104xi32, #tpu.memory_space<hbm>>
      %dma_start3A_78 = tpu.memref_slice %arg5[%add3A_40] : memref<10000xi32, #tpu.memory_space<hbm>> -> memref<104xi32, #tpu.memory_space<hbm>>
      tpu.enqueue_dma source(%dma_start3A_78 : memref<104xi32, #tpu.memory_space<hbm>>) target(%arg12 : memref<104xi32, #tpu.memory_space<vmem>>) target_semaphore(%run_scoped3A : memref<!tpu.dma_semaphore, #tpu.memory_space<semaphore_mem>>)
      %dma_wait3A = tpu.memref_slice %arg5[%add3A_40] : memref<10000xi32, #tpu.memory_space<hbm>> -> memref<104xi32, #tpu.memory_space<hbm>>
      %dma_wait3A_79 = tpu.memref_slice %arg5[%add3A_40] : memref<10000xi32, #tpu.memory_space<hbm>> -> memref<104xi32, #tpu.memory_space<hbm>>
      tpu.wait_dma2 semaphore(%run_scoped3A : memref<!tpu.dma_semaphore, #tpu.memory_space<semaphore_mem>>) src(%dma_wait3A_79 : memref<104xi32, #tpu.memory_space<hbm>>) dst(%arg12 : memref<104xi32, #tpu.memory_space<vmem>>)
      tpu.yield
    }) : () -> ()
    "tpu.region"() ({
      %run_scoped3A = tpu.sem_alloc : memref<!tpu.dma_semaphore, #tpu.memory_space<semaphore_mem>>
      %dma_start3A_77 = arith.constant 0 : i32
      %dma_start3A_78 = arith.constant 0 : i32
      %dma_start3A_79 = tpu.memref_slice %arg8[%dma_start3A_77, %dma_start3A_78] : memref<10000x128xf32, #tpu.memory_space<vmem_shared>> -> memref<10000x128xf32, #tpu.memory_space<vmem_shared>>
      tpu.enqueue_indirect_dma source(%dma_start3A_79 : memref<10000x128xf32, #tpu.memory_space<vmem_shared>>) target(%arg15 : memref<104x128xf32, #tpu.memory_space<vmem>>) offsets(%arg12 : memref<104xi32, #tpu.memory_space<vmem>>) semaphore(%run_scoped3A : memref<!tpu.dma_semaphore, #tpu.memory_space<semaphore_mem>>)
      %dma_wait3A = arith.constant 0 : i32
      %dma_wait3A_80 = arith.constant 0 : i32
      %dma_wait3A_81 = tpu.memref_slice %arg8[%dma_wait3A, %dma_wait3A_80] : memref<10000x128xf32, #tpu.memory_space<vmem_shared>> -> memref<10000x128xf32, #tpu.memory_space<vmem_shared>>
      tpu.wait_indirect_dma semaphore(%run_scoped3A : memref<!tpu.dma_semaphore, #tpu.memory_space<semaphore_mem>>) src(%dma_wait3A_81 : memref<10000x128xf32, #tpu.memory_space<vmem_shared>>) dst(%arg15 : memref<104x128xf32, #tpu.memory_space<vmem>>)
      tpu.yield
    }) : () -> ()
    %mul3A_41 = arith.constant 10000 : i32
    %mul3A_42 = arith.muli %arg0, %mul3A_41 : i32
    %add3A_43 = arith.addi %mul3A_42, %add3A_40 : i32
    "tpu.region"() ({
      %run_scoped3A = tpu.sem_alloc : memref<!tpu.dma_semaphore, #tpu.memory_space<semaphore_mem>>
      %dma_start3A_77 = arith.constant 0 : i32
      %dma_start3A_78 = tpu.memref_slice %arg7[%add3A_43, %dma_start3A_77] : memref<20000x128xf32, #tpu.memory_space<hbm>> -> memref<104x128xf32, #tpu.memory_space<hbm>>
      %dma_start3A_79 = arith.constant 0 : i32
      %dma_start3A_80 = tpu.memref_slice %arg7[%add3A_43, %dma_start3A_79] : memref<20000x128xf32, #tpu.memory_space<hbm>> -> memref<104x128xf32, #tpu.memory_space<hbm>>
      tpu.enqueue_dma source(%arg15 : memref<104x128xf32, #tpu.memory_space<vmem>>) target(%dma_start3A_80 : memref<104x128xf32, #tpu.memory_space<hbm>>) target_semaphore(%run_scoped3A : memref<!tpu.dma_semaphore, #tpu.memory_space<semaphore_mem>>)
      %dma_wait3A = arith.constant 0 : i32
      %dma_wait3A_81 = tpu.memref_slice %arg7[%add3A_43, %dma_wait3A] : memref<20000x128xf32, #tpu.memory_space<hbm>> -> memref<104x128xf32, #tpu.memory_space<hbm>>
      %dma_wait3A_82 = arith.constant 0 : i32
      %dma_wait3A_83 = tpu.memref_slice %arg7[%add3A_43, %dma_wait3A_82] : memref<20000x128xf32, #tpu.memory_space<hbm>> -> memref<104x128xf32, #tpu.memory_space<hbm>>
      tpu.wait_dma2 semaphore(%run_scoped3A : memref<!tpu.dma_semaphore, #tpu.memory_space<semaphore_mem>>) src(%arg15 : memref<104x128xf32, #tpu.memory_space<vmem>>) dst(%dma_wait3A_83 : memref<104x128xf32, #tpu.memory_space<hbm>>)
      tpu.yield
    }) : () -> ()
    %mul3A_44 = arith.constant 624 : i32
    %mul3A_45 = arith.muli %arg1, %mul3A_44 : i32
    %add3A_46 = arith.constant 208 : i32
    %add3A_47 = arith.addi %mul3A_45, %add3A_46 : i32
    "tpu.region"() ({
      %run_scoped3A = tpu.sem_alloc : memref<!tpu.dma_semaphore, #tpu.memory_space<semaphore_mem>>
      %dma_start3A_77 = tpu.memref_slice %arg5[%add3A_47] : memref<10000xi32, #tpu.memory_space<hbm>> -> memref<104xi32, #tpu.memory_space<hbm>>
      %dma_start3A_78 = tpu.memref_slice %arg5[%add3A_47] : memref<10000xi32, #tpu.memory_space<hbm>> -> memref<104xi32, #tpu.memory_space<hbm>>
      tpu.enqueue_dma source(%dma_start3A_78 : memref<104xi32, #tpu.memory_space<hbm>>) target(%arg12 : memref<104xi32, #tpu.memory_space<vmem>>) target_semaphore(%run_scoped3A : memref<!tpu.dma_semaphore, #tpu.memory_space<semaphore_mem>>)
      %dma_wait3A = tpu.memref_slice %arg5[%add3A_47] : memref<10000xi32, #tpu.memory_space<hbm>> -> memref<104xi32, #tpu.memory_space<hbm>>
      %dma_wait3A_79 = tpu.memref_slice %arg5[%add3A_47] : memref<10000xi32, #tpu.memory_space<hbm>> -> memref<104xi32, #tpu.memory_space<hbm>>
      tpu.wait_dma2 semaphore(%run_scoped3A : memref<!tpu.dma_semaphore, #tpu.memory_space<semaphore_mem>>) src(%dma_wait3A_79 : memref<104xi32, #tpu.memory_space<hbm>>) dst(%arg12 : memref<104xi32, #tpu.memory_space<vmem>>)
      tpu.yield
    }) : () -> ()
    "tpu.region"() ({
      %run_scoped3A = tpu.sem_alloc : memref<!tpu.dma_semaphore, #tpu.memory_space<semaphore_mem>>
      %dma_start3A_77 = arith.constant 0 : i32
      %dma_start3A_78 = arith.constant 0 : i32
      %dma_start3A_79 = tpu.memref_slice %arg8[%dma_start3A_77, %dma_start3A_78] : memref<10000x128xf32, #tpu.memory_space<vmem_shared>> -> memref<10000x128xf32, #tpu.memory_space<vmem_shared>>
      tpu.enqueue_indirect_dma source(%dma_start3A_79 : memref<10000x128xf32, #tpu.memory_space<vmem_shared>>) target(%arg15 : memref<104x128xf32, #tpu.memory_space<vmem>>) offsets(%arg12 : memref<104xi32, #tpu.memory_space<vmem>>) semaphore(%run_scoped3A : memref<!tpu.dma_semaphore, #tpu.memory_space<semaphore_mem>>)
      %dma_wait3A = arith.constant 0 : i32
      %dma_wait3A_80 = arith.constant 0 : i32
      %dma_wait3A_81 = tpu.memref_slice %arg8[%dma_wait3A, %dma_wait3A_80] : memref<10000x128xf32, #tpu.memory_space<vmem_shared>> -> memref<10000x128xf32, #tpu.memory_space<vmem_shared>>
      tpu.wait_indirect_dma semaphore(%run_scoped3A : memref<!tpu.dma_semaphore, #tpu.memory_space<semaphore_mem>>) src(%dma_wait3A_81 : memref<10000x128xf32, #tpu.memory_space<vmem_shared>>) dst(%arg15 : memref<104x128xf32, #tpu.memory_space<vmem>>)
      tpu.yield
    }) : () -> ()
    %mul3A_48 = arith.constant 10000 : i32
    %mul3A_49 = arith.muli %arg0, %mul3A_48 : i32
    %add3A_50 = arith.addi %mul3A_49, %add3A_47 : i32
    "tpu.region"() ({
      %run_scoped3A = tpu.sem_alloc : memref<!tpu.dma_semaphore, #tpu.memory_space<semaphore_mem>>
      %dma_start3A_77 = arith.constant 0 : i32
      %dma_start3A_78 = tpu.memref_slice %arg7[%add3A_50, %dma_start3A_77] : memref<20000x128xf32, #tpu.memory_space<hbm>> -> memref<104x128xf32, #tpu.memory_space<hbm>>
      %dma_start3A_79 = arith.constant 0 : i32
      %dma_start3A_80 = tpu.memref_slice %arg7[%add3A_50, %dma_start3A_79] : memref<20000x128xf32, #tpu.memory_space<hbm>> -> memref<104x128xf32, #tpu.memory_space<hbm>>
      tpu.enqueue_dma source(%arg15 : memref<104x128xf32, #tpu.memory_space<vmem>>) target(%dma_start3A_80 : memref<104x128xf32, #tpu.memory_space<hbm>>) target_semaphore(%run_scoped3A : memref<!tpu.dma_semaphore, #tpu.memory_space<semaphore_mem>>)
      %dma_wait3A = arith.constant 0 : i32
      %dma_wait3A_81 = tpu.memref_slice %arg7[%add3A_50, %dma_wait3A] : memref<20000x128xf32, #tpu.memory_space<hbm>> -> memref<104x128xf32, #tpu.memory_space<hbm>>
      %dma_wait3A_82 = arith.constant 0 : i32
      %dma_wait3A_83 = tpu.memref_slice %arg7[%add3A_50, %dma_wait3A_82] : memref<20000x128xf32, #tpu.memory_space<hbm>> -> memref<104x128xf32, #tpu.memory_space<hbm>>
      tpu.wait_dma2 semaphore(%run_scoped3A : memref<!tpu.dma_semaphore, #tpu.memory_space<semaphore_mem>>) src(%arg15 : memref<104x128xf32, #tpu.memory_space<vmem>>) dst(%dma_wait3A_83 : memref<104x128xf32, #tpu.memory_space<hbm>>)
      tpu.yield
    }) : () -> ()
    %mul3A_51 = arith.constant 624 : i32
    %mul3A_52 = arith.muli %arg1, %mul3A_51 : i32
    %add3A_53 = arith.constant 312 : i32
    %add3A_54 = arith.addi %mul3A_52, %add3A_53 : i32
    "tpu.region"() ({
      %run_scoped3A = tpu.sem_alloc : memref<!tpu.dma_semaphore, #tpu.memory_space<semaphore_mem>>
      %dma_start3A_77 = tpu.memref_slice %arg5[%add3A_54] : memref<10000xi32, #tpu.memory_space<hbm>> -> memref<104xi32, #tpu.memory_space<hbm>>
      %dma_start3A_78 = tpu.memref_slice %arg5[%add3A_54] : memref<10000xi32, #tpu.memory_space<hbm>> -> memref<104xi32, #tpu.memory_space<hbm>>
      tpu.enqueue_dma source(%dma_start3A_78 : memref<104xi32, #tpu.memory_space<hbm>>) target(%arg12 : memref<104xi32, #tpu.memory_space<vmem>>) target_semaphore(%run_scoped3A : memref<!tpu.dma_semaphore, #tpu.memory_space<semaphore_mem>>)
      %dma_wait3A = tpu.memref_slice %arg5[%add3A_54] : memref<10000xi32, #tpu.memory_space<hbm>> -> memref<104xi32, #tpu.memory_space<hbm>>
      %dma_wait3A_79 = tpu.memref_slice %arg5[%add3A_54] : memref<10000xi32, #tpu.memory_space<hbm>> -> memref<104xi32, #tpu.memory_space<hbm>>
      tpu.wait_dma2 semaphore(%run_scoped3A : memref<!tpu.dma_semaphore, #tpu.memory_space<semaphore_mem>>) src(%dma_wait3A_79 : memref<104xi32, #tpu.memory_space<hbm>>) dst(%arg12 : memref<104xi32, #tpu.memory_space<vmem>>)
      tpu.yield
    }) : () -> ()
    "tpu.region"() ({
      %run_scoped3A = tpu.sem_alloc : memref<!tpu.dma_semaphore, #tpu.memory_space<semaphore_mem>>
      %dma_start3A_77 = arith.constant 0 : i32
      %dma_start3A_78 = arith.constant 0 : i32
      %dma_start3A_79 = tpu.memref_slice %arg8[%dma_start3A_77, %dma_start3A_78] : memref<10000x128xf32, #tpu.memory_space<vmem_shared>> -> memref<10000x128xf32, #tpu.memory_space<vmem_shared>>
      tpu.enqueue_indirect_dma source(%dma_start3A_79 : memref<10000x128xf32, #tpu.memory_space<vmem_shared>>) target(%arg15 : memref<104x128xf32, #tpu.memory_space<vmem>>) offsets(%arg12 : memref<104xi32, #tpu.memory_space<vmem>>) semaphore(%run_scoped3A : memref<!tpu.dma_semaphore, #tpu.memory_space<semaphore_mem>>)
      %dma_wait3A = arith.constant 0 : i32
      %dma_wait3A_80 = arith.constant 0 : i32
      %dma_wait3A_81 = tpu.memref_slice %arg8[%dma_wait3A, %dma_wait3A_80] : memref<10000x128xf32, #tpu.memory_space<vmem_shared>> -> memref<10000x128xf32, #tpu.memory_space<vmem_shared>>
      tpu.wait_indirect_dma semaphore(%run_scoped3A : memref<!tpu.dma_semaphore, #tpu.memory_space<semaphore_mem>>) src(%dma_wait3A_81 : memref<10000x128xf32, #tpu.memory_space<vmem_shared>>) dst(%arg15 : memref<104x128xf32, #tpu.memory_space<vmem>>)
      tpu.yield
    }) : () -> ()
    %mul3A_55 = arith.constant 10000 : i32
    %mul3A_56 = arith.muli %arg0, %mul3A_55 : i32
    %add3A_57 = arith.addi %mul3A_56, %add3A_54 : i32
    "tpu.region"() ({
      %run_scoped3A = tpu.sem_alloc : memref<!tpu.dma_semaphore, #tpu.memory_space<semaphore_mem>>
      %dma_start3A_77 = arith.constant 0 : i32
      %dma_start3A_78 = tpu.memref_slice %arg7[%add3A_57, %dma_start3A_77] : memref<20000x128xf32, #tpu.memory_space<hbm>> -> memref<104x128xf32, #tpu.memory_space<hbm>>
      %dma_start3A_79 = arith.constant 0 : i32
      %dma_start3A_80 = tpu.memref_slice %arg7[%add3A_57, %dma_start3A_79] : memref<20000x128xf32, #tpu.memory_space<hbm>> -> memref<104x128xf32, #tpu.memory_space<hbm>>
      tpu.enqueue_dma source(%arg15 : memref<104x128xf32, #tpu.memory_space<vmem>>) target(%dma_start3A_80 : memref<104x128xf32, #tpu.memory_space<hbm>>) target_semaphore(%run_scoped3A : memref<!tpu.dma_semaphore, #tpu.memory_space<semaphore_mem>>)
      %dma_wait3A = arith.constant 0 : i32
      %dma_wait3A_81 = tpu.memref_slice %arg7[%add3A_57, %dma_wait3A] : memref<20000x128xf32, #tpu.memory_space<hbm>> -> memref<104x128xf32, #tpu.memory_space<hbm>>
      %dma_wait3A_82 = arith.constant 0 : i32
      %dma_wait3A_83 = tpu.memref_slice %arg7[%add3A_57, %dma_wait3A_82] : memref<20000x128xf32, #tpu.memory_space<hbm>> -> memref<104x128xf32, #tpu.memory_space<hbm>>
      tpu.wait_dma2 semaphore(%run_scoped3A : memref<!tpu.dma_semaphore, #tpu.memory_space<semaphore_mem>>) src(%arg15 : memref<104x128xf32, #tpu.memory_space<vmem>>) dst(%dma_wait3A_83 : memref<104x128xf32, #tpu.memory_space<hbm>>)
      tpu.yield
    }) : () -> ()
    %mul3A_58 = arith.constant 624 : i32
    %mul3A_59 = arith.muli %arg1, %mul3A_58 : i32
    %add3A_60 = arith.constant 416 : i32
    %add3A_61 = arith.addi %mul3A_59, %add3A_60 : i32
    "tpu.region"() ({
      %run_scoped3A = tpu.sem_alloc : memref<!tpu.dma_semaphore, #tpu.memory_space<semaphore_mem>>
      %dma_start3A_77 = tpu.memref_slice %arg5[%add3A_61] : memref<10000xi32, #tpu.memory_space<hbm>> -> memref<104xi32, #tpu.memory_space<hbm>>
      %dma_start3A_78 = tpu.memref_slice %arg5[%add3A_61] : memref<10000xi32, #tpu.memory_space<hbm>> -> memref<104xi32, #tpu.memory_space<hbm>>
      tpu.enqueue_dma source(%dma_start3A_78 : memref<104xi32, #tpu.memory_space<hbm>>) target(%arg12 : memref<104xi32, #tpu.memory_space<vmem>>) target_semaphore(%run_scoped3A : memref<!tpu.dma_semaphore, #tpu.memory_space<semaphore_mem>>)
      %dma_wait3A = tpu.memref_slice %arg5[%add3A_61] : memref<10000xi32, #tpu.memory_space<hbm>> -> memref<104xi32, #tpu.memory_space<hbm>>
      %dma_wait3A_79 = tpu.memref_slice %arg5[%add3A_61] : memref<10000xi32, #tpu.memory_space<hbm>> -> memref<104xi32, #tpu.memory_space<hbm>>
      tpu.wait_dma2 semaphore(%run_scoped3A : memref<!tpu.dma_semaphore, #tpu.memory_space<semaphore_mem>>) src(%dma_wait3A_79 : memref<104xi32, #tpu.memory_space<hbm>>) dst(%arg12 : memref<104xi32, #tpu.memory_space<vmem>>)
      tpu.yield
    }) : () -> ()
    "tpu.region"() ({
      %run_scoped3A = tpu.sem_alloc : memref<!tpu.dma_semaphore, #tpu.memory_space<semaphore_mem>>
      %dma_start3A_77 = arith.constant 0 : i32
      %dma_start3A_78 = arith.constant 0 : i32
      %dma_start3A_79 = tpu.memref_slice %arg8[%dma_start3A_77, %dma_start3A_78] : memref<10000x128xf32, #tpu.memory_space<vmem_shared>> -> memref<10000x128xf32, #tpu.memory_space<vmem_shared>>
      tpu.enqueue_indirect_dma source(%dma_start3A_79 : memref<10000x128xf32, #tpu.memory_space<vmem_shared>>) target(%arg15 : memref<104x128xf32, #tpu.memory_space<vmem>>) offsets(%arg12 : memref<104xi32, #tpu.memory_space<vmem>>) semaphore(%run_scoped3A : memref<!tpu.dma_semaphore, #tpu.memory_space<semaphore_mem>>)
      %dma_wait3A = arith.constant 0 : i32
      %dma_wait3A_80 = arith.constant 0 : i32
      %dma_wait3A_81 = tpu.memref_slice %arg8[%dma_wait3A, %dma_wait3A_80] : memref<10000x128xf32, #tpu.memory_space<vmem_shared>> -> memref<10000x128xf32, #tpu.memory_space<vmem_shared>>
      tpu.wait_indirect_dma semaphore(%run_scoped3A : memref<!tpu.dma_semaphore, #tpu.memory_space<semaphore_mem>>) src(%dma_wait3A_81 : memref<10000x128xf32, #tpu.memory_space<vmem_shared>>) dst(%arg15 : memref<104x128xf32, #tpu.memory_space<vmem>>)
      tpu.yield
    }) : () -> ()
    %mul3A_62 = arith.constant 10000 : i32
    %mul3A_63 = arith.muli %arg0, %mul3A_62 : i32
    %add3A_64 = arith.addi %mul3A_63, %add3A_61 : i32
    "tpu.region"() ({
      %run_scoped3A = tpu.sem_alloc : memref<!tpu.dma_semaphore, #tpu.memory_space<semaphore_mem>>
      %dma_start3A_77 = arith.constant 0 : i32
      %dma_start3A_78 = tpu.memref_slice %arg7[%add3A_64, %dma_start3A_77] : memref<20000x128xf32, #tpu.memory_space<hbm>> -> memref<104x128xf32, #tpu.memory_space<hbm>>
      %dma_start3A_79 = arith.constant 0 : i32
      %dma_start3A_80 = tpu.memref_slice %arg7[%add3A_64, %dma_start3A_79] : memref<20000x128xf32, #tpu.memory_space<hbm>> -> memref<104x128xf32, #tpu.memory_space<hbm>>
      tpu.enqueue_dma source(%arg15 : memref<104x128xf32, #tpu.memory_space<vmem>>) target(%dma_start3A_80 : memref<104x128xf32, #tpu.memory_space<hbm>>) target_semaphore(%run_scoped3A : memref<!tpu.dma_semaphore, #tpu.memory_space<semaphore_mem>>)
      %dma_wait3A = arith.constant 0 : i32
      %dma_wait3A_81 = tpu.memref_slice %arg7[%add3A_64, %dma_wait3A] : memref<20000x128xf32, #tpu.memory_space<hbm>> -> memref<104x128xf32, #tpu.memory_space<hbm>>
      %dma_wait3A_82 = arith.constant 0 : i32
      %dma_wait3A_83 = tpu.memref_slice %arg7[%add3A_64, %dma_wait3A_82] : memref<20000x128xf32, #tpu.memory_space<hbm>> -> memref<104x128xf32, #tpu.memory_space<hbm>>
      tpu.wait_dma2 semaphore(%run_scoped3A : memref<!tpu.dma_semaphore, #tpu.memory_space<semaphore_mem>>) src(%arg15 : memref<104x128xf32, #tpu.memory_space<vmem>>) dst(%dma_wait3A_83 : memref<104x128xf32, #tpu.memory_space<hbm>>)
      tpu.yield
    }) : () -> ()
    %mul3A_65 = arith.constant 624 : i32
    %mul3A_66 = arith.muli %arg1, %mul3A_65 : i32
    %add3A_67 = arith.constant 520 : i32
    %add3A_68 = arith.addi %mul3A_66, %add3A_67 : i32
    "tpu.region"() ({
      %run_scoped3A = tpu.sem_alloc : memref<!tpu.dma_semaphore, #tpu.memory_space<semaphore_mem>>
      %dma_start3A_77 = tpu.memref_slice %arg5[%add3A_68] : memref<10000xi32, #tpu.memory_space<hbm>> -> memref<104xi32, #tpu.memory_space<hbm>>
      %dma_start3A_78 = tpu.memref_slice %arg5[%add3A_68] : memref<10000xi32, #tpu.memory_space<hbm>> -> memref<104xi32, #tpu.memory_space<hbm>>
      tpu.enqueue_dma source(%dma_start3A_78 : memref<104xi32, #tpu.memory_space<hbm>>) target(%arg12 : memref<104xi32, #tpu.memory_space<vmem>>) target_semaphore(%run_scoped3A : memref<!tpu.dma_semaphore, #tpu.memory_space<semaphore_mem>>)
      %dma_wait3A = tpu.memref_slice %arg5[%add3A_68] : memref<10000xi32, #tpu.memory_space<hbm>> -> memref<104xi32, #tpu.memory_space<hbm>>
      %dma_wait3A_79 = tpu.memref_slice %arg5[%add3A_68] : memref<10000xi32, #tpu.memory_space<hbm>> -> memref<104xi32, #tpu.memory_space<hbm>>
      tpu.wait_dma2 semaphore(%run_scoped3A : memref<!tpu.dma_semaphore, #tpu.memory_space<semaphore_mem>>) src(%dma_wait3A_79 : memref<104xi32, #tpu.memory_space<hbm>>) dst(%arg12 : memref<104xi32, #tpu.memory_space<vmem>>)
      tpu.yield
    }) : () -> ()
    "tpu.region"() ({
      %run_scoped3A = tpu.sem_alloc : memref<!tpu.dma_semaphore, #tpu.memory_space<semaphore_mem>>
      %dma_start3A_77 = arith.constant 0 : i32
      %dma_start3A_78 = arith.constant 0 : i32
      %dma_start3A_79 = tpu.memref_slice %arg8[%dma_start3A_77, %dma_start3A_78] : memref<10000x128xf32, #tpu.memory_space<vmem_shared>> -> memref<10000x128xf32, #tpu.memory_space<vmem_shared>>
      tpu.enqueue_indirect_dma source(%dma_start3A_79 : memref<10000x128xf32, #tpu.memory_space<vmem_shared>>) target(%arg15 : memref<104x128xf32, #tpu.memory_space<vmem>>) offsets(%arg12 : memref<104xi32, #tpu.memory_space<vmem>>) semaphore(%run_scoped3A : memref<!tpu.dma_semaphore, #tpu.memory_space<semaphore_mem>>)
      %dma_wait3A = arith.constant 0 : i32
      %dma_wait3A_80 = arith.constant 0 : i32
      %dma_wait3A_81 = tpu.memref_slice %arg8[%dma_wait3A, %dma_wait3A_80] : memref<10000x128xf32, #tpu.memory_space<vmem_shared>> -> memref<10000x128xf32, #tpu.memory_space<vmem_shared>>
      tpu.wait_indirect_dma semaphore(%run_scoped3A : memref<!tpu.dma_semaphore, #tpu.memory_space<semaphore_mem>>) src(%dma_wait3A_81 : memref<10000x128xf32, #tpu.memory_space<vmem_shared>>) dst(%arg15 : memref<104x128xf32, #tpu.memory_space<vmem>>)
      tpu.yield
    }) : () -> ()
    %mul3A_69 = arith.constant 10000 : i32
    %mul3A_70 = arith.muli %arg0, %mul3A_69 : i32
    %add3A_71 = arith.addi %mul3A_70, %add3A_68 : i32
    "tpu.region"() ({
      %run_scoped3A = tpu.sem_alloc : memref<!tpu.dma_semaphore, #tpu.memory_space<semaphore_mem>>
      %dma_start3A_77 = arith.constant 0 : i32
      %dma_start3A_78 = tpu.memref_slice %arg7[%add3A_71, %dma_start3A_77] : memref<20000x128xf32, #tpu.memory_space<hbm>> -> memref<104x128xf32, #tpu.memory_space<hbm>>
      %dma_start3A_79 = arith.constant 0 : i32
      %dma_start3A_80 = tpu.memref_slice %arg7[%add3A_71, %dma_start3A_79] : memref<20000x128xf32, #tpu.memory_space<hbm>> -> memref<104x128xf32, #tpu.memory_space<hbm>>
      tpu.enqueue_dma source(%arg15 : memref<104x128xf32, #tpu.memory_space<vmem>>) target(%dma_start3A_80 : memref<104x128xf32, #tpu.memory_space<hbm>>) target_semaphore(%run_scoped3A : memref<!tpu.dma_semaphore, #tpu.memory_space<semaphore_mem>>)
      %dma_wait3A = arith.constant 0 : i32
      %dma_wait3A_81 = tpu.memref_slice %arg7[%add3A_71, %dma_wait3A] : memref<20000x128xf32, #tpu.memory_space<hbm>> -> memref<104x128xf32, #tpu.memory_space<hbm>>
      %dma_wait3A_82 = arith.constant 0 : i32
      %dma_wait3A_83 = tpu.memref_slice %arg7[%add3A_71, %dma_wait3A_82] : memref<20000x128xf32, #tpu.memory_space<hbm>> -> memref<104x128xf32, #tpu.memory_space<hbm>>
      tpu.wait_dma2 semaphore(%run_scoped3A : memref<!tpu.dma_semaphore, #tpu.memory_space<semaphore_mem>>) src(%arg15 : memref<104x128xf32, #tpu.memory_space<vmem>>) dst(%dma_wait3A_83 : memref<104x128xf32, #tpu.memory_space<hbm>>)
      tpu.yield
    }) : () -> ()
    "tpu.region"() ({
      %run_scoped3A = tpu.sem_alloc : memref<!tpu.dma_semaphore, #tpu.memory_space<semaphore_mem>>
      %dma_start3A_77 = arith.constant 9896 : i32
      %dma_start3A_78 = tpu.memref_slice %arg5[%dma_start3A_77] : memref<10000xi32, #tpu.memory_space<hbm>> -> memref<104xi32, #tpu.memory_space<hbm>>
      %dma_start3A_79 = arith.constant 9896 : i32
      %dma_start3A_80 = tpu.memref_slice %arg5[%dma_start3A_79] : memref<10000xi32, #tpu.memory_space<hbm>> -> memref<104xi32, #tpu.memory_space<hbm>>
      tpu.enqueue_dma source(%dma_start3A_80 : memref<104xi32, #tpu.memory_space<hbm>>) target(%arg12 : memref<104xi32, #tpu.memory_space<vmem>>) target_semaphore(%run_scoped3A : memref<!tpu.dma_semaphore, #tpu.memory_space<semaphore_mem>>)
      %dma_wait3A = arith.constant 9896 : i32
      %dma_wait3A_81 = tpu.memref_slice %arg5[%dma_wait3A] : memref<10000xi32, #tpu.memory_space<hbm>> -> memref<104xi32, #tpu.memory_space<hbm>>
      %dma_wait3A_82 = arith.constant 9896 : i32
      %dma_wait3A_83 = tpu.memref_slice %arg5[%dma_wait3A_82] : memref<10000xi32, #tpu.memory_space<hbm>> -> memref<104xi32, #tpu.memory_space<hbm>>
      tpu.wait_dma2 semaphore(%run_scoped3A : memref<!tpu.dma_semaphore, #tpu.memory_space<semaphore_mem>>) src(%dma_wait3A_83 : memref<104xi32, #tpu.memory_space<hbm>>) dst(%arg12 : memref<104xi32, #tpu.memory_space<vmem>>)
      tpu.yield
    }) : () -> ()
    "tpu.region"() ({
      %run_scoped3A = tpu.sem_alloc : memref<!tpu.dma_semaphore, #tpu.memory_space<semaphore_mem>>
      %dma_start3A_77 = arith.constant 0 : i32
      %dma_start3A_78 = arith.constant 0 : i32
      %dma_start3A_79 = tpu.memref_slice %arg8[%dma_start3A_77, %dma_start3A_78] : memref<10000x128xf32, #tpu.memory_space<vmem_shared>> -> memref<10000x128xf32, #tpu.memory_space<vmem_shared>>
      tpu.enqueue_indirect_dma source(%dma_start3A_79 : memref<10000x128xf32, #tpu.memory_space<vmem_shared>>) target(%arg15 : memref<104x128xf32, #tpu.memory_space<vmem>>) offsets(%arg12 : memref<104xi32, #tpu.memory_space<vmem>>) semaphore(%run_scoped3A : memref<!tpu.dma_semaphore, #tpu.memory_space<semaphore_mem>>)
      %dma_wait3A = arith.constant 0 : i32
      %dma_wait3A_80 = arith.constant 0 : i32
      %dma_wait3A_81 = tpu.memref_slice %arg8[%dma_wait3A, %dma_wait3A_80] : memref<10000x128xf32, #tpu.memory_space<vmem_shared>> -> memref<10000x128xf32, #tpu.memory_space<vmem_shared>>
      tpu.wait_indirect_dma semaphore(%run_scoped3A : memref<!tpu.dma_semaphore, #tpu.memory_space<semaphore_mem>>) src(%dma_wait3A_81 : memref<10000x128xf32, #tpu.memory_space<vmem_shared>>) dst(%arg15 : memref<104x128xf32, #tpu.memory_space<vmem>>)
      tpu.yield
    }) : () -> ()
    %mul3A_72 = arith.constant 10000 : i32
    %mul3A_73 = arith.muli %arg0, %mul3A_72 : i32
    %add3A_74 = arith.constant 10000 : i32
    %add3A_75 = arith.addi %mul3A_73, %add3A_74 : i32
    %sub3A = arith.constant 104 : i32
    %sub3A_76 = arith.subi %add3A_75, %sub3A : i32
    "tpu.region"() ({
      %run_scoped3A = tpu.sem_alloc : memref<!tpu.dma_semaphore, #tpu.memory_space<semaphore_mem>>
      %dma_start3A_77 = arith.constant 0 : i32
      %dma_start3A_78 = tpu.memref_slice %arg7[%sub3A_76, %dma_start3A_77] : memref<20000x128xf32, #tpu.memory_space<hbm>> -> memref<104x128xf32, #tpu.memory_space<hbm>>
      %dma_start3A_79 = arith.constant 0 : i32
      %dma_start3A_80 = tpu.memref_slice %arg7[%sub3A_76, %dma_start3A_79] : memref<20000x128xf32, #tpu.memory_space<hbm>> -> memref<104x128xf32, #tpu.memory_space<hbm>>
      tpu.enqueue_dma source(%arg15 : memref<104x128xf32, #tpu.memory_space<vmem>>) target(%dma_start3A_80 : memref<104x128xf32, #tpu.memory_space<hbm>>) target_semaphore(%run_scoped3A : memref<!tpu.dma_semaphore, #tpu.memory_space<semaphore_mem>>)
      %dma_wait3A = arith.constant 0 : i32
      %dma_wait3A_81 = tpu.memref_slice %arg7[%sub3A_76, %dma_wait3A] : memref<20000x128xf32, #tpu.memory_space<hbm>> -> memref<104x128xf32, #tpu.memory_space<hbm>>
      %dma_wait3A_82 = arith.constant 0 : i32
      %dma_wait3A_83 = tpu.memref_slice %arg7[%sub3A_76, %dma_wait3A_82] : memref<20000x128xf32, #tpu.memory_space<hbm>> -> memref<104x128xf32, #tpu.memory_space<hbm>>
      tpu.wait_dma2 semaphore(%run_scoped3A : memref<!tpu.dma_semaphore, #tpu.memory_space<semaphore_mem>>) src(%arg15 : memref<104x128xf32, #tpu.memory_space<vmem>>) dst(%dma_wait3A_83 : memref<104x128xf32, #tpu.memory_space<hbm>>)
      tpu.yield
    }) : () -> ()
    return
  }
}

#map = affine_map<(d0, d1) -> (0, 0)>
#map1 = affine_map<(d0, d1) -> (0, 0, 0)>
#map2 = affine_map<(d0, d1) -> (0)>
module attributes {stable_mosaic.version = 14 : i64} {
  func.func @_sc_agg(%arg0: i32, %arg1: i32, %arg2: memref<10000x128xf32, #tpu.memory_space<hbm>>, %arg3: memref<32x125x80xi32, #tpu.memory_space<hbm>>, %arg4: memref<320000xi32, #tpu.memory_space<hbm>>, %arg5: memref<10000xi32, #tpu.memory_space<hbm>>, %arg6: memref<104x128xf32, #tpu.memory_space<hbm>>, %arg7: memref<20000x128xf32, #tpu.memory_space<hbm>>, %arg8: memref<10000x128xf32, #tpu.memory_space<vmem_shared>>, %arg9: memref<125x80xi32, #tpu.memory_space<vmem>>, %arg10: memref<80xi32, #tpu.memory_space<vmem>>, %arg11: memref<80xi32, #tpu.memory_space<vmem>>, %arg12: memref<104xi32, #tpu.memory_space<vmem>>, %arg13: memref<80x128xf32, #tpu.memory_space<vmem>>, %arg14: memref<80x128xf32, #tpu.memory_space<vmem>>, %arg15: memref<104x128xf32, #tpu.memory_space<vmem>>, %arg16: memref<!tpu.dma_semaphore, #tpu.memory_space<semaphore_mem>>, %arg17: memref<!tpu.dma_semaphore, #tpu.memory_space<semaphore_mem>>, %arg18: memref<!tpu.dma_semaphore, #tpu.memory_space<semaphore_mem>>, %arg19: memref<!tpu.dma_semaphore, #tpu.memory_space<semaphore_mem>>) attributes {dimension_semantics = [#tpu.dimension_semantics<core_parallel>, #tpu.dimension_semantics<subcore_parallel>], iteration_bounds = array<i64: 2, 16>, scalar_prefetch = 0 : i64, scratch_operands = 12 : i64, tpu.core_type = #tpu.core_type<sc_vector_subcore>, window_params = [{transform_indices = #map}, {transform_indices = #map1}, {transform_indices = #map2}, {transform_indices = #map2}, {transform_indices = #map}, {transform_indices = #map}]} {
    %mul3A = arith.constant 16 : i32
    %mul3A_0 = arith.muli %arg0, %mul3A : i32
    %add3A = arith.addi %mul3A_0, %arg1 : i32
    "tpu.region"() ({
      %run_scoped3A = tpu.sem_alloc : memref<!tpu.dma_semaphore, #tpu.memory_space<semaphore_mem>>
      tpu.enqueue_dma source(%arg6 : memref<104x128xf32, #tpu.memory_space<hbm>>) target(%arg15 : memref<104x128xf32, #tpu.memory_space<vmem>>) target_semaphore(%run_scoped3A : memref<!tpu.dma_semaphore, #tpu.memory_space<semaphore_mem>>)
      tpu.wait_dma2 semaphore(%run_scoped3A : memref<!tpu.dma_semaphore, #tpu.memory_space<semaphore_mem>>) src(%arg6 : memref<104x128xf32, #tpu.memory_space<hbm>>) dst(%arg15 : memref<104x128xf32, #tpu.memory_space<vmem>>)
      tpu.yield
    }) : () -> ()
    %mul3A_1 = arith.constant 624 : i32
    %mul3A_2 = arith.muli %arg1, %mul3A_1 : i32
    %add3A_3 = arith.constant 0 : i32
    %add3A_4 = arith.addi %mul3A_2, %add3A_3 : i32
    "tpu.region"() ({
      %run_scoped3A = tpu.sem_alloc : memref<!tpu.dma_semaphore, #tpu.memory_space<semaphore_mem>>
      %dma_start3A_77 = tpu.memref_slice %arg5[%add3A_4] : memref<10000xi32, #tpu.memory_space<hbm>> -> memref<104xi32, #tpu.memory_space<hbm>>
      %dma_start3A_78 = tpu.memref_slice %arg5[%add3A_4] : memref<10000xi32, #tpu.memory_space<hbm>> -> memref<104xi32, #tpu.memory_space<hbm>>
      tpu.enqueue_dma source(%dma_start3A_78 : memref<104xi32, #tpu.memory_space<hbm>>) target(%arg12 : memref<104xi32, #tpu.memory_space<vmem>>) target_semaphore(%run_scoped3A : memref<!tpu.dma_semaphore, #tpu.memory_space<semaphore_mem>>)
      %dma_wait3A = tpu.memref_slice %arg5[%add3A_4] : memref<10000xi32, #tpu.memory_space<hbm>> -> memref<104xi32, #tpu.memory_space<hbm>>
      %dma_wait3A_79 = tpu.memref_slice %arg5[%add3A_4] : memref<10000xi32, #tpu.memory_space<hbm>> -> memref<104xi32, #tpu.memory_space<hbm>>
      tpu.wait_dma2 semaphore(%run_scoped3A : memref<!tpu.dma_semaphore, #tpu.memory_space<semaphore_mem>>) src(%dma_wait3A_79 : memref<104xi32, #tpu.memory_space<hbm>>) dst(%arg12 : memref<104xi32, #tpu.memory_space<vmem>>)
      tpu.yield
    }) : () -> ()
    "tpu.region"() ({
      %run_scoped3A = tpu.sem_alloc : memref<!tpu.dma_semaphore, #tpu.memory_space<semaphore_mem>>
      %dma_start3A_77 = arith.constant 0 : i32
      %dma_start3A_78 = arith.constant 0 : i32
      %dma_start3A_79 = tpu.memref_slice %arg8[%dma_start3A_77, %dma_start3A_78] : memref<10000x128xf32, #tpu.memory_space<vmem_shared>> -> memref<10000x128xf32, #tpu.memory_space<vmem_shared>>
      tpu.enqueue_indirect_dma source(%arg15 : memref<104x128xf32, #tpu.memory_space<vmem>>) target(%dma_start3A_79 : memref<10000x128xf32, #tpu.memory_space<vmem_shared>>) offsets(%arg12 : memref<104xi32, #tpu.memory_space<vmem>>) semaphore(%run_scoped3A : memref<!tpu.dma_semaphore, #tpu.memory_space<semaphore_mem>>)
      %dma_wait3A = arith.constant 0 : i32
      %dma_wait3A_80 = arith.constant 0 : i32
      %dma_wait3A_81 = tpu.memref_slice %arg8[%dma_wait3A, %dma_wait3A_80] : memref<10000x128xf32, #tpu.memory_space<vmem_shared>> -> memref<10000x128xf32, #tpu.memory_space<vmem_shared>>
      tpu.wait_indirect_dma semaphore(%run_scoped3A : memref<!tpu.dma_semaphore, #tpu.memory_space<semaphore_mem>>) src(%arg15 : memref<104x128xf32, #tpu.memory_space<vmem>>) dst(%dma_wait3A_81 : memref<10000x128xf32, #tpu.memory_space<vmem_shared>>)
      tpu.yield
    }) : () -> ()
    %add3A_5 = arith.constant 104 : i32
    %add3A_6 = arith.addi %mul3A_2, %add3A_5 : i32
    "tpu.region"() ({
      %run_scoped3A = tpu.sem_alloc : memref<!tpu.dma_semaphore, #tpu.memory_space<semaphore_mem>>
      %dma_start3A_77 = tpu.memref_slice %arg5[%add3A_6] : memref<10000xi32, #tpu.memory_space<hbm>> -> memref<104xi32, #tpu.memory_space<hbm>>
      %dma_start3A_78 = tpu.memref_slice %arg5[%add3A_6] : memref<10000xi32, #tpu.memory_space<hbm>> -> memref<104xi32, #tpu.memory_space<hbm>>
      tpu.enqueue_dma source(%dma_start3A_78 : memref<104xi32, #tpu.memory_space<hbm>>) target(%arg12 : memref<104xi32, #tpu.memory_space<vmem>>) target_semaphore(%run_scoped3A : memref<!tpu.dma_semaphore, #tpu.memory_space<semaphore_mem>>)
      %dma_wait3A = tpu.memref_slice %arg5[%add3A_6] : memref<10000xi32, #tpu.memory_space<hbm>> -> memref<104xi32, #tpu.memory_space<hbm>>
      %dma_wait3A_79 = tpu.memref_slice %arg5[%add3A_6] : memref<10000xi32, #tpu.memory_space<hbm>> -> memref<104xi32, #tpu.memory_space<hbm>>
      tpu.wait_dma2 semaphore(%run_scoped3A : memref<!tpu.dma_semaphore, #tpu.memory_space<semaphore_mem>>) src(%dma_wait3A_79 : memref<104xi32, #tpu.memory_space<hbm>>) dst(%arg12 : memref<104xi32, #tpu.memory_space<vmem>>)
      tpu.yield
    }) : () -> ()
    "tpu.region"() ({
      %run_scoped3A = tpu.sem_alloc : memref<!tpu.dma_semaphore, #tpu.memory_space<semaphore_mem>>
      %dma_start3A_77 = arith.constant 0 : i32
      %dma_start3A_78 = arith.constant 0 : i32
      %dma_start3A_79 = tpu.memref_slice %arg8[%dma_start3A_77, %dma_start3A_78] : memref<10000x128xf32, #tpu.memory_space<vmem_shared>> -> memref<10000x128xf32, #tpu.memory_space<vmem_shared>>
      tpu.enqueue_indirect_dma source(%arg15 : memref<104x128xf32, #tpu.memory_space<vmem>>) target(%dma_start3A_79 : memref<10000x128xf32, #tpu.memory_space<vmem_shared>>) offsets(%arg12 : memref<104xi32, #tpu.memory_space<vmem>>) semaphore(%run_scoped3A : memref<!tpu.dma_semaphore, #tpu.memory_space<semaphore_mem>>)
      %dma_wait3A = arith.constant 0 : i32
      %dma_wait3A_80 = arith.constant 0 : i32
      %dma_wait3A_81 = tpu.memref_slice %arg8[%dma_wait3A, %dma_wait3A_80] : memref<10000x128xf32, #tpu.memory_space<vmem_shared>> -> memref<10000x128xf32, #tpu.memory_space<vmem_shared>>
      tpu.wait_indirect_dma semaphore(%run_scoped3A : memref<!tpu.dma_semaphore, #tpu.memory_space<semaphore_mem>>) src(%arg15 : memref<104x128xf32, #tpu.memory_space<vmem>>) dst(%dma_wait3A_81 : memref<10000x128xf32, #tpu.memory_space<vmem_shared>>)
      tpu.yield
    }) : () -> ()
    %add3A_7 = arith.constant 208 : i32
    %add3A_8 = arith.addi %mul3A_2, %add3A_7 : i32
    "tpu.region"() ({
      %run_scoped3A = tpu.sem_alloc : memref<!tpu.dma_semaphore, #tpu.memory_space<semaphore_mem>>
      %dma_start3A_77 = tpu.memref_slice %arg5[%add3A_8] : memref<10000xi32, #tpu.memory_space<hbm>> -> memref<104xi32, #tpu.memory_space<hbm>>
      %dma_start3A_78 = tpu.memref_slice %arg5[%add3A_8] : memref<10000xi32, #tpu.memory_space<hbm>> -> memref<104xi32, #tpu.memory_space<hbm>>
      tpu.enqueue_dma source(%dma_start3A_78 : memref<104xi32, #tpu.memory_space<hbm>>) target(%arg12 : memref<104xi32, #tpu.memory_space<vmem>>) target_semaphore(%run_scoped3A : memref<!tpu.dma_semaphore, #tpu.memory_space<semaphore_mem>>)
      %dma_wait3A = tpu.memref_slice %arg5[%add3A_8] : memref<10000xi32, #tpu.memory_space<hbm>> -> memref<104xi32, #tpu.memory_space<hbm>>
      %dma_wait3A_79 = tpu.memref_slice %arg5[%add3A_8] : memref<10000xi32, #tpu.memory_space<hbm>> -> memref<104xi32, #tpu.memory_space<hbm>>
      tpu.wait_dma2 semaphore(%run_scoped3A : memref<!tpu.dma_semaphore, #tpu.memory_space<semaphore_mem>>) src(%dma_wait3A_79 : memref<104xi32, #tpu.memory_space<hbm>>) dst(%arg12 : memref<104xi32, #tpu.memory_space<vmem>>)
      tpu.yield
    }) : () -> ()
    "tpu.region"() ({
      %run_scoped3A = tpu.sem_alloc : memref<!tpu.dma_semaphore, #tpu.memory_space<semaphore_mem>>
      %dma_start3A_77 = arith.constant 0 : i32
      %dma_start3A_78 = arith.constant 0 : i32
      %dma_start3A_79 = tpu.memref_slice %arg8[%dma_start3A_77, %dma_start3A_78] : memref<10000x128xf32, #tpu.memory_space<vmem_shared>> -> memref<10000x128xf32, #tpu.memory_space<vmem_shared>>
      tpu.enqueue_indirect_dma source(%arg15 : memref<104x128xf32, #tpu.memory_space<vmem>>) target(%dma_start3A_79 : memref<10000x128xf32, #tpu.memory_space<vmem_shared>>) offsets(%arg12 : memref<104xi32, #tpu.memory_space<vmem>>) semaphore(%run_scoped3A : memref<!tpu.dma_semaphore, #tpu.memory_space<semaphore_mem>>)
      %dma_wait3A = arith.constant 0 : i32
      %dma_wait3A_80 = arith.constant 0 : i32
      %dma_wait3A_81 = tpu.memref_slice %arg8[%dma_wait3A, %dma_wait3A_80] : memref<10000x128xf32, #tpu.memory_space<vmem_shared>> -> memref<10000x128xf32, #tpu.memory_space<vmem_shared>>
      tpu.wait_indirect_dma semaphore(%run_scoped3A : memref<!tpu.dma_semaphore, #tpu.memory_space<semaphore_mem>>) src(%arg15 : memref<104x128xf32, #tpu.memory_space<vmem>>) dst(%dma_wait3A_81 : memref<10000x128xf32, #tpu.memory_space<vmem_shared>>)
      tpu.yield
    }) : () -> ()
    %add3A_9 = arith.constant 312 : i32
    %add3A_10 = arith.addi %mul3A_2, %add3A_9 : i32
    "tpu.region"() ({
      %run_scoped3A = tpu.sem_alloc : memref<!tpu.dma_semaphore, #tpu.memory_space<semaphore_mem>>
      %dma_start3A_77 = tpu.memref_slice %arg5[%add3A_10] : memref<10000xi32, #tpu.memory_space<hbm>> -> memref<104xi32, #tpu.memory_space<hbm>>
      %dma_start3A_78 = tpu.memref_slice %arg5[%add3A_10] : memref<10000xi32, #tpu.memory_space<hbm>> -> memref<104xi32, #tpu.memory_space<hbm>>
      tpu.enqueue_dma source(%dma_start3A_78 : memref<104xi32, #tpu.memory_space<hbm>>) target(%arg12 : memref<104xi32, #tpu.memory_space<vmem>>) target_semaphore(%run_scoped3A : memref<!tpu.dma_semaphore, #tpu.memory_space<semaphore_mem>>)
      %dma_wait3A = tpu.memref_slice %arg5[%add3A_10] : memref<10000xi32, #tpu.memory_space<hbm>> -> memref<104xi32, #tpu.memory_space<hbm>>
      %dma_wait3A_79 = tpu.memref_slice %arg5[%add3A_10] : memref<10000xi32, #tpu.memory_space<hbm>> -> memref<104xi32, #tpu.memory_space<hbm>>
      tpu.wait_dma2 semaphore(%run_scoped3A : memref<!tpu.dma_semaphore, #tpu.memory_space<semaphore_mem>>) src(%dma_wait3A_79 : memref<104xi32, #tpu.memory_space<hbm>>) dst(%arg12 : memref<104xi32, #tpu.memory_space<vmem>>)
      tpu.yield
    }) : () -> ()
    "tpu.region"() ({
      %run_scoped3A = tpu.sem_alloc : memref<!tpu.dma_semaphore, #tpu.memory_space<semaphore_mem>>
      %dma_start3A_77 = arith.constant 0 : i32
      %dma_start3A_78 = arith.constant 0 : i32
      %dma_start3A_79 = tpu.memref_slice %arg8[%dma_start3A_77, %dma_start3A_78] : memref<10000x128xf32, #tpu.memory_space<vmem_shared>> -> memref<10000x128xf32, #tpu.memory_space<vmem_shared>>
      tpu.enqueue_indirect_dma source(%arg15 : memref<104x128xf32, #tpu.memory_space<vmem>>) target(%dma_start3A_79 : memref<10000x128xf32, #tpu.memory_space<vmem_shared>>) offsets(%arg12 : memref<104xi32, #tpu.memory_space<vmem>>) semaphore(%run_scoped3A : memref<!tpu.dma_semaphore, #tpu.memory_space<semaphore_mem>>)
      %dma_wait3A = arith.constant 0 : i32
      %dma_wait3A_80 = arith.constant 0 : i32
      %dma_wait3A_81 = tpu.memref_slice %arg8[%dma_wait3A, %dma_wait3A_80] : memref<10000x128xf32, #tpu.memory_space<vmem_shared>> -> memref<10000x128xf32, #tpu.memory_space<vmem_shared>>
      tpu.wait_indirect_dma semaphore(%run_scoped3A : memref<!tpu.dma_semaphore, #tpu.memory_space<semaphore_mem>>) src(%arg15 : memref<104x128xf32, #tpu.memory_space<vmem>>) dst(%dma_wait3A_81 : memref<10000x128xf32, #tpu.memory_space<vmem_shared>>)
      tpu.yield
    }) : () -> ()
    %add3A_11 = arith.constant 416 : i32
    %add3A_12 = arith.addi %mul3A_2, %add3A_11 : i32
    "tpu.region"() ({
      %run_scoped3A = tpu.sem_alloc : memref<!tpu.dma_semaphore, #tpu.memory_space<semaphore_mem>>
      %dma_start3A_77 = tpu.memref_slice %arg5[%add3A_12] : memref<10000xi32, #tpu.memory_space<hbm>> -> memref<104xi32, #tpu.memory_space<hbm>>
      %dma_start3A_78 = tpu.memref_slice %arg5[%add3A_12] : memref<10000xi32, #tpu.memory_space<hbm>> -> memref<104xi32, #tpu.memory_space<hbm>>
      tpu.enqueue_dma source(%dma_start3A_78 : memref<104xi32, #tpu.memory_space<hbm>>) target(%arg12 : memref<104xi32, #tpu.memory_space<vmem>>) target_semaphore(%run_scoped3A : memref<!tpu.dma_semaphore, #tpu.memory_space<semaphore_mem>>)
      %dma_wait3A = tpu.memref_slice %arg5[%add3A_12] : memref<10000xi32, #tpu.memory_space<hbm>> -> memref<104xi32, #tpu.memory_space<hbm>>
      %dma_wait3A_79 = tpu.memref_slice %arg5[%add3A_12] : memref<10000xi32, #tpu.memory_space<hbm>> -> memref<104xi32, #tpu.memory_space<hbm>>
      tpu.wait_dma2 semaphore(%run_scoped3A : memref<!tpu.dma_semaphore, #tpu.memory_space<semaphore_mem>>) src(%dma_wait3A_79 : memref<104xi32, #tpu.memory_space<hbm>>) dst(%arg12 : memref<104xi32, #tpu.memory_space<vmem>>)
      tpu.yield
    }) : () -> ()
    "tpu.region"() ({
      %run_scoped3A = tpu.sem_alloc : memref<!tpu.dma_semaphore, #tpu.memory_space<semaphore_mem>>
      %dma_start3A_77 = arith.constant 0 : i32
      %dma_start3A_78 = arith.constant 0 : i32
      %dma_start3A_79 = tpu.memref_slice %arg8[%dma_start3A_77, %dma_start3A_78] : memref<10000x128xf32, #tpu.memory_space<vmem_shared>> -> memref<10000x128xf32, #tpu.memory_space<vmem_shared>>
      tpu.enqueue_indirect_dma source(%arg15 : memref<104x128xf32, #tpu.memory_space<vmem>>) target(%dma_start3A_79 : memref<10000x128xf32, #tpu.memory_space<vmem_shared>>) offsets(%arg12 : memref<104xi32, #tpu.memory_space<vmem>>) semaphore(%run_scoped3A : memref<!tpu.dma_semaphore, #tpu.memory_space<semaphore_mem>>)
      %dma_wait3A = arith.constant 0 : i32
      %dma_wait3A_80 = arith.constant 0 : i32
      %dma_wait3A_81 = tpu.memref_slice %arg8[%dma_wait3A, %dma_wait3A_80] : memref<10000x128xf32, #tpu.memory_space<vmem_shared>> -> memref<10000x128xf32, #tpu.memory_space<vmem_shared>>
      tpu.wait_indirect_dma semaphore(%run_scoped3A : memref<!tpu.dma_semaphore, #tpu.memory_space<semaphore_mem>>) src(%arg15 : memref<104x128xf32, #tpu.memory_space<vmem>>) dst(%dma_wait3A_81 : memref<10000x128xf32, #tpu.memory_space<vmem_shared>>)
      tpu.yield
    }) : () -> ()
    %add3A_13 = arith.constant 520 : i32
    %add3A_14 = arith.addi %mul3A_2, %add3A_13 : i32
    "tpu.region"() ({
      %run_scoped3A = tpu.sem_alloc : memref<!tpu.dma_semaphore, #tpu.memory_space<semaphore_mem>>
      %dma_start3A_77 = tpu.memref_slice %arg5[%add3A_14] : memref<10000xi32, #tpu.memory_space<hbm>> -> memref<104xi32, #tpu.memory_space<hbm>>
      %dma_start3A_78 = tpu.memref_slice %arg5[%add3A_14] : memref<10000xi32, #tpu.memory_space<hbm>> -> memref<104xi32, #tpu.memory_space<hbm>>
      tpu.enqueue_dma source(%dma_start3A_78 : memref<104xi32, #tpu.memory_space<hbm>>) target(%arg12 : memref<104xi32, #tpu.memory_space<vmem>>) target_semaphore(%run_scoped3A : memref<!tpu.dma_semaphore, #tpu.memory_space<semaphore_mem>>)
      %dma_wait3A = tpu.memref_slice %arg5[%add3A_14] : memref<10000xi32, #tpu.memory_space<hbm>> -> memref<104xi32, #tpu.memory_space<hbm>>
      %dma_wait3A_79 = tpu.memref_slice %arg5[%add3A_14] : memref<10000xi32, #tpu.memory_space<hbm>> -> memref<104xi32, #tpu.memory_space<hbm>>
      tpu.wait_dma2 semaphore(%run_scoped3A : memref<!tpu.dma_semaphore, #tpu.memory_space<semaphore_mem>>) src(%dma_wait3A_79 : memref<104xi32, #tpu.memory_space<hbm>>) dst(%arg12 : memref<104xi32, #tpu.memory_space<vmem>>)
      tpu.yield
    }) : () -> ()
    "tpu.region"() ({
      %run_scoped3A = tpu.sem_alloc : memref<!tpu.dma_semaphore, #tpu.memory_space<semaphore_mem>>
      %dma_start3A_77 = arith.constant 0 : i32
      %dma_start3A_78 = arith.constant 0 : i32
      %dma_start3A_79 = tpu.memref_slice %arg8[%dma_start3A_77, %dma_start3A_78] : memref<10000x128xf32, #tpu.memory_space<vmem_shared>> -> memref<10000x128xf32, #tpu.memory_space<vmem_shared>>
      tpu.enqueue_indirect_dma source(%arg15 : memref<104x128xf32, #tpu.memory_space<vmem>>) target(%dma_start3A_79 : memref<10000x128xf32, #tpu.memory_space<vmem_shared>>) offsets(%arg12 : memref<104xi32, #tpu.memory_space<vmem>>) semaphore(%run_scoped3A : memref<!tpu.dma_semaphore, #tpu.memory_space<semaphore_mem>>)
      %dma_wait3A = arith.constant 0 : i32
      %dma_wait3A_80 = arith.constant 0 : i32
      %dma_wait3A_81 = tpu.memref_slice %arg8[%dma_wait3A, %dma_wait3A_80] : memref<10000x128xf32, #tpu.memory_space<vmem_shared>> -> memref<10000x128xf32, #tpu.memory_space<vmem_shared>>
      tpu.wait_indirect_dma semaphore(%run_scoped3A : memref<!tpu.dma_semaphore, #tpu.memory_space<semaphore_mem>>) src(%arg15 : memref<104x128xf32, #tpu.memory_space<vmem>>) dst(%dma_wait3A_81 : memref<10000x128xf32, #tpu.memory_space<vmem_shared>>)
      tpu.yield
    }) : () -> ()
    "tpu.region"() ({
      %run_scoped3A = tpu.sem_alloc : memref<!tpu.dma_semaphore, #tpu.memory_space<semaphore_mem>>
      %dma_start3A_77 = arith.constant 9896 : i32
      %dma_start3A_78 = tpu.memref_slice %arg5[%dma_start3A_77] : memref<10000xi32, #tpu.memory_space<hbm>> -> memref<104xi32, #tpu.memory_space<hbm>>
      %dma_start3A_79 = arith.constant 9896 : i32
      %dma_start3A_80 = tpu.memref_slice %arg5[%dma_start3A_79] : memref<10000xi32, #tpu.memory_space<hbm>> -> memref<104xi32, #tpu.memory_space<hbm>>
      tpu.enqueue_dma source(%dma_start3A_80 : memref<104xi32, #tpu.memory_space<hbm>>) target(%arg12 : memref<104xi32, #tpu.memory_space<vmem>>) target_semaphore(%run_scoped3A : memref<!tpu.dma_semaphore, #tpu.memory_space<semaphore_mem>>)
      %dma_wait3A = arith.constant 9896 : i32
      %dma_wait3A_81 = tpu.memref_slice %arg5[%dma_wait3A] : memref<10000xi32, #tpu.memory_space<hbm>> -> memref<104xi32, #tpu.memory_space<hbm>>
      %dma_wait3A_82 = arith.constant 9896 : i32
      %dma_wait3A_83 = tpu.memref_slice %arg5[%dma_wait3A_82] : memref<10000xi32, #tpu.memory_space<hbm>> -> memref<104xi32, #tpu.memory_space<hbm>>
      tpu.wait_dma2 semaphore(%run_scoped3A : memref<!tpu.dma_semaphore, #tpu.memory_space<semaphore_mem>>) src(%dma_wait3A_83 : memref<104xi32, #tpu.memory_space<hbm>>) dst(%arg12 : memref<104xi32, #tpu.memory_space<vmem>>)
      tpu.yield
    }) : () -> ()
    "tpu.region"() ({
      %run_scoped3A = tpu.sem_alloc : memref<!tpu.dma_semaphore, #tpu.memory_space<semaphore_mem>>
      %dma_start3A_77 = arith.constant 0 : i32
      %dma_start3A_78 = arith.constant 0 : i32
      %dma_start3A_79 = tpu.memref_slice %arg8[%dma_start3A_77, %dma_start3A_78] : memref<10000x128xf32, #tpu.memory_space<vmem_shared>> -> memref<10000x128xf32, #tpu.memory_space<vmem_shared>>
      tpu.enqueue_indirect_dma source(%arg15 : memref<104x128xf32, #tpu.memory_space<vmem>>) target(%dma_start3A_79 : memref<10000x128xf32, #tpu.memory_space<vmem_shared>>) offsets(%arg12 : memref<104xi32, #tpu.memory_space<vmem>>) semaphore(%run_scoped3A : memref<!tpu.dma_semaphore, #tpu.memory_space<semaphore_mem>>)
      %dma_wait3A = arith.constant 0 : i32
      %dma_wait3A_80 = arith.constant 0 : i32
      %dma_wait3A_81 = tpu.memref_slice %arg8[%dma_wait3A, %dma_wait3A_80] : memref<10000x128xf32, #tpu.memory_space<vmem_shared>> -> memref<10000x128xf32, #tpu.memory_space<vmem_shared>>
      tpu.wait_indirect_dma semaphore(%run_scoped3A : memref<!tpu.dma_semaphore, #tpu.memory_space<semaphore_mem>>) src(%arg15 : memref<104x128xf32, #tpu.memory_space<vmem>>) dst(%dma_wait3A_81 : memref<10000x128xf32, #tpu.memory_space<vmem_shared>>)
      tpu.yield
    }) : () -> ()
    "tpu.region"() ({
      %run_scoped3A = tpu.sem_alloc : memref<!tpu.dma_semaphore, #tpu.memory_space<semaphore_mem>>
      %dma_start3A_77 = arith.constant 0 : i32
      %dma_start3A_78 = arith.constant 0 : i32
      %dma_start3A_79 = tpu.memref_slice %arg3[%add3A, %dma_start3A_77, %dma_start3A_78] : memref<32x125x80xi32, #tpu.memory_space<hbm>> -> memref<1x125x80xi32, #tpu.memory_space<hbm>>
      %dma_start3A_80 = tpu.memref_squeeze %dma_start3A_79 : memref<1x125x80xi32, #tpu.memory_space<hbm>> -> memref<125x80xi32, #tpu.memory_space<hbm>>
      %dma_start3A_81 = arith.constant 0 : i32
      %dma_start3A_82 = arith.constant 0 : i32
      %dma_start3A_83 = tpu.memref_slice %arg3[%add3A, %dma_start3A_81, %dma_start3A_82] : memref<32x125x80xi32, #tpu.memory_space<hbm>> -> memref<1x125x80xi32, #tpu.memory_space<hbm>>
      %dma_start3A_84 = tpu.memref_squeeze %dma_start3A_83 : memref<1x125x80xi32, #tpu.memory_space<hbm>> -> memref<125x80xi32, #tpu.memory_space<hbm>>
      tpu.enqueue_dma source(%dma_start3A_84 : memref<125x80xi32, #tpu.memory_space<hbm>>) target(%arg9 : memref<125x80xi32, #tpu.memory_space<vmem>>) target_semaphore(%run_scoped3A : memref<!tpu.dma_semaphore, #tpu.memory_space<semaphore_mem>>)
      %dma_wait3A = arith.constant 0 : i32
      %dma_wait3A_85 = arith.constant 0 : i32
      %dma_wait3A_86 = tpu.memref_slice %arg3[%add3A, %dma_wait3A, %dma_wait3A_85] : memref<32x125x80xi32, #tpu.memory_space<hbm>> -> memref<1x125x80xi32, #tpu.memory_space<hbm>>
      %dma_wait3A_87 = tpu.memref_squeeze %dma_wait3A_86 : memref<1x125x80xi32, #tpu.memory_space<hbm>> -> memref<125x80xi32, #tpu.memory_space<hbm>>
      %dma_wait3A_88 = arith.constant 0 : i32
      %dma_wait3A_89 = arith.constant 0 : i32
      %dma_wait3A_90 = tpu.memref_slice %arg3[%add3A, %dma_wait3A_88, %dma_wait3A_89] : memref<32x125x80xi32, #tpu.memory_space<hbm>> -> memref<1x125x80xi32, #tpu.memory_space<hbm>>
      %dma_wait3A_91 = tpu.memref_squeeze %dma_wait3A_90 : memref<1x125x80xi32, #tpu.memory_space<hbm>> -> memref<125x80xi32, #tpu.memory_space<hbm>>
      tpu.wait_dma2 semaphore(%run_scoped3A : memref<!tpu.dma_semaphore, #tpu.memory_space<semaphore_mem>>) src(%dma_wait3A_91 : memref<125x80xi32, #tpu.memory_space<hbm>>) dst(%arg9 : memref<125x80xi32, #tpu.memory_space<vmem>>)
      tpu.yield
    }) : () -> ()
    %barrier3A = arith.constant 0 : index
    tpu.barrier barrier_id(%barrier3A)
    %mul3A_15 = arith.constant 10000 : i32
    %mul3A_16 = arith.muli %add3A, %mul3A_15 : i32
    %multiple_of3A = tpu.assume_multiple %mul3A_16, 80 : i32
    "tpu.region"() ({
      %run_scoped3A = tpu.sem_alloc : memref<!tpu.dma_semaphore, #tpu.memory_space<semaphore_mem>>
      %dma_start3A_77 = tpu.memref_slice %arg4[%multiple_of3A] : memref<320000xi32, #tpu.memory_space<hbm>> -> memref<80xi32, #tpu.memory_space<hbm>>
      %dma_start3A_78 = tpu.memref_slice %arg4[%multiple_of3A] : memref<320000xi32, #tpu.memory_space<hbm>> -> memref<80xi32, #tpu.memory_space<hbm>>
      tpu.enqueue_dma source(%dma_start3A_78 : memref<80xi32, #tpu.memory_space<hbm>>) target(%arg10 : memref<80xi32, #tpu.memory_space<vmem>>) target_semaphore(%run_scoped3A : memref<!tpu.dma_semaphore, #tpu.memory_space<semaphore_mem>>)
      %dma_wait3A = tpu.memref_slice %arg4[%multiple_of3A] : memref<320000xi32, #tpu.memory_space<hbm>> -> memref<80xi32, #tpu.memory_space<hbm>>
      %dma_wait3A_79 = tpu.memref_slice %arg4[%multiple_of3A] : memref<320000xi32, #tpu.memory_space<hbm>> -> memref<80xi32, #tpu.memory_space<hbm>>
      tpu.wait_dma2 semaphore(%run_scoped3A : memref<!tpu.dma_semaphore, #tpu.memory_space<semaphore_mem>>) src(%dma_wait3A_79 : memref<80xi32, #tpu.memory_space<hbm>>) dst(%arg10 : memref<80xi32, #tpu.memory_space<vmem>>)
      tpu.yield
    }) : () -> ()
    %dma_start3A = arith.constant 0 : i32
    %dma_start3A_17 = arith.constant 0 : i32
    %dma_start3A_18 = tpu.memref_slice %arg9[%dma_start3A, %dma_start3A_17] : memref<125x80xi32, #tpu.memory_space<vmem>> -> memref<1x80xi32, #tpu.memory_space<vmem>>
    %dma_start3A_19 = tpu.memref_squeeze %dma_start3A_18 : memref<1x80xi32, #tpu.memory_space<vmem>> -> memref<80xi32, #tpu.memory_space<vmem>>
    %dma_start3A_20 = arith.constant 0 : i32
    %dma_start3A_21 = arith.constant 0 : i32
    %dma_start3A_22 = tpu.memref_slice %arg2[%dma_start3A_20, %dma_start3A_21] : memref<10000x128xf32, #tpu.memory_space<hbm>> -> memref<10000x128xf32, #tpu.memory_space<hbm>>
    tpu.enqueue_indirect_dma source(%dma_start3A_22 : memref<10000x128xf32, #tpu.memory_space<hbm>>) target(%arg13 : memref<80x128xf32, #tpu.memory_space<vmem>>) offsets(%dma_start3A_19 : memref<80xi32, #tpu.memory_space<vmem>>) semaphore(%arg16 : memref<!tpu.dma_semaphore, #tpu.memory_space<semaphore_mem>>)
    %scan3A = arith.constant 0 : i32
    %scan3A_23 = arith.constant 0 : i32
    %scan3A_24 = arith.constant 125 : i32
    %scan3A_25 = arith.addi %scan3A_23, %scan3A_24 : i32
    %scan3A_26 = arith.constant 1 : i32
    %scan3A_27 = scf.for %scan3A_77 = %scan3A_23 to %scan3A_25 step %scan3A_26 iter_args(%scan3A_78 = %scan3A) -> (i32)  : i32 {
      %jit3A = arith.constant 2 : i32
      %eq3A = arith.constant 0 : i32
      %eq3A_79 = arith.cmpi eq, %jit3A, %eq3A : i32
      %jit3A_80 = arith.constant 1 : i32
      %select_n3A = arith.select %eq3A_79, %jit3A_80, %jit3A : i32
      %rem3A = arith.remsi %scan3A_77, %select_n3A : i32
      %ne3A = arith.constant 0 : i32
      %ne3A_81 = arith.cmpi ne, %rem3A, %ne3A : i32
      %lt3A = arith.constant 0 : i32
      %lt3A_82 = arith.cmpi slt, %rem3A, %lt3A : i32
      %lt3A_83 = arith.constant 0 : i32
      %lt3A_84 = arith.cmpi slt, %select_n3A, %lt3A_83 : i32
      %ne3A_85 = arith.xori %lt3A_82, %lt3A_84 : i1
      %and3A = arith.andi %ne3A_85, %ne3A_81 : i1
      %add3A_86 = arith.addi %rem3A, %select_n3A : i32
      %select_n3A_87 = arith.select %and3A, %add3A_86, %rem3A : i32
      %eq3A_88 = arith.constant 0 : i32
      %eq3A_89 = arith.cmpi eq, %select_n3A_87, %eq3A_88 : i32
      %convert_element_type3A = arith.extui %eq3A_89 : i1 to i32
      %cond3A = arith.constant 0 : i32
      %cond3A_90 = arith.cmpi ne, %convert_element_type3A, %cond3A : i32
      scf.if %cond3A_90 {
        %lt3A_113 = arith.constant 124 : i32
        %lt3A_114 = arith.cmpi slt, %scan3A_77, %lt3A_113 : i32
        %convert_element_type3A_115 = arith.extui %lt3A_114 : i1 to i32
        %cond3A_116 = arith.constant 0 : i32
        %cond3A_117 = arith.cmpi ne, %convert_element_type3A_115, %cond3A_116 : i32
        scf.if %cond3A_117 {
          %add3A_128 = arith.constant 1 : i32
          %add3A_129 = arith.addi %scan3A_77, %add3A_128 : i32
          %dma_start3A_130 = arith.constant 0 : i32
          %dma_start3A_131 = tpu.memref_slice %arg9[%add3A_129, %dma_start3A_130] : memref<125x80xi32, #tpu.memory_space<vmem>> -> memref<1x80xi32, #tpu.memory_space<vmem>>
          %dma_start3A_132 = tpu.memref_squeeze %dma_start3A_131 : memref<1x80xi32, #tpu.memory_space<vmem>> -> memref<80xi32, #tpu.memory_space<vmem>>
          %dma_start3A_133 = arith.constant 0 : i32
          %dma_start3A_134 = arith.constant 0 : i32
          %dma_start3A_135 = tpu.memref_slice %arg2[%dma_start3A_133, %dma_start3A_134] : memref<10000x128xf32, #tpu.memory_space<hbm>> -> memref<10000x128xf32, #tpu.memory_space<hbm>>
          tpu.enqueue_indirect_dma source(%dma_start3A_135 : memref<10000x128xf32, #tpu.memory_space<hbm>>) target(%arg14 : memref<80x128xf32, #tpu.memory_space<vmem>>) offsets(%dma_start3A_132 : memref<80xi32, #tpu.memory_space<vmem>>) semaphore(%arg17 : memref<!tpu.dma_semaphore, #tpu.memory_space<semaphore_mem>>)
          %add3A_136 = arith.constant 1 : i32
          %add3A_137 = arith.addi %scan3A_77, %add3A_136 : i32
          %mul3A_138 = arith.constant 80 : i32
          %mul3A_139 = arith.muli %add3A_137, %mul3A_138 : i32
          %add3A_140 = arith.addi %mul3A_16, %mul3A_139 : i32
          %multiple_of3A_141 = tpu.assume_multiple %add3A_140, 80 : i32
          %dma_start3A_142 = tpu.memref_slice %arg4[%multiple_of3A_141] : memref<320000xi32, #tpu.memory_space<hbm>> -> memref<80xi32, #tpu.memory_space<hbm>>
          %dma_start3A_143 = tpu.memref_slice %arg4[%multiple_of3A_141] : memref<320000xi32, #tpu.memory_space<hbm>> -> memref<80xi32, #tpu.memory_space<hbm>>
          tpu.enqueue_dma source(%dma_start3A_143 : memref<80xi32, #tpu.memory_space<hbm>>) target(%arg11 : memref<80xi32, #tpu.memory_space<vmem>>) target_semaphore(%arg19 : memref<!tpu.dma_semaphore, #tpu.memory_space<semaphore_mem>>)
        } else {
        }
        %dma_wait3A = arith.constant 0 : i32
        %dma_wait3A_118 = tpu.memref_slice %arg9[%scan3A_77, %dma_wait3A] : memref<125x80xi32, #tpu.memory_space<vmem>> -> memref<1x80xi32, #tpu.memory_space<vmem>>
        %dma_wait3A_119 = tpu.memref_squeeze %dma_wait3A_118 : memref<1x80xi32, #tpu.memory_space<vmem>> -> memref<80xi32, #tpu.memory_space<vmem>>
        %dma_wait3A_120 = arith.constant 0 : i32
        %dma_wait3A_121 = arith.constant 0 : i32
        %dma_wait3A_122 = tpu.memref_slice %arg2[%dma_wait3A_120, %dma_wait3A_121] : memref<10000x128xf32, #tpu.memory_space<hbm>> -> memref<10000x128xf32, #tpu.memory_space<hbm>>
        tpu.wait_indirect_dma semaphore(%arg16 : memref<!tpu.dma_semaphore, #tpu.memory_space<semaphore_mem>>) src(%dma_wait3A_122 : memref<10000x128xf32, #tpu.memory_space<hbm>>) dst(%arg13 : memref<80x128xf32, #tpu.memory_space<vmem>>)
        "tpu.region"() ({
          %run_scoped3A = tpu.sem_alloc : memref<!tpu.dma_semaphore, #tpu.memory_space<semaphore_mem>>
          %dma_start3A_128 = arith.constant 0 : i32
          %dma_start3A_129 = arith.constant 0 : i32
          %dma_start3A_130 = tpu.memref_slice %arg8[%dma_start3A_128, %dma_start3A_129] : memref<10000x128xf32, #tpu.memory_space<vmem_shared>> -> memref<10000x128xf32, #tpu.memory_space<vmem_shared>>
          tpu.enqueue_indirect_dma source(%arg13 : memref<80x128xf32, #tpu.memory_space<vmem>>) target(%dma_start3A_130 : memref<10000x128xf32, #tpu.memory_space<vmem_shared>>) offsets(%arg10 : memref<80xi32, #tpu.memory_space<vmem>>) semaphore(%run_scoped3A : memref<!tpu.dma_semaphore, #tpu.memory_space<semaphore_mem>>) {add = true}
          %dma_wait3A_131 = arith.constant 0 : i32
          %dma_wait3A_132 = arith.constant 0 : i32
          %dma_wait3A_133 = tpu.memref_slice %arg8[%dma_wait3A_131, %dma_wait3A_132] : memref<10000x128xf32, #tpu.memory_space<vmem_shared>> -> memref<10000x128xf32, #tpu.memory_space<vmem_shared>>
          tpu.wait_indirect_dma semaphore(%run_scoped3A : memref<!tpu.dma_semaphore, #tpu.memory_space<semaphore_mem>>) src(%arg13 : memref<80x128xf32, #tpu.memory_space<vmem>>) dst(%dma_wait3A_133 : memref<10000x128xf32, #tpu.memory_space<vmem_shared>>)
          tpu.yield
        }) : () -> ()
        %lt3A_123 = arith.constant 124 : i32
        %lt3A_124 = arith.cmpi slt, %scan3A_77, %lt3A_123 : i32
        %convert_element_type3A_125 = arith.extui %lt3A_124 : i1 to i32
        %cond3A_126 = arith.constant 0 : i32
        %cond3A_127 = arith.cmpi ne, %convert_element_type3A_125, %cond3A_126 : i32
        scf.if %cond3A_127 {
          %add3A_128 = arith.constant 1 : i32
          %add3A_129 = arith.addi %scan3A_77, %add3A_128 : i32
          %mul3A_130 = arith.constant 80 : i32
          %mul3A_131 = arith.muli %add3A_129, %mul3A_130 : i32
          %add3A_132 = arith.addi %mul3A_16, %mul3A_131 : i32
          %multiple_of3A_133 = tpu.assume_multiple %add3A_132, 80 : i32
          %dma_wait3A_134 = tpu.memref_slice %arg4[%multiple_of3A_133] : memref<320000xi32, #tpu.memory_space<hbm>> -> memref<80xi32, #tpu.memory_space<hbm>>
          %dma_wait3A_135 = tpu.memref_slice %arg4[%multiple_of3A_133] : memref<320000xi32, #tpu.memory_space<hbm>> -> memref<80xi32, #tpu.memory_space<hbm>>
          tpu.wait_dma2 semaphore(%arg19 : memref<!tpu.dma_semaphore, #tpu.memory_space<semaphore_mem>>) src(%dma_wait3A_135 : memref<80xi32, #tpu.memory_space<hbm>>) dst(%arg11 : memref<80xi32, #tpu.memory_space<vmem>>)
        } else {
        }
      } else {
      }
      %jit3A_91 = arith.constant 2 : i32
      %eq3A_92 = arith.constant 0 : i32
      %eq3A_93 = arith.cmpi eq, %jit3A_91, %eq3A_92 : i32
      %jit3A_94 = arith.constant 1 : i32
      %select_n3A_95 = arith.select %eq3A_93, %jit3A_94, %jit3A_91 : i32
      %rem3A_96 = arith.remsi %scan3A_77, %select_n3A_95 : i32
      %ne3A_97 = arith.constant 0 : i32
      %ne3A_98 = arith.cmpi ne, %rem3A_96, %ne3A_97 : i32
      %lt3A_99 = arith.constant 0 : i32
      %lt3A_100 = arith.cmpi slt, %rem3A_96, %lt3A_99 : i32
      %lt3A_101 = arith.constant 0 : i32
      %lt3A_102 = arith.cmpi slt, %select_n3A_95, %lt3A_101 : i32
      %ne3A_103 = arith.xori %lt3A_100, %lt3A_102 : i1
      %and3A_104 = arith.andi %ne3A_103, %ne3A_98 : i1
      %add3A_105 = arith.addi %rem3A_96, %select_n3A_95 : i32
      %select_n3A_106 = arith.select %and3A_104, %add3A_105, %rem3A_96 : i32
      %eq3A_107 = arith.constant 1 : i32
      %eq3A_108 = arith.cmpi eq, %select_n3A_106, %eq3A_107 : i32
      %convert_element_type3A_109 = arith.extui %eq3A_108 : i1 to i32
      %cond3A_110 = arith.constant 0 : i32
      %cond3A_111 = arith.cmpi ne, %convert_element_type3A_109, %cond3A_110 : i32
      scf.if %cond3A_111 {
        %lt3A_113 = arith.constant 124 : i32
        %lt3A_114 = arith.cmpi slt, %scan3A_77, %lt3A_113 : i32
        %convert_element_type3A_115 = arith.extui %lt3A_114 : i1 to i32
        %cond3A_116 = arith.constant 0 : i32
        %cond3A_117 = arith.cmpi ne, %convert_element_type3A_115, %cond3A_116 : i32
        scf.if %cond3A_117 {
          %add3A_128 = arith.constant 1 : i32
          %add3A_129 = arith.addi %scan3A_77, %add3A_128 : i32
          %dma_start3A_130 = arith.constant 0 : i32
          %dma_start3A_131 = tpu.memref_slice %arg9[%add3A_129, %dma_start3A_130] : memref<125x80xi32, #tpu.memory_space<vmem>> -> memref<1x80xi32, #tpu.memory_space<vmem>>
          %dma_start3A_132 = tpu.memref_squeeze %dma_start3A_131 : memref<1x80xi32, #tpu.memory_space<vmem>> -> memref<80xi32, #tpu.memory_space<vmem>>
          %dma_start3A_133 = arith.constant 0 : i32
          %dma_start3A_134 = arith.constant 0 : i32
          %dma_start3A_135 = tpu.memref_slice %arg2[%dma_start3A_133, %dma_start3A_134] : memref<10000x128xf32, #tpu.memory_space<hbm>> -> memref<10000x128xf32, #tpu.memory_space<hbm>>
          tpu.enqueue_indirect_dma source(%dma_start3A_135 : memref<10000x128xf32, #tpu.memory_space<hbm>>) target(%arg13 : memref<80x128xf32, #tpu.memory_space<vmem>>) offsets(%dma_start3A_132 : memref<80xi32, #tpu.memory_space<vmem>>) semaphore(%arg16 : memref<!tpu.dma_semaphore, #tpu.memory_space<semaphore_mem>>)
          %add3A_136 = arith.constant 1 : i32
          %add3A_137 = arith.addi %scan3A_77, %add3A_136 : i32
          %mul3A_138 = arith.constant 80 : i32
          %mul3A_139 = arith.muli %add3A_137, %mul3A_138 : i32
          %add3A_140 = arith.addi %mul3A_16, %mul3A_139 : i32
          %multiple_of3A_141 = tpu.assume_multiple %add3A_140, 80 : i32
          %dma_start3A_142 = tpu.memref_slice %arg4[%multiple_of3A_141] : memref<320000xi32, #tpu.memory_space<hbm>> -> memref<80xi32, #tpu.memory_space<hbm>>
          %dma_start3A_143 = tpu.memref_slice %arg4[%multiple_of3A_141] : memref<320000xi32, #tpu.memory_space<hbm>> -> memref<80xi32, #tpu.memory_space<hbm>>
          tpu.enqueue_dma source(%dma_start3A_143 : memref<80xi32, #tpu.memory_space<hbm>>) target(%arg10 : memref<80xi32, #tpu.memory_space<vmem>>) target_semaphore(%arg18 : memref<!tpu.dma_semaphore, #tpu.memory_space<semaphore_mem>>)
        } else {
        }
        %dma_wait3A = arith.constant 0 : i32
        %dma_wait3A_118 = tpu.memref_slice %arg9[%scan3A_77, %dma_wait3A] : memref<125x80xi32, #tpu.memory_space<vmem>> -> memref<1x80xi32, #tpu.memory_space<vmem>>
        %dma_wait3A_119 = tpu.memref_squeeze %dma_wait3A_118 : memref<1x80xi32, #tpu.memory_space<vmem>> -> memref<80xi32, #tpu.memory_space<vmem>>
        %dma_wait3A_120 = arith.constant 0 : i32
        %dma_wait3A_121 = arith.constant 0 : i32
        %dma_wait3A_122 = tpu.memref_slice %arg2[%dma_wait3A_120, %dma_wait3A_121] : memref<10000x128xf32, #tpu.memory_space<hbm>> -> memref<10000x128xf32, #tpu.memory_space<hbm>>
        tpu.wait_indirect_dma semaphore(%arg17 : memref<!tpu.dma_semaphore, #tpu.memory_space<semaphore_mem>>) src(%dma_wait3A_122 : memref<10000x128xf32, #tpu.memory_space<hbm>>) dst(%arg14 : memref<80x128xf32, #tpu.memory_space<vmem>>)
        "tpu.region"() ({
          %run_scoped3A = tpu.sem_alloc : memref<!tpu.dma_semaphore, #tpu.memory_space<semaphore_mem>>
          %dma_start3A_128 = arith.constant 0 : i32
          %dma_start3A_129 = arith.constant 0 : i32
          %dma_start3A_130 = tpu.memref_slice %arg8[%dma_start3A_128, %dma_start3A_129] : memref<10000x128xf32, #tpu.memory_space<vmem_shared>> -> memref<10000x128xf32, #tpu.memory_space<vmem_shared>>
          tpu.enqueue_indirect_dma source(%arg14 : memref<80x128xf32, #tpu.memory_space<vmem>>) target(%dma_start3A_130 : memref<10000x128xf32, #tpu.memory_space<vmem_shared>>) offsets(%arg11 : memref<80xi32, #tpu.memory_space<vmem>>) semaphore(%run_scoped3A : memref<!tpu.dma_semaphore, #tpu.memory_space<semaphore_mem>>) {add = true}
          %dma_wait3A_131 = arith.constant 0 : i32
          %dma_wait3A_132 = arith.constant 0 : i32
          %dma_wait3A_133 = tpu.memref_slice %arg8[%dma_wait3A_131, %dma_wait3A_132] : memref<10000x128xf32, #tpu.memory_space<vmem_shared>> -> memref<10000x128xf32, #tpu.memory_space<vmem_shared>>
          tpu.wait_indirect_dma semaphore(%run_scoped3A : memref<!tpu.dma_semaphore, #tpu.memory_space<semaphore_mem>>) src(%arg14 : memref<80x128xf32, #tpu.memory_space<vmem>>) dst(%dma_wait3A_133 : memref<10000x128xf32, #tpu.memory_space<vmem_shared>>)
          tpu.yield
        }) : () -> ()
        %lt3A_123 = arith.constant 124 : i32
        %lt3A_124 = arith.cmpi slt, %scan3A_77, %lt3A_123 : i32
        %convert_element_type3A_125 = arith.extui %lt3A_124 : i1 to i32
        %cond3A_126 = arith.constant 0 : i32
        %cond3A_127 = arith.cmpi ne, %convert_element_type3A_125, %cond3A_126 : i32
        scf.if %cond3A_127 {
          %add3A_128 = arith.constant 1 : i32
          %add3A_129 = arith.addi %scan3A_77, %add3A_128 : i32
          %mul3A_130 = arith.constant 80 : i32
          %mul3A_131 = arith.muli %add3A_129, %mul3A_130 : i32
          %add3A_132 = arith.addi %mul3A_16, %mul3A_131 : i32
          %multiple_of3A_133 = tpu.assume_multiple %add3A_132, 80 : i32
          %dma_wait3A_134 = tpu.memref_slice %arg4[%multiple_of3A_133] : memref<320000xi32, #tpu.memory_space<hbm>> -> memref<80xi32, #tpu.memory_space<hbm>>
          %dma_wait3A_135 = tpu.memref_slice %arg4[%multiple_of3A_133] : memref<320000xi32, #tpu.memory_space<hbm>> -> memref<80xi32, #tpu.memory_space<hbm>>
          tpu.wait_dma2 semaphore(%arg18 : memref<!tpu.dma_semaphore, #tpu.memory_space<semaphore_mem>>) src(%dma_wait3A_135 : memref<80xi32, #tpu.memory_space<hbm>>) dst(%arg10 : memref<80xi32, #tpu.memory_space<vmem>>)
        } else {
        }
      } else {
      }
      %scan3A_112 = arith.constant 0 : i32
      scf.yield %scan3A_112 : i32
    }
    %scan3A_28 = arith.constant 125 : i32
    %barrier3A_29 = arith.constant 0 : index
    tpu.barrier barrier_id(%barrier3A_29)
    %mul3A_30 = arith.constant 624 : i32
    %mul3A_31 = arith.muli %arg1, %mul3A_30 : i32
    %add3A_32 = arith.constant 0 : i32
    %add3A_33 = arith.addi %mul3A_31, %add3A_32 : i32
    "tpu.region"() ({
      %run_scoped3A = tpu.sem_alloc : memref<!tpu.dma_semaphore, #tpu.memory_space<semaphore_mem>>
      %dma_start3A_77 = tpu.memref_slice %arg5[%add3A_33] : memref<10000xi32, #tpu.memory_space<hbm>> -> memref<104xi32, #tpu.memory_space<hbm>>
      %dma_start3A_78 = tpu.memref_slice %arg5[%add3A_33] : memref<10000xi32, #tpu.memory_space<hbm>> -> memref<104xi32, #tpu.memory_space<hbm>>
      tpu.enqueue_dma source(%dma_start3A_78 : memref<104xi32, #tpu.memory_space<hbm>>) target(%arg12 : memref<104xi32, #tpu.memory_space<vmem>>) target_semaphore(%run_scoped3A : memref<!tpu.dma_semaphore, #tpu.memory_space<semaphore_mem>>)
      %dma_wait3A = tpu.memref_slice %arg5[%add3A_33] : memref<10000xi32, #tpu.memory_space<hbm>> -> memref<104xi32, #tpu.memory_space<hbm>>
      %dma_wait3A_79 = tpu.memref_slice %arg5[%add3A_33] : memref<10000xi32, #tpu.memory_space<hbm>> -> memref<104xi32, #tpu.memory_space<hbm>>
      tpu.wait_dma2 semaphore(%run_scoped3A : memref<!tpu.dma_semaphore, #tpu.memory_space<semaphore_mem>>) src(%dma_wait3A_79 : memref<104xi32, #tpu.memory_space<hbm>>) dst(%arg12 : memref<104xi32, #tpu.memory_space<vmem>>)
      tpu.yield
    }) : () -> ()
    "tpu.region"() ({
      %run_scoped3A = tpu.sem_alloc : memref<!tpu.dma_semaphore, #tpu.memory_space<semaphore_mem>>
      %dma_start3A_77 = arith.constant 0 : i32
      %dma_start3A_78 = arith.constant 0 : i32
      %dma_start3A_79 = tpu.memref_slice %arg8[%dma_start3A_77, %dma_start3A_78] : memref<10000x128xf32, #tpu.memory_space<vmem_shared>> -> memref<10000x128xf32, #tpu.memory_space<vmem_shared>>
      tpu.enqueue_indirect_dma source(%dma_start3A_79 : memref<10000x128xf32, #tpu.memory_space<vmem_shared>>) target(%arg15 : memref<104x128xf32, #tpu.memory_space<vmem>>) offsets(%arg12 : memref<104xi32, #tpu.memory_space<vmem>>) semaphore(%run_scoped3A : memref<!tpu.dma_semaphore, #tpu.memory_space<semaphore_mem>>)
      %dma_wait3A = arith.constant 0 : i32
      %dma_wait3A_80 = arith.constant 0 : i32
      %dma_wait3A_81 = tpu.memref_slice %arg8[%dma_wait3A, %dma_wait3A_80] : memref<10000x128xf32, #tpu.memory_space<vmem_shared>> -> memref<10000x128xf32, #tpu.memory_space<vmem_shared>>
      tpu.wait_indirect_dma semaphore(%run_scoped3A : memref<!tpu.dma_semaphore, #tpu.memory_space<semaphore_mem>>) src(%dma_wait3A_81 : memref<10000x128xf32, #tpu.memory_space<vmem_shared>>) dst(%arg15 : memref<104x128xf32, #tpu.memory_space<vmem>>)
      tpu.yield
    }) : () -> ()
    %mul3A_34 = arith.constant 10000 : i32
    %mul3A_35 = arith.muli %arg0, %mul3A_34 : i32
    %add3A_36 = arith.addi %mul3A_35, %add3A_33 : i32
    "tpu.region"() ({
      %run_scoped3A = tpu.sem_alloc : memref<!tpu.dma_semaphore, #tpu.memory_space<semaphore_mem>>
      %dma_start3A_77 = arith.constant 0 : i32
      %dma_start3A_78 = tpu.memref_slice %arg7[%add3A_36, %dma_start3A_77] : memref<20000x128xf32, #tpu.memory_space<hbm>> -> memref<104x128xf32, #tpu.memory_space<hbm>>
      %dma_start3A_79 = arith.constant 0 : i32
      %dma_start3A_80 = tpu.memref_slice %arg7[%add3A_36, %dma_start3A_79] : memref<20000x128xf32, #tpu.memory_space<hbm>> -> memref<104x128xf32, #tpu.memory_space<hbm>>
      tpu.enqueue_dma source(%arg15 : memref<104x128xf32, #tpu.memory_space<vmem>>) target(%dma_start3A_80 : memref<104x128xf32, #tpu.memory_space<hbm>>) target_semaphore(%run_scoped3A : memref<!tpu.dma_semaphore, #tpu.memory_space<semaphore_mem>>)
      %dma_wait3A = arith.constant 0 : i32
      %dma_wait3A_81 = tpu.memref_slice %arg7[%add3A_36, %dma_wait3A] : memref<20000x128xf32, #tpu.memory_space<hbm>> -> memref<104x128xf32, #tpu.memory_space<hbm>>
      %dma_wait3A_82 = arith.constant 0 : i32
      %dma_wait3A_83 = tpu.memref_slice %arg7[%add3A_36, %dma_wait3A_82] : memref<20000x128xf32, #tpu.memory_space<hbm>> -> memref<104x128xf32, #tpu.memory_space<hbm>>
      tpu.wait_dma2 semaphore(%run_scoped3A : memref<!tpu.dma_semaphore, #tpu.memory_space<semaphore_mem>>) src(%arg15 : memref<104x128xf32, #tpu.memory_space<vmem>>) dst(%dma_wait3A_83 : memref<104x128xf32, #tpu.memory_space<hbm>>)
      tpu.yield
    }) : () -> ()
    %mul3A_37 = arith.constant 624 : i32
    %mul3A_38 = arith.muli %arg1, %mul3A_37 : i32
    %add3A_39 = arith.constant 104 : i32
    %add3A_40 = arith.addi %mul3A_38, %add3A_39 : i32
    "tpu.region"() ({
      %run_scoped3A = tpu.sem_alloc : memref<!tpu.dma_semaphore, #tpu.memory_space<semaphore_mem>>
      %dma_start3A_77 = tpu.memref_slice %arg5[%add3A_40] : memref<10000xi32, #tpu.memory_space<hbm>> -> memref<104xi32, #tpu.memory_space<hbm>>
      %dma_start3A_78 = tpu.memref_slice %arg5[%add3A_40] : memref<10000xi32, #tpu.memory_space<hbm>> -> memref<104xi32, #tpu.memory_space<hbm>>
      tpu.enqueue_dma source(%dma_start3A_78 : memref<104xi32, #tpu.memory_space<hbm>>) target(%arg12 : memref<104xi32, #tpu.memory_space<vmem>>) target_semaphore(%run_scoped3A : memref<!tpu.dma_semaphore, #tpu.memory_space<semaphore_mem>>)
      %dma_wait3A = tpu.memref_slice %arg5[%add3A_40] : memref<10000xi32, #tpu.memory_space<hbm>> -> memref<104xi32, #tpu.memory_space<hbm>>
      %dma_wait3A_79 = tpu.memref_slice %arg5[%add3A_40] : memref<10000xi32, #tpu.memory_space<hbm>> -> memref<104xi32, #tpu.memory_space<hbm>>
      tpu.wait_dma2 semaphore(%run_scoped3A : memref<!tpu.dma_semaphore, #tpu.memory_space<semaphore_mem>>) src(%dma_wait3A_79 : memref<104xi32, #tpu.memory_space<hbm>>) dst(%arg12 : memref<104xi32, #tpu.memory_space<vmem>>)
      tpu.yield
    }) : () -> ()
    "tpu.region"() ({
      %run_scoped3A = tpu.sem_alloc : memref<!tpu.dma_semaphore, #tpu.memory_space<semaphore_mem>>
      %dma_start3A_77 = arith.constant 0 : i32
      %dma_start3A_78 = arith.constant 0 : i32
      %dma_start3A_79 = tpu.memref_slice %arg8[%dma_start3A_77, %dma_start3A_78] : memref<10000x128xf32, #tpu.memory_space<vmem_shared>> -> memref<10000x128xf32, #tpu.memory_space<vmem_shared>>
      tpu.enqueue_indirect_dma source(%dma_start3A_79 : memref<10000x128xf32, #tpu.memory_space<vmem_shared>>) target(%arg15 : memref<104x128xf32, #tpu.memory_space<vmem>>) offsets(%arg12 : memref<104xi32, #tpu.memory_space<vmem>>) semaphore(%run_scoped3A : memref<!tpu.dma_semaphore, #tpu.memory_space<semaphore_mem>>)
      %dma_wait3A = arith.constant 0 : i32
      %dma_wait3A_80 = arith.constant 0 : i32
      %dma_wait3A_81 = tpu.memref_slice %arg8[%dma_wait3A, %dma_wait3A_80] : memref<10000x128xf32, #tpu.memory_space<vmem_shared>> -> memref<10000x128xf32, #tpu.memory_space<vmem_shared>>
      tpu.wait_indirect_dma semaphore(%run_scoped3A : memref<!tpu.dma_semaphore, #tpu.memory_space<semaphore_mem>>) src(%dma_wait3A_81 : memref<10000x128xf32, #tpu.memory_space<vmem_shared>>) dst(%arg15 : memref<104x128xf32, #tpu.memory_space<vmem>>)
      tpu.yield
    }) : () -> ()
    %mul3A_41 = arith.constant 10000 : i32
    %mul3A_42 = arith.muli %arg0, %mul3A_41 : i32
    %add3A_43 = arith.addi %mul3A_42, %add3A_40 : i32
    "tpu.region"() ({
      %run_scoped3A = tpu.sem_alloc : memref<!tpu.dma_semaphore, #tpu.memory_space<semaphore_mem>>
      %dma_start3A_77 = arith.constant 0 : i32
      %dma_start3A_78 = tpu.memref_slice %arg7[%add3A_43, %dma_start3A_77] : memref<20000x128xf32, #tpu.memory_space<hbm>> -> memref<104x128xf32, #tpu.memory_space<hbm>>
      %dma_start3A_79 = arith.constant 0 : i32
      %dma_start3A_80 = tpu.memref_slice %arg7[%add3A_43, %dma_start3A_79] : memref<20000x128xf32, #tpu.memory_space<hbm>> -> memref<104x128xf32, #tpu.memory_space<hbm>>
      tpu.enqueue_dma source(%arg15 : memref<104x128xf32, #tpu.memory_space<vmem>>) target(%dma_start3A_80 : memref<104x128xf32, #tpu.memory_space<hbm>>) target_semaphore(%run_scoped3A : memref<!tpu.dma_semaphore, #tpu.memory_space<semaphore_mem>>)
      %dma_wait3A = arith.constant 0 : i32
      %dma_wait3A_81 = tpu.memref_slice %arg7[%add3A_43, %dma_wait3A] : memref<20000x128xf32, #tpu.memory_space<hbm>> -> memref<104x128xf32, #tpu.memory_space<hbm>>
      %dma_wait3A_82 = arith.constant 0 : i32
      %dma_wait3A_83 = tpu.memref_slice %arg7[%add3A_43, %dma_wait3A_82] : memref<20000x128xf32, #tpu.memory_space<hbm>> -> memref<104x128xf32, #tpu.memory_space<hbm>>
      tpu.wait_dma2 semaphore(%run_scoped3A : memref<!tpu.dma_semaphore, #tpu.memory_space<semaphore_mem>>) src(%arg15 : memref<104x128xf32, #tpu.memory_space<vmem>>) dst(%dma_wait3A_83 : memref<104x128xf32, #tpu.memory_space<hbm>>)
      tpu.yield
    }) : () -> ()
    %mul3A_44 = arith.constant 624 : i32
    %mul3A_45 = arith.muli %arg1, %mul3A_44 : i32
    %add3A_46 = arith.constant 208 : i32
    %add3A_47 = arith.addi %mul3A_45, %add3A_46 : i32
    "tpu.region"() ({
      %run_scoped3A = tpu.sem_alloc : memref<!tpu.dma_semaphore, #tpu.memory_space<semaphore_mem>>
      %dma_start3A_77 = tpu.memref_slice %arg5[%add3A_47] : memref<10000xi32, #tpu.memory_space<hbm>> -> memref<104xi32, #tpu.memory_space<hbm>>
      %dma_start3A_78 = tpu.memref_slice %arg5[%add3A_47] : memref<10000xi32, #tpu.memory_space<hbm>> -> memref<104xi32, #tpu.memory_space<hbm>>
      tpu.enqueue_dma source(%dma_start3A_78 : memref<104xi32, #tpu.memory_space<hbm>>) target(%arg12 : memref<104xi32, #tpu.memory_space<vmem>>) target_semaphore(%run_scoped3A : memref<!tpu.dma_semaphore, #tpu.memory_space<semaphore_mem>>)
      %dma_wait3A = tpu.memref_slice %arg5[%add3A_47] : memref<10000xi32, #tpu.memory_space<hbm>> -> memref<104xi32, #tpu.memory_space<hbm>>
      %dma_wait3A_79 = tpu.memref_slice %arg5[%add3A_47] : memref<10000xi32, #tpu.memory_space<hbm>> -> memref<104xi32, #tpu.memory_space<hbm>>
      tpu.wait_dma2 semaphore(%run_scoped3A : memref<!tpu.dma_semaphore, #tpu.memory_space<semaphore_mem>>) src(%dma_wait3A_79 : memref<104xi32, #tpu.memory_space<hbm>>) dst(%arg12 : memref<104xi32, #tpu.memory_space<vmem>>)
      tpu.yield
    }) : () -> ()
    "tpu.region"() ({
      %run_scoped3A = tpu.sem_alloc : memref<!tpu.dma_semaphore, #tpu.memory_space<semaphore_mem>>
      %dma_start3A_77 = arith.constant 0 : i32
      %dma_start3A_78 = arith.constant 0 : i32
      %dma_start3A_79 = tpu.memref_slice %arg8[%dma_start3A_77, %dma_start3A_78] : memref<10000x128xf32, #tpu.memory_space<vmem_shared>> -> memref<10000x128xf32, #tpu.memory_space<vmem_shared>>
      tpu.enqueue_indirect_dma source(%dma_start3A_79 : memref<10000x128xf32, #tpu.memory_space<vmem_shared>>) target(%arg15 : memref<104x128xf32, #tpu.memory_space<vmem>>) offsets(%arg12 : memref<104xi32, #tpu.memory_space<vmem>>) semaphore(%run_scoped3A : memref<!tpu.dma_semaphore, #tpu.memory_space<semaphore_mem>>)
      %dma_wait3A = arith.constant 0 : i32
      %dma_wait3A_80 = arith.constant 0 : i32
      %dma_wait3A_81 = tpu.memref_slice %arg8[%dma_wait3A, %dma_wait3A_80] : memref<10000x128xf32, #tpu.memory_space<vmem_shared>> -> memref<10000x128xf32, #tpu.memory_space<vmem_shared>>
      tpu.wait_indirect_dma semaphore(%run_scoped3A : memref<!tpu.dma_semaphore, #tpu.memory_space<semaphore_mem>>) src(%dma_wait3A_81 : memref<10000x128xf32, #tpu.memory_space<vmem_shared>>) dst(%arg15 : memref<104x128xf32, #tpu.memory_space<vmem>>)
      tpu.yield
    }) : () -> ()
    %mul3A_48 = arith.constant 10000 : i32
    %mul3A_49 = arith.muli %arg0, %mul3A_48 : i32
    %add3A_50 = arith.addi %mul3A_49, %add3A_47 : i32
    "tpu.region"() ({
      %run_scoped3A = tpu.sem_alloc : memref<!tpu.dma_semaphore, #tpu.memory_space<semaphore_mem>>
      %dma_start3A_77 = arith.constant 0 : i32
      %dma_start3A_78 = tpu.memref_slice %arg7[%add3A_50, %dma_start3A_77] : memref<20000x128xf32, #tpu.memory_space<hbm>> -> memref<104x128xf32, #tpu.memory_space<hbm>>
      %dma_start3A_79 = arith.constant 0 : i32
      %dma_start3A_80 = tpu.memref_slice %arg7[%add3A_50, %dma_start3A_79] : memref<20000x128xf32, #tpu.memory_space<hbm>> -> memref<104x128xf32, #tpu.memory_space<hbm>>
      tpu.enqueue_dma source(%arg15 : memref<104x128xf32, #tpu.memory_space<vmem>>) target(%dma_start3A_80 : memref<104x128xf32, #tpu.memory_space<hbm>>) target_semaphore(%run_scoped3A : memref<!tpu.dma_semaphore, #tpu.memory_space<semaphore_mem>>)
      %dma_wait3A = arith.constant 0 : i32
      %dma_wait3A_81 = tpu.memref_slice %arg7[%add3A_50, %dma_wait3A] : memref<20000x128xf32, #tpu.memory_space<hbm>> -> memref<104x128xf32, #tpu.memory_space<hbm>>
      %dma_wait3A_82 = arith.constant 0 : i32
      %dma_wait3A_83 = tpu.memref_slice %arg7[%add3A_50, %dma_wait3A_82] : memref<20000x128xf32, #tpu.memory_space<hbm>> -> memref<104x128xf32, #tpu.memory_space<hbm>>
      tpu.wait_dma2 semaphore(%run_scoped3A : memref<!tpu.dma_semaphore, #tpu.memory_space<semaphore_mem>>) src(%arg15 : memref<104x128xf32, #tpu.memory_space<vmem>>) dst(%dma_wait3A_83 : memref<104x128xf32, #tpu.memory_space<hbm>>)
      tpu.yield
    }) : () -> ()
    %mul3A_51 = arith.constant 624 : i32
    %mul3A_52 = arith.muli %arg1, %mul3A_51 : i32
    %add3A_53 = arith.constant 312 : i32
    %add3A_54 = arith.addi %mul3A_52, %add3A_53 : i32
    "tpu.region"() ({
      %run_scoped3A = tpu.sem_alloc : memref<!tpu.dma_semaphore, #tpu.memory_space<semaphore_mem>>
      %dma_start3A_77 = tpu.memref_slice %arg5[%add3A_54] : memref<10000xi32, #tpu.memory_space<hbm>> -> memref<104xi32, #tpu.memory_space<hbm>>
      %dma_start3A_78 = tpu.memref_slice %arg5[%add3A_54] : memref<10000xi32, #tpu.memory_space<hbm>> -> memref<104xi32, #tpu.memory_space<hbm>>
      tpu.enqueue_dma source(%dma_start3A_78 : memref<104xi32, #tpu.memory_space<hbm>>) target(%arg12 : memref<104xi32, #tpu.memory_space<vmem>>) target_semaphore(%run_scoped3A : memref<!tpu.dma_semaphore, #tpu.memory_space<semaphore_mem>>)
      %dma_wait3A = tpu.memref_slice %arg5[%add3A_54] : memref<10000xi32, #tpu.memory_space<hbm>> -> memref<104xi32, #tpu.memory_space<hbm>>
      %dma_wait3A_79 = tpu.memref_slice %arg5[%add3A_54] : memref<10000xi32, #tpu.memory_space<hbm>> -> memref<104xi32, #tpu.memory_space<hbm>>
      tpu.wait_dma2 semaphore(%run_scoped3A : memref<!tpu.dma_semaphore, #tpu.memory_space<semaphore_mem>>) src(%dma_wait3A_79 : memref<104xi32, #tpu.memory_space<hbm>>) dst(%arg12 : memref<104xi32, #tpu.memory_space<vmem>>)
      tpu.yield
    }) : () -> ()
    "tpu.region"() ({
      %run_scoped3A = tpu.sem_alloc : memref<!tpu.dma_semaphore, #tpu.memory_space<semaphore_mem>>
      %dma_start3A_77 = arith.constant 0 : i32
      %dma_start3A_78 = arith.constant 0 : i32
      %dma_start3A_79 = tpu.memref_slice %arg8[%dma_start3A_77, %dma_start3A_78] : memref<10000x128xf32, #tpu.memory_space<vmem_shared>> -> memref<10000x128xf32, #tpu.memory_space<vmem_shared>>
      tpu.enqueue_indirect_dma source(%dma_start3A_79 : memref<10000x128xf32, #tpu.memory_space<vmem_shared>>) target(%arg15 : memref<104x128xf32, #tpu.memory_space<vmem>>) offsets(%arg12 : memref<104xi32, #tpu.memory_space<vmem>>) semaphore(%run_scoped3A : memref<!tpu.dma_semaphore, #tpu.memory_space<semaphore_mem>>)
      %dma_wait3A = arith.constant 0 : i32
      %dma_wait3A_80 = arith.constant 0 : i32
      %dma_wait3A_81 = tpu.memref_slice %arg8[%dma_wait3A, %dma_wait3A_80] : memref<10000x128xf32, #tpu.memory_space<vmem_shared>> -> memref<10000x128xf32, #tpu.memory_space<vmem_shared>>
      tpu.wait_indirect_dma semaphore(%run_scoped3A : memref<!tpu.dma_semaphore, #tpu.memory_space<semaphore_mem>>) src(%dma_wait3A_81 : memref<10000x128xf32, #tpu.memory_space<vmem_shared>>) dst(%arg15 : memref<104x128xf32, #tpu.memory_space<vmem>>)
      tpu.yield
    }) : () -> ()
    %mul3A_55 = arith.constant 10000 : i32
    %mul3A_56 = arith.muli %arg0, %mul3A_55 : i32
    %add3A_57 = arith.addi %mul3A_56, %add3A_54 : i32
    "tpu.region"() ({
      %run_scoped3A = tpu.sem_alloc : memref<!tpu.dma_semaphore, #tpu.memory_space<semaphore_mem>>
      %dma_start3A_77 = arith.constant 0 : i32
      %dma_start3A_78 = tpu.memref_slice %arg7[%add3A_57, %dma_start3A_77] : memref<20000x128xf32, #tpu.memory_space<hbm>> -> memref<104x128xf32, #tpu.memory_space<hbm>>
      %dma_start3A_79 = arith.constant 0 : i32
      %dma_start3A_80 = tpu.memref_slice %arg7[%add3A_57, %dma_start3A_79] : memref<20000x128xf32, #tpu.memory_space<hbm>> -> memref<104x128xf32, #tpu.memory_space<hbm>>
      tpu.enqueue_dma source(%arg15 : memref<104x128xf32, #tpu.memory_space<vmem>>) target(%dma_start3A_80 : memref<104x128xf32, #tpu.memory_space<hbm>>) target_semaphore(%run_scoped3A : memref<!tpu.dma_semaphore, #tpu.memory_space<semaphore_mem>>)
      %dma_wait3A = arith.constant 0 : i32
      %dma_wait3A_81 = tpu.memref_slice %arg7[%add3A_57, %dma_wait3A] : memref<20000x128xf32, #tpu.memory_space<hbm>> -> memref<104x128xf32, #tpu.memory_space<hbm>>
      %dma_wait3A_82 = arith.constant 0 : i32
      %dma_wait3A_83 = tpu.memref_slice %arg7[%add3A_57, %dma_wait3A_82] : memref<20000x128xf32, #tpu.memory_space<hbm>> -> memref<104x128xf32, #tpu.memory_space<hbm>>
      tpu.wait_dma2 semaphore(%run_scoped3A : memref<!tpu.dma_semaphore, #tpu.memory_space<semaphore_mem>>) src(%arg15 : memref<104x128xf32, #tpu.memory_space<vmem>>) dst(%dma_wait3A_83 : memref<104x128xf32, #tpu.memory_space<hbm>>)
      tpu.yield
    }) : () -> ()
    %mul3A_58 = arith.constant 624 : i32
    %mul3A_59 = arith.muli %arg1, %mul3A_58 : i32
    %add3A_60 = arith.constant 416 : i32
    %add3A_61 = arith.addi %mul3A_59, %add3A_60 : i32
    "tpu.region"() ({
      %run_scoped3A = tpu.sem_alloc : memref<!tpu.dma_semaphore, #tpu.memory_space<semaphore_mem>>
      %dma_start3A_77 = tpu.memref_slice %arg5[%add3A_61] : memref<10000xi32, #tpu.memory_space<hbm>> -> memref<104xi32, #tpu.memory_space<hbm>>
      %dma_start3A_78 = tpu.memref_slice %arg5[%add3A_61] : memref<10000xi32, #tpu.memory_space<hbm>> -> memref<104xi32, #tpu.memory_space<hbm>>
      tpu.enqueue_dma source(%dma_start3A_78 : memref<104xi32, #tpu.memory_space<hbm>>) target(%arg12 : memref<104xi32, #tpu.memory_space<vmem>>) target_semaphore(%run_scoped3A : memref<!tpu.dma_semaphore, #tpu.memory_space<semaphore_mem>>)
      %dma_wait3A = tpu.memref_slice %arg5[%add3A_61] : memref<10000xi32, #tpu.memory_space<hbm>> -> memref<104xi32, #tpu.memory_space<hbm>>
      %dma_wait3A_79 = tpu.memref_slice %arg5[%add3A_61] : memref<10000xi32, #tpu.memory_space<hbm>> -> memref<104xi32, #tpu.memory_space<hbm>>
      tpu.wait_dma2 semaphore(%run_scoped3A : memref<!tpu.dma_semaphore, #tpu.memory_space<semaphore_mem>>) src(%dma_wait3A_79 : memref<104xi32, #tpu.memory_space<hbm>>) dst(%arg12 : memref<104xi32, #tpu.memory_space<vmem>>)
      tpu.yield
    }) : () -> ()
    "tpu.region"() ({
      %run_scoped3A = tpu.sem_alloc : memref<!tpu.dma_semaphore, #tpu.memory_space<semaphore_mem>>
      %dma_start3A_77 = arith.constant 0 : i32
      %dma_start3A_78 = arith.constant 0 : i32
      %dma_start3A_79 = tpu.memref_slice %arg8[%dma_start3A_77, %dma_start3A_78] : memref<10000x128xf32, #tpu.memory_space<vmem_shared>> -> memref<10000x128xf32, #tpu.memory_space<vmem_shared>>
      tpu.enqueue_indirect_dma source(%dma_start3A_79 : memref<10000x128xf32, #tpu.memory_space<vmem_shared>>) target(%arg15 : memref<104x128xf32, #tpu.memory_space<vmem>>) offsets(%arg12 : memref<104xi32, #tpu.memory_space<vmem>>) semaphore(%run_scoped3A : memref<!tpu.dma_semaphore, #tpu.memory_space<semaphore_mem>>)
      %dma_wait3A = arith.constant 0 : i32
      %dma_wait3A_80 = arith.constant 0 : i32
      %dma_wait3A_81 = tpu.memref_slice %arg8[%dma_wait3A, %dma_wait3A_80] : memref<10000x128xf32, #tpu.memory_space<vmem_shared>> -> memref<10000x128xf32, #tpu.memory_space<vmem_shared>>
      tpu.wait_indirect_dma semaphore(%run_scoped3A : memref<!tpu.dma_semaphore, #tpu.memory_space<semaphore_mem>>) src(%dma_wait3A_81 : memref<10000x128xf32, #tpu.memory_space<vmem_shared>>) dst(%arg15 : memref<104x128xf32, #tpu.memory_space<vmem>>)
      tpu.yield
    }) : () -> ()
    %mul3A_62 = arith.constant 10000 : i32
    %mul3A_63 = arith.muli %arg0, %mul3A_62 : i32
    %add3A_64 = arith.addi %mul3A_63, %add3A_61 : i32
    "tpu.region"() ({
      %run_scoped3A = tpu.sem_alloc : memref<!tpu.dma_semaphore, #tpu.memory_space<semaphore_mem>>
      %dma_start3A_77 = arith.constant 0 : i32
      %dma_start3A_78 = tpu.memref_slice %arg7[%add3A_64, %dma_start3A_77] : memref<20000x128xf32, #tpu.memory_space<hbm>> -> memref<104x128xf32, #tpu.memory_space<hbm>>
      %dma_start3A_79 = arith.constant 0 : i32
      %dma_start3A_80 = tpu.memref_slice %arg7[%add3A_64, %dma_start3A_79] : memref<20000x128xf32, #tpu.memory_space<hbm>> -> memref<104x128xf32, #tpu.memory_space<hbm>>
      tpu.enqueue_dma source(%arg15 : memref<104x128xf32, #tpu.memory_space<vmem>>) target(%dma_start3A_80 : memref<104x128xf32, #tpu.memory_space<hbm>>) target_semaphore(%run_scoped3A : memref<!tpu.dma_semaphore, #tpu.memory_space<semaphore_mem>>)
      %dma_wait3A = arith.constant 0 : i32
      %dma_wait3A_81 = tpu.memref_slice %arg7[%add3A_64, %dma_wait3A] : memref<20000x128xf32, #tpu.memory_space<hbm>> -> memref<104x128xf32, #tpu.memory_space<hbm>>
      %dma_wait3A_82 = arith.constant 0 : i32
      %dma_wait3A_83 = tpu.memref_slice %arg7[%add3A_64, %dma_wait3A_82] : memref<20000x128xf32, #tpu.memory_space<hbm>> -> memref<104x128xf32, #tpu.memory_space<hbm>>
      tpu.wait_dma2 semaphore(%run_scoped3A : memref<!tpu.dma_semaphore, #tpu.memory_space<semaphore_mem>>) src(%arg15 : memref<104x128xf32, #tpu.memory_space<vmem>>) dst(%dma_wait3A_83 : memref<104x128xf32, #tpu.memory_space<hbm>>)
      tpu.yield
    }) : () -> ()
    %mul3A_65 = arith.constant 624 : i32
    %mul3A_66 = arith.muli %arg1, %mul3A_65 : i32
    %add3A_67 = arith.constant 520 : i32
    %add3A_68 = arith.addi %mul3A_66, %add3A_67 : i32
    "tpu.region"() ({
      %run_scoped3A = tpu.sem_alloc : memref<!tpu.dma_semaphore, #tpu.memory_space<semaphore_mem>>
      %dma_start3A_77 = tpu.memref_slice %arg5[%add3A_68] : memref<10000xi32, #tpu.memory_space<hbm>> -> memref<104xi32, #tpu.memory_space<hbm>>
      %dma_start3A_78 = tpu.memref_slice %arg5[%add3A_68] : memref<10000xi32, #tpu.memory_space<hbm>> -> memref<104xi32, #tpu.memory_space<hbm>>
      tpu.enqueue_dma source(%dma_start3A_78 : memref<104xi32, #tpu.memory_space<hbm>>) target(%arg12 : memref<104xi32, #tpu.memory_space<vmem>>) target_semaphore(%run_scoped3A : memref<!tpu.dma_semaphore, #tpu.memory_space<semaphore_mem>>)
      %dma_wait3A = tpu.memref_slice %arg5[%add3A_68] : memref<10000xi32, #tpu.memory_space<hbm>> -> memref<104xi32, #tpu.memory_space<hbm>>
      %dma_wait3A_79 = tpu.memref_slice %arg5[%add3A_68] : memref<10000xi32, #tpu.memory_space<hbm>> -> memref<104xi32, #tpu.memory_space<hbm>>
      tpu.wait_dma2 semaphore(%run_scoped3A : memref<!tpu.dma_semaphore, #tpu.memory_space<semaphore_mem>>) src(%dma_wait3A_79 : memref<104xi32, #tpu.memory_space<hbm>>) dst(%arg12 : memref<104xi32, #tpu.memory_space<vmem>>)
      tpu.yield
    }) : () -> ()
    "tpu.region"() ({
      %run_scoped3A = tpu.sem_alloc : memref<!tpu.dma_semaphore, #tpu.memory_space<semaphore_mem>>
      %dma_start3A_77 = arith.constant 0 : i32
      %dma_start3A_78 = arith.constant 0 : i32
      %dma_start3A_79 = tpu.memref_slice %arg8[%dma_start3A_77, %dma_start3A_78] : memref<10000x128xf32, #tpu.memory_space<vmem_shared>> -> memref<10000x128xf32, #tpu.memory_space<vmem_shared>>
      tpu.enqueue_indirect_dma source(%dma_start3A_79 : memref<10000x128xf32, #tpu.memory_space<vmem_shared>>) target(%arg15 : memref<104x128xf32, #tpu.memory_space<vmem>>) offsets(%arg12 : memref<104xi32, #tpu.memory_space<vmem>>) semaphore(%run_scoped3A : memref<!tpu.dma_semaphore, #tpu.memory_space<semaphore_mem>>)
      %dma_wait3A = arith.constant 0 : i32
      %dma_wait3A_80 = arith.constant 0 : i32
      %dma_wait3A_81 = tpu.memref_slice %arg8[%dma_wait3A, %dma_wait3A_80] : memref<10000x128xf32, #tpu.memory_space<vmem_shared>> -> memref<10000x128xf32, #tpu.memory_space<vmem_shared>>
      tpu.wait_indirect_dma semaphore(%run_scoped3A : memref<!tpu.dma_semaphore, #tpu.memory_space<semaphore_mem>>) src(%dma_wait3A_81 : memref<10000x128xf32, #tpu.memory_space<vmem_shared>>) dst(%arg15 : memref<104x128xf32, #tpu.memory_space<vmem>>)
      tpu.yield
    }) : () -> ()
    %mul3A_69 = arith.constant 10000 : i32
    %mul3A_70 = arith.muli %arg0, %mul3A_69 : i32
    %add3A_71 = arith.addi %mul3A_70, %add3A_68 : i32
    "tpu.region"() ({
      %run_scoped3A = tpu.sem_alloc : memref<!tpu.dma_semaphore, #tpu.memory_space<semaphore_mem>>
      %dma_start3A_77 = arith.constant 0 : i32
      %dma_start3A_78 = tpu.memref_slice %arg7[%add3A_71, %dma_start3A_77] : memref<20000x128xf32, #tpu.memory_space<hbm>> -> memref<104x128xf32, #tpu.memory_space<hbm>>
      %dma_start3A_79 = arith.constant 0 : i32
      %dma_start3A_80 = tpu.memref_slice %arg7[%add3A_71, %dma_start3A_79] : memref<20000x128xf32, #tpu.memory_space<hbm>> -> memref<104x128xf32, #tpu.memory_space<hbm>>
      tpu.enqueue_dma source(%arg15 : memref<104x128xf32, #tpu.memory_space<vmem>>) target(%dma_start3A_80 : memref<104x128xf32, #tpu.memory_space<hbm>>) target_semaphore(%run_scoped3A : memref<!tpu.dma_semaphore, #tpu.memory_space<semaphore_mem>>)
      %dma_wait3A = arith.constant 0 : i32
      %dma_wait3A_81 = tpu.memref_slice %arg7[%add3A_71, %dma_wait3A] : memref<20000x128xf32, #tpu.memory_space<hbm>> -> memref<104x128xf32, #tpu.memory_space<hbm>>
      %dma_wait3A_82 = arith.constant 0 : i32
      %dma_wait3A_83 = tpu.memref_slice %arg7[%add3A_71, %dma_wait3A_82] : memref<20000x128xf32, #tpu.memory_space<hbm>> -> memref<104x128xf32, #tpu.memory_space<hbm>>
      tpu.wait_dma2 semaphore(%run_scoped3A : memref<!tpu.dma_semaphore, #tpu.memory_space<semaphore_mem>>) src(%arg15 : memref<104x128xf32, #tpu.memory_space<vmem>>) dst(%dma_wait3A_83 : memref<104x128xf32, #tpu.memory_space<hbm>>)
      tpu.yield
    }) : () -> ()
    "tpu.region"() ({
      %run_scoped3A = tpu.sem_alloc : memref<!tpu.dma_semaphore, #tpu.memory_space<semaphore_mem>>
      %dma_start3A_77 = arith.constant 9896 : i32
      %dma_start3A_78 = tpu.memref_slice %arg5[%dma_start3A_77] : memref<10000xi32, #tpu.memory_space<hbm>> -> memref<104xi32, #tpu.memory_space<hbm>>
      %dma_start3A_79 = arith.constant 9896 : i32
      %dma_start3A_80 = tpu.memref_slice %arg5[%dma_start3A_79] : memref<10000xi32, #tpu.memory_space<hbm>> -> memref<104xi32, #tpu.memory_space<hbm>>
      tpu.enqueue_dma source(%dma_start3A_80 : memref<104xi32, #tpu.memory_space<hbm>>) target(%arg12 : memref<104xi32, #tpu.memory_space<vmem>>) target_semaphore(%run_scoped3A : memref<!tpu.dma_semaphore, #tpu.memory_space<semaphore_mem>>)
      %dma_wait3A = arith.constant 9896 : i32
      %dma_wait3A_81 = tpu.memref_slice %arg5[%dma_wait3A] : memref<10000xi32, #tpu.memory_space<hbm>> -> memref<104xi32, #tpu.memory_space<hbm>>
      %dma_wait3A_82 = arith.constant 9896 : i32
      %dma_wait3A_83 = tpu.memref_slice %arg5[%dma_wait3A_82] : memref<10000xi32, #tpu.memory_space<hbm>> -> memref<104xi32, #tpu.memory_space<hbm>>
      tpu.wait_dma2 semaphore(%run_scoped3A : memref<!tpu.dma_semaphore, #tpu.memory_space<semaphore_mem>>) src(%dma_wait3A_83 : memref<104xi32, #tpu.memory_space<hbm>>) dst(%arg12 : memref<104xi32, #tpu.memory_space<vmem>>)
      tpu.yield
    }) : () -> ()
    "tpu.region"() ({
      %run_scoped3A = tpu.sem_alloc : memref<!tpu.dma_semaphore, #tpu.memory_space<semaphore_mem>>
      %dma_start3A_77 = arith.constant 0 : i32
      %dma_start3A_78 = arith.constant 0 : i32
      %dma_start3A_79 = tpu.memref_slice %arg8[%dma_start3A_77, %dma_start3A_78] : memref<10000x128xf32, #tpu.memory_space<vmem_shared>> -> memref<10000x128xf32, #tpu.memory_space<vmem_shared>>
      tpu.enqueue_indirect_dma source(%dma_start3A_79 : memref<10000x128xf32, #tpu.memory_space<vmem_shared>>) target(%arg15 : memref<104x128xf32, #tpu.memory_space<vmem>>) offsets(%arg12 : memref<104xi32, #tpu.memory_space<vmem>>) semaphore(%run_scoped3A : memref<!tpu.dma_semaphore, #tpu.memory_space<semaphore_mem>>)
      %dma_wait3A = arith.constant 0 : i32
      %dma_wait3A_80 = arith.constant 0 : i32
      %dma_wait3A_81 = tpu.memref_slice %arg8[%dma_wait3A, %dma_wait3A_80] : memref<10000x128xf32, #tpu.memory_space<vmem_shared>> -> memref<10000x128xf32, #tpu.memory_space<vmem_shared>>
      tpu.wait_indirect_dma semaphore(%run_scoped3A : memref<!tpu.dma_semaphore, #tpu.memory_space<semaphore_mem>>) src(%dma_wait3A_81 : memref<10000x128xf32, #tpu.memory_space<vmem_shared>>) dst(%arg15 : memref<104x128xf32, #tpu.memory_space<vmem>>)
      tpu.yield
    }) : () -> ()
    %mul3A_72 = arith.constant 10000 : i32
    %mul3A_73 = arith.muli %arg0, %mul3A_72 : i32
    %add3A_74 = arith.constant 10000 : i32
    %add3A_75 = arith.addi %mul3A_73, %add3A_74 : i32
    %sub3A = arith.constant 104 : i32
    %sub3A_76 = arith.subi %add3A_75, %sub3A : i32
    "tpu.region"() ({
      %run_scoped3A = tpu.sem_alloc : memref<!tpu.dma_semaphore, #tpu.memory_space<semaphore_mem>>
      %dma_start3A_77 = arith.constant 0 : i32
      %dma_start3A_78 = tpu.memref_slice %arg7[%sub3A_76, %dma_start3A_77] : memref<20000x128xf32, #tpu.memory_space<hbm>> -> memref<104x128xf32, #tpu.memory_space<hbm>>
      %dma_start3A_79 = arith.constant 0 : i32
      %dma_start3A_80 = tpu.memref_slice %arg7[%sub3A_76, %dma_start3A_79] : memref<20000x128xf32, #tpu.memory_space<hbm>> -> memref<104x128xf32, #tpu.memory_space<hbm>>
      tpu.enqueue_dma source(%arg15 : memref<104x128xf32, #tpu.memory_space<vmem>>) target(%dma_start3A_80 : memref<104x128xf32, #tpu.memory_space<hbm>>) target_semaphore(%run_scoped3A : memref<!tpu.dma_semaphore, #tpu.memory_space<semaphore_mem>>)
      %dma_wait3A = arith.constant 0 : i32
      %dma_wait3A_81 = tpu.memref_slice %arg7[%sub3A_76, %dma_wait3A] : memref<20000x128xf32, #tpu.memory_space<hbm>> -> memref<104x128xf32, #tpu.memory_space<hbm>>
      %dma_wait3A_82 = arith.constant 0 : i32
      %dma_wait3A_83 = tpu.memref_slice %arg7[%sub3A_76, %dma_wait3A_82] : memref<20000x128xf32, #tpu.memory_space<hbm>> -> memref<104x128xf32, #tpu.memory_space<hbm>>
      tpu.wait_dma2 semaphore(%run_scoped3A : memref<!tpu.dma_semaphore, #tpu.memory_space<semaphore_mem>>) src(%arg15 : memref<104x128xf32, #tpu.memory_space<vmem>>) dst(%dma_wait3A_83 : memref<104x128xf32, #tpu.memory_space<hbm>>)
      tpu.yield
    }) : () -> ()
    return
  }
}

#map = affine_map<(d0, d1) -> (0, 0)>
#map1 = affine_map<(d0, d1) -> (0, 0, 0)>
#map2 = affine_map<(d0, d1) -> (0)>
module attributes {stable_mosaic.version = 14 : i64} {
  func.func @_sc_agg(%arg0: i32, %arg1: i32, %arg2: memref<10000x128xf32, #tpu.memory_space<hbm>>, %arg3: memref<32x125x80xi32, #tpu.memory_space<hbm>>, %arg4: memref<320000xi32, #tpu.memory_space<hbm>>, %arg5: memref<10000xi32, #tpu.memory_space<hbm>>, %arg6: memref<104x128xf32, #tpu.memory_space<hbm>>, %arg7: memref<20000x128xf32, #tpu.memory_space<hbm>>, %arg8: memref<10000x128xf32, #tpu.memory_space<vmem_shared>>, %arg9: memref<125x80xi32, #tpu.memory_space<vmem>>, %arg10: memref<80xi32, #tpu.memory_space<vmem>>, %arg11: memref<80xi32, #tpu.memory_space<vmem>>, %arg12: memref<104xi32, #tpu.memory_space<vmem>>, %arg13: memref<80x128xf32, #tpu.memory_space<vmem>>, %arg14: memref<80x128xf32, #tpu.memory_space<vmem>>, %arg15: memref<104x128xf32, #tpu.memory_space<vmem>>, %arg16: memref<!tpu.dma_semaphore, #tpu.memory_space<semaphore_mem>>, %arg17: memref<!tpu.dma_semaphore, #tpu.memory_space<semaphore_mem>>, %arg18: memref<!tpu.dma_semaphore, #tpu.memory_space<semaphore_mem>>, %arg19: memref<!tpu.dma_semaphore, #tpu.memory_space<semaphore_mem>>) attributes {dimension_semantics = [#tpu.dimension_semantics<core_parallel>, #tpu.dimension_semantics<subcore_parallel>], iteration_bounds = array<i64: 2, 16>, scalar_prefetch = 0 : i64, scratch_operands = 12 : i64, tpu.core_type = #tpu.core_type<sc_vector_subcore>, window_params = [{transform_indices = #map}, {transform_indices = #map1}, {transform_indices = #map2}, {transform_indices = #map2}, {transform_indices = #map}, {transform_indices = #map}]} {
    %mul3A = arith.constant 16 : i32
    %mul3A_0 = arith.muli %arg0, %mul3A : i32
    %add3A = arith.addi %mul3A_0, %arg1 : i32
    "tpu.region"() ({
      %run_scoped3A = tpu.sem_alloc : memref<!tpu.dma_semaphore, #tpu.memory_space<semaphore_mem>>
      tpu.enqueue_dma source(%arg6 : memref<104x128xf32, #tpu.memory_space<hbm>>) target(%arg15 : memref<104x128xf32, #tpu.memory_space<vmem>>) target_semaphore(%run_scoped3A : memref<!tpu.dma_semaphore, #tpu.memory_space<semaphore_mem>>)
      tpu.wait_dma2 semaphore(%run_scoped3A : memref<!tpu.dma_semaphore, #tpu.memory_space<semaphore_mem>>) src(%arg6 : memref<104x128xf32, #tpu.memory_space<hbm>>) dst(%arg15 : memref<104x128xf32, #tpu.memory_space<vmem>>)
      tpu.yield
    }) : () -> ()
    %mul3A_1 = arith.constant 624 : i32
    %mul3A_2 = arith.muli %arg1, %mul3A_1 : i32
    %add3A_3 = arith.constant 0 : i32
    %add3A_4 = arith.addi %mul3A_2, %add3A_3 : i32
    "tpu.region"() ({
      %run_scoped3A = tpu.sem_alloc : memref<!tpu.dma_semaphore, #tpu.memory_space<semaphore_mem>>
      %dma_start3A_77 = tpu.memref_slice %arg5[%add3A_4] : memref<10000xi32, #tpu.memory_space<hbm>> -> memref<104xi32, #tpu.memory_space<hbm>>
      %dma_start3A_78 = tpu.memref_slice %arg5[%add3A_4] : memref<10000xi32, #tpu.memory_space<hbm>> -> memref<104xi32, #tpu.memory_space<hbm>>
      tpu.enqueue_dma source(%dma_start3A_78 : memref<104xi32, #tpu.memory_space<hbm>>) target(%arg12 : memref<104xi32, #tpu.memory_space<vmem>>) target_semaphore(%run_scoped3A : memref<!tpu.dma_semaphore, #tpu.memory_space<semaphore_mem>>)
      %dma_wait3A = tpu.memref_slice %arg5[%add3A_4] : memref<10000xi32, #tpu.memory_space<hbm>> -> memref<104xi32, #tpu.memory_space<hbm>>
      %dma_wait3A_79 = tpu.memref_slice %arg5[%add3A_4] : memref<10000xi32, #tpu.memory_space<hbm>> -> memref<104xi32, #tpu.memory_space<hbm>>
      tpu.wait_dma2 semaphore(%run_scoped3A : memref<!tpu.dma_semaphore, #tpu.memory_space<semaphore_mem>>) src(%dma_wait3A_79 : memref<104xi32, #tpu.memory_space<hbm>>) dst(%arg12 : memref<104xi32, #tpu.memory_space<vmem>>)
      tpu.yield
    }) : () -> ()
    "tpu.region"() ({
      %run_scoped3A = tpu.sem_alloc : memref<!tpu.dma_semaphore, #tpu.memory_space<semaphore_mem>>
      %dma_start3A_77 = arith.constant 0 : i32
      %dma_start3A_78 = arith.constant 0 : i32
      %dma_start3A_79 = tpu.memref_slice %arg8[%dma_start3A_77, %dma_start3A_78] : memref<10000x128xf32, #tpu.memory_space<vmem_shared>> -> memref<10000x128xf32, #tpu.memory_space<vmem_shared>>
      tpu.enqueue_indirect_dma source(%arg15 : memref<104x128xf32, #tpu.memory_space<vmem>>) target(%dma_start3A_79 : memref<10000x128xf32, #tpu.memory_space<vmem_shared>>) offsets(%arg12 : memref<104xi32, #tpu.memory_space<vmem>>) semaphore(%run_scoped3A : memref<!tpu.dma_semaphore, #tpu.memory_space<semaphore_mem>>)
      %dma_wait3A = arith.constant 0 : i32
      %dma_wait3A_80 = arith.constant 0 : i32
      %dma_wait3A_81 = tpu.memref_slice %arg8[%dma_wait3A, %dma_wait3A_80] : memref<10000x128xf32, #tpu.memory_space<vmem_shared>> -> memref<10000x128xf32, #tpu.memory_space<vmem_shared>>
      tpu.wait_indirect_dma semaphore(%run_scoped3A : memref<!tpu.dma_semaphore, #tpu.memory_space<semaphore_mem>>) src(%arg15 : memref<104x128xf32, #tpu.memory_space<vmem>>) dst(%dma_wait3A_81 : memref<10000x128xf32, #tpu.memory_space<vmem_shared>>)
      tpu.yield
    }) : () -> ()
    %add3A_5 = arith.constant 104 : i32
    %add3A_6 = arith.addi %mul3A_2, %add3A_5 : i32
    "tpu.region"() ({
      %run_scoped3A = tpu.sem_alloc : memref<!tpu.dma_semaphore, #tpu.memory_space<semaphore_mem>>
      %dma_start3A_77 = tpu.memref_slice %arg5[%add3A_6] : memref<10000xi32, #tpu.memory_space<hbm>> -> memref<104xi32, #tpu.memory_space<hbm>>
      %dma_start3A_78 = tpu.memref_slice %arg5[%add3A_6] : memref<10000xi32, #tpu.memory_space<hbm>> -> memref<104xi32, #tpu.memory_space<hbm>>
      tpu.enqueue_dma source(%dma_start3A_78 : memref<104xi32, #tpu.memory_space<hbm>>) target(%arg12 : memref<104xi32, #tpu.memory_space<vmem>>) target_semaphore(%run_scoped3A : memref<!tpu.dma_semaphore, #tpu.memory_space<semaphore_mem>>)
      %dma_wait3A = tpu.memref_slice %arg5[%add3A_6] : memref<10000xi32, #tpu.memory_space<hbm>> -> memref<104xi32, #tpu.memory_space<hbm>>
      %dma_wait3A_79 = tpu.memref_slice %arg5[%add3A_6] : memref<10000xi32, #tpu.memory_space<hbm>> -> memref<104xi32, #tpu.memory_space<hbm>>
      tpu.wait_dma2 semaphore(%run_scoped3A : memref<!tpu.dma_semaphore, #tpu.memory_space<semaphore_mem>>) src(%dma_wait3A_79 : memref<104xi32, #tpu.memory_space<hbm>>) dst(%arg12 : memref<104xi32, #tpu.memory_space<vmem>>)
      tpu.yield
    }) : () -> ()
    "tpu.region"() ({
      %run_scoped3A = tpu.sem_alloc : memref<!tpu.dma_semaphore, #tpu.memory_space<semaphore_mem>>
      %dma_start3A_77 = arith.constant 0 : i32
      %dma_start3A_78 = arith.constant 0 : i32
      %dma_start3A_79 = tpu.memref_slice %arg8[%dma_start3A_77, %dma_start3A_78] : memref<10000x128xf32, #tpu.memory_space<vmem_shared>> -> memref<10000x128xf32, #tpu.memory_space<vmem_shared>>
      tpu.enqueue_indirect_dma source(%arg15 : memref<104x128xf32, #tpu.memory_space<vmem>>) target(%dma_start3A_79 : memref<10000x128xf32, #tpu.memory_space<vmem_shared>>) offsets(%arg12 : memref<104xi32, #tpu.memory_space<vmem>>) semaphore(%run_scoped3A : memref<!tpu.dma_semaphore, #tpu.memory_space<semaphore_mem>>)
      %dma_wait3A = arith.constant 0 : i32
      %dma_wait3A_80 = arith.constant 0 : i32
      %dma_wait3A_81 = tpu.memref_slice %arg8[%dma_wait3A, %dma_wait3A_80] : memref<10000x128xf32, #tpu.memory_space<vmem_shared>> -> memref<10000x128xf32, #tpu.memory_space<vmem_shared>>
      tpu.wait_indirect_dma semaphore(%run_scoped3A : memref<!tpu.dma_semaphore, #tpu.memory_space<semaphore_mem>>) src(%arg15 : memref<104x128xf32, #tpu.memory_space<vmem>>) dst(%dma_wait3A_81 : memref<10000x128xf32, #tpu.memory_space<vmem_shared>>)
      tpu.yield
    }) : () -> ()
    %add3A_7 = arith.constant 208 : i32
    %add3A_8 = arith.addi %mul3A_2, %add3A_7 : i32
    "tpu.region"() ({
      %run_scoped3A = tpu.sem_alloc : memref<!tpu.dma_semaphore, #tpu.memory_space<semaphore_mem>>
      %dma_start3A_77 = tpu.memref_slice %arg5[%add3A_8] : memref<10000xi32, #tpu.memory_space<hbm>> -> memref<104xi32, #tpu.memory_space<hbm>>
      %dma_start3A_78 = tpu.memref_slice %arg5[%add3A_8] : memref<10000xi32, #tpu.memory_space<hbm>> -> memref<104xi32, #tpu.memory_space<hbm>>
      tpu.enqueue_dma source(%dma_start3A_78 : memref<104xi32, #tpu.memory_space<hbm>>) target(%arg12 : memref<104xi32, #tpu.memory_space<vmem>>) target_semaphore(%run_scoped3A : memref<!tpu.dma_semaphore, #tpu.memory_space<semaphore_mem>>)
      %dma_wait3A = tpu.memref_slice %arg5[%add3A_8] : memref<10000xi32, #tpu.memory_space<hbm>> -> memref<104xi32, #tpu.memory_space<hbm>>
      %dma_wait3A_79 = tpu.memref_slice %arg5[%add3A_8] : memref<10000xi32, #tpu.memory_space<hbm>> -> memref<104xi32, #tpu.memory_space<hbm>>
      tpu.wait_dma2 semaphore(%run_scoped3A : memref<!tpu.dma_semaphore, #tpu.memory_space<semaphore_mem>>) src(%dma_wait3A_79 : memref<104xi32, #tpu.memory_space<hbm>>) dst(%arg12 : memref<104xi32, #tpu.memory_space<vmem>>)
      tpu.yield
    }) : () -> ()
    "tpu.region"() ({
      %run_scoped3A = tpu.sem_alloc : memref<!tpu.dma_semaphore, #tpu.memory_space<semaphore_mem>>
      %dma_start3A_77 = arith.constant 0 : i32
      %dma_start3A_78 = arith.constant 0 : i32
      %dma_start3A_79 = tpu.memref_slice %arg8[%dma_start3A_77, %dma_start3A_78] : memref<10000x128xf32, #tpu.memory_space<vmem_shared>> -> memref<10000x128xf32, #tpu.memory_space<vmem_shared>>
      tpu.enqueue_indirect_dma source(%arg15 : memref<104x128xf32, #tpu.memory_space<vmem>>) target(%dma_start3A_79 : memref<10000x128xf32, #tpu.memory_space<vmem_shared>>) offsets(%arg12 : memref<104xi32, #tpu.memory_space<vmem>>) semaphore(%run_scoped3A : memref<!tpu.dma_semaphore, #tpu.memory_space<semaphore_mem>>)
      %dma_wait3A = arith.constant 0 : i32
      %dma_wait3A_80 = arith.constant 0 : i32
      %dma_wait3A_81 = tpu.memref_slice %arg8[%dma_wait3A, %dma_wait3A_80] : memref<10000x128xf32, #tpu.memory_space<vmem_shared>> -> memref<10000x128xf32, #tpu.memory_space<vmem_shared>>
      tpu.wait_indirect_dma semaphore(%run_scoped3A : memref<!tpu.dma_semaphore, #tpu.memory_space<semaphore_mem>>) src(%arg15 : memref<104x128xf32, #tpu.memory_space<vmem>>) dst(%dma_wait3A_81 : memref<10000x128xf32, #tpu.memory_space<vmem_shared>>)
      tpu.yield
    }) : () -> ()
    %add3A_9 = arith.constant 312 : i32
    %add3A_10 = arith.addi %mul3A_2, %add3A_9 : i32
    "tpu.region"() ({
      %run_scoped3A = tpu.sem_alloc : memref<!tpu.dma_semaphore, #tpu.memory_space<semaphore_mem>>
      %dma_start3A_77 = tpu.memref_slice %arg5[%add3A_10] : memref<10000xi32, #tpu.memory_space<hbm>> -> memref<104xi32, #tpu.memory_space<hbm>>
      %dma_start3A_78 = tpu.memref_slice %arg5[%add3A_10] : memref<10000xi32, #tpu.memory_space<hbm>> -> memref<104xi32, #tpu.memory_space<hbm>>
      tpu.enqueue_dma source(%dma_start3A_78 : memref<104xi32, #tpu.memory_space<hbm>>) target(%arg12 : memref<104xi32, #tpu.memory_space<vmem>>) target_semaphore(%run_scoped3A : memref<!tpu.dma_semaphore, #tpu.memory_space<semaphore_mem>>)
      %dma_wait3A = tpu.memref_slice %arg5[%add3A_10] : memref<10000xi32, #tpu.memory_space<hbm>> -> memref<104xi32, #tpu.memory_space<hbm>>
      %dma_wait3A_79 = tpu.memref_slice %arg5[%add3A_10] : memref<10000xi32, #tpu.memory_space<hbm>> -> memref<104xi32, #tpu.memory_space<hbm>>
      tpu.wait_dma2 semaphore(%run_scoped3A : memref<!tpu.dma_semaphore, #tpu.memory_space<semaphore_mem>>) src(%dma_wait3A_79 : memref<104xi32, #tpu.memory_space<hbm>>) dst(%arg12 : memref<104xi32, #tpu.memory_space<vmem>>)
      tpu.yield
    }) : () -> ()
    "tpu.region"() ({
      %run_scoped3A = tpu.sem_alloc : memref<!tpu.dma_semaphore, #tpu.memory_space<semaphore_mem>>
      %dma_start3A_77 = arith.constant 0 : i32
      %dma_start3A_78 = arith.constant 0 : i32
      %dma_start3A_79 = tpu.memref_slice %arg8[%dma_start3A_77, %dma_start3A_78] : memref<10000x128xf32, #tpu.memory_space<vmem_shared>> -> memref<10000x128xf32, #tpu.memory_space<vmem_shared>>
      tpu.enqueue_indirect_dma source(%arg15 : memref<104x128xf32, #tpu.memory_space<vmem>>) target(%dma_start3A_79 : memref<10000x128xf32, #tpu.memory_space<vmem_shared>>) offsets(%arg12 : memref<104xi32, #tpu.memory_space<vmem>>) semaphore(%run_scoped3A : memref<!tpu.dma_semaphore, #tpu.memory_space<semaphore_mem>>)
      %dma_wait3A = arith.constant 0 : i32
      %dma_wait3A_80 = arith.constant 0 : i32
      %dma_wait3A_81 = tpu.memref_slice %arg8[%dma_wait3A, %dma_wait3A_80] : memref<10000x128xf32, #tpu.memory_space<vmem_shared>> -> memref<10000x128xf32, #tpu.memory_space<vmem_shared>>
      tpu.wait_indirect_dma semaphore(%run_scoped3A : memref<!tpu.dma_semaphore, #tpu.memory_space<semaphore_mem>>) src(%arg15 : memref<104x128xf32, #tpu.memory_space<vmem>>) dst(%dma_wait3A_81 : memref<10000x128xf32, #tpu.memory_space<vmem_shared>>)
      tpu.yield
    }) : () -> ()
    %add3A_11 = arith.constant 416 : i32
    %add3A_12 = arith.addi %mul3A_2, %add3A_11 : i32
    "tpu.region"() ({
      %run_scoped3A = tpu.sem_alloc : memref<!tpu.dma_semaphore, #tpu.memory_space<semaphore_mem>>
      %dma_start3A_77 = tpu.memref_slice %arg5[%add3A_12] : memref<10000xi32, #tpu.memory_space<hbm>> -> memref<104xi32, #tpu.memory_space<hbm>>
      %dma_start3A_78 = tpu.memref_slice %arg5[%add3A_12] : memref<10000xi32, #tpu.memory_space<hbm>> -> memref<104xi32, #tpu.memory_space<hbm>>
      tpu.enqueue_dma source(%dma_start3A_78 : memref<104xi32, #tpu.memory_space<hbm>>) target(%arg12 : memref<104xi32, #tpu.memory_space<vmem>>) target_semaphore(%run_scoped3A : memref<!tpu.dma_semaphore, #tpu.memory_space<semaphore_mem>>)
      %dma_wait3A = tpu.memref_slice %arg5[%add3A_12] : memref<10000xi32, #tpu.memory_space<hbm>> -> memref<104xi32, #tpu.memory_space<hbm>>
      %dma_wait3A_79 = tpu.memref_slice %arg5[%add3A_12] : memref<10000xi32, #tpu.memory_space<hbm>> -> memref<104xi32, #tpu.memory_space<hbm>>
      tpu.wait_dma2 semaphore(%run_scoped3A : memref<!tpu.dma_semaphore, #tpu.memory_space<semaphore_mem>>) src(%dma_wait3A_79 : memref<104xi32, #tpu.memory_space<hbm>>) dst(%arg12 : memref<104xi32, #tpu.memory_space<vmem>>)
      tpu.yield
    }) : () -> ()
    "tpu.region"() ({
      %run_scoped3A = tpu.sem_alloc : memref<!tpu.dma_semaphore, #tpu.memory_space<semaphore_mem>>
      %dma_start3A_77 = arith.constant 0 : i32
      %dma_start3A_78 = arith.constant 0 : i32
      %dma_start3A_79 = tpu.memref_slice %arg8[%dma_start3A_77, %dma_start3A_78] : memref<10000x128xf32, #tpu.memory_space<vmem_shared>> -> memref<10000x128xf32, #tpu.memory_space<vmem_shared>>
      tpu.enqueue_indirect_dma source(%arg15 : memref<104x128xf32, #tpu.memory_space<vmem>>) target(%dma_start3A_79 : memref<10000x128xf32, #tpu.memory_space<vmem_shared>>) offsets(%arg12 : memref<104xi32, #tpu.memory_space<vmem>>) semaphore(%run_scoped3A : memref<!tpu.dma_semaphore, #tpu.memory_space<semaphore_mem>>)
      %dma_wait3A = arith.constant 0 : i32
      %dma_wait3A_80 = arith.constant 0 : i32
      %dma_wait3A_81 = tpu.memref_slice %arg8[%dma_wait3A, %dma_wait3A_80] : memref<10000x128xf32, #tpu.memory_space<vmem_shared>> -> memref<10000x128xf32, #tpu.memory_space<vmem_shared>>
      tpu.wait_indirect_dma semaphore(%run_scoped3A : memref<!tpu.dma_semaphore, #tpu.memory_space<semaphore_mem>>) src(%arg15 : memref<104x128xf32, #tpu.memory_space<vmem>>) dst(%dma_wait3A_81 : memref<10000x128xf32, #tpu.memory_space<vmem_shared>>)
      tpu.yield
    }) : () -> ()
    %add3A_13 = arith.constant 520 : i32
    %add3A_14 = arith.addi %mul3A_2, %add3A_13 : i32
    "tpu.region"() ({
      %run_scoped3A = tpu.sem_alloc : memref<!tpu.dma_semaphore, #tpu.memory_space<semaphore_mem>>
      %dma_start3A_77 = tpu.memref_slice %arg5[%add3A_14] : memref<10000xi32, #tpu.memory_space<hbm>> -> memref<104xi32, #tpu.memory_space<hbm>>
      %dma_start3A_78 = tpu.memref_slice %arg5[%add3A_14] : memref<10000xi32, #tpu.memory_space<hbm>> -> memref<104xi32, #tpu.memory_space<hbm>>
      tpu.enqueue_dma source(%dma_start3A_78 : memref<104xi32, #tpu.memory_space<hbm>>) target(%arg12 : memref<104xi32, #tpu.memory_space<vmem>>) target_semaphore(%run_scoped3A : memref<!tpu.dma_semaphore, #tpu.memory_space<semaphore_mem>>)
      %dma_wait3A = tpu.memref_slice %arg5[%add3A_14] : memref<10000xi32, #tpu.memory_space<hbm>> -> memref<104xi32, #tpu.memory_space<hbm>>
      %dma_wait3A_79 = tpu.memref_slice %arg5[%add3A_14] : memref<10000xi32, #tpu.memory_space<hbm>> -> memref<104xi32, #tpu.memory_space<hbm>>
      tpu.wait_dma2 semaphore(%run_scoped3A : memref<!tpu.dma_semaphore, #tpu.memory_space<semaphore_mem>>) src(%dma_wait3A_79 : memref<104xi32, #tpu.memory_space<hbm>>) dst(%arg12 : memref<104xi32, #tpu.memory_space<vmem>>)
      tpu.yield
    }) : () -> ()
    "tpu.region"() ({
      %run_scoped3A = tpu.sem_alloc : memref<!tpu.dma_semaphore, #tpu.memory_space<semaphore_mem>>
      %dma_start3A_77 = arith.constant 0 : i32
      %dma_start3A_78 = arith.constant 0 : i32
      %dma_start3A_79 = tpu.memref_slice %arg8[%dma_start3A_77, %dma_start3A_78] : memref<10000x128xf32, #tpu.memory_space<vmem_shared>> -> memref<10000x128xf32, #tpu.memory_space<vmem_shared>>
      tpu.enqueue_indirect_dma source(%arg15 : memref<104x128xf32, #tpu.memory_space<vmem>>) target(%dma_start3A_79 : memref<10000x128xf32, #tpu.memory_space<vmem_shared>>) offsets(%arg12 : memref<104xi32, #tpu.memory_space<vmem>>) semaphore(%run_scoped3A : memref<!tpu.dma_semaphore, #tpu.memory_space<semaphore_mem>>)
      %dma_wait3A = arith.constant 0 : i32
      %dma_wait3A_80 = arith.constant 0 : i32
      %dma_wait3A_81 = tpu.memref_slice %arg8[%dma_wait3A, %dma_wait3A_80] : memref<10000x128xf32, #tpu.memory_space<vmem_shared>> -> memref<10000x128xf32, #tpu.memory_space<vmem_shared>>
      tpu.wait_indirect_dma semaphore(%run_scoped3A : memref<!tpu.dma_semaphore, #tpu.memory_space<semaphore_mem>>) src(%arg15 : memref<104x128xf32, #tpu.memory_space<vmem>>) dst(%dma_wait3A_81 : memref<10000x128xf32, #tpu.memory_space<vmem_shared>>)
      tpu.yield
    }) : () -> ()
    "tpu.region"() ({
      %run_scoped3A = tpu.sem_alloc : memref<!tpu.dma_semaphore, #tpu.memory_space<semaphore_mem>>
      %dma_start3A_77 = arith.constant 9896 : i32
      %dma_start3A_78 = tpu.memref_slice %arg5[%dma_start3A_77] : memref<10000xi32, #tpu.memory_space<hbm>> -> memref<104xi32, #tpu.memory_space<hbm>>
      %dma_start3A_79 = arith.constant 9896 : i32
      %dma_start3A_80 = tpu.memref_slice %arg5[%dma_start3A_79] : memref<10000xi32, #tpu.memory_space<hbm>> -> memref<104xi32, #tpu.memory_space<hbm>>
      tpu.enqueue_dma source(%dma_start3A_80 : memref<104xi32, #tpu.memory_space<hbm>>) target(%arg12 : memref<104xi32, #tpu.memory_space<vmem>>) target_semaphore(%run_scoped3A : memref<!tpu.dma_semaphore, #tpu.memory_space<semaphore_mem>>)
      %dma_wait3A = arith.constant 9896 : i32
      %dma_wait3A_81 = tpu.memref_slice %arg5[%dma_wait3A] : memref<10000xi32, #tpu.memory_space<hbm>> -> memref<104xi32, #tpu.memory_space<hbm>>
      %dma_wait3A_82 = arith.constant 9896 : i32
      %dma_wait3A_83 = tpu.memref_slice %arg5[%dma_wait3A_82] : memref<10000xi32, #tpu.memory_space<hbm>> -> memref<104xi32, #tpu.memory_space<hbm>>
      tpu.wait_dma2 semaphore(%run_scoped3A : memref<!tpu.dma_semaphore, #tpu.memory_space<semaphore_mem>>) src(%dma_wait3A_83 : memref<104xi32, #tpu.memory_space<hbm>>) dst(%arg12 : memref<104xi32, #tpu.memory_space<vmem>>)
      tpu.yield
    }) : () -> ()
    "tpu.region"() ({
      %run_scoped3A = tpu.sem_alloc : memref<!tpu.dma_semaphore, #tpu.memory_space<semaphore_mem>>
      %dma_start3A_77 = arith.constant 0 : i32
      %dma_start3A_78 = arith.constant 0 : i32
      %dma_start3A_79 = tpu.memref_slice %arg8[%dma_start3A_77, %dma_start3A_78] : memref<10000x128xf32, #tpu.memory_space<vmem_shared>> -> memref<10000x128xf32, #tpu.memory_space<vmem_shared>>
      tpu.enqueue_indirect_dma source(%arg15 : memref<104x128xf32, #tpu.memory_space<vmem>>) target(%dma_start3A_79 : memref<10000x128xf32, #tpu.memory_space<vmem_shared>>) offsets(%arg12 : memref<104xi32, #tpu.memory_space<vmem>>) semaphore(%run_scoped3A : memref<!tpu.dma_semaphore, #tpu.memory_space<semaphore_mem>>)
      %dma_wait3A = arith.constant 0 : i32
      %dma_wait3A_80 = arith.constant 0 : i32
      %dma_wait3A_81 = tpu.memref_slice %arg8[%dma_wait3A, %dma_wait3A_80] : memref<10000x128xf32, #tpu.memory_space<vmem_shared>> -> memref<10000x128xf32, #tpu.memory_space<vmem_shared>>
      tpu.wait_indirect_dma semaphore(%run_scoped3A : memref<!tpu.dma_semaphore, #tpu.memory_space<semaphore_mem>>) src(%arg15 : memref<104x128xf32, #tpu.memory_space<vmem>>) dst(%dma_wait3A_81 : memref<10000x128xf32, #tpu.memory_space<vmem_shared>>)
      tpu.yield
    }) : () -> ()
    "tpu.region"() ({
      %run_scoped3A = tpu.sem_alloc : memref<!tpu.dma_semaphore, #tpu.memory_space<semaphore_mem>>
      %dma_start3A_77 = arith.constant 0 : i32
      %dma_start3A_78 = arith.constant 0 : i32
      %dma_start3A_79 = tpu.memref_slice %arg3[%add3A, %dma_start3A_77, %dma_start3A_78] : memref<32x125x80xi32, #tpu.memory_space<hbm>> -> memref<1x125x80xi32, #tpu.memory_space<hbm>>
      %dma_start3A_80 = tpu.memref_squeeze %dma_start3A_79 : memref<1x125x80xi32, #tpu.memory_space<hbm>> -> memref<125x80xi32, #tpu.memory_space<hbm>>
      %dma_start3A_81 = arith.constant 0 : i32
      %dma_start3A_82 = arith.constant 0 : i32
      %dma_start3A_83 = tpu.memref_slice %arg3[%add3A, %dma_start3A_81, %dma_start3A_82] : memref<32x125x80xi32, #tpu.memory_space<hbm>> -> memref<1x125x80xi32, #tpu.memory_space<hbm>>
      %dma_start3A_84 = tpu.memref_squeeze %dma_start3A_83 : memref<1x125x80xi32, #tpu.memory_space<hbm>> -> memref<125x80xi32, #tpu.memory_space<hbm>>
      tpu.enqueue_dma source(%dma_start3A_84 : memref<125x80xi32, #tpu.memory_space<hbm>>) target(%arg9 : memref<125x80xi32, #tpu.memory_space<vmem>>) target_semaphore(%run_scoped3A : memref<!tpu.dma_semaphore, #tpu.memory_space<semaphore_mem>>)
      %dma_wait3A = arith.constant 0 : i32
      %dma_wait3A_85 = arith.constant 0 : i32
      %dma_wait3A_86 = tpu.memref_slice %arg3[%add3A, %dma_wait3A, %dma_wait3A_85] : memref<32x125x80xi32, #tpu.memory_space<hbm>> -> memref<1x125x80xi32, #tpu.memory_space<hbm>>
      %dma_wait3A_87 = tpu.memref_squeeze %dma_wait3A_86 : memref<1x125x80xi32, #tpu.memory_space<hbm>> -> memref<125x80xi32, #tpu.memory_space<hbm>>
      %dma_wait3A_88 = arith.constant 0 : i32
      %dma_wait3A_89 = arith.constant 0 : i32
      %dma_wait3A_90 = tpu.memref_slice %arg3[%add3A, %dma_wait3A_88, %dma_wait3A_89] : memref<32x125x80xi32, #tpu.memory_space<hbm>> -> memref<1x125x80xi32, #tpu.memory_space<hbm>>
      %dma_wait3A_91 = tpu.memref_squeeze %dma_wait3A_90 : memref<1x125x80xi32, #tpu.memory_space<hbm>> -> memref<125x80xi32, #tpu.memory_space<hbm>>
      tpu.wait_dma2 semaphore(%run_scoped3A : memref<!tpu.dma_semaphore, #tpu.memory_space<semaphore_mem>>) src(%dma_wait3A_91 : memref<125x80xi32, #tpu.memory_space<hbm>>) dst(%arg9 : memref<125x80xi32, #tpu.memory_space<vmem>>)
      tpu.yield
    }) : () -> ()
    %barrier3A = arith.constant 0 : index
    tpu.barrier barrier_id(%barrier3A)
    %mul3A_15 = arith.constant 10000 : i32
    %mul3A_16 = arith.muli %add3A, %mul3A_15 : i32
    %multiple_of3A = tpu.assume_multiple %mul3A_16, 80 : i32
    "tpu.region"() ({
      %run_scoped3A = tpu.sem_alloc : memref<!tpu.dma_semaphore, #tpu.memory_space<semaphore_mem>>
      %dma_start3A_77 = tpu.memref_slice %arg4[%multiple_of3A] : memref<320000xi32, #tpu.memory_space<hbm>> -> memref<80xi32, #tpu.memory_space<hbm>>
      %dma_start3A_78 = tpu.memref_slice %arg4[%multiple_of3A] : memref<320000xi32, #tpu.memory_space<hbm>> -> memref<80xi32, #tpu.memory_space<hbm>>
      tpu.enqueue_dma source(%dma_start3A_78 : memref<80xi32, #tpu.memory_space<hbm>>) target(%arg10 : memref<80xi32, #tpu.memory_space<vmem>>) target_semaphore(%run_scoped3A : memref<!tpu.dma_semaphore, #tpu.memory_space<semaphore_mem>>)
      %dma_wait3A = tpu.memref_slice %arg4[%multiple_of3A] : memref<320000xi32, #tpu.memory_space<hbm>> -> memref<80xi32, #tpu.memory_space<hbm>>
      %dma_wait3A_79 = tpu.memref_slice %arg4[%multiple_of3A] : memref<320000xi32, #tpu.memory_space<hbm>> -> memref<80xi32, #tpu.memory_space<hbm>>
      tpu.wait_dma2 semaphore(%run_scoped3A : memref<!tpu.dma_semaphore, #tpu.memory_space<semaphore_mem>>) src(%dma_wait3A_79 : memref<80xi32, #tpu.memory_space<hbm>>) dst(%arg10 : memref<80xi32, #tpu.memory_space<vmem>>)
      tpu.yield
    }) : () -> ()
    %dma_start3A = arith.constant 0 : i32
    %dma_start3A_17 = arith.constant 0 : i32
    %dma_start3A_18 = tpu.memref_slice %arg9[%dma_start3A, %dma_start3A_17] : memref<125x80xi32, #tpu.memory_space<vmem>> -> memref<1x80xi32, #tpu.memory_space<vmem>>
    %dma_start3A_19 = tpu.memref_squeeze %dma_start3A_18 : memref<1x80xi32, #tpu.memory_space<vmem>> -> memref<80xi32, #tpu.memory_space<vmem>>
    %dma_start3A_20 = arith.constant 0 : i32
    %dma_start3A_21 = arith.constant 0 : i32
    %dma_start3A_22 = tpu.memref_slice %arg2[%dma_start3A_20, %dma_start3A_21] : memref<10000x128xf32, #tpu.memory_space<hbm>> -> memref<10000x128xf32, #tpu.memory_space<hbm>>
    tpu.enqueue_indirect_dma source(%dma_start3A_22 : memref<10000x128xf32, #tpu.memory_space<hbm>>) target(%arg13 : memref<80x128xf32, #tpu.memory_space<vmem>>) offsets(%dma_start3A_19 : memref<80xi32, #tpu.memory_space<vmem>>) semaphore(%arg16 : memref<!tpu.dma_semaphore, #tpu.memory_space<semaphore_mem>>)
    %scan3A = arith.constant 0 : i32
    %scan3A_23 = arith.constant 0 : i32
    %scan3A_24 = arith.constant 125 : i32
    %scan3A_25 = arith.addi %scan3A_23, %scan3A_24 : i32
    %scan3A_26 = arith.constant 1 : i32
    %scan3A_27 = scf.for %scan3A_77 = %scan3A_23 to %scan3A_25 step %scan3A_26 iter_args(%scan3A_78 = %scan3A) -> (i32)  : i32 {
      %jit3A = arith.constant 2 : i32
      %eq3A = arith.constant 0 : i32
      %eq3A_79 = arith.cmpi eq, %jit3A, %eq3A : i32
      %jit3A_80 = arith.constant 1 : i32
      %select_n3A = arith.select %eq3A_79, %jit3A_80, %jit3A : i32
      %rem3A = arith.remsi %scan3A_77, %select_n3A : i32
      %ne3A = arith.constant 0 : i32
      %ne3A_81 = arith.cmpi ne, %rem3A, %ne3A : i32
      %lt3A = arith.constant 0 : i32
      %lt3A_82 = arith.cmpi slt, %rem3A, %lt3A : i32
      %lt3A_83 = arith.constant 0 : i32
      %lt3A_84 = arith.cmpi slt, %select_n3A, %lt3A_83 : i32
      %ne3A_85 = arith.xori %lt3A_82, %lt3A_84 : i1
      %and3A = arith.andi %ne3A_85, %ne3A_81 : i1
      %add3A_86 = arith.addi %rem3A, %select_n3A : i32
      %select_n3A_87 = arith.select %and3A, %add3A_86, %rem3A : i32
      %eq3A_88 = arith.constant 0 : i32
      %eq3A_89 = arith.cmpi eq, %select_n3A_87, %eq3A_88 : i32
      %convert_element_type3A = arith.extui %eq3A_89 : i1 to i32
      %cond3A = arith.constant 0 : i32
      %cond3A_90 = arith.cmpi ne, %convert_element_type3A, %cond3A : i32
      scf.if %cond3A_90 {
        %lt3A_113 = arith.constant 124 : i32
        %lt3A_114 = arith.cmpi slt, %scan3A_77, %lt3A_113 : i32
        %convert_element_type3A_115 = arith.extui %lt3A_114 : i1 to i32
        %cond3A_116 = arith.constant 0 : i32
        %cond3A_117 = arith.cmpi ne, %convert_element_type3A_115, %cond3A_116 : i32
        scf.if %cond3A_117 {
          %add3A_128 = arith.constant 1 : i32
          %add3A_129 = arith.addi %scan3A_77, %add3A_128 : i32
          %dma_start3A_130 = arith.constant 0 : i32
          %dma_start3A_131 = tpu.memref_slice %arg9[%add3A_129, %dma_start3A_130] : memref<125x80xi32, #tpu.memory_space<vmem>> -> memref<1x80xi32, #tpu.memory_space<vmem>>
          %dma_start3A_132 = tpu.memref_squeeze %dma_start3A_131 : memref<1x80xi32, #tpu.memory_space<vmem>> -> memref<80xi32, #tpu.memory_space<vmem>>
          %dma_start3A_133 = arith.constant 0 : i32
          %dma_start3A_134 = arith.constant 0 : i32
          %dma_start3A_135 = tpu.memref_slice %arg2[%dma_start3A_133, %dma_start3A_134] : memref<10000x128xf32, #tpu.memory_space<hbm>> -> memref<10000x128xf32, #tpu.memory_space<hbm>>
          tpu.enqueue_indirect_dma source(%dma_start3A_135 : memref<10000x128xf32, #tpu.memory_space<hbm>>) target(%arg14 : memref<80x128xf32, #tpu.memory_space<vmem>>) offsets(%dma_start3A_132 : memref<80xi32, #tpu.memory_space<vmem>>) semaphore(%arg17 : memref<!tpu.dma_semaphore, #tpu.memory_space<semaphore_mem>>)
          %add3A_136 = arith.constant 1 : i32
          %add3A_137 = arith.addi %scan3A_77, %add3A_136 : i32
          %mul3A_138 = arith.constant 80 : i32
          %mul3A_139 = arith.muli %add3A_137, %mul3A_138 : i32
          %add3A_140 = arith.addi %mul3A_16, %mul3A_139 : i32
          %multiple_of3A_141 = tpu.assume_multiple %add3A_140, 80 : i32
          %dma_start3A_142 = tpu.memref_slice %arg4[%multiple_of3A_141] : memref<320000xi32, #tpu.memory_space<hbm>> -> memref<80xi32, #tpu.memory_space<hbm>>
          %dma_start3A_143 = tpu.memref_slice %arg4[%multiple_of3A_141] : memref<320000xi32, #tpu.memory_space<hbm>> -> memref<80xi32, #tpu.memory_space<hbm>>
          tpu.enqueue_dma source(%dma_start3A_143 : memref<80xi32, #tpu.memory_space<hbm>>) target(%arg11 : memref<80xi32, #tpu.memory_space<vmem>>) target_semaphore(%arg19 : memref<!tpu.dma_semaphore, #tpu.memory_space<semaphore_mem>>)
        } else {
        }
        %dma_wait3A = arith.constant 0 : i32
        %dma_wait3A_118 = tpu.memref_slice %arg9[%scan3A_77, %dma_wait3A] : memref<125x80xi32, #tpu.memory_space<vmem>> -> memref<1x80xi32, #tpu.memory_space<vmem>>
        %dma_wait3A_119 = tpu.memref_squeeze %dma_wait3A_118 : memref<1x80xi32, #tpu.memory_space<vmem>> -> memref<80xi32, #tpu.memory_space<vmem>>
        %dma_wait3A_120 = arith.constant 0 : i32
        %dma_wait3A_121 = arith.constant 0 : i32
        %dma_wait3A_122 = tpu.memref_slice %arg2[%dma_wait3A_120, %dma_wait3A_121] : memref<10000x128xf32, #tpu.memory_space<hbm>> -> memref<10000x128xf32, #tpu.memory_space<hbm>>
        tpu.wait_indirect_dma semaphore(%arg16 : memref<!tpu.dma_semaphore, #tpu.memory_space<semaphore_mem>>) src(%dma_wait3A_122 : memref<10000x128xf32, #tpu.memory_space<hbm>>) dst(%arg13 : memref<80x128xf32, #tpu.memory_space<vmem>>)
        "tpu.region"() ({
          %run_scoped3A = tpu.sem_alloc : memref<!tpu.dma_semaphore, #tpu.memory_space<semaphore_mem>>
          %dma_start3A_128 = arith.constant 0 : i32
          %dma_start3A_129 = arith.constant 0 : i32
          %dma_start3A_130 = tpu.memref_slice %arg8[%dma_start3A_128, %dma_start3A_129] : memref<10000x128xf32, #tpu.memory_space<vmem_shared>> -> memref<10000x128xf32, #tpu.memory_space<vmem_shared>>
          tpu.enqueue_indirect_dma source(%arg13 : memref<80x128xf32, #tpu.memory_space<vmem>>) target(%dma_start3A_130 : memref<10000x128xf32, #tpu.memory_space<vmem_shared>>) offsets(%arg10 : memref<80xi32, #tpu.memory_space<vmem>>) semaphore(%run_scoped3A : memref<!tpu.dma_semaphore, #tpu.memory_space<semaphore_mem>>) {add = true}
          %dma_wait3A_131 = arith.constant 0 : i32
          %dma_wait3A_132 = arith.constant 0 : i32
          %dma_wait3A_133 = tpu.memref_slice %arg8[%dma_wait3A_131, %dma_wait3A_132] : memref<10000x128xf32, #tpu.memory_space<vmem_shared>> -> memref<10000x128xf32, #tpu.memory_space<vmem_shared>>
          tpu.wait_indirect_dma semaphore(%run_scoped3A : memref<!tpu.dma_semaphore, #tpu.memory_space<semaphore_mem>>) src(%arg13 : memref<80x128xf32, #tpu.memory_space<vmem>>) dst(%dma_wait3A_133 : memref<10000x128xf32, #tpu.memory_space<vmem_shared>>)
          tpu.yield
        }) : () -> ()
        %lt3A_123 = arith.constant 124 : i32
        %lt3A_124 = arith.cmpi slt, %scan3A_77, %lt3A_123 : i32
        %convert_element_type3A_125 = arith.extui %lt3A_124 : i1 to i32
        %cond3A_126 = arith.constant 0 : i32
        %cond3A_127 = arith.cmpi ne, %convert_element_type3A_125, %cond3A_126 : i32
        scf.if %cond3A_127 {
          %add3A_128 = arith.constant 1 : i32
          %add3A_129 = arith.addi %scan3A_77, %add3A_128 : i32
          %mul3A_130 = arith.constant 80 : i32
          %mul3A_131 = arith.muli %add3A_129, %mul3A_130 : i32
          %add3A_132 = arith.addi %mul3A_16, %mul3A_131 : i32
          %multiple_of3A_133 = tpu.assume_multiple %add3A_132, 80 : i32
          %dma_wait3A_134 = tpu.memref_slice %arg4[%multiple_of3A_133] : memref<320000xi32, #tpu.memory_space<hbm>> -> memref<80xi32, #tpu.memory_space<hbm>>
          %dma_wait3A_135 = tpu.memref_slice %arg4[%multiple_of3A_133] : memref<320000xi32, #tpu.memory_space<hbm>> -> memref<80xi32, #tpu.memory_space<hbm>>
          tpu.wait_dma2 semaphore(%arg19 : memref<!tpu.dma_semaphore, #tpu.memory_space<semaphore_mem>>) src(%dma_wait3A_135 : memref<80xi32, #tpu.memory_space<hbm>>) dst(%arg11 : memref<80xi32, #tpu.memory_space<vmem>>)
        } else {
        }
      } else {
      }
      %jit3A_91 = arith.constant 2 : i32
      %eq3A_92 = arith.constant 0 : i32
      %eq3A_93 = arith.cmpi eq, %jit3A_91, %eq3A_92 : i32
      %jit3A_94 = arith.constant 1 : i32
      %select_n3A_95 = arith.select %eq3A_93, %jit3A_94, %jit3A_91 : i32
      %rem3A_96 = arith.remsi %scan3A_77, %select_n3A_95 : i32
      %ne3A_97 = arith.constant 0 : i32
      %ne3A_98 = arith.cmpi ne, %rem3A_96, %ne3A_97 : i32
      %lt3A_99 = arith.constant 0 : i32
      %lt3A_100 = arith.cmpi slt, %rem3A_96, %lt3A_99 : i32
      %lt3A_101 = arith.constant 0 : i32
      %lt3A_102 = arith.cmpi slt, %select_n3A_95, %lt3A_101 : i32
      %ne3A_103 = arith.xori %lt3A_100, %lt3A_102 : i1
      %and3A_104 = arith.andi %ne3A_103, %ne3A_98 : i1
      %add3A_105 = arith.addi %rem3A_96, %select_n3A_95 : i32
      %select_n3A_106 = arith.select %and3A_104, %add3A_105, %rem3A_96 : i32
      %eq3A_107 = arith.constant 1 : i32
      %eq3A_108 = arith.cmpi eq, %select_n3A_106, %eq3A_107 : i32
      %convert_element_type3A_109 = arith.extui %eq3A_108 : i1 to i32
      %cond3A_110 = arith.constant 0 : i32
      %cond3A_111 = arith.cmpi ne, %convert_element_type3A_109, %cond3A_110 : i32
      scf.if %cond3A_111 {
        %lt3A_113 = arith.constant 124 : i32
        %lt3A_114 = arith.cmpi slt, %scan3A_77, %lt3A_113 : i32
        %convert_element_type3A_115 = arith.extui %lt3A_114 : i1 to i32
        %cond3A_116 = arith.constant 0 : i32
        %cond3A_117 = arith.cmpi ne, %convert_element_type3A_115, %cond3A_116 : i32
        scf.if %cond3A_117 {
          %add3A_128 = arith.constant 1 : i32
          %add3A_129 = arith.addi %scan3A_77, %add3A_128 : i32
          %dma_start3A_130 = arith.constant 0 : i32
          %dma_start3A_131 = tpu.memref_slice %arg9[%add3A_129, %dma_start3A_130] : memref<125x80xi32, #tpu.memory_space<vmem>> -> memref<1x80xi32, #tpu.memory_space<vmem>>
          %dma_start3A_132 = tpu.memref_squeeze %dma_start3A_131 : memref<1x80xi32, #tpu.memory_space<vmem>> -> memref<80xi32, #tpu.memory_space<vmem>>
          %dma_start3A_133 = arith.constant 0 : i32
          %dma_start3A_134 = arith.constant 0 : i32
          %dma_start3A_135 = tpu.memref_slice %arg2[%dma_start3A_133, %dma_start3A_134] : memref<10000x128xf32, #tpu.memory_space<hbm>> -> memref<10000x128xf32, #tpu.memory_space<hbm>>
          tpu.enqueue_indirect_dma source(%dma_start3A_135 : memref<10000x128xf32, #tpu.memory_space<hbm>>) target(%arg13 : memref<80x128xf32, #tpu.memory_space<vmem>>) offsets(%dma_start3A_132 : memref<80xi32, #tpu.memory_space<vmem>>) semaphore(%arg16 : memref<!tpu.dma_semaphore, #tpu.memory_space<semaphore_mem>>)
          %add3A_136 = arith.constant 1 : i32
          %add3A_137 = arith.addi %scan3A_77, %add3A_136 : i32
          %mul3A_138 = arith.constant 80 : i32
          %mul3A_139 = arith.muli %add3A_137, %mul3A_138 : i32
          %add3A_140 = arith.addi %mul3A_16, %mul3A_139 : i32
          %multiple_of3A_141 = tpu.assume_multiple %add3A_140, 80 : i32
          %dma_start3A_142 = tpu.memref_slice %arg4[%multiple_of3A_141] : memref<320000xi32, #tpu.memory_space<hbm>> -> memref<80xi32, #tpu.memory_space<hbm>>
          %dma_start3A_143 = tpu.memref_slice %arg4[%multiple_of3A_141] : memref<320000xi32, #tpu.memory_space<hbm>> -> memref<80xi32, #tpu.memory_space<hbm>>
          tpu.enqueue_dma source(%dma_start3A_143 : memref<80xi32, #tpu.memory_space<hbm>>) target(%arg10 : memref<80xi32, #tpu.memory_space<vmem>>) target_semaphore(%arg18 : memref<!tpu.dma_semaphore, #tpu.memory_space<semaphore_mem>>)
        } else {
        }
        %dma_wait3A = arith.constant 0 : i32
        %dma_wait3A_118 = tpu.memref_slice %arg9[%scan3A_77, %dma_wait3A] : memref<125x80xi32, #tpu.memory_space<vmem>> -> memref<1x80xi32, #tpu.memory_space<vmem>>
        %dma_wait3A_119 = tpu.memref_squeeze %dma_wait3A_118 : memref<1x80xi32, #tpu.memory_space<vmem>> -> memref<80xi32, #tpu.memory_space<vmem>>
        %dma_wait3A_120 = arith.constant 0 : i32
        %dma_wait3A_121 = arith.constant 0 : i32
        %dma_wait3A_122 = tpu.memref_slice %arg2[%dma_wait3A_120, %dma_wait3A_121] : memref<10000x128xf32, #tpu.memory_space<hbm>> -> memref<10000x128xf32, #tpu.memory_space<hbm>>
        tpu.wait_indirect_dma semaphore(%arg17 : memref<!tpu.dma_semaphore, #tpu.memory_space<semaphore_mem>>) src(%dma_wait3A_122 : memref<10000x128xf32, #tpu.memory_space<hbm>>) dst(%arg14 : memref<80x128xf32, #tpu.memory_space<vmem>>)
        "tpu.region"() ({
          %run_scoped3A = tpu.sem_alloc : memref<!tpu.dma_semaphore, #tpu.memory_space<semaphore_mem>>
          %dma_start3A_128 = arith.constant 0 : i32
          %dma_start3A_129 = arith.constant 0 : i32
          %dma_start3A_130 = tpu.memref_slice %arg8[%dma_start3A_128, %dma_start3A_129] : memref<10000x128xf32, #tpu.memory_space<vmem_shared>> -> memref<10000x128xf32, #tpu.memory_space<vmem_shared>>
          tpu.enqueue_indirect_dma source(%arg14 : memref<80x128xf32, #tpu.memory_space<vmem>>) target(%dma_start3A_130 : memref<10000x128xf32, #tpu.memory_space<vmem_shared>>) offsets(%arg11 : memref<80xi32, #tpu.memory_space<vmem>>) semaphore(%run_scoped3A : memref<!tpu.dma_semaphore, #tpu.memory_space<semaphore_mem>>) {add = true}
          %dma_wait3A_131 = arith.constant 0 : i32
          %dma_wait3A_132 = arith.constant 0 : i32
          %dma_wait3A_133 = tpu.memref_slice %arg8[%dma_wait3A_131, %dma_wait3A_132] : memref<10000x128xf32, #tpu.memory_space<vmem_shared>> -> memref<10000x128xf32, #tpu.memory_space<vmem_shared>>
          tpu.wait_indirect_dma semaphore(%run_scoped3A : memref<!tpu.dma_semaphore, #tpu.memory_space<semaphore_mem>>) src(%arg14 : memref<80x128xf32, #tpu.memory_space<vmem>>) dst(%dma_wait3A_133 : memref<10000x128xf32, #tpu.memory_space<vmem_shared>>)
          tpu.yield
        }) : () -> ()
        %lt3A_123 = arith.constant 124 : i32
        %lt3A_124 = arith.cmpi slt, %scan3A_77, %lt3A_123 : i32
        %convert_element_type3A_125 = arith.extui %lt3A_124 : i1 to i32
        %cond3A_126 = arith.constant 0 : i32
        %cond3A_127 = arith.cmpi ne, %convert_element_type3A_125, %cond3A_126 : i32
        scf.if %cond3A_127 {
          %add3A_128 = arith.constant 1 : i32
          %add3A_129 = arith.addi %scan3A_77, %add3A_128 : i32
          %mul3A_130 = arith.constant 80 : i32
          %mul3A_131 = arith.muli %add3A_129, %mul3A_130 : i32
          %add3A_132 = arith.addi %mul3A_16, %mul3A_131 : i32
          %multiple_of3A_133 = tpu.assume_multiple %add3A_132, 80 : i32
          %dma_wait3A_134 = tpu.memref_slice %arg4[%multiple_of3A_133] : memref<320000xi32, #tpu.memory_space<hbm>> -> memref<80xi32, #tpu.memory_space<hbm>>
          %dma_wait3A_135 = tpu.memref_slice %arg4[%multiple_of3A_133] : memref<320000xi32, #tpu.memory_space<hbm>> -> memref<80xi32, #tpu.memory_space<hbm>>
          tpu.wait_dma2 semaphore(%arg18 : memref<!tpu.dma_semaphore, #tpu.memory_space<semaphore_mem>>) src(%dma_wait3A_135 : memref<80xi32, #tpu.memory_space<hbm>>) dst(%arg10 : memref<80xi32, #tpu.memory_space<vmem>>)
        } else {
        }
      } else {
      }
      %scan3A_112 = arith.constant 0 : i32
      scf.yield %scan3A_112 : i32
    }
    %scan3A_28 = arith.constant 125 : i32
    %barrier3A_29 = arith.constant 0 : index
    tpu.barrier barrier_id(%barrier3A_29)
    %mul3A_30 = arith.constant 624 : i32
    %mul3A_31 = arith.muli %arg1, %mul3A_30 : i32
    %add3A_32 = arith.constant 0 : i32
    %add3A_33 = arith.addi %mul3A_31, %add3A_32 : i32
    "tpu.region"() ({
      %run_scoped3A = tpu.sem_alloc : memref<!tpu.dma_semaphore, #tpu.memory_space<semaphore_mem>>
      %dma_start3A_77 = tpu.memref_slice %arg5[%add3A_33] : memref<10000xi32, #tpu.memory_space<hbm>> -> memref<104xi32, #tpu.memory_space<hbm>>
      %dma_start3A_78 = tpu.memref_slice %arg5[%add3A_33] : memref<10000xi32, #tpu.memory_space<hbm>> -> memref<104xi32, #tpu.memory_space<hbm>>
      tpu.enqueue_dma source(%dma_start3A_78 : memref<104xi32, #tpu.memory_space<hbm>>) target(%arg12 : memref<104xi32, #tpu.memory_space<vmem>>) target_semaphore(%run_scoped3A : memref<!tpu.dma_semaphore, #tpu.memory_space<semaphore_mem>>)
      %dma_wait3A = tpu.memref_slice %arg5[%add3A_33] : memref<10000xi32, #tpu.memory_space<hbm>> -> memref<104xi32, #tpu.memory_space<hbm>>
      %dma_wait3A_79 = tpu.memref_slice %arg5[%add3A_33] : memref<10000xi32, #tpu.memory_space<hbm>> -> memref<104xi32, #tpu.memory_space<hbm>>
      tpu.wait_dma2 semaphore(%run_scoped3A : memref<!tpu.dma_semaphore, #tpu.memory_space<semaphore_mem>>) src(%dma_wait3A_79 : memref<104xi32, #tpu.memory_space<hbm>>) dst(%arg12 : memref<104xi32, #tpu.memory_space<vmem>>)
      tpu.yield
    }) : () -> ()
    "tpu.region"() ({
      %run_scoped3A = tpu.sem_alloc : memref<!tpu.dma_semaphore, #tpu.memory_space<semaphore_mem>>
      %dma_start3A_77 = arith.constant 0 : i32
      %dma_start3A_78 = arith.constant 0 : i32
      %dma_start3A_79 = tpu.memref_slice %arg8[%dma_start3A_77, %dma_start3A_78] : memref<10000x128xf32, #tpu.memory_space<vmem_shared>> -> memref<10000x128xf32, #tpu.memory_space<vmem_shared>>
      tpu.enqueue_indirect_dma source(%dma_start3A_79 : memref<10000x128xf32, #tpu.memory_space<vmem_shared>>) target(%arg15 : memref<104x128xf32, #tpu.memory_space<vmem>>) offsets(%arg12 : memref<104xi32, #tpu.memory_space<vmem>>) semaphore(%run_scoped3A : memref<!tpu.dma_semaphore, #tpu.memory_space<semaphore_mem>>)
      %dma_wait3A = arith.constant 0 : i32
      %dma_wait3A_80 = arith.constant 0 : i32
      %dma_wait3A_81 = tpu.memref_slice %arg8[%dma_wait3A, %dma_wait3A_80] : memref<10000x128xf32, #tpu.memory_space<vmem_shared>> -> memref<10000x128xf32, #tpu.memory_space<vmem_shared>>
      tpu.wait_indirect_dma semaphore(%run_scoped3A : memref<!tpu.dma_semaphore, #tpu.memory_space<semaphore_mem>>) src(%dma_wait3A_81 : memref<10000x128xf32, #tpu.memory_space<vmem_shared>>) dst(%arg15 : memref<104x128xf32, #tpu.memory_space<vmem>>)
      tpu.yield
    }) : () -> ()
    %mul3A_34 = arith.constant 10000 : i32
    %mul3A_35 = arith.muli %arg0, %mul3A_34 : i32
    %add3A_36 = arith.addi %mul3A_35, %add3A_33 : i32
    "tpu.region"() ({
      %run_scoped3A = tpu.sem_alloc : memref<!tpu.dma_semaphore, #tpu.memory_space<semaphore_mem>>
      %dma_start3A_77 = arith.constant 0 : i32
      %dma_start3A_78 = tpu.memref_slice %arg7[%add3A_36, %dma_start3A_77] : memref<20000x128xf32, #tpu.memory_space<hbm>> -> memref<104x128xf32, #tpu.memory_space<hbm>>
      %dma_start3A_79 = arith.constant 0 : i32
      %dma_start3A_80 = tpu.memref_slice %arg7[%add3A_36, %dma_start3A_79] : memref<20000x128xf32, #tpu.memory_space<hbm>> -> memref<104x128xf32, #tpu.memory_space<hbm>>
      tpu.enqueue_dma source(%arg15 : memref<104x128xf32, #tpu.memory_space<vmem>>) target(%dma_start3A_80 : memref<104x128xf32, #tpu.memory_space<hbm>>) target_semaphore(%run_scoped3A : memref<!tpu.dma_semaphore, #tpu.memory_space<semaphore_mem>>)
      %dma_wait3A = arith.constant 0 : i32
      %dma_wait3A_81 = tpu.memref_slice %arg7[%add3A_36, %dma_wait3A] : memref<20000x128xf32, #tpu.memory_space<hbm>> -> memref<104x128xf32, #tpu.memory_space<hbm>>
      %dma_wait3A_82 = arith.constant 0 : i32
      %dma_wait3A_83 = tpu.memref_slice %arg7[%add3A_36, %dma_wait3A_82] : memref<20000x128xf32, #tpu.memory_space<hbm>> -> memref<104x128xf32, #tpu.memory_space<hbm>>
      tpu.wait_dma2 semaphore(%run_scoped3A : memref<!tpu.dma_semaphore, #tpu.memory_space<semaphore_mem>>) src(%arg15 : memref<104x128xf32, #tpu.memory_space<vmem>>) dst(%dma_wait3A_83 : memref<104x128xf32, #tpu.memory_space<hbm>>)
      tpu.yield
    }) : () -> ()
    %mul3A_37 = arith.constant 624 : i32
    %mul3A_38 = arith.muli %arg1, %mul3A_37 : i32
    %add3A_39 = arith.constant 104 : i32
    %add3A_40 = arith.addi %mul3A_38, %add3A_39 : i32
    "tpu.region"() ({
      %run_scoped3A = tpu.sem_alloc : memref<!tpu.dma_semaphore, #tpu.memory_space<semaphore_mem>>
      %dma_start3A_77 = tpu.memref_slice %arg5[%add3A_40] : memref<10000xi32, #tpu.memory_space<hbm>> -> memref<104xi32, #tpu.memory_space<hbm>>
      %dma_start3A_78 = tpu.memref_slice %arg5[%add3A_40] : memref<10000xi32, #tpu.memory_space<hbm>> -> memref<104xi32, #tpu.memory_space<hbm>>
      tpu.enqueue_dma source(%dma_start3A_78 : memref<104xi32, #tpu.memory_space<hbm>>) target(%arg12 : memref<104xi32, #tpu.memory_space<vmem>>) target_semaphore(%run_scoped3A : memref<!tpu.dma_semaphore, #tpu.memory_space<semaphore_mem>>)
      %dma_wait3A = tpu.memref_slice %arg5[%add3A_40] : memref<10000xi32, #tpu.memory_space<hbm>> -> memref<104xi32, #tpu.memory_space<hbm>>
      %dma_wait3A_79 = tpu.memref_slice %arg5[%add3A_40] : memref<10000xi32, #tpu.memory_space<hbm>> -> memref<104xi32, #tpu.memory_space<hbm>>
      tpu.wait_dma2 semaphore(%run_scoped3A : memref<!tpu.dma_semaphore, #tpu.memory_space<semaphore_mem>>) src(%dma_wait3A_79 : memref<104xi32, #tpu.memory_space<hbm>>) dst(%arg12 : memref<104xi32, #tpu.memory_space<vmem>>)
      tpu.yield
    }) : () -> ()
    "tpu.region"() ({
      %run_scoped3A = tpu.sem_alloc : memref<!tpu.dma_semaphore, #tpu.memory_space<semaphore_mem>>
      %dma_start3A_77 = arith.constant 0 : i32
      %dma_start3A_78 = arith.constant 0 : i32
      %dma_start3A_79 = tpu.memref_slice %arg8[%dma_start3A_77, %dma_start3A_78] : memref<10000x128xf32, #tpu.memory_space<vmem_shared>> -> memref<10000x128xf32, #tpu.memory_space<vmem_shared>>
      tpu.enqueue_indirect_dma source(%dma_start3A_79 : memref<10000x128xf32, #tpu.memory_space<vmem_shared>>) target(%arg15 : memref<104x128xf32, #tpu.memory_space<vmem>>) offsets(%arg12 : memref<104xi32, #tpu.memory_space<vmem>>) semaphore(%run_scoped3A : memref<!tpu.dma_semaphore, #tpu.memory_space<semaphore_mem>>)
      %dma_wait3A = arith.constant 0 : i32
      %dma_wait3A_80 = arith.constant 0 : i32
      %dma_wait3A_81 = tpu.memref_slice %arg8[%dma_wait3A, %dma_wait3A_80] : memref<10000x128xf32, #tpu.memory_space<vmem_shared>> -> memref<10000x128xf32, #tpu.memory_space<vmem_shared>>
      tpu.wait_indirect_dma semaphore(%run_scoped3A : memref<!tpu.dma_semaphore, #tpu.memory_space<semaphore_mem>>) src(%dma_wait3A_81 : memref<10000x128xf32, #tpu.memory_space<vmem_shared>>) dst(%arg15 : memref<104x128xf32, #tpu.memory_space<vmem>>)
      tpu.yield
    }) : () -> ()
    %mul3A_41 = arith.constant 10000 : i32
    %mul3A_42 = arith.muli %arg0, %mul3A_41 : i32
    %add3A_43 = arith.addi %mul3A_42, %add3A_40 : i32
    "tpu.region"() ({
      %run_scoped3A = tpu.sem_alloc : memref<!tpu.dma_semaphore, #tpu.memory_space<semaphore_mem>>
      %dma_start3A_77 = arith.constant 0 : i32
      %dma_start3A_78 = tpu.memref_slice %arg7[%add3A_43, %dma_start3A_77] : memref<20000x128xf32, #tpu.memory_space<hbm>> -> memref<104x128xf32, #tpu.memory_space<hbm>>
      %dma_start3A_79 = arith.constant 0 : i32
      %dma_start3A_80 = tpu.memref_slice %arg7[%add3A_43, %dma_start3A_79] : memref<20000x128xf32, #tpu.memory_space<hbm>> -> memref<104x128xf32, #tpu.memory_space<hbm>>
      tpu.enqueue_dma source(%arg15 : memref<104x128xf32, #tpu.memory_space<vmem>>) target(%dma_start3A_80 : memref<104x128xf32, #tpu.memory_space<hbm>>) target_semaphore(%run_scoped3A : memref<!tpu.dma_semaphore, #tpu.memory_space<semaphore_mem>>)
      %dma_wait3A = arith.constant 0 : i32
      %dma_wait3A_81 = tpu.memref_slice %arg7[%add3A_43, %dma_wait3A] : memref<20000x128xf32, #tpu.memory_space<hbm>> -> memref<104x128xf32, #tpu.memory_space<hbm>>
      %dma_wait3A_82 = arith.constant 0 : i32
      %dma_wait3A_83 = tpu.memref_slice %arg7[%add3A_43, %dma_wait3A_82] : memref<20000x128xf32, #tpu.memory_space<hbm>> -> memref<104x128xf32, #tpu.memory_space<hbm>>
      tpu.wait_dma2 semaphore(%run_scoped3A : memref<!tpu.dma_semaphore, #tpu.memory_space<semaphore_mem>>) src(%arg15 : memref<104x128xf32, #tpu.memory_space<vmem>>) dst(%dma_wait3A_83 : memref<104x128xf32, #tpu.memory_space<hbm>>)
      tpu.yield
    }) : () -> ()
    %mul3A_44 = arith.constant 624 : i32
    %mul3A_45 = arith.muli %arg1, %mul3A_44 : i32
    %add3A_46 = arith.constant 208 : i32
    %add3A_47 = arith.addi %mul3A_45, %add3A_46 : i32
    "tpu.region"() ({
      %run_scoped3A = tpu.sem_alloc : memref<!tpu.dma_semaphore, #tpu.memory_space<semaphore_mem>>
      %dma_start3A_77 = tpu.memref_slice %arg5[%add3A_47] : memref<10000xi32, #tpu.memory_space<hbm>> -> memref<104xi32, #tpu.memory_space<hbm>>
      %dma_start3A_78 = tpu.memref_slice %arg5[%add3A_47] : memref<10000xi32, #tpu.memory_space<hbm>> -> memref<104xi32, #tpu.memory_space<hbm>>
      tpu.enqueue_dma source(%dma_start3A_78 : memref<104xi32, #tpu.memory_space<hbm>>) target(%arg12 : memref<104xi32, #tpu.memory_space<vmem>>) target_semaphore(%run_scoped3A : memref<!tpu.dma_semaphore, #tpu.memory_space<semaphore_mem>>)
      %dma_wait3A = tpu.memref_slice %arg5[%add3A_47] : memref<10000xi32, #tpu.memory_space<hbm>> -> memref<104xi32, #tpu.memory_space<hbm>>
      %dma_wait3A_79 = tpu.memref_slice %arg5[%add3A_47] : memref<10000xi32, #tpu.memory_space<hbm>> -> memref<104xi32, #tpu.memory_space<hbm>>
      tpu.wait_dma2 semaphore(%run_scoped3A : memref<!tpu.dma_semaphore, #tpu.memory_space<semaphore_mem>>) src(%dma_wait3A_79 : memref<104xi32, #tpu.memory_space<hbm>>) dst(%arg12 : memref<104xi32, #tpu.memory_space<vmem>>)
      tpu.yield
    }) : () -> ()
    "tpu.region"() ({
      %run_scoped3A = tpu.sem_alloc : memref<!tpu.dma_semaphore, #tpu.memory_space<semaphore_mem>>
      %dma_start3A_77 = arith.constant 0 : i32
      %dma_start3A_78 = arith.constant 0 : i32
      %dma_start3A_79 = tpu.memref_slice %arg8[%dma_start3A_77, %dma_start3A_78] : memref<10000x128xf32, #tpu.memory_space<vmem_shared>> -> memref<10000x128xf32, #tpu.memory_space<vmem_shared>>
      tpu.enqueue_indirect_dma source(%dma_start3A_79 : memref<10000x128xf32, #tpu.memory_space<vmem_shared>>) target(%arg15 : memref<104x128xf32, #tpu.memory_space<vmem>>) offsets(%arg12 : memref<104xi32, #tpu.memory_space<vmem>>) semaphore(%run_scoped3A : memref<!tpu.dma_semaphore, #tpu.memory_space<semaphore_mem>>)
      %dma_wait3A = arith.constant 0 : i32
      %dma_wait3A_80 = arith.constant 0 : i32
      %dma_wait3A_81 = tpu.memref_slice %arg8[%dma_wait3A, %dma_wait3A_80] : memref<10000x128xf32, #tpu.memory_space<vmem_shared>> -> memref<10000x128xf32, #tpu.memory_space<vmem_shared>>
      tpu.wait_indirect_dma semaphore(%run_scoped3A : memref<!tpu.dma_semaphore, #tpu.memory_space<semaphore_mem>>) src(%dma_wait3A_81 : memref<10000x128xf32, #tpu.memory_space<vmem_shared>>) dst(%arg15 : memref<104x128xf32, #tpu.memory_space<vmem>>)
      tpu.yield
    }) : () -> ()
    %mul3A_48 = arith.constant 10000 : i32
    %mul3A_49 = arith.muli %arg0, %mul3A_48 : i32
    %add3A_50 = arith.addi %mul3A_49, %add3A_47 : i32
    "tpu.region"() ({
      %run_scoped3A = tpu.sem_alloc : memref<!tpu.dma_semaphore, #tpu.memory_space<semaphore_mem>>
      %dma_start3A_77 = arith.constant 0 : i32
      %dma_start3A_78 = tpu.memref_slice %arg7[%add3A_50, %dma_start3A_77] : memref<20000x128xf32, #tpu.memory_space<hbm>> -> memref<104x128xf32, #tpu.memory_space<hbm>>
      %dma_start3A_79 = arith.constant 0 : i32
      %dma_start3A_80 = tpu.memref_slice %arg7[%add3A_50, %dma_start3A_79] : memref<20000x128xf32, #tpu.memory_space<hbm>> -> memref<104x128xf32, #tpu.memory_space<hbm>>
      tpu.enqueue_dma source(%arg15 : memref<104x128xf32, #tpu.memory_space<vmem>>) target(%dma_start3A_80 : memref<104x128xf32, #tpu.memory_space<hbm>>) target_semaphore(%run_scoped3A : memref<!tpu.dma_semaphore, #tpu.memory_space<semaphore_mem>>)
      %dma_wait3A = arith.constant 0 : i32
      %dma_wait3A_81 = tpu.memref_slice %arg7[%add3A_50, %dma_wait3A] : memref<20000x128xf32, #tpu.memory_space<hbm>> -> memref<104x128xf32, #tpu.memory_space<hbm>>
      %dma_wait3A_82 = arith.constant 0 : i32
      %dma_wait3A_83 = tpu.memref_slice %arg7[%add3A_50, %dma_wait3A_82] : memref<20000x128xf32, #tpu.memory_space<hbm>> -> memref<104x128xf32, #tpu.memory_space<hbm>>
      tpu.wait_dma2 semaphore(%run_scoped3A : memref<!tpu.dma_semaphore, #tpu.memory_space<semaphore_mem>>) src(%arg15 : memref<104x128xf32, #tpu.memory_space<vmem>>) dst(%dma_wait3A_83 : memref<104x128xf32, #tpu.memory_space<hbm>>)
      tpu.yield
    }) : () -> ()
    %mul3A_51 = arith.constant 624 : i32
    %mul3A_52 = arith.muli %arg1, %mul3A_51 : i32
    %add3A_53 = arith.constant 312 : i32
    %add3A_54 = arith.addi %mul3A_52, %add3A_53 : i32
    "tpu.region"() ({
      %run_scoped3A = tpu.sem_alloc : memref<!tpu.dma_semaphore, #tpu.memory_space<semaphore_mem>>
      %dma_start3A_77 = tpu.memref_slice %arg5[%add3A_54] : memref<10000xi32, #tpu.memory_space<hbm>> -> memref<104xi32, #tpu.memory_space<hbm>>
      %dma_start3A_78 = tpu.memref_slice %arg5[%add3A_54] : memref<10000xi32, #tpu.memory_space<hbm>> -> memref<104xi32, #tpu.memory_space<hbm>>
      tpu.enqueue_dma source(%dma_start3A_78 : memref<104xi32, #tpu.memory_space<hbm>>) target(%arg12 : memref<104xi32, #tpu.memory_space<vmem>>) target_semaphore(%run_scoped3A : memref<!tpu.dma_semaphore, #tpu.memory_space<semaphore_mem>>)
      %dma_wait3A = tpu.memref_slice %arg5[%add3A_54] : memref<10000xi32, #tpu.memory_space<hbm>> -> memref<104xi32, #tpu.memory_space<hbm>>
      %dma_wait3A_79 = tpu.memref_slice %arg5[%add3A_54] : memref<10000xi32, #tpu.memory_space<hbm>> -> memref<104xi32, #tpu.memory_space<hbm>>
      tpu.wait_dma2 semaphore(%run_scoped3A : memref<!tpu.dma_semaphore, #tpu.memory_space<semaphore_mem>>) src(%dma_wait3A_79 : memref<104xi32, #tpu.memory_space<hbm>>) dst(%arg12 : memref<104xi32, #tpu.memory_space<vmem>>)
      tpu.yield
    }) : () -> ()
    "tpu.region"() ({
      %run_scoped3A = tpu.sem_alloc : memref<!tpu.dma_semaphore, #tpu.memory_space<semaphore_mem>>
      %dma_start3A_77 = arith.constant 0 : i32
      %dma_start3A_78 = arith.constant 0 : i32
      %dma_start3A_79 = tpu.memref_slice %arg8[%dma_start3A_77, %dma_start3A_78] : memref<10000x128xf32, #tpu.memory_space<vmem_shared>> -> memref<10000x128xf32, #tpu.memory_space<vmem_shared>>
      tpu.enqueue_indirect_dma source(%dma_start3A_79 : memref<10000x128xf32, #tpu.memory_space<vmem_shared>>) target(%arg15 : memref<104x128xf32, #tpu.memory_space<vmem>>) offsets(%arg12 : memref<104xi32, #tpu.memory_space<vmem>>) semaphore(%run_scoped3A : memref<!tpu.dma_semaphore, #tpu.memory_space<semaphore_mem>>)
      %dma_wait3A = arith.constant 0 : i32
      %dma_wait3A_80 = arith.constant 0 : i32
      %dma_wait3A_81 = tpu.memref_slice %arg8[%dma_wait3A, %dma_wait3A_80] : memref<10000x128xf32, #tpu.memory_space<vmem_shared>> -> memref<10000x128xf32, #tpu.memory_space<vmem_shared>>
      tpu.wait_indirect_dma semaphore(%run_scoped3A : memref<!tpu.dma_semaphore, #tpu.memory_space<semaphore_mem>>) src(%dma_wait3A_81 : memref<10000x128xf32, #tpu.memory_space<vmem_shared>>) dst(%arg15 : memref<104x128xf32, #tpu.memory_space<vmem>>)
      tpu.yield
    }) : () -> ()
    %mul3A_55 = arith.constant 10000 : i32
    %mul3A_56 = arith.muli %arg0, %mul3A_55 : i32
    %add3A_57 = arith.addi %mul3A_56, %add3A_54 : i32
    "tpu.region"() ({
      %run_scoped3A = tpu.sem_alloc : memref<!tpu.dma_semaphore, #tpu.memory_space<semaphore_mem>>
      %dma_start3A_77 = arith.constant 0 : i32
      %dma_start3A_78 = tpu.memref_slice %arg7[%add3A_57, %dma_start3A_77] : memref<20000x128xf32, #tpu.memory_space<hbm>> -> memref<104x128xf32, #tpu.memory_space<hbm>>
      %dma_start3A_79 = arith.constant 0 : i32
      %dma_start3A_80 = tpu.memref_slice %arg7[%add3A_57, %dma_start3A_79] : memref<20000x128xf32, #tpu.memory_space<hbm>> -> memref<104x128xf32, #tpu.memory_space<hbm>>
      tpu.enqueue_dma source(%arg15 : memref<104x128xf32, #tpu.memory_space<vmem>>) target(%dma_start3A_80 : memref<104x128xf32, #tpu.memory_space<hbm>>) target_semaphore(%run_scoped3A : memref<!tpu.dma_semaphore, #tpu.memory_space<semaphore_mem>>)
      %dma_wait3A = arith.constant 0 : i32
      %dma_wait3A_81 = tpu.memref_slice %arg7[%add3A_57, %dma_wait3A] : memref<20000x128xf32, #tpu.memory_space<hbm>> -> memref<104x128xf32, #tpu.memory_space<hbm>>
      %dma_wait3A_82 = arith.constant 0 : i32
      %dma_wait3A_83 = tpu.memref_slice %arg7[%add3A_57, %dma_wait3A_82] : memref<20000x128xf32, #tpu.memory_space<hbm>> -> memref<104x128xf32, #tpu.memory_space<hbm>>
      tpu.wait_dma2 semaphore(%run_scoped3A : memref<!tpu.dma_semaphore, #tpu.memory_space<semaphore_mem>>) src(%arg15 : memref<104x128xf32, #tpu.memory_space<vmem>>) dst(%dma_wait3A_83 : memref<104x128xf32, #tpu.memory_space<hbm>>)
      tpu.yield
    }) : () -> ()
    %mul3A_58 = arith.constant 624 : i32
    %mul3A_59 = arith.muli %arg1, %mul3A_58 : i32
    %add3A_60 = arith.constant 416 : i32
    %add3A_61 = arith.addi %mul3A_59, %add3A_60 : i32
    "tpu.region"() ({
      %run_scoped3A = tpu.sem_alloc : memref<!tpu.dma_semaphore, #tpu.memory_space<semaphore_mem>>
      %dma_start3A_77 = tpu.memref_slice %arg5[%add3A_61] : memref<10000xi32, #tpu.memory_space<hbm>> -> memref<104xi32, #tpu.memory_space<hbm>>
      %dma_start3A_78 = tpu.memref_slice %arg5[%add3A_61] : memref<10000xi32, #tpu.memory_space<hbm>> -> memref<104xi32, #tpu.memory_space<hbm>>
      tpu.enqueue_dma source(%dma_start3A_78 : memref<104xi32, #tpu.memory_space<hbm>>) target(%arg12 : memref<104xi32, #tpu.memory_space<vmem>>) target_semaphore(%run_scoped3A : memref<!tpu.dma_semaphore, #tpu.memory_space<semaphore_mem>>)
      %dma_wait3A = tpu.memref_slice %arg5[%add3A_61] : memref<10000xi32, #tpu.memory_space<hbm>> -> memref<104xi32, #tpu.memory_space<hbm>>
      %dma_wait3A_79 = tpu.memref_slice %arg5[%add3A_61] : memref<10000xi32, #tpu.memory_space<hbm>> -> memref<104xi32, #tpu.memory_space<hbm>>
      tpu.wait_dma2 semaphore(%run_scoped3A : memref<!tpu.dma_semaphore, #tpu.memory_space<semaphore_mem>>) src(%dma_wait3A_79 : memref<104xi32, #tpu.memory_space<hbm>>) dst(%arg12 : memref<104xi32, #tpu.memory_space<vmem>>)
      tpu.yield
    }) : () -> ()
    "tpu.region"() ({
      %run_scoped3A = tpu.sem_alloc : memref<!tpu.dma_semaphore, #tpu.memory_space<semaphore_mem>>
      %dma_start3A_77 = arith.constant 0 : i32
      %dma_start3A_78 = arith.constant 0 : i32
      %dma_start3A_79 = tpu.memref_slice %arg8[%dma_start3A_77, %dma_start3A_78] : memref<10000x128xf32, #tpu.memory_space<vmem_shared>> -> memref<10000x128xf32, #tpu.memory_space<vmem_shared>>
      tpu.enqueue_indirect_dma source(%dma_start3A_79 : memref<10000x128xf32, #tpu.memory_space<vmem_shared>>) target(%arg15 : memref<104x128xf32, #tpu.memory_space<vmem>>) offsets(%arg12 : memref<104xi32, #tpu.memory_space<vmem>>) semaphore(%run_scoped3A : memref<!tpu.dma_semaphore, #tpu.memory_space<semaphore_mem>>)
      %dma_wait3A = arith.constant 0 : i32
      %dma_wait3A_80 = arith.constant 0 : i32
      %dma_wait3A_81 = tpu.memref_slice %arg8[%dma_wait3A, %dma_wait3A_80] : memref<10000x128xf32, #tpu.memory_space<vmem_shared>> -> memref<10000x128xf32, #tpu.memory_space<vmem_shared>>
      tpu.wait_indirect_dma semaphore(%run_scoped3A : memref<!tpu.dma_semaphore, #tpu.memory_space<semaphore_mem>>) src(%dma_wait3A_81 : memref<10000x128xf32, #tpu.memory_space<vmem_shared>>) dst(%arg15 : memref<104x128xf32, #tpu.memory_space<vmem>>)
      tpu.yield
    }) : () -> ()
    %mul3A_62 = arith.constant 10000 : i32
    %mul3A_63 = arith.muli %arg0, %mul3A_62 : i32
    %add3A_64 = arith.addi %mul3A_63, %add3A_61 : i32
    "tpu.region"() ({
      %run_scoped3A = tpu.sem_alloc : memref<!tpu.dma_semaphore, #tpu.memory_space<semaphore_mem>>
      %dma_start3A_77 = arith.constant 0 : i32
      %dma_start3A_78 = tpu.memref_slice %arg7[%add3A_64, %dma_start3A_77] : memref<20000x128xf32, #tpu.memory_space<hbm>> -> memref<104x128xf32, #tpu.memory_space<hbm>>
      %dma_start3A_79 = arith.constant 0 : i32
      %dma_start3A_80 = tpu.memref_slice %arg7[%add3A_64, %dma_start3A_79] : memref<20000x128xf32, #tpu.memory_space<hbm>> -> memref<104x128xf32, #tpu.memory_space<hbm>>
      tpu.enqueue_dma source(%arg15 : memref<104x128xf32, #tpu.memory_space<vmem>>) target(%dma_start3A_80 : memref<104x128xf32, #tpu.memory_space<hbm>>) target_semaphore(%run_scoped3A : memref<!tpu.dma_semaphore, #tpu.memory_space<semaphore_mem>>)
      %dma_wait3A = arith.constant 0 : i32
      %dma_wait3A_81 = tpu.memref_slice %arg7[%add3A_64, %dma_wait3A] : memref<20000x128xf32, #tpu.memory_space<hbm>> -> memref<104x128xf32, #tpu.memory_space<hbm>>
      %dma_wait3A_82 = arith.constant 0 : i32
      %dma_wait3A_83 = tpu.memref_slice %arg7[%add3A_64, %dma_wait3A_82] : memref<20000x128xf32, #tpu.memory_space<hbm>> -> memref<104x128xf32, #tpu.memory_space<hbm>>
      tpu.wait_dma2 semaphore(%run_scoped3A : memref<!tpu.dma_semaphore, #tpu.memory_space<semaphore_mem>>) src(%arg15 : memref<104x128xf32, #tpu.memory_space<vmem>>) dst(%dma_wait3A_83 : memref<104x128xf32, #tpu.memory_space<hbm>>)
      tpu.yield
    }) : () -> ()
    %mul3A_65 = arith.constant 624 : i32
    %mul3A_66 = arith.muli %arg1, %mul3A_65 : i32
    %add3A_67 = arith.constant 520 : i32
    %add3A_68 = arith.addi %mul3A_66, %add3A_67 : i32
    "tpu.region"() ({
      %run_scoped3A = tpu.sem_alloc : memref<!tpu.dma_semaphore, #tpu.memory_space<semaphore_mem>>
      %dma_start3A_77 = tpu.memref_slice %arg5[%add3A_68] : memref<10000xi32, #tpu.memory_space<hbm>> -> memref<104xi32, #tpu.memory_space<hbm>>
      %dma_start3A_78 = tpu.memref_slice %arg5[%add3A_68] : memref<10000xi32, #tpu.memory_space<hbm>> -> memref<104xi32, #tpu.memory_space<hbm>>
      tpu.enqueue_dma source(%dma_start3A_78 : memref<104xi32, #tpu.memory_space<hbm>>) target(%arg12 : memref<104xi32, #tpu.memory_space<vmem>>) target_semaphore(%run_scoped3A : memref<!tpu.dma_semaphore, #tpu.memory_space<semaphore_mem>>)
      %dma_wait3A = tpu.memref_slice %arg5[%add3A_68] : memref<10000xi32, #tpu.memory_space<hbm>> -> memref<104xi32, #tpu.memory_space<hbm>>
      %dma_wait3A_79 = tpu.memref_slice %arg5[%add3A_68] : memref<10000xi32, #tpu.memory_space<hbm>> -> memref<104xi32, #tpu.memory_space<hbm>>
      tpu.wait_dma2 semaphore(%run_scoped3A : memref<!tpu.dma_semaphore, #tpu.memory_space<semaphore_mem>>) src(%dma_wait3A_79 : memref<104xi32, #tpu.memory_space<hbm>>) dst(%arg12 : memref<104xi32, #tpu.memory_space<vmem>>)
      tpu.yield
    }) : () -> ()
    "tpu.region"() ({
      %run_scoped3A = tpu.sem_alloc : memref<!tpu.dma_semaphore, #tpu.memory_space<semaphore_mem>>
      %dma_start3A_77 = arith.constant 0 : i32
      %dma_start3A_78 = arith.constant 0 : i32
      %dma_start3A_79 = tpu.memref_slice %arg8[%dma_start3A_77, %dma_start3A_78] : memref<10000x128xf32, #tpu.memory_space<vmem_shared>> -> memref<10000x128xf32, #tpu.memory_space<vmem_shared>>
      tpu.enqueue_indirect_dma source(%dma_start3A_79 : memref<10000x128xf32, #tpu.memory_space<vmem_shared>>) target(%arg15 : memref<104x128xf32, #tpu.memory_space<vmem>>) offsets(%arg12 : memref<104xi32, #tpu.memory_space<vmem>>) semaphore(%run_scoped3A : memref<!tpu.dma_semaphore, #tpu.memory_space<semaphore_mem>>)
      %dma_wait3A = arith.constant 0 : i32
      %dma_wait3A_80 = arith.constant 0 : i32
      %dma_wait3A_81 = tpu.memref_slice %arg8[%dma_wait3A, %dma_wait3A_80] : memref<10000x128xf32, #tpu.memory_space<vmem_shared>> -> memref<10000x128xf32, #tpu.memory_space<vmem_shared>>
      tpu.wait_indirect_dma semaphore(%run_scoped3A : memref<!tpu.dma_semaphore, #tpu.memory_space<semaphore_mem>>) src(%dma_wait3A_81 : memref<10000x128xf32, #tpu.memory_space<vmem_shared>>) dst(%arg15 : memref<104x128xf32, #tpu.memory_space<vmem>>)
      tpu.yield
    }) : () -> ()
    %mul3A_69 = arith.constant 10000 : i32
    %mul3A_70 = arith.muli %arg0, %mul3A_69 : i32
    %add3A_71 = arith.addi %mul3A_70, %add3A_68 : i32
    "tpu.region"() ({
      %run_scoped3A = tpu.sem_alloc : memref<!tpu.dma_semaphore, #tpu.memory_space<semaphore_mem>>
      %dma_start3A_77 = arith.constant 0 : i32
      %dma_start3A_78 = tpu.memref_slice %arg7[%add3A_71, %dma_start3A_77] : memref<20000x128xf32, #tpu.memory_space<hbm>> -> memref<104x128xf32, #tpu.memory_space<hbm>>
      %dma_start3A_79 = arith.constant 0 : i32
      %dma_start3A_80 = tpu.memref_slice %arg7[%add3A_71, %dma_start3A_79] : memref<20000x128xf32, #tpu.memory_space<hbm>> -> memref<104x128xf32, #tpu.memory_space<hbm>>
      tpu.enqueue_dma source(%arg15 : memref<104x128xf32, #tpu.memory_space<vmem>>) target(%dma_start3A_80 : memref<104x128xf32, #tpu.memory_space<hbm>>) target_semaphore(%run_scoped3A : memref<!tpu.dma_semaphore, #tpu.memory_space<semaphore_mem>>)
      %dma_wait3A = arith.constant 0 : i32
      %dma_wait3A_81 = tpu.memref_slice %arg7[%add3A_71, %dma_wait3A] : memref<20000x128xf32, #tpu.memory_space<hbm>> -> memref<104x128xf32, #tpu.memory_space<hbm>>
      %dma_wait3A_82 = arith.constant 0 : i32
      %dma_wait3A_83 = tpu.memref_slice %arg7[%add3A_71, %dma_wait3A_82] : memref<20000x128xf32, #tpu.memory_space<hbm>> -> memref<104x128xf32, #tpu.memory_space<hbm>>
      tpu.wait_dma2 semaphore(%run_scoped3A : memref<!tpu.dma_semaphore, #tpu.memory_space<semaphore_mem>>) src(%arg15 : memref<104x128xf32, #tpu.memory_space<vmem>>) dst(%dma_wait3A_83 : memref<104x128xf32, #tpu.memory_space<hbm>>)
      tpu.yield
    }) : () -> ()
    "tpu.region"() ({
      %run_scoped3A = tpu.sem_alloc : memref<!tpu.dma_semaphore, #tpu.memory_space<semaphore_mem>>
      %dma_start3A_77 = arith.constant 9896 : i32
      %dma_start3A_78 = tpu.memref_slice %arg5[%dma_start3A_77] : memref<10000xi32, #tpu.memory_space<hbm>> -> memref<104xi32, #tpu.memory_space<hbm>>
      %dma_start3A_79 = arith.constant 9896 : i32
      %dma_start3A_80 = tpu.memref_slice %arg5[%dma_start3A_79] : memref<10000xi32, #tpu.memory_space<hbm>> -> memref<104xi32, #tpu.memory_space<hbm>>
      tpu.enqueue_dma source(%dma_start3A_80 : memref<104xi32, #tpu.memory_space<hbm>>) target(%arg12 : memref<104xi32, #tpu.memory_space<vmem>>) target_semaphore(%run_scoped3A : memref<!tpu.dma_semaphore, #tpu.memory_space<semaphore_mem>>)
      %dma_wait3A = arith.constant 9896 : i32
      %dma_wait3A_81 = tpu.memref_slice %arg5[%dma_wait3A] : memref<10000xi32, #tpu.memory_space<hbm>> -> memref<104xi32, #tpu.memory_space<hbm>>
      %dma_wait3A_82 = arith.constant 9896 : i32
      %dma_wait3A_83 = tpu.memref_slice %arg5[%dma_wait3A_82] : memref<10000xi32, #tpu.memory_space<hbm>> -> memref<104xi32, #tpu.memory_space<hbm>>
      tpu.wait_dma2 semaphore(%run_scoped3A : memref<!tpu.dma_semaphore, #tpu.memory_space<semaphore_mem>>) src(%dma_wait3A_83 : memref<104xi32, #tpu.memory_space<hbm>>) dst(%arg12 : memref<104xi32, #tpu.memory_space<vmem>>)
      tpu.yield
    }) : () -> ()
    "tpu.region"() ({
      %run_scoped3A = tpu.sem_alloc : memref<!tpu.dma_semaphore, #tpu.memory_space<semaphore_mem>>
      %dma_start3A_77 = arith.constant 0 : i32
      %dma_start3A_78 = arith.constant 0 : i32
      %dma_start3A_79 = tpu.memref_slice %arg8[%dma_start3A_77, %dma_start3A_78] : memref<10000x128xf32, #tpu.memory_space<vmem_shared>> -> memref<10000x128xf32, #tpu.memory_space<vmem_shared>>
      tpu.enqueue_indirect_dma source(%dma_start3A_79 : memref<10000x128xf32, #tpu.memory_space<vmem_shared>>) target(%arg15 : memref<104x128xf32, #tpu.memory_space<vmem>>) offsets(%arg12 : memref<104xi32, #tpu.memory_space<vmem>>) semaphore(%run_scoped3A : memref<!tpu.dma_semaphore, #tpu.memory_space<semaphore_mem>>)
      %dma_wait3A = arith.constant 0 : i32
      %dma_wait3A_80 = arith.constant 0 : i32
      %dma_wait3A_81 = tpu.memref_slice %arg8[%dma_wait3A, %dma_wait3A_80] : memref<10000x128xf32, #tpu.memory_space<vmem_shared>> -> memref<10000x128xf32, #tpu.memory_space<vmem_shared>>
      tpu.wait_indirect_dma semaphore(%run_scoped3A : memref<!tpu.dma_semaphore, #tpu.memory_space<semaphore_mem>>) src(%dma_wait3A_81 : memref<10000x128xf32, #tpu.memory_space<vmem_shared>>) dst(%arg15 : memref<104x128xf32, #tpu.memory_space<vmem>>)
      tpu.yield
    }) : () -> ()
    %mul3A_72 = arith.constant 10000 : i32
    %mul3A_73 = arith.muli %arg0, %mul3A_72 : i32
    %add3A_74 = arith.constant 10000 : i32
    %add3A_75 = arith.addi %mul3A_73, %add3A_74 : i32
    %sub3A = arith.constant 104 : i32
    %sub3A_76 = arith.subi %add3A_75, %sub3A : i32
    "tpu.region"() ({
      %run_scoped3A = tpu.sem_alloc : memref<!tpu.dma_semaphore, #tpu.memory_space<semaphore_mem>>
      %dma_start3A_77 = arith.constant 0 : i32
      %dma_start3A_78 = tpu.memref_slice %arg7[%sub3A_76, %dma_start3A_77] : memref<20000x128xf32, #tpu.memory_space<hbm>> -> memref<104x128xf32, #tpu.memory_space<hbm>>
      %dma_start3A_79 = arith.constant 0 : i32
      %dma_start3A_80 = tpu.memref_slice %arg7[%sub3A_76, %dma_start3A_79] : memref<20000x128xf32, #tpu.memory_space<hbm>> -> memref<104x128xf32, #tpu.memory_space<hbm>>
      tpu.enqueue_dma source(%arg15 : memref<104x128xf32, #tpu.memory_space<vmem>>) target(%dma_start3A_80 : memref<104x128xf32, #tpu.memory_space<hbm>>) target_semaphore(%run_scoped3A : memref<!tpu.dma_semaphore, #tpu.memory_space<semaphore_mem>>)
      %dma_wait3A = arith.constant 0 : i32
      %dma_wait3A_81 = tpu.memref_slice %arg7[%sub3A_76, %dma_wait3A] : memref<20000x128xf32, #tpu.memory_space<hbm>> -> memref<104x128xf32, #tpu.memory_space<hbm>>
      %dma_wait3A_82 = arith.constant 0 : i32
      %dma_wait3A_83 = tpu.memref_slice %arg7[%sub3A_76, %dma_wait3A_82] : memref<20000x128xf32, #tpu.memory_space<hbm>> -> memref<104x128xf32, #tpu.memory_space<hbm>>
      tpu.wait_dma2 semaphore(%run_scoped3A : memref<!tpu.dma_semaphore, #tpu.memory_space<semaphore_mem>>) src(%arg15 : memref<104x128xf32, #tpu.memory_space<vmem>>) dst(%dma_wait3A_83 : memref<104x128xf32, #tpu.memory_space<hbm>>)
      tpu.yield
    }) : () -> ()
    return
  }
}

module attributes {stable_mosaic.version = 14 : i64} {
  func.func @_gin_pre_body(%arg0: i32, %arg1: memref<2000x128xf32, #tpu.memory_space<vmem>>, %arg2: memref<2x2000x128xf32, #tpu.memory_space<vmem>>, %arg3: memref<2x2000x128xf32, #tpu.memory_space<vmem>>, %arg4: memref<128x128xf32, #tpu.memory_space<vmem>>, %arg5: memref<1x128xf32, #tpu.memory_space<vmem>>, %arg6: memref<128x128xf32, #tpu.memory_space<vmem>>, %arg7: memref<1x128xf32, #tpu.memory_space<vmem>>, %arg8: memref<2000x128xf32, #tpu.memory_space<vmem>>, %arg9: memref<2000x128xf32, #tpu.memory_space<vmem>>) attributes {dimension_semantics = [#tpu.dimension_semantics<arbitrary>], iteration_bounds = array<i64: 5>, scalar_prefetch = 0 : i64, scratch_operands = 0 : i64, tpu.core_type = #tpu.core_type<tc>, window_params = [{transform_indices = @transform_0, window_bounds = array<i64: 2000, 128>}, {transform_indices = @transform_1, window_bounds = array<i64: 2, 2000, 128>}, {transform_indices = @transform_2, window_bounds = array<i64: 2, 2000, 128>}, {pipeline_mode = #tpu.pipeline_mode<synchronous>, transform_indices = @transform_3, window_bounds = array<i64: 128, 128>}, {pipeline_mode = #tpu.pipeline_mode<synchronous>, transform_indices = @transform_4, window_bounds = array<i64: 1, 128>}, {pipeline_mode = #tpu.pipeline_mode<synchronous>, transform_indices = @transform_5, window_bounds = array<i64: 128, 128>}, {pipeline_mode = #tpu.pipeline_mode<synchronous>, transform_indices = @transform_6, window_bounds = array<i64: 1, 128>}, {transform_indices = @transform_7, window_bounds = array<i64: 2000, 128>}, {transform_indices = @transform_8, window_bounds = array<i64: 2000, 128>}]} {
    %get3A = arith.constant 0 : index
    %get3A_0 = arith.constant 0 : index
    %get3A_1 = vector.load %arg1[%get3A, %get3A_0] : memref<2000x128xf32, #tpu.memory_space<vmem>>, vector<2000x128xf32>
    %get3A_2 = arith.constant 0 : index
    %get3A_3 = arith.constant 0 : index
    %get3A_4 = arith.constant 0 : index
    %get3A_5 = vector.load %arg2[%get3A_2, %get3A_3, %get3A_4] : memref<2x2000x128xf32, #tpu.memory_space<vmem>>, vector<1x2000x128xf32>
    %get3A_6 = vector.shape_cast %get3A_5 : vector<1x2000x128xf32> to vector<2000x128xf32>
    %add3A = arith.addf %get3A_1, %get3A_6 : vector<2000x128xf32>
    %get3A_7 = arith.constant 1 : index
    %get3A_8 = arith.constant 0 : index
    %get3A_9 = arith.constant 0 : index
    %get3A_10 = vector.load %arg2[%get3A_7, %get3A_8, %get3A_9] : memref<2x2000x128xf32, #tpu.memory_space<vmem>>, vector<1x2000x128xf32>
    %get3A_11 = vector.shape_cast %get3A_10 : vector<1x2000x128xf32> to vector<2000x128xf32>
    %add3A_12 = arith.addf %add3A, %get3A_11 : vector<2000x128xf32>
    %get3A_13 = arith.constant 0 : index
    %get3A_14 = arith.constant 0 : index
    %get3A_15 = vector.load %arg4[%get3A_13, %get3A_14] : memref<128x128xf32, #tpu.memory_space<vmem>>, vector<128x128xf32>
    %dot_general3A = arith.constant dense<0.000000e+00> : vector<2000x128xf32>
    %dot_general3A_16 = tpu.matmul %add3A_12, %get3A_15, %dot_general3A {dimension_numbers = #tpu.dot_dimension_numbers<[1], [0], [0], [1], [0, 0, 1, 1], [], []>, transpose_lhs_hint = false} : vector<2000x128xf32>, vector<128x128xf32>, vector<2000x128xf32> -> vector<2000x128xf32>
    %get3A_17 = arith.constant 0 : index
    %get3A_18 = arith.constant 0 : index
    %get3A_19 = vector.load %arg5[%get3A_17, %get3A_18] : memref<1x128xf32, #tpu.memory_space<vmem>>, vector<1x128xf32>
    %add3A_20 = vector.broadcast %get3A_19 : vector<1x128xf32> to vector<2000x128xf32>
    %add3A_21 = arith.addf %dot_general3A_16, %add3A_20 : vector<2000x128xf32>
    %max3A = arith.constant 0.000000e+00 : f32
    %max3A_22 = vector.broadcast %max3A : f32 to vector<2000x128xf32>
    %max3A_23 = arith.maximumf %add3A_21, %max3A_22 : vector<2000x128xf32>
    %get3A_24 = arith.constant 0 : index
    %get3A_25 = arith.constant 0 : index
    %get3A_26 = vector.load %arg6[%get3A_24, %get3A_25] : memref<128x128xf32, #tpu.memory_space<vmem>>, vector<128x128xf32>
    %dot_general3A_27 = arith.constant dense<0.000000e+00> : vector<2000x128xf32>
    %dot_general3A_28 = tpu.matmul %max3A_23, %get3A_26, %dot_general3A_27 {dimension_numbers = #tpu.dot_dimension_numbers<[1], [0], [0], [1], [0, 0, 1, 1], [], []>, transpose_lhs_hint = false} : vector<2000x128xf32>, vector<128x128xf32>, vector<2000x128xf32> -> vector<2000x128xf32>
    %get3A_29 = arith.constant 0 : index
    %get3A_30 = arith.constant 0 : index
    %get3A_31 = vector.load %arg7[%get3A_29, %get3A_30] : memref<1x128xf32, #tpu.memory_space<vmem>>, vector<1x128xf32>
    %add3A_32 = vector.broadcast %get3A_31 : vector<1x128xf32> to vector<2000x128xf32>
    %add3A_33 = arith.addf %dot_general3A_28, %add3A_32 : vector<2000x128xf32>
    %swap3A = arith.constant 0 : index
    %swap3A_34 = arith.constant 0 : index
    %swap3A_35 = vector.load %arg8[%swap3A, %swap3A_34] : memref<2000x128xf32, #tpu.memory_space<vmem>>, vector<2000x128xf32>
    tpu.vector_store %arg8[%swap3A, %swap3A_34], %add3A_33 {strides = array<i32>} : memref<2000x128xf32, #tpu.memory_space<vmem>>, vector<2000x128xf32>,
    %get3A_36 = arith.constant 0 : index
    %get3A_37 = arith.constant 0 : index
    %get3A_38 = arith.constant 0 : index
    %get3A_39 = vector.load %arg3[%get3A_36, %get3A_37, %get3A_38] : memref<2x2000x128xf32, #tpu.memory_space<vmem>>, vector<1x2000x128xf32>
    %get3A_40 = vector.shape_cast %get3A_39 : vector<1x2000x128xf32> to vector<2000x128xf32>
    %get3A_41 = arith.constant 1 : index
    %get3A_42 = arith.constant 0 : index
    %get3A_43 = arith.constant 0 : index
    %get3A_44 = vector.load %arg3[%get3A_41, %get3A_42, %get3A_43] : memref<2x2000x128xf32, #tpu.memory_space<vmem>>, vector<1x2000x128xf32>
    %get3A_45 = vector.shape_cast %get3A_44 : vector<1x2000x128xf32> to vector<2000x128xf32>
    %add3A_46 = arith.addf %get3A_40, %get3A_45 : vector<2000x128xf32>
    %max3A_47 = arith.constant 1.000000e+00 : f32
    %max3A_48 = vector.broadcast %max3A_47 : f32 to vector<2000x128xf32>
    %max3A_49 = arith.maximumf %add3A_46, %max3A_48 : vector<2000x128xf32>
    %div3A = arith.constant 1.000000e+00 : f32
    %div3A_50 = vector.broadcast %div3A : f32 to vector<2000x128xf32>
    %div3A_51 = arith.divf %div3A_50, %max3A_49 : vector<2000x128xf32>
    %swap3A_52 = arith.constant 0 : index
    %swap3A_53 = arith.constant 0 : index
    %swap3A_54 = vector.load %arg9[%swap3A_52, %swap3A_53] : memref<2000x128xf32, #tpu.memory_space<vmem>>, vector<2000x128xf32>
    tpu.vector_store %arg9[%swap3A_52, %swap3A_53], %div3A_51 {strides = array<i32>} : memref<2000x128xf32, #tpu.memory_space<vmem>>, vector<2000x128xf32>,
    return
  }
  func.func @transform_0(%arg0: i32) -> (i32, i32) {
    %c0_i32 = arith.constant 0 : i32
    %c0_i32_0 = arith.constant 0 : i32
    return %arg0, %c0_i32 : i32, i32
  }
  func.func @transform_1(%arg0: i32) -> (i32, i32, i32) {
    %c0_i32 = arith.constant 0 : i32
    %c0_i32_0 = arith.constant 0 : i32
    %c0_i32_1 = arith.constant 0 : i32
    return %c0_i32, %arg0, %c0_i32_0 : i32, i32, i32
  }
  func.func @transform_2(%arg0: i32) -> (i32, i32, i32) {
    %c0_i32 = arith.constant 0 : i32
    %c0_i32_0 = arith.constant 0 : i32
    %c0_i32_1 = arith.constant 0 : i32
    return %c0_i32, %arg0, %c0_i32_0 : i32, i32, i32
  }
  func.func @transform_3(%arg0: i32) -> (i32, i32) {
    %c0_i32 = arith.constant 0 : i32
    %c0_i32_0 = arith.constant 0 : i32
    %c0_i32_1 = arith.constant 0 : i32
    return %c0_i32, %c0_i32_0 : i32, i32
  }
  func.func @transform_4(%arg0: i32) -> (i32, i32) {
    %c0_i32 = arith.constant 0 : i32
    %c0_i32_0 = arith.constant 0 : i32
    %c0_i32_1 = arith.constant 0 : i32
    return %c0_i32, %c0_i32_0 : i32, i32
  }
  func.func @transform_5(%arg0: i32) -> (i32, i32) {
    %c0_i32 = arith.constant 0 : i32
    %c0_i32_0 = arith.constant 0 : i32
    %c0_i32_1 = arith.constant 0 : i32
    return %c0_i32, %c0_i32_0 : i32, i32
  }
  func.func @transform_6(%arg0: i32) -> (i32, i32) {
    %c0_i32 = arith.constant 0 : i32
    %c0_i32_0 = arith.constant 0 : i32
    %c0_i32_1 = arith.constant 0 : i32
    return %c0_i32, %c0_i32_0 : i32, i32
  }
  func.func @transform_7(%arg0: i32) -> (i32, i32) {
    %c0_i32 = arith.constant 0 : i32
    %c0_i32_0 = arith.constant 0 : i32
    return %arg0, %c0_i32 : i32, i32
  }
  func.func @transform_8(%arg0: i32) -> (i32, i32) {
    %c0_i32 = arith.constant 0 : i32
    %c0_i32_0 = arith.constant 0 : i32
    return %arg0, %c0_i32 : i32, i32
  }
}

module attributes {stable_mosaic.version = 14 : i64} {
  func.func @_bn_relu_body(%arg0: memref<10000x128xf32, #tpu.memory_space<vmem>>, %arg1: memref<1x128xf32, #tpu.memory_space<vmem>>, %arg2: memref<1x128xf32, #tpu.memory_space<vmem>>, %arg3: memref<10000x128xf32, #tpu.memory_space<vmem>>) attributes {dimension_semantics = [], scalar_prefetch = 0 : i64, scratch_operands = 0 : i64, tpu.core_type = #tpu.core_type<tc>} {
    %get3A = arith.constant 0 : index
    %get3A_0 = arith.constant 0 : index
    %get3A_1 = vector.load %arg0[%get3A, %get3A_0] : memref<10000x128xf32, #tpu.memory_space<vmem>>, vector<10000x128xf32>
    %get3A_2 = arith.constant 0 : index
    %get3A_3 = arith.constant 0 : index
    %get3A_4 = vector.load %arg1[%get3A_2, %get3A_3] : memref<1x128xf32, #tpu.memory_space<vmem>>, vector<1x128xf32>
    %get3A_5 = arith.constant 0 : index
    %get3A_6 = arith.constant 0 : index
    %get3A_7 = vector.load %arg2[%get3A_5, %get3A_6] : memref<1x128xf32, #tpu.memory_space<vmem>>, vector<1x128xf32>
    %reduce_sum3A = arith.constant dense<0.000000e+00> : vector<128xf32>
    %reduce_sum3A_8 = vector.multi_reduction <add>, %get3A_1, %reduce_sum3A [0] : vector<10000x128xf32> to vector<128xf32>
    %broadcast_in_dim3A = vector.shape_cast %reduce_sum3A_8 : vector<128xf32> to vector<1x128xf32>
    %div3A = arith.constant 1.000000e+04 : f32
    %div3A_9 = vector.broadcast %div3A : f32 to vector<1x128xf32>
    %div3A_10 = arith.divf %broadcast_in_dim3A, %div3A_9 : vector<1x128xf32>
    %sub3A = vector.broadcast %div3A_10 : vector<1x128xf32> to vector<10000x128xf32>
    %sub3A_11 = arith.subf %get3A_1, %sub3A : vector<10000x128xf32>
    %mul3A = arith.mulf %sub3A_11, %sub3A_11 : vector<10000x128xf32>
    %reduce_sum3A_12 = arith.constant dense<0.000000e+00> : vector<128xf32>
    %reduce_sum3A_13 = vector.multi_reduction <add>, %mul3A, %reduce_sum3A_12 [0] : vector<10000x128xf32> to vector<128xf32>
    %broadcast_in_dim3A_14 = vector.shape_cast %reduce_sum3A_13 : vector<128xf32> to vector<1x128xf32>
    %div3A_15 = arith.constant 1.000000e+04 : f32
    %div3A_16 = vector.broadcast %div3A_15 : f32 to vector<1x128xf32>
    %div3A_17 = arith.divf %broadcast_in_dim3A_14, %div3A_16 : vector<1x128xf32>
    %add3A = arith.constant 9.99999974E-6 : f32
    %add3A_18 = vector.broadcast %add3A : f32 to vector<1x128xf32>
    %add3A_19 = arith.addf %div3A_17, %add3A_18 : vector<1x128xf32>
    %rsqrt3A = math.rsqrt %add3A_19 : vector<1x128xf32>
    %mul3A_20 = vector.broadcast %rsqrt3A : vector<1x128xf32> to vector<10000x128xf32>
    %mul3A_21 = arith.mulf %sub3A_11, %mul3A_20 : vector<10000x128xf32>
    %mul3A_22 = vector.broadcast %get3A_4 : vector<1x128xf32> to vector<10000x128xf32>
    %mul3A_23 = arith.mulf %mul3A_21, %mul3A_22 : vector<10000x128xf32>
    %add3A_24 = vector.broadcast %get3A_7 : vector<1x128xf32> to vector<10000x128xf32>
    %add3A_25 = arith.addf %mul3A_23, %add3A_24 : vector<10000x128xf32>
    %max3A = arith.constant 0.000000e+00 : f32
    %max3A_26 = vector.broadcast %max3A : f32 to vector<10000x128xf32>
    %max3A_27 = arith.maximumf %add3A_25, %max3A_26 : vector<10000x128xf32>
    %swap3A = arith.constant 0 : index
    %swap3A_28 = arith.constant 0 : index
    %swap3A_29 = vector.load %arg3[%swap3A, %swap3A_28] : memref<10000x128xf32, #tpu.memory_space<vmem>>, vector<10000x128xf32>
    tpu.vector_store %arg3[%swap3A, %swap3A_28], %max3A_27 {strides = array<i32>} : memref<10000x128xf32, #tpu.memory_space<vmem>>, vector<10000x128xf32>,
    return
  }
}

module attributes {stable_mosaic.version = 14 : i64} {
  func.func @_sage_pre_body(%arg0: i32, %arg1: memref<2000x128xf32, #tpu.memory_space<vmem>>, %arg2: memref<2x2000x128xf32, #tpu.memory_space<vmem>>, %arg3: memref<2000x128xf32, #tpu.memory_space<vmem>>, %arg4: memref<128x128xf32, #tpu.memory_space<vmem>>, %arg5: memref<1x128xf32, #tpu.memory_space<vmem>>, %arg6: memref<128x128xf32, #tpu.memory_space<vmem>>, %arg7: memref<2000x128xf32, #tpu.memory_space<vmem>>) attributes {dimension_semantics = [#tpu.dimension_semantics<arbitrary>], iteration_bounds = array<i64: 5>, scalar_prefetch = 0 : i64, scratch_operands = 0 : i64, tpu.core_type = #tpu.core_type<tc>, window_params = [{transform_indices = @transform_0, window_bounds = array<i64: 2000, 128>}, {transform_indices = @transform_1, window_bounds = array<i64: 2, 2000, 128>}, {transform_indices = @transform_2, window_bounds = array<i64: 2000, 128>}, {pipeline_mode = #tpu.pipeline_mode<synchronous>, transform_indices = @transform_3, window_bounds = array<i64: 128, 128>}, {pipeline_mode = #tpu.pipeline_mode<synchronous>, transform_indices = @transform_4, window_bounds = array<i64: 1, 128>}, {pipeline_mode = #tpu.pipeline_mode<synchronous>, transform_indices = @transform_5, window_bounds = array<i64: 128, 128>}, {transform_indices = @transform_6, window_bounds = array<i64: 2000, 128>}]} {
    %get3A = arith.constant 0 : index
    %get3A_0 = arith.constant 0 : index
    %get3A_1 = vector.load %arg3[%get3A, %get3A_0] : memref<2000x128xf32, #tpu.memory_space<vmem>>, vector<2000x128xf32>
    %reduce_max3A = arith.constant dense<0xFF800000> : vector<2000xf32>
    %reduce_max3A_2 = vector.multi_reduction <maximumf>, %get3A_1, %reduce_max3A [1] : vector<2000x128xf32> to vector<2000xf32>
    %broadcast_in_dim3A = vector.shape_cast %reduce_max3A_2 : vector<2000xf32> to vector<2000x1xf32>
    %get3A_3 = arith.constant 0 : index
    %get3A_4 = arith.constant 0 : index
    %get3A_5 = arith.constant 0 : index
    %get3A_6 = vector.load %arg2[%get3A_3, %get3A_4, %get3A_5] : memref<2x2000x128xf32, #tpu.memory_space<vmem>>, vector<1x2000x128xf32>
    %get3A_7 = vector.shape_cast %get3A_6 : vector<1x2000x128xf32> to vector<2000x128xf32>
    %get3A_8 = arith.constant 1 : index
    %get3A_9 = arith.constant 0 : index
    %get3A_10 = arith.constant 0 : index
    %get3A_11 = vector.load %arg2[%get3A_8, %get3A_9, %get3A_10] : memref<2x2000x128xf32, #tpu.memory_space<vmem>>, vector<1x2000x128xf32>
    %get3A_12 = vector.shape_cast %get3A_11 : vector<1x2000x128xf32> to vector<2000x128xf32>
    %add3A = arith.addf %get3A_7, %get3A_12 : vector<2000x128xf32>
    %mul3A = vector.broadcast %broadcast_in_dim3A : vector<2000x1xf32> to vector<2000x128xf32>
    %mul3A_13 = arith.mulf %add3A, %mul3A : vector<2000x128xf32>
    %get3A_14 = arith.constant 0 : index
    %get3A_15 = arith.constant 0 : index
    %get3A_16 = vector.load %arg4[%get3A_14, %get3A_15] : memref<128x128xf32, #tpu.memory_space<vmem>>, vector<128x128xf32>
    %dot_general3A = arith.constant dense<0.000000e+00> : vector<2000x128xf32>
    %dot_general3A_17 = tpu.matmul %mul3A_13, %get3A_16, %dot_general3A {dimension_numbers = #tpu.dot_dimension_numbers<[1], [0], [0], [1], [0, 0, 1, 1], [], []>, transpose_lhs_hint = false} : vector<2000x128xf32>, vector<128x128xf32>, vector<2000x128xf32> -> vector<2000x128xf32>
    %get3A_18 = arith.constant 0 : index
    %get3A_19 = arith.constant 0 : index
    %get3A_20 = vector.load %arg5[%get3A_18, %get3A_19] : memref<1x128xf32, #tpu.memory_space<vmem>>, vector<1x128xf32>
    %add3A_21 = vector.broadcast %get3A_20 : vector<1x128xf32> to vector<2000x128xf32>
    %add3A_22 = arith.addf %dot_general3A_17, %add3A_21 : vector<2000x128xf32>
    %get3A_23 = arith.constant 0 : index
    %get3A_24 = arith.constant 0 : index
    %get3A_25 = vector.load %arg1[%get3A_23, %get3A_24] : memref<2000x128xf32, #tpu.memory_space<vmem>>, vector<2000x128xf32>
    %get3A_26 = arith.constant 0 : index
    %get3A_27 = arith.constant 0 : index
    %get3A_28 = vector.load %arg6[%get3A_26, %get3A_27] : memref<128x128xf32, #tpu.memory_space<vmem>>, vector<128x128xf32>
    %dot_general3A_29 = arith.constant dense<0.000000e+00> : vector<2000x128xf32>
    %dot_general3A_30 = tpu.matmul %get3A_25, %get3A_28, %dot_general3A_29 {dimension_numbers = #tpu.dot_dimension_numbers<[1], [0], [0], [1], [0, 0, 1, 1], [], []>, transpose_lhs_hint = false} : vector<2000x128xf32>, vector<128x128xf32>, vector<2000x128xf32> -> vector<2000x128xf32>
    %add3A_31 = arith.addf %add3A_22, %dot_general3A_30 : vector<2000x128xf32>
    %swap3A = arith.constant 0 : index
    %swap3A_32 = arith.constant 0 : index
    %swap3A_33 = vector.load %arg7[%swap3A, %swap3A_32] : memref<2000x128xf32, #tpu.memory_space<vmem>>, vector<2000x128xf32>
    tpu.vector_store %arg7[%swap3A, %swap3A_32], %add3A_31 {strides = array<i32>} : memref<2000x128xf32, #tpu.memory_space<vmem>>, vector<2000x128xf32>,
    return
  }
  func.func @transform_0(%arg0: i32) -> (i32, i32) {
    %c0_i32 = arith.constant 0 : i32
    %c0_i32_0 = arith.constant 0 : i32
    return %arg0, %c0_i32 : i32, i32
  }
  func.func @transform_1(%arg0: i32) -> (i32, i32, i32) {
    %c0_i32 = arith.constant 0 : i32
    %c0_i32_0 = arith.constant 0 : i32
    %c0_i32_1 = arith.constant 0 : i32
    return %c0_i32, %arg0, %c0_i32_0 : i32, i32, i32
  }
  func.func @transform_2(%arg0: i32) -> (i32, i32) {
    %c0_i32 = arith.constant 0 : i32
    %c0_i32_0 = arith.constant 0 : i32
    return %arg0, %c0_i32 : i32, i32
  }
  func.func @transform_3(%arg0: i32) -> (i32, i32) {
    %c0_i32 = arith.constant 0 : i32
    %c0_i32_0 = arith.constant 0 : i32
    %c0_i32_1 = arith.constant 0 : i32
    return %c0_i32, %c0_i32_0 : i32, i32
  }
  func.func @transform_4(%arg0: i32) -> (i32, i32) {
    %c0_i32 = arith.constant 0 : i32
    %c0_i32_0 = arith.constant 0 : i32
    %c0_i32_1 = arith.constant 0 : i32
    return %c0_i32, %c0_i32_0 : i32, i32
  }
  func.func @transform_5(%arg0: i32) -> (i32, i32) {
    %c0_i32 = arith.constant 0 : i32
    %c0_i32_0 = arith.constant 0 : i32
    %c0_i32_1 = arith.constant 0 : i32
    return %c0_i32, %c0_i32_0 : i32, i32
  }
  func.func @transform_6(%arg0: i32) -> (i32, i32) {
    %c0_i32 = arith.constant 0 : i32
    %c0_i32_0 = arith.constant 0 : i32
    return %arg0, %c0_i32 : i32, i32
  }
}

module attributes {stable_mosaic.version = 14 : i64} {
  func.func @_bn_relu_pool_body(%arg0: memref<10000x128xf32, #tpu.memory_space<vmem>>, %arg1: memref<1x128xf32, #tpu.memory_space<vmem>>, %arg2: memref<1x128xf32, #tpu.memory_space<vmem>>, %arg3: memref<1x10000xi32, #tpu.memory_space<vmem>>, %arg4: memref<64x128xf32, #tpu.memory_space<vmem>>) attributes {dimension_semantics = [], scalar_prefetch = 0 : i64, scratch_operands = 0 : i64, tpu.core_type = #tpu.core_type<tc>} {
    %get3A = arith.constant 0 : index
    %get3A_0 = arith.constant 0 : index
    %get3A_1 = vector.load %arg0[%get3A, %get3A_0] : memref<10000x128xf32, #tpu.memory_space<vmem>>, vector<10000x128xf32>
    %get3A_2 = arith.constant 0 : index
    %get3A_3 = arith.constant 0 : index
    %get3A_4 = vector.load %arg1[%get3A_2, %get3A_3] : memref<1x128xf32, #tpu.memory_space<vmem>>, vector<1x128xf32>
    %get3A_5 = arith.constant 0 : index
    %get3A_6 = arith.constant 0 : index
    %get3A_7 = vector.load %arg2[%get3A_5, %get3A_6] : memref<1x128xf32, #tpu.memory_space<vmem>>, vector<1x128xf32>
    %reduce_sum3A = arith.constant dense<0.000000e+00> : vector<128xf32>
    %reduce_sum3A_8 = vector.multi_reduction <add>, %get3A_1, %reduce_sum3A [0] : vector<10000x128xf32> to vector<128xf32>
    %broadcast_in_dim3A = vector.shape_cast %reduce_sum3A_8 : vector<128xf32> to vector<1x128xf32>
    %div3A = arith.constant 1.000000e+04 : f32
    %div3A_9 = vector.broadcast %div3A : f32 to vector<1x128xf32>
    %div3A_10 = arith.divf %broadcast_in_dim3A, %div3A_9 : vector<1x128xf32>
    %sub3A = vector.broadcast %div3A_10 : vector<1x128xf32> to vector<10000x128xf32>
    %sub3A_11 = arith.subf %get3A_1, %sub3A : vector<10000x128xf32>
    %mul3A = arith.mulf %sub3A_11, %sub3A_11 : vector<10000x128xf32>
    %reduce_sum3A_12 = arith.constant dense<0.000000e+00> : vector<128xf32>
    %reduce_sum3A_13 = vector.multi_reduction <add>, %mul3A, %reduce_sum3A_12 [0] : vector<10000x128xf32> to vector<128xf32>
    %broadcast_in_dim3A_14 = vector.shape_cast %reduce_sum3A_13 : vector<128xf32> to vector<1x128xf32>
    %div3A_15 = arith.constant 1.000000e+04 : f32
    %div3A_16 = vector.broadcast %div3A_15 : f32 to vector<1x128xf32>
    %div3A_17 = arith.divf %broadcast_in_dim3A_14, %div3A_16 : vector<1x128xf32>
    %add3A = arith.constant 9.99999974E-6 : f32
    %add3A_18 = vector.broadcast %add3A : f32 to vector<1x128xf32>
    %add3A_19 = arith.addf %div3A_17, %add3A_18 : vector<1x128xf32>
    %rsqrt3A = math.rsqrt %add3A_19 : vector<1x128xf32>
    %mul3A_20 = vector.broadcast %rsqrt3A : vector<1x128xf32> to vector<10000x128xf32>
    %mul3A_21 = arith.mulf %sub3A_11, %mul3A_20 : vector<10000x128xf32>
    %mul3A_22 = vector.broadcast %get3A_4 : vector<1x128xf32> to vector<10000x128xf32>
    %mul3A_23 = arith.mulf %mul3A_21, %mul3A_22 : vector<10000x128xf32>
    %add3A_24 = vector.broadcast %get3A_7 : vector<1x128xf32> to vector<10000x128xf32>
    %add3A_25 = arith.addf %mul3A_23, %add3A_24 : vector<10000x128xf32>
    %max3A = arith.constant 0.000000e+00 : f32
    %max3A_26 = vector.broadcast %max3A : f32 to vector<10000x128xf32>
    %max3A_27 = arith.maximumf %add3A_25, %max3A_26 : vector<10000x128xf32>
    %iota3A = tpu.iota {dimensions = array<i32: 0>} : vector<64x10000xi32>
    %get3A_28 = arith.constant 0 : index
    %get3A_29 = arith.constant 0 : index
    %get3A_30 = vector.load %arg3[%get3A_28, %get3A_29] : memref<1x10000xi32, #tpu.memory_space<vmem>>, vector<1x10000xi32>
    %eq3A = vector.broadcast %get3A_30 : vector<1x10000xi32> to vector<64x10000xi32>
    %eq3A_31 = arith.cmpi eq, %eq3A, %iota3A : vector<64x10000xi32>
    %jit3A = arith.constant 1.000000e+00 : f32
    %jit3A_32 = arith.constant 0.000000e+00 : f32
    %broadcast_in_dim3A_33 = vector.broadcast %jit3A : f32 to vector<64x10000xf32>
    %broadcast_in_dim3A_34 = vector.broadcast %jit3A_32 : f32 to vector<64x10000xf32>
    %select_n3A = arith.select %eq3A_31, %broadcast_in_dim3A_33, %broadcast_in_dim3A_34 : vector<64x10000xi1>, vector<64x10000xf32>
    %dot_general3A = arith.constant dense<0.000000e+00> : vector<64x128xf32>
    %dot_general3A_35 = tpu.matmul %select_n3A, %max3A_27, %dot_general3A {dimension_numbers = #tpu.dot_dimension_numbers<[1], [0], [0], [1], [0, 0, 1, 1], [], []>, transpose_lhs_hint = false} : vector<64x10000xf32>, vector<10000x128xf32>, vector<64x128xf32> -> vector<64x128xf32>
    %reduce_sum3A_36 = arith.constant dense<0.000000e+00> : vector<64xf32>
    %reduce_sum3A_37 = vector.multi_reduction <add>, %select_n3A, %reduce_sum3A_36 [1] : vector<64x10000xf32> to vector<64xf32>
    %broadcast_in_dim3A_38 = vector.shape_cast %reduce_sum3A_37 : vector<64xf32> to vector<64x1xf32>
    %max3A_39 = arith.constant 1.000000e+00 : f32
    %max3A_40 = vector.broadcast %max3A_39 : f32 to vector<64x1xf32>
    %max3A_41 = arith.maximumf %broadcast_in_dim3A_38, %max3A_40 : vector<64x1xf32>
    %div3A_42 = vector.broadcast %max3A_41 : vector<64x1xf32> to vector<64x128xf32>
    %div3A_43 = arith.divf %dot_general3A_35, %div3A_42 : vector<64x128xf32>
    %swap3A = arith.constant 0 : index
    %swap3A_44 = arith.constant 0 : index
    %swap3A_45 = vector.load %arg4[%swap3A, %swap3A_44] : memref<64x128xf32, #tpu.memory_space<vmem>>, vector<64x128xf32>
    tpu.vector_store %arg4[%swap3A, %swap3A_44], %div3A_43 {strides = array<i32>} : memref<64x128xf32, #tpu.memory_space<vmem>>, vector<64x128xf32>,
    return
  }
}

</mosaic_0001>

<sc_bundles>
// kernel: kernel.12.cloned.1.call-start
scs
__scs_entry_jumppad:
0x0: {  	(pc) =	sbr.rel $0x88, $3  }
0x1: {  	(tag) =	ssettag $0x0;
	lr =	simm.s32 $0x1  }
0x2: {  	[smem:$0x3F8E] =	sst lr;
	_ =	strace $0xD0000000  }
0x3: {  	_ = 	snop  }
0x4: {  	_ = 	snop  }
0x5: {  	_ = 	snop  }
0x6: {  	_ = 	snop  }
0x7: {  	_ = 	snop  }
__scs_overlays_trampoline_lowered:
0x8: {  	[smem:$0x3F9D] =	sst s0  }
0x9: {  	[smem:$0x3F9E] =	sst s1  }
0xa: {  	[smem:$0x3F9F] =	sst s2  }
0xb: {  	[smem:$0x3FA0] =	sst s3  }
0xc: {  	[smem:$0x3FA1] =	sst s4  }
0xd: {  	[smem:$0x3FA2] =	sst s5  }
0xe: {  	[smem:$0x3FA3] =	sst s6  }
0xf: {  	[smem:$0x3FA4] =	sst s7  }
0x10: {  	[smem:$0x3FA5] =	sst s8  }
0x11: {  	[smem:$0x3FA6] =	sst s9;
	s0 =	simm.s32 @!p0 $0x0  }
0x12: {  	s1 =	sld [smem:$0x3F8C];
	s0 =	simm.s32 @p0 $0x1  }
0x13: {  	[smem:$0x3FA7] =	sst s0;
	s0 =	simm.s32 @!p1 $0x0  }
0x14: {  	s2 =	sld [smem:$0x3F8B];
	s0 =	simm.s32 @p1 $0x1  }
0x15: {  	[smem:$0x3FA8] =	sst s0;
	s0 =	simm.s32 @!p2 $0x0  }
0x16: {  	s3 =	sld [smem:$0x3FDB];
	s0 =	simm.s32 @p2 $0x1  }
0x17: {  	s4 =	simm.s32 $0x1BF5;
	[smem:$0x3FAA] =	sst s0  }
0x18: {  	s0 =	sld [smem:$0x3F8D];
	_ =	swait.ge [sflag:s4], $0x0  }
0x19: {  	s7 =	sld [smem:$0x3F8E]  }
0x1a: {  	s8 =	sadd.s32 $0xFFFFE003, lr  }
0x1b: {  	s9 =	sadd.s32 $0xFFFFFEF7, lr;
	s5 =	simm.s32 $0xFFFFFFFF;
	p2 =	slt.u32 s8, $0xFFFFF086  }
0x1c: {  	p1 =	slt.u32 s9, $0xF7A;
	s5 =	simm.s32 @!p2 $0x0  }
0x1d: {  	s5 =	simm.s32 @p1 $0x1;
	p0 =	seq.s32 s7, s2  }
0x1e: {  	s7 =	smul.u32 @!p0 $0xF7A, s2;
	p2 =	seq.s32 @!p0 s5, $0x0  }
0x1f: {  	s9 =	smul.u32 $0xF7A, s1;
	s8 =	simm.s32 @!p0 $0x1BF5;
	p2 =	por !p2, p0  }
0x20: {  	[sflag:s8] =	ssyncset.s32 @!p0 $0xFFFFF086;
	s6 =	sadd.s32 @!p0 s3, s7;
	s7 =	simm.s32 @!p0 $0x108  }
0x21: {  	s3 =	sadd.s32 s3, s9;
	s6 =	sadd.s32 @!p0 $0x88, s6;
	s7 =	simm.s32 @p2 $0x1082  }
0x22: {  	[simem:s7], [sflag:s8] =	dma.local @!p0 [hbm:s6], $0xF7A  }
0x23: {  	s9 =	sor.u32 $0xD0000000, s2;
	s6 =	simm.s32 $0x108;
	_ =	swait.ge @!p0 [sflag:s8], $0x0  }
0x24: {  	s3 =	sadd.s32 $0x88, s3;
	s6 =	simm.s32 @!p1 $0x1082;
	[sflag:s4] =	ssyncset.s32 $0xFFFFF086  }
0x25: {  	[simem:s6], [sflag:s4] =	dma.local [hbm:s3], $0xF7A  }
0x26: {  	[smem:$0x3F8E] =	sst s1;
	(tag) =	ssettag s2;
	_ =	strace s9  }
0x27: {  	s1 =	sld [smem:$0x3F9E]  }
0x28: {  	s2 =	sld [smem:$0x3F9F]  }
0x29: {  	s4 =	sld [smem:$0x3FA1]  }
0x2a: {  	p0 =	seq.s32 s5, $0x0;
	s5 =	sld [smem:$0x3FA2]  }
0x2b: {  	s6 =	sld [smem:$0x3FA3]  }
0x2c: {  	s7 =	sld [smem:$0x3FA4]  }
0x2d: {  	s3 =	simm.s32 $0x108;
	s8 =	sld [smem:$0x3FA5]  }
0x2e: {  	s3 =	simm.s32 @!p0 $0x1082;
	s9 =	sld [smem:$0x3FA6]  }
0x2f: {  	lr =	sadd.s32 s0, s3;
	s0 =	sld [smem:$0x3F9D]  }
0x30: {  	s3 =	sld [smem:$0x3FA0]  }
0x31: {  	[smem:$0x3FA9] =	sst s10  }
0x32: {  	s10 =	sld [smem:$0x3FA7];
	_ =	sdelay $0x3  }
0x33: {  	p0 =	seq.s32 s10, $0x1;
	s10 =	sld [smem:$0x3FA9];
	_ =	sdelay $0x3  }
0x34: {  	[smem:$0x3FA9] =	sst s10  }
0x35: {  	s10 =	sld [smem:$0x3FA8];
	_ =	sdelay $0x3  }
0x36: {  	p1 =	seq.s32 s10, $0x1;
	s10 =	sld [smem:$0x3FA9];
	_ =	sdelay $0x3  }
0x37: {  	[smem:$0x3FA9] =	sst s10  }
0x38: {  	s10 =	sld [smem:$0x3FAA]  }
0x39: {  	_ = 	snop;
	(pc) =	sbr.ind lr, $3  }
0x3a: {  	_ = 	snop  }
0x3b: {  	_ = 	snop  }
0x3c: {  	p2 =	seq.s32 s10, $0x1;
	s10 =	sld [smem:$0x3FA9]  }
0x3d: {  	_ =	shalt  }
0x3e: {  	_ =	shalt  }
0x3f: {  	_ =	shalt  }
0x40: {  	_ =	shalt  }
0x41: {  	_ =	shalt  }
0x42: {  	_ =	shalt  }
0x43: {  	_ =	shalt  }
0x44: {  	_ =	shalt  }
0x45: {  	_ =	shalt  }
0x46: {  	_ =	shalt  }
0x47: {  	_ =	shalt  }
0x48: {  	_ =	shalt  }
0x49: {  	_ =	shalt  }
0x4a: {  	_ =	shalt  }
0x4b: {  	_ =	shalt  }
0x4c: {  	_ =	shalt  }
0x4d: {  	_ =	shalt  }
0x4e: {  	_ =	shalt  }
0x4f: {  	_ =	shalt  }
0x50: {  	_ =	shalt  }
0x51: {  	_ =	shalt  }
0x52: {  	_ =	shalt  }
0x53: {  	_ =	shalt  }
0x54: {  	_ =	shalt  }
0x55: {  	_ =	shalt  }
0x56: {  	_ =	shalt  }
0x57: {  	_ =	shalt  }
0x58: {  	_ =	shalt  }
0x59: {  	_ =	shalt  }
0x5a: {  	_ =	shalt  }
0x5b: {  	_ =	shalt  }
0x5c: {  	_ =	shalt  }
0x5d: {  	_ =	shalt  }
0x5e: {  	_ =	shalt  }
0x5f: {  	_ =	shalt  }
0x60: {  	_ =	shalt  }
0x61: {  	_ =	shalt  }
0x62: {  	_ =	shalt  }
0x63: {  	_ =	shalt  }
0x64: {  	_ =	shalt  }
0x65: {  	_ =	shalt  }
0x66: {  	_ =	shalt  }
0x67: {  	_ =	shalt  }
0x68: {  	_ =	shalt  }
0x69: {  	_ =	shalt  }
0x6a: {  	_ =	shalt  }
0x6b: {  	_ =	shalt  }
0x6c: {  	_ =	shalt  }
0x6d: {  	_ =	shalt  }
0x6e: {  	_ =	shalt  }
0x6f: {  	_ =	shalt  }
0x70: {  	_ =	shalt  }
0x71: {  	_ =	shalt  }
0x72: {  	_ =	shalt  }
0x73: {  	_ =	shalt  }
0x74: {  	_ =	shalt  }
0x75: {  	_ =	shalt  }
0x76: {  	_ =	shalt  }
0x77: {  	_ =	shalt  }
0x78: {  	_ =	shalt  }
0x79: {  	_ =	shalt  }
0x7a: {  	_ =	shalt  }
0x7b: {  	_ =	shalt  }
0x7c: {  	_ =	shalt  }
0x7d: {  	_ =	shalt  }
0x7e: {  	_ =	shalt  }
0x7f: {  	_ =	shalt  }
0x80: {  	_ =	shalt  }
0x81: {  	_ =	shalt  }
0x82: {  	_ =	shalt  }
0x83: {  	_ =	shalt  }
0x84: {  	_ =	shalt  }
0x85: {  	_ =	shalt  }
0x86: {  	_ =	shalt  }
0x87: {  	_ =	shalt  }
.Lfunc_end0:
.L_simem_size_0:
called_computation_lowered:
.L_overlay_start_0:
0x88: {  	s2 =	sld [smem:$0x3FD9]  }
0x89: {  	s3 =	sld [smem:$0x3FFE];
	_ =	sdelay $0x1  }
0x8a: {  	s1 =	srdreg.scid  }
0x8b: {  	s0 =	sand.u32 $0x1, s1  }
0x8c: {  	s17 =	sshll.u32 s0, $0xA;
	s2 =	sadd.s32 s3, s2  }
0x8d: {  	s2 =	sadd.s32 s2, s17  }
0x8e: {  	[smem:$0x3FB5] =	sst s2  }
0x8f: {  	_ = 	snop  }
0x90: {  	s2 =	sld [smem:$0x3FC9];
	(tm) =	ssettm $0x1  }
0x91: {  	s18 =	sld [smem:$0x3FFB];
	_ =	sdelay $0x3  }
0x92: {  	_ =	strace s18  }
0x93: {  	s3 =	sld [smem:$0x3FFC];
	_ =	sdelay $0x3  }
0x94: {  	_ =	strace s3  }
0x95: {  	s3 =	sld [smem:$0x3FFD];
	_ =	sdelay $0x3  }
0x96: {  	_ =	strace s3  }
0x97: {  	_ =	strace $0x8FFFFFFF  }
0x98: {  	s19 =	sld [smem:$0x3FDB];
	_ =	sdelay $0x1  }
0x99: {  	s4 =	simm.s32 $_scs_section_size  }
0x9a: {  	s5 =	simm.s32 $_size__tile_overlayer_lowered;
	s6 =	simm.s32 $_tile_overlayer_lowered  }
0x9b: {  	s22 =	simm.s32 $0x1BFF;
	s21 =	sshll.u32 s6, $0x1;
	s3 =	sadd.s32 s4, s19  }
0x9c: {  	s7 =	simm.s32 $0x0;
	s20 =	sshll.u32 s5, $0x1;
	s5 =	sadd.s32 s21, s3  }
0x9d: {  	[timem:s7], [sflag:s22] =	dma.local [hbm:s5], s20  }
0x9e: {  	_ =	swait.ge [sflag:s22], s20  }
0x9f: {  	s4 =	ssub.s32 $0x0, s20;
	[sflag:s22] =	ssyncset.done $0x0  }
0xa0: {  	[sflag:s22] =	ssyncadd.s32 s4;
	_ =	sdelay $0x1  }
0xa1: {  	s23 =	simm.s32 $0x1B8B  }
0xa2: {  	_ =	swait.ge [sflag:s23], $0x1  }
0xa3: {  	[sflag:s23] =	ssyncset.done $0x0  }
0xa4: {  	s25 =	simm.s32 $0x1B8E;
	s24 =	sld [smem:$0x3FFE];
	[sflag:s23] =	ssyncadd.s32 $0xFFFFFFFF  }
0xa5: {  	s26 =	simm.s32 $execute0_lowered;
	[smem:$0x3FD2] =	sst s25  }
0xa6: {  	s5 =	sshll.u32 s26, $0x1;
	_ =	strace $0x80000046;
	[dreg:$0x1] =	wrdreg $0xFFFFFFFF  }
0xa7: {  	s28 =	simm.s32 $_size_execute0_lowered;
	s3 =	sadd.s32 s3, s5;
	[dreg:$0x0] =	wrdreg $0x0  }
0xa8: {  	s5 =	sshll.u32 s28, $0x1;
	[dreg:$0x2] =	wrdreg s3  }
0xa9: {  	[dreg:$0x3] =	wrdreg s5  }
0xaa: {  	[dreg:$0x4] =	wrdreg $0xC0  }
0xab: {  	_ =	task [dreg:s7], $0x5FFFF  }
0xac: {  	[dreg:$0x1] =	wrdreg $0xFFFFFFFF  }
0xad: {  	[dreg:$0x0] =	wrdreg $0x60  }
0xae: {  	[dreg:$0x2] =	wrdreg s2  }
0xaf: {  	[dreg:$0x3] =	wrdreg s24  }
0xb0: {  	[dreg:$0x4] =	wrdreg $0x0  }
0xb1: {  	[dreg:$0x5] =	wrdreg $0x9  }
0xb2: {  	_ =	task.clear_ibuf [dreg:s7], $0x6FFFF;
	_ =	strace $0x90000046  }
0xb3: {  	s29 =	simm.s32 $0x9;
	_ =	strace $0x80000048  }
0xb4: {  	_ =	swait.ge [sflag:s29], $0x1  }
0xb5: {  	[sflag:s29] =	ssyncadd.s32 $0xFFFFFFFF  }
0xb6: {  	_ =	strace $0x90000048  }
0xb7: {  	_ =	sfence  }
0xb8: {  	s30 =	sld [smem:$0x0];
	_ =	sdelay $0x2  }
0xb9: {  	s31 =	sshll.u32 s1, $0xD;
	s1 =	sshrl.u32 s1, $0x2  }
0xba: {  	s3 =	sand.u32 $0x4000, s31;
	s1 =	sadd.s32 s1, s30  }
0xbb: {  	s0 =	sor.u32 s3, s0;
	s1 =	sshll.u32 s1, $0x11  }
0xbc: {  	s0 =	sor.u32 s1, s0  }
0xbd: {  	s0 =	sadd.s32 $0x8F2B, s0  }
0xbe: {  	[sflag:s0] =	ssyncadd.remote.s32 $0x1  }
0xbf: {  	_ =	sfence.sel $0xFFFF  }
0xc0: {  	[dreg:$0x0] =	wrdreg $0xFFFFFFFF;
	(pc) =	sbr.abs _section_cstart, $3  }
0xc1: {  	[dreg:$0x1] =	wrdreg $0xFFFFFFFF  }
0xc2: {  	_ =	task.clear_ibuf [dreg:s7], $0x2FFFF;
	_ =	strace $0x9FFFFFFF  }
0xc3: {  	(tm) =	ssettm $0x7FFFFFFF  }
tec
execute0_lowered:
.L_overlay_start_1:
0x0: {  	(tag) =	ssettag $0x1  }
0x1: {  	s1 =	rddreg [dreg:$0x0]  }
0x2: {  	s0 =	rddreg [dreg:$0x1]  }
0x3: {  	s2 =	rddreg [dreg:$0x2];
	s3 =	srdreg.scid  }
0x4: {  	s4 =	simm.s32 $0x0;
	s23 =	stileid.u32;
	s28 =	simm.s32 $0x17980  }
0x5: {  	s29 =	simm.s32 $0x68;
	s3 =	sand.u32 $0x1, s3;
	[smem:$0x7FF] =	sst s4  }
0x6: {  	s14 =	smul.u32 $0x270, s23;
	s12 =	sadd.s32 $0x1DA00, s0;
	s9 =	sadd.s32 $0x1E000, s0  }
0x7: {  	s5 =	sshll.u32 s3, $0x4;
	_ =	strace $0x80000047;
	s21 =	smul.u32 $0x2710, s3  }
0x8: {  	s7 =	ssub.s32 $0x2, s3;
	[dreg:$0x4] =	wrdreg s9;
	s31 =	smul.u32 $0x138800, s3  }
0x9: {  	s3 =	smul.u32 $0x27100, s3;
	s6 =	sor.u32 s23, s5;
	s8 =	sshrl.u32 s7, $0x1  }
0xa: {  	s9 =	sshrl.u32 s14, $0x3;
	s16 =	sadd.s32 $0x68, s14;
	s17 =	sadd.s32 $0xD0, s14  }
0xb: {  	s18 =	sadd.s32 $0x138, s14;
	s19 =	sadd.s32 $0x1A0, s14;
	s20 =	sadd.s32 $0x208, s14  }
0xc: {  	s23 =	smul.u32 $0x2710, s23;
	s5 =	sshll.u32 s6, $0xB;
	s15 =	ssub.s32 s7, s8  }
0xd: {  	s7 =	sadd.s32 s12, s9;
	s10 =	sshrl.u32 s16, $0x3;
	s11 =	sshrl.u32 s17, $0x3  }
0xe: {  	s22 =	sshrl.u32 s20, $0x3;
	s14 =	sadd.s32 s14, s21;
	s16 =	sadd.s32 s21, s16  }
0xf: {  	s6 =	smul.u32 $0x2710, s6;
	s24 =	sadd.s32 s21, s17;
	s25 =	sadd.s32 s21, s18  }
0x10: {  	s26 =	sadd.s32 s21, s19;
	s30 =	sadd.s32 s21, s20;
	s21 =	sshrl.u32 s31, $0x3  }
0x11: {  	s13 =	sadd.s32 s5, s0;
	s5 =	sadd.s32 $0x3C00, s0;
	s8 =	sadd.s32 s12, s10  }
0x12: {  	s9 =	sadd.s32 s12, s11;
	s10 =	sshrl.u32 s18, $0x3;
	s11 =	sshrl.u32 s19, $0x3  }
0x13: {  	s14 =	sshll.u32 s14, $0x4;
	s16 =	sshll.u32 s16, $0x4;
	s17 =	sshll.u32 s26, $0x4  }
0x14: {  	s20 =	sshll.u32 s30, $0x4;
	s19 =	sadd.s32 $0x1DED5, s0;
	s30 =	sadd.s32 s23, s3  }
0x15: {  	s31 =	smax.u32 s15, $0x1;
	s3 =	simm.s32 $0x17A00;
	s10 =	sadd.s32 s12, s10  }
0x16: {  	s11 =	sadd.s32 s12, s11;
	s12 =	sadd.s32 s12, s22;
	s22 =	sadd.s32 $0x1E800, s0  }
0x17: {  	[dreg:$0xe] =	wrdreg s31;
	s14 =	sadd.s32 s22, s14;
	s17 =	sadd.s32 s22, s17  }
0x18: {  	[dreg:$0x5] =	wrdreg s14;
	s14 =	sadd.s32 s22, s16;
	s16 =	sshll.u32 s25, $0x4  }
0x19: {  	[dreg:$0x9] =	wrdreg s17;
	s25 =	sshrl.u32 s6, $0x3;
	s6 =	simm.s32 $0x1  }
0x1a: {  	[dreg:$0x6] =	wrdreg s14;
	s14 =	sshll.u32 s24, $0x4;
	s16 =	sadd.s32 s22, s16  }
0x1b: {  	s24 =	sadd.s32 $0xDA00, s13;
	s0 =	sadd.s32 s5, s25;
	[dreg:$0x8] =	wrdreg s16  }
0x1c: {  	s25 =	simm.s32 $0x1CA00;
	s13 =	simm.s32 $0x0;
	[dreg:$0xb] =	wrdreg s24  }
0x1d: {  	s14 =	sadd.s32 s22, s14;
	[dreg:$0xc] =	wrdreg s0;
	s24 =	sadd.s32 $0x50, s30  }
0x1e: {  	[dreg:$0x7] =	wrdreg s14;
	s14 =	sadd.s32 s22, s20;
	s22 =	sadd.s32 s22, s21  }
0x1f: {  	s16 =	simm.s32 $0x17880;
	[dreg:$0xa] =	wrdreg s14;
	s26 =	sadd.s32 $0x26A80, s22  }
0x20: {  	s0 =	simm.s32 $0x50;
	[dreg:$0xd] =	wrdreg s26;
	s26 =	simm.s32 $0x5  }
.LBB2_1:
0x21: {  	s14 =	rddreg [dreg:$0x4]  }
0x22: {  	[tilespmem:s25], [sflag:$0x5] =	stream.linear.gather [hbm4b:s14+s4], $0x3400, $0x38;
	[tilespmem:$0x1FE00] =	vst v63  }
0x23: {  	_ =	swait.ge [sflag:s26], $0x3400  }
0x24: {  	[sflag:s26] =	ssyncset.done $0x0  }
0x25: {  	[sflag:s26] =	ssyncadd.s32 $0xFFFFCC00  }
0x26: {  	[tilespmem:s28], [sflag:$0x5] =	stream.linear.gather [hbm4b:s7+s4], $0x68, $0x38;
	[tilespmem:$0x1FE00] =	vst v63  }
0x27: {  	_ =	swait.ge [sflag:s26], $0x68  }
0x28: {  	[sflag:s26] =	ssyncset.done $0x0  }
0x29: {  	[sflag:s26] =	ssyncadd.s32 $0xFFFFFF98  }
0x2a: {  	[spmem:s2] =	stream.indirect.scatter [tilespmem:s25], [sflag:$0x5], $0x80, s28, s29, $0xb8;
	[tilespmem:$0x1FE00] =	vst v63  }
0x2b: {  	_ =	swait.ge [sflag:s26], $0x3400  }
0x2c: {  	[sflag:s26] =	ssyncset.done $0x0  }
0x2d: {  	[sflag:s26] =	ssyncadd.s32 $0xFFFFCC00  }
0x2e: {  	[tilespmem:s28], [sflag:$0x5] =	stream.linear.gather [hbm4b:s8+s4], $0x68, $0x38;
	[tilespmem:$0x1FE00] =	vst v63  }
0x2f: {  	_ =	swait.ge [sflag:s26], $0x68  }
0x30: {  	[sflag:s26] =	ssyncset.done $0x0  }
0x31: {  	[sflag:s26] =	ssyncadd.s32 $0xFFFFFF98  }
0x32: {  	[spmem:s2] =	stream.indirect.scatter [tilespmem:s25], [sflag:$0x5], $0x80, s28, s29, $0xb8;
	[tilespmem:$0x1FE00] =	vst v63  }
0x33: {  	_ =	swait.ge [sflag:s26], $0x3400  }
0x34: {  	[sflag:s26] =	ssyncset.done $0x0  }
0x35: {  	[sflag:s26] =	ssyncadd.s32 $0xFFFFCC00  }
0x36: {  	[tilespmem:s28], [sflag:$0x5] =	stream.linear.gather [hbm4b:s9+s4], $0x68, $0x38;
	[tilespmem:$0x1FE00] =	vst v63  }
0x37: {  	_ =	swait.ge [sflag:s26], $0x68  }
0x38: {  	[sflag:s26] =	ssyncset.done $0x0  }
0x39: {  	[sflag:s26] =	ssyncadd.s32 $0xFFFFFF98  }
0x3a: {  	[spmem:s2] =	stream.indirect.scatter [tilespmem:s25], [sflag:$0x5], $0x80, s28, s29, $0xb8;
	[tilespmem:$0x1FE00] =	vst v63  }
0x3b: {  	_ =	swait.ge [sflag:s26], $0x3400  }
0x3c: {  	[sflag:s26] =	ssyncset.done $0x0  }
0x3d: {  	[sflag:s26] =	ssyncadd.s32 $0xFFFFCC00  }
0x3e: {  	[tilespmem:s28], [sflag:$0x5] =	stream.linear.gather [hbm4b:s10+s4], $0x68, $0x38;
	[tilespmem:$0x1FE00] =	vst v63  }
0x3f: {  	_ =	swait.ge [sflag:s26], $0x68  }
0x40: {  	[sflag:s26] =	ssyncset.done $0x0  }
0x41: {  	[sflag:s26] =	ssyncadd.s32 $0xFFFFFF98  }
0x42: {  	[spmem:s2] =	stream.indirect.scatter [tilespmem:s25], [sflag:$0x5], $0x80, s28, s29, $0xb8;
	[tilespmem:$0x1FE00] =	vst v63  }
0x43: {  	_ =	swait.ge [sflag:s26], $0x3400  }
0x44: {  	[sflag:s26] =	ssyncset.done $0x0  }
0x45: {  	[sflag:s26] =	ssyncadd.s32 $0xFFFFCC00  }
0x46: {  	[tilespmem:s28], [sflag:$0x5] =	stream.linear.gather [hbm4b:s11+s4], $0x68, $0x38;
	[tilespmem:$0x1FE00] =	vst v63  }
0x47: {  	_ =	swait.ge [sflag:s26], $0x68  }
0x48: {  	[sflag:s26] =	ssyncset.done $0x0  }
0x49: {  	[sflag:s26] =	ssyncadd.s32 $0xFFFFFF98  }
0x4a: {  	[spmem:s2] =	stream.indirect.scatter [tilespmem:s25], [sflag:$0x5], $0x80, s28, s29, $0xb8;
	[tilespmem:$0x1FE00] =	vst v63  }
0x4b: {  	_ =	swait.ge [sflag:s26], $0x3400  }
0x4c: {  	[sflag:s26] =	ssyncset.done $0x0  }
0x4d: {  	[sflag:s26] =	ssyncadd.s32 $0xFFFFCC00  }
0x4e: {  	[tilespmem:s28], [sflag:$0x5] =	stream.linear.gather [hbm4b:s12+s4], $0x68, $0x38;
	[tilespmem:$0x1FE00] =	vst v63  }
0x4f: {  	_ =	swait.ge [sflag:s26], $0x68  }
0x50: {  	[sflag:s26] =	ssyncset.done $0x0  }
0x51: {  	[sflag:s26] =	ssyncadd.s32 $0xFFFFFF98  }
0x52: {  	[spmem:s2] =	stream.indirect.scatter [tilespmem:s25], [sflag:$0x5], $0x80, s28, s29, $0xb8;
	[tilespmem:$0x1FE00] =	vst v63  }
0x53: {  	_ =	swait.ge [sflag:s26], $0x3400  }
0x54: {  	[sflag:s26] =	ssyncset.done $0x0  }
0x55: {  	[sflag:s26] =	ssyncadd.s32 $0xFFFFCC00  }
0x56: {  	[tilespmem:s28], [sflag:$0x5] =	stream.linear.gather [hbm4b:s19+s4], $0x68, $0x38;
	[tilespmem:$0x1FE00] =	vst v63  }
0x57: {  	_ =	swait.ge [sflag:s26], $0x68  }
0x58: {  	[sflag:s26] =	ssyncset.done $0x0  }
0x59: {  	[sflag:s26] =	ssyncadd.s32 $0xFFFFFF98  }
0x5a: {  	[spmem:s2] =	stream.indirect.scatter [tilespmem:s25], [sflag:$0x5], $0x80, s28, s29, $0xb8;
	[tilespmem:$0x1FE00] =	vst v63  }
0x5b: {  	_ =	swait.ge [sflag:s26], $0x3400  }
0x5c: {  	[sflag:s26] =	ssyncset.done $0x0  }
0x5d: {  	s15 =	simm.s32 $0x13880;
	s22 =	rddreg [dreg:$0xb];
	[sflag:s26] =	ssyncadd.s32 $0xFFFFCC00  }
0x5e: {  	[tilespmem:s15], [sflag:$0x5] =	stream.linear.gather [hbm4b:s22+s4], $0x3E80, $0x38;
	[tilespmem:$0x1FE00] =	vst v63  }
0x5f: {  	_ =	swait.ge [sflag:s26], $0x3E80  }
0x60: {  	[sflag:s26] =	ssyncset.done $0x0  }
0x61: {  	[sflag:s26] =	ssyncadd.s32 $0xFFFFC180  }
0x62: {  	[bflag:$0x0] =	sbarrier.arrive $0xFFFF  }
0x63: {  	s23 =	rddreg [dreg:$0xc]  }
0x64: {  	[tilespmem:s16], [sflag:$0x5] =	stream.linear.gather [hbm4b:s23+s4], $0x50, $0x38;
	[tilespmem:$0x1FE00] =	vst v63  }
0x65: {  	s30 =	sand.u32 $0x1, s4;
	_ =	swait.ge [sflag:s26], $0x50  }
0x66: {  	p0 =	seq.s32 s30, $0x1;
	[sflag:s26] =	ssyncset.done $0x0  }
0x67: {  	s14 =	simm.s32 @p0 $0x50;
	[sflag:s26] =	ssyncadd.s32 $0xFFFFFFB0  }
0x68: {  	[tilespmem:s3], [sflag:$0x1] =	stream.indirect.gather [hbm4b:s1+s0], $0x80, s15, s0, $0xb8;
	[tilespmem:$0x1FE00] =	vst v63  }
0x69: {  	s17 =	sshrl.u32 @p0 s24, $0x3;
	s16 =	simm.s32 @p0 $0x17A00;
	s15 =	simm.s32 $0x13900  }
0x6a: {  	[tilespmem:s16], [sflag:$0x1] =	stream.indirect.gather @p0 [hbm4b:s1+s14], $0x80, s15, s14, $0xb8;
	[tilespmem:$0x1FE00] =	vst v63  }
0x6b: {  	s18 =	simm.s32 @p0 $0x17880;
	s16 =	sadd.s32 @p0 s5, s17;
	s17 =	simm.s32 @p0 $0x0  }
0x6c: {  	[tilespmem:s18], [sflag:$0x3] =	stream.linear.gather @p0 [hbm4b:s16+s17], $0x50, $0x38;
	[tilespmem:$0x1FE00] =	vst v63  }
0x6d: {  	s16 =	simm.s32 @p0 $0x2  }
0x6e: {  	_ =	swait.ge @p0 [sflag:s16], $0x2800  }
0x6f: {  	s17 =	sshrl.u32 @!p0 s24, $0x3;
	[sflag:s16] =	ssyncset.done @p0 $0x0  }
0x70: {  	s18 =	simm.s32 @p0 $0x17900;
	[sflag:s16] =	ssyncadd.s32 @p0 $0xFFFFD800;
	s16 =	simm.s32 @p0 $0x1A200  }
0x71: {  	[spmem:s2] =	stream.indirect.scatter.add.f32 @p0 [tilespmem:s16], [sflag:$0x5], $0x80, s18, s14, $0xb8;
	[tilespmem:$0x1FE00] =	vst v63  }
0x72: {  	s14 =	sadd.s32 @!p0 s5, s17;
	s16 =	simm.s32 @!p0 $0x50;
	s17 =	simm.s32 @!p0 $0x1A200  }
0x73: {  	[tilespmem:s17], [sflag:$0x2] =	stream.indirect.gather @!p0 [hbm4b:s1+s16], $0x80, s15, s16, $0xb8;
	[tilespmem:$0x1FE00] =	vst v63  }
0x74: {  	s18 =	simm.s32 @!p0 $0x1;
	s15 =	simm.s32 @!p0 $0x0;
	s17 =	simm.s32 @!p0 $0x17900  }
0x75: {  	[tilespmem:s17], [sflag:$0x4] =	stream.linear.gather @!p0 [hbm4b:s14+s15], $0x50, $0x38;
	[tilespmem:$0x1FE00] =	vst v63  }
0x76: {  	_ =	swait.ge @!p0 [sflag:s18], $0x2800  }
0x77: {  	s31 =	simm.s32 $0x1;
	[sflag:s18] =	ssyncset.done @!p0 $0x0  }
0x78: {  	s14 =	simm.s32 @!p0 $0x17880;
	s17 =	simm.s32 @!p0 $0x17A00;
	[sflag:s18] =	ssyncadd.s32 @!p0 $0xFFFFD800  }
0x79: {  	[spmem:s2] =	stream.indirect.scatter.add.f32 @!p0 [tilespmem:s17], [sflag:$0x5], $0x80, s14, s16, $0xb8;
	[tilespmem:$0x1FE00] =	vst v63  }
0x7a: {  	s15 =	simm.s32 $0x13980;
	s18 =	sand.u32 $0x1, s31;
	_ =	swait.ge [sflag:s26], $0x2800  }
0x7b: {  	s16 =	simm.s32 $0x2;
	s17 =	simm.s32 @!p0 $0x4;
	[sflag:s26] =	ssyncset.done $0x0  }
0x7c: {  	s14 =	sadd.s32 $0x50, s24;
	s17 =	simm.s32 @p0 $0x3;
	[sflag:s26] =	ssyncadd.s32 $0xFFFFD800  }
.LBB2_2:
0x7d: {  	p0 =	seq.s32 s18, $0x1  }
0x7e: {  	_ =	swait.ge [sflag:s17], $0x50;
	s18 =	smov.u32 s16;
	s16 =	sadd.s32 $0x1, s16  }
0x7f: {  	s20 =	simm.s32 @p0 $0x50;
	s21 =	simm.s32 @p0 $0x17A00;
	[sflag:s17] =	ssyncset.done $0x0  }
0x80: {  	s22 =	sshrl.u32 @p0 s14, $0x3;
	s23 =	sshrl.u32 @!p0 s14, $0x3;
	[sflag:s17] =	ssyncadd.s32 $0xFFFFFFB0  }
0x81: {  	s30 =	simm.s32 @p0 $0x0;
	s31 =	simm.s32 @p0 $0x2;
	s22 =	sadd.s32 @p0 s5, s22  }
0x82: {  	[tilespmem:s21], [sflag:$0x1] =	stream.indirect.gather @p0 [hbm4b:s1+s20], $0x80, s15, s20, $0xb8;
	[tilespmem:$0x1FE00] =	vst v63  }
0x83: {  	s23 =	sadd.s32 @!p0 s5, s23;
	s17 =	simm.s32 @!p0 $0x4;
	s21 =	simm.s32 @p0 $0x17880  }
0x84: {  	[tilespmem:s21], [sflag:$0x3] =	stream.linear.gather @p0 [hbm4b:s22+s30], $0x50, $0x38;
	[tilespmem:$0x1FE00] =	vst v63  }
0x85: {  	s21 =	simm.s32 @p0 $0x17900;
	s22 =	simm.s32 @p0 $0x1A200;
	_ =	swait.ge @p0 [sflag:s31], $0x2800  }
0x86: {  	p1 =	sne.s32 s16, $0x7C;
	[sflag:s31] =	ssyncset.done @p0 $0x0  }
0x87: {  	s30 =	simm.s32 @!p0 $0x50;
	[sflag:s31] =	ssyncadd.s32 @p0 $0xFFFFD800;
	s31 =	simm.s32 @!p0 $0x1A200  }
0x88: {  	[spmem:s2] =	stream.indirect.scatter.add.f32 @p0 [tilespmem:s22], [sflag:$0x5], $0x80, s21, s20, $0xb8;
	[tilespmem:$0x1FE00] =	vst v63  }
0x89: {  	s20 =	simm.s32 @!p0 $0x0;
	s21 =	simm.s32 @!p0 $0x17900;
	s22 =	simm.s32 @!p0 $0x1  }
0x8a: {  	[tilespmem:s31], [sflag:$0x2] =	stream.indirect.gather @!p0 [hbm4b:s1+s30], $0x80, s15, s30, $0xb8;
	[tilespmem:$0x1FE00] =	vst v63  }
0x8b: {  	_ = 	snop  }
0x8c: {  	[tilespmem:s21], [sflag:$0x4] =	stream.linear.gather @!p0 [hbm4b:s23+s20], $0x50, $0x38;
	[tilespmem:$0x1FE00] =	vst v63  }
0x8d: {  	s20 =	simm.s32 @!p0 $0x17880;
	s21 =	simm.s32 @!p0 $0x17A00;
	_ =	swait.ge @!p0 [sflag:s22], $0x2800  }
0x8e: {  	[sflag:s22] =	ssyncset.done @!p0 $0x0  }
.Ltmp0:
0x8f: {  	[sflag:s22] =	ssyncadd.s32 @!p0 $0xFFFFD800;
	(pc) =	sbr.rel @p1 .LBB2_2-.Ltmp0, $4  }
0x90: {  	[spmem:s2] =	stream.indirect.scatter.add.f32 @!p0 [tilespmem:s21], [sflag:$0x5], $0x80, s20, s30, $0xb8;
	[tilespmem:$0x1FE00] =	vst v63  }
0x91: {  	s17 =	simm.s32 @p0 $0x3;
	_ =	swait.ge [sflag:s26], $0x2800  }
0x92: {  	s14 =	sadd.s32 $0x50, s14;
	[sflag:s26] =	ssyncset.done $0x0  }
0x93: {  	s18 =	sand.u32 $0x1, s18;
	s15 =	sadd.s32 $0x80, s15;
	[sflag:s26] =	ssyncadd.s32 $0xFFFFD800  }
0x94: {  	p0 =	seq.s32 s18, $0x1;
	_ =	swait.ge [sflag:s17], $0x50  }
0x95: {  	s16 =	simm.s32 @p0 $0x50;
	[sflag:s17] =	ssyncset.done $0x0  }
0x96: {  	s18 =	simm.s32 @p0 $0x17A00;
	s20 =	sshrl.u32 @p0 s14, $0x3;
	[sflag:s17] =	ssyncadd.s32 $0xFFFFFFB0  }
0x97: {  	[tilespmem:s18], [sflag:$0x1] =	stream.indirect.gather @p0 [hbm4b:s1+s16], $0x80, s15, s16, $0xb8;
	[tilespmem:$0x1FE00] =	vst v63  }
0x98: {  	s17 =	sadd.s32 @p0 s5, s20;
	s20 =	simm.s32 @p0 $0x17880;
	s18 =	simm.s32 @p0 $0x0  }
0x99: {  	[tilespmem:s20], [sflag:$0x3] =	stream.linear.gather @p0 [hbm4b:s17+s18], $0x50, $0x38;
	[tilespmem:$0x1FE00] =	vst v63  }
0x9a: {  	s17 =	simm.s32 @p0 $0x2  }
0x9b: {  	_ =	swait.ge @p0 [sflag:s17], $0x2800  }
0x9c: {  	[sflag:s17] =	ssyncset.done @p0 $0x0  }
0x9d: {  	s18 =	simm.s32 @p0 $0x17900;
	[sflag:s17] =	ssyncadd.s32 @p0 $0xFFFFD800;
	s17 =	simm.s32 @p0 $0x1A200  }
0x9e: {  	[spmem:s2] =	stream.indirect.scatter.add.f32 @p0 [tilespmem:s17], [sflag:$0x5], $0x80, s18, s16, $0xb8;
	[tilespmem:$0x1FE00] =	vst v63  }
0x9f: {  	s14 =	sshrl.u32 @!p0 s14, $0x3;
	s16 =	simm.s32 @!p0 $0x50;
	s17 =	simm.s32 @!p0 $0x1A200  }
0xa0: {  	[tilespmem:s17], [sflag:$0x2] =	stream.indirect.gather @!p0 [hbm4b:s1+s16], $0x80, s15, s16, $0xb8;
	[tilespmem:$0x1FE00] =	vst v63  }
0xa1: {  	s14 =	sadd.s32 @!p0 s5, s14;
	s15 =	simm.s32 @!p0 $0x0;
	s17 =	simm.s32 @!p0 $0x17900  }
0xa2: {  	[tilespmem:s17], [sflag:$0x4] =	stream.linear.gather @!p0 [hbm4b:s14+s15], $0x50, $0x38;
	[tilespmem:$0x1FE00] =	vst v63  }
0xa3: {  	s14 =	simm.s32 @!p0 $0x1  }
0xa4: {  	_ =	swait.ge @!p0 [sflag:s14], $0x2800  }
0xa5: {  	[sflag:s14] =	ssyncset.done @!p0 $0x0  }
0xa6: {  	s15 =	simm.s32 @!p0 $0x17880;
	[sflag:s14] =	ssyncadd.s32 @!p0 $0xFFFFD800;
	s14 =	simm.s32 @!p0 $0x17A00  }
0xa7: {  	[spmem:s2] =	stream.indirect.scatter.add.f32 @!p0 [tilespmem:s14], [sflag:$0x5], $0x80, s15, s16, $0xb8;
	[tilespmem:$0x1FE00] =	vst v63  }
0xa8: {  	_ =	swait.ge [sflag:s26], $0x2800  }
0xa9: {  	s14 =	simm.s32 @!p0 $0x4;
	[sflag:s26] =	ssyncset.done $0x0  }
0xaa: {  	s14 =	simm.s32 @p0 $0x3;
	[sflag:s26] =	ssyncadd.s32 $0xFFFFD800  }
0xab: {  	_ =	swait.ge [sflag:s14], $0x50  }
0xac: {  	[sflag:s14] =	ssyncset.done $0x0  }
0xad: {  	[sflag:s14] =	ssyncadd.s32 $0xFFFFFFB0  }
0xae: {  	_ =	swait.ge [sflag:s6], $0x2800  }
0xaf: {  	[sflag:s6] =	ssyncset.done $0x0  }
0xb0: {  	s16 =	simm.s32 $0x17880;
	[sflag:s6] =	ssyncadd.s32 $0xFFFFD800  }
0xb1: {  	[spmem:s2] =	stream.indirect.scatter.add.f32 [tilespmem:s3], [sflag:$0x5], $0x80, s16, s0, $0xb8;
	[tilespmem:$0x1FE00] =	vst v63  }
0xb2: {  	_ =	swait.ge [sflag:s26], $0x2800  }
0xb3: {  	[sflag:s26] =	ssyncset.done $0x0  }
0xb4: {  	[sflag:s26] =	ssyncadd.s32 $0xFFFFD800  }
0xb5: {  	[bflag:$0x0] =	sbarrier.arrive $0xFFFF  }
0xb6: {  	[tilespmem:s28], [sflag:$0x5] =	stream.linear.gather [hbm4b:s7+s4], $0x68, $0x38;
	[tilespmem:$0x1FE00] =	vst v63  }
0xb7: {  	_ =	swait.ge [sflag:s26], $0x68  }
0xb8: {  	[sflag:s26] =	ssyncset.done $0x0  }
0xb9: {  	[sflag:s26] =	ssyncadd.s32 $0xFFFFFF98  }
0xba: {  	[tilespmem:s25], [sflag:$0x5] =	stream.indirect.gather [spmem:s2], $0x80, s28, s29, $0xb8;
	[tilespmem:$0x1FE00] =	vst v63  }
0xbb: {  	_ =	swait.ge [sflag:s26], $0x3400  }
0xbc: {  	[sflag:s26] =	ssyncset.done $0x0  }
0xbd: {  	s17 =	rddreg [dreg:$0x5];
	[sflag:s26] =	ssyncadd.s32 $0xFFFFCC00  }
0xbe: {  	[hbm4b:s17+s4] =	stream.linear.scatter [tilespmem:s25], [sflag:$0x5], $0x3400, $0x38;
	[tilespmem:$0x1FE00] =	vst v63  }
0xbf: {  	_ =	swait.ge [sflag:s26], $0x3400  }
0xc0: {  	[sflag:s26] =	ssyncset.done $0x0  }
0xc1: {  	[sflag:s26] =	ssyncadd.s32 $0xFFFFCC00  }
0xc2: {  	[tilespmem:s28], [sflag:$0x5] =	stream.linear.gather [hbm4b:s8+s4], $0x68, $0x38;
	[tilespmem:$0x1FE00] =	vst v63  }
0xc3: {  	_ =	swait.ge [sflag:s26], $0x68  }
0xc4: {  	[sflag:s26] =	ssyncset.done $0x0  }
0xc5: {  	[sflag:s26] =	ssyncadd.s32 $0xFFFFFF98  }
0xc6: {  	[tilespmem:s25], [sflag:$0x5] =	stream.indirect.gather [spmem:s2], $0x80, s28, s29, $0xb8;
	[tilespmem:$0x1FE00] =	vst v63  }
0xc7: {  	_ =	swait.ge [sflag:s26], $0x3400  }
0xc8: {  	[sflag:s26] =	ssyncset.done $0x0  }
0xc9: {  	s18 =	rddreg [dreg:$0x6];
	[sflag:s26] =	ssyncadd.s32 $0xFFFFCC00  }
0xca: {  	[hbm4b:s18+s4] =	stream.linear.scatter [tilespmem:s25], [sflag:$0x5], $0x3400, $0x38;
	[tilespmem:$0x1FE00] =	vst v63  }
0xcb: {  	_ =	swait.ge [sflag:s26], $0x3400  }
0xcc: {  	[sflag:s26] =	ssyncset.done $0x0  }
0xcd: {  	[sflag:s26] =	ssyncadd.s32 $0xFFFFCC00  }
0xce: {  	[tilespmem:s28], [sflag:$0x5] =	stream.linear.gather [hbm4b:s9+s4], $0x68, $0x38;
	[tilespmem:$0x1FE00] =	vst v63  }
0xcf: {  	_ =	swait.ge [sflag:s26], $0x68  }
0xd0: {  	[sflag:s26] =	ssyncset.done $0x0  }
0xd1: {  	[sflag:s26] =	ssyncadd.s32 $0xFFFFFF98  }
0xd2: {  	[tilespmem:s25], [sflag:$0x5] =	stream.indirect.gather [spmem:s2], $0x80, s28, s29, $0xb8;
	[tilespmem:$0x1FE00] =	vst v63  }
0xd3: {  	_ =	swait.ge [sflag:s26], $0x3400  }
0xd4: {  	[sflag:s26] =	ssyncset.done $0x0  }
0xd5: {  	s20 =	rddreg [dreg:$0x7];
	[sflag:s26] =	ssyncadd.s32 $0xFFFFCC00  }
0xd6: {  	[hbm4b:s20+s4] =	stream.linear.scatter [tilespmem:s25], [sflag:$0x5], $0x3400, $0x38;
	[tilespmem:$0x1FE00] =	vst v63  }
0xd7: {  	_ =	swait.ge [sflag:s26], $0x3400  }
0xd8: {  	[sflag:s26] =	ssyncset.done $0x0  }
0xd9: {  	[sflag:s26] =	ssyncadd.s32 $0xFFFFCC00  }
0xda: {  	[tilespmem:s28], [sflag:$0x5] =	stream.linear.gather [hbm4b:s10+s4], $0x68, $0x38;
	[tilespmem:$0x1FE00] =	vst v63  }
0xdb: {  	_ =	swait.ge [sflag:s26], $0x68  }
0xdc: {  	[sflag:s26] =	ssyncset.done $0x0  }
0xdd: {  	[sflag:s26] =	ssyncadd.s32 $0xFFFFFF98  }
0xde: {  	[tilespmem:s25], [sflag:$0x5] =	stream.indirect.gather [spmem:s2], $0x80, s28, s29, $0xb8;
	[tilespmem:$0x1FE00] =	vst v63  }
0xdf: {  	_ =	swait.ge [sflag:s26], $0x3400  }
0xe0: {  	[sflag:s26] =	ssyncset.done $0x0  }
0xe1: {  	s21 =	rddreg [dreg:$0x8];
	[sflag:s26] =	ssyncadd.s32 $0xFFFFCC00  }
0xe2: {  	[hbm4b:s21+s4] =	stream.linear.scatter [tilespmem:s25], [sflag:$0x5], $0x3400, $0x38;
	[tilespmem:$0x1FE00] =	vst v63  }
0xe3: {  	_ =	swait.ge [sflag:s26], $0x3400  }
0xe4: {  	[sflag:s26] =	ssyncset.done $0x0  }
0xe5: {  	[sflag:s26] =	ssyncadd.s32 $0xFFFFCC00  }
0xe6: {  	[tilespmem:s28], [sflag:$0x5] =	stream.linear.gather [hbm4b:s11+s4], $0x68, $0x38;
	[tilespmem:$0x1FE00] =	vst v63  }
0xe7: {  	_ =	swait.ge [sflag:s26], $0x68  }
0xe8: {  	[sflag:s26] =	ssyncset.done $0x0  }
0xe9: {  	[sflag:s26] =	ssyncadd.s32 $0xFFFFFF98  }
0xea: {  	[tilespmem:s25], [sflag:$0x5] =	stream.indirect.gather [spmem:s2], $0x80, s28, s29, $0xb8;
	[tilespmem:$0x1FE00] =	vst v63  }
0xeb: {  	_ =	swait.ge [sflag:s26], $0x3400  }
0xec: {  	[sflag:s26] =	ssyncset.done $0x0  }
0xed: {  	s22 =	rddreg [dreg:$0x9];
	[sflag:s26] =	ssyncadd.s32 $0xFFFFCC00  }
0xee: {  	[hbm4b:s22+s4] =	stream.linear.scatter [tilespmem:s25], [sflag:$0x5], $0x3400, $0x38;
	[tilespmem:$0x1FE00] =	vst v63  }
0xef: {  	_ =	swait.ge [sflag:s26], $0x3400  }
0xf0: {  	[sflag:s26] =	ssyncset.done $0x0  }
0xf1: {  	[sflag:s26] =	ssyncadd.s32 $0xFFFFCC00  }
0xf2: {  	[tilespmem:s28], [sflag:$0x5] =	stream.linear.gather [hbm4b:s12+s4], $0x68, $0x38;
	[tilespmem:$0x1FE00] =	vst v63  }
0xf3: {  	_ =	swait.ge [sflag:s26], $0x68  }
0xf4: {  	[sflag:s26] =	ssyncset.done $0x0  }
0xf5: {  	[sflag:s26] =	ssyncadd.s32 $0xFFFFFF98  }
0xf6: {  	[tilespmem:s25], [sflag:$0x5] =	stream.indirect.gather [spmem:s2], $0x80, s28, s29, $0xb8;
	[tilespmem:$0x1FE00] =	vst v63  }
0xf7: {  	_ =	swait.ge [sflag:s26], $0x3400  }
0xf8: {  	[sflag:s26] =	ssyncset.done $0x0  }
0xf9: {  	s23 =	rddreg [dreg:$0xa];
	[sflag:s26] =	ssyncadd.s32 $0xFFFFCC00  }
0xfa: {  	[hbm4b:s23+s4] =	stream.linear.scatter [tilespmem:s25], [sflag:$0x5], $0x3400, $0x38;
	[tilespmem:$0x1FE00] =	vst v63  }
0xfb: {  	_ =	swait.ge [sflag:s26], $0x3400  }
0xfc: {  	[sflag:s26] =	ssyncset.done $0x0  }
0xfd: {  	[sflag:s26] =	ssyncadd.s32 $0xFFFFCC00  }
0xfe: {  	[tilespmem:s28], [sflag:$0x5] =	stream.linear.gather [hbm4b:s19+s4], $0x68, $0x38;
	[tilespmem:$0x1FE00] =	vst v63  }
0xff: {  	_ =	swait.ge [sflag:s26], $0x68  }
0x100: {  	[sflag:s26] =	ssyncset.done $0x0  }
0x101: {  	[sflag:s26] =	ssyncadd.s32 $0xFFFFFF98  }
0x102: {  	[tilespmem:s25], [sflag:$0x5] =	stream.indirect.gather [spmem:s2], $0x80, s28, s29, $0xb8;
	[tilespmem:$0x1FE00] =	vst v63  }
0x103: {  	_ =	swait.ge [sflag:s26], $0x3400  }
0x104: {  	[sflag:s26] =	ssyncset.done $0x0  }
0x105: {  	s30 =	rddreg [dreg:$0xd];
	[sflag:s26] =	ssyncadd.s32 $0xFFFFCC00  }
0x106: {  	[hbm4b:s30+s4] =	stream.linear.scatter [tilespmem:s25], [sflag:$0x5], $0x3400, $0x38;
	[tilespmem:$0x1FE00] =	vst v63  }
0x107: {  	_ =	swait.ge [sflag:s26], $0x3400  }
0x108: {  	s13 =	sadd.s32 $0x1, s13;
	s31 =	rddreg [dreg:$0xe]  }
0x109: {  	p0 =	sne.s32 s13, s31  }
.Ltmp1:
0x10a: {  	_ = 	snop;
	(pc) =	sbr.rel @p0 .LBB2_1-.Ltmp1, $3  }
0x10b: {  	_ =	sdelay $0x1  }
0x10c: {  	[sflag:s26] =	ssyncset.done $0x0  }
0x10d: {  	[sflag:s26] =	ssyncadd.s32 $0xFFFFCC00  }
0x10e: {  	_ =	sfence.sel $0x180000  }
0x10f: {  	[bflag:$0x0] =	sbarrier.arrive $0xFFFF  }
0x110: {  	_ =	strace $0x90000047  }
0x111: {  	s0 =	stileid.u32;
	[bflag:$0x2] =	sbarrier.arrive $0xFFFF  }
0x112: {  	p0 =	sne.s32 s0, $0x0;
	s0 =	rddreg [dreg:$0x3]  }
0x113: {  	s0 =	sadd.s32 @!p0 $0x100000, s0  }
0x114: {  	[sflag:s0] =	ssyncadd.tile.s32 @!p0 $0x1;
	_ =	shalt  }
.Lfunc_end2:
_tile_overlayer_lowered:
.L_overlay_start_2:
0x115: {  	(tag) =	ssettag $0x2  }
0x116: {  	s0 =	rddreg [dreg:$0x0];
	s2 =	stileid.u32  }
0x117: {  	s1 =	rddreg [dreg:$0x1];
	p0 =	sne.s32 s2, $0x0  }
0x118: {  	s3 =	rddreg [dreg:$0x2];
	[bflag:$0x3] =	sbarrier.arrive $0xFFFF;
	s2 =	simm.s32 @!p0 $0x1C05  }
0x119: {  	[timem:s3], [sflag:s2] =	dma.local @!p0 [hbm:s0], s1  }
0x11a: {  	s0 =	simm.s32 @!p0 $0x5  }
0x11b: {  	_ =	swait.ge @!p0 [sflag:s0], s1  }
0x11c: {  	s1 =	ssub.s32 @!p0 $0x0, s1;
	[sflag:s0] =	ssyncset.done @!p0 $0x0  }
0x11d: {  	[sflag:s0] =	ssyncadd.s32 @!p0 s1  }
0x11e: {  	[bflag:$0x3] =	sbarrier.arrive $0xFFFF  }
0x11f: {  	_ =	shalt  }

// kernel: kernel.15.cloned.1.call-start
scs
__scs_entry_jumppad:
0x0: {  	(pc) =	sbr.rel $0x88, $3  }
0x1: {  	(tag) =	ssettag $0x0;
	lr =	simm.s32 $0x1  }
0x2: {  	[smem:$0x3F8E] =	sst lr;
	_ =	strace $0xD0000000  }
0x3: {  	_ = 	snop  }
0x4: {  	_ = 	snop  }
0x5: {  	_ = 	snop  }
0x6: {  	_ = 	snop  }
0x7: {  	_ = 	snop  }
__scs_overlays_trampoline_lowered:
0x8: {  	[smem:$0x3F9D] =	sst s0  }
0x9: {  	[smem:$0x3F9E] =	sst s1  }
0xa: {  	[smem:$0x3F9F] =	sst s2  }
0xb: {  	[smem:$0x3FA0] =	sst s3  }
0xc: {  	[smem:$0x3FA1] =	sst s4  }
0xd: {  	[smem:$0x3FA2] =	sst s5  }
0xe: {  	[smem:$0x3FA3] =	sst s6  }
0xf: {  	[smem:$0x3FA4] =	sst s7  }
0x10: {  	[smem:$0x3FA5] =	sst s8  }
0x11: {  	[smem:$0x3FA6] =	sst s9;
	s0 =	simm.s32 @!p0 $0x0  }
0x12: {  	s1 =	sld [smem:$0x3F8C];
	s0 =	simm.s32 @p0 $0x1  }
0x13: {  	[smem:$0x3FA7] =	sst s0;
	s0 =	simm.s32 @!p1 $0x0  }
0x14: {  	s2 =	sld [smem:$0x3F8B];
	s0 =	simm.s32 @p1 $0x1  }
0x15: {  	[smem:$0x3FA8] =	sst s0;
	s0 =	simm.s32 @!p2 $0x0  }
0x16: {  	s3 =	sld [smem:$0x3FDB];
	s0 =	simm.s32 @p2 $0x1  }
0x17: {  	s4 =	simm.s32 $0x1BF5;
	[smem:$0x3FAA] =	sst s0  }
0x18: {  	s0 =	sld [smem:$0x3F8D];
	_ =	swait.ge [sflag:s4], $0x0  }
0x19: {  	s7 =	sld [smem:$0x3F8E]  }
0x1a: {  	s8 =	sadd.s32 $0xFFFFE003, lr  }
0x1b: {  	s9 =	sadd.s32 $0xFFFFFEF7, lr;
	s5 =	simm.s32 $0xFFFFFFFF;
	p2 =	slt.u32 s8, $0xFFFFF086  }
0x1c: {  	p1 =	slt.u32 s9, $0xF7A;
	s5 =	simm.s32 @!p2 $0x0  }
0x1d: {  	s5 =	simm.s32 @p1 $0x1;
	p0 =	seq.s32 s7, s2  }
0x1e: {  	s7 =	smul.u32 @!p0 $0xF7A, s2;
	p2 =	seq.s32 @!p0 s5, $0x0  }
0x1f: {  	s9 =	smul.u32 $0xF7A, s1;
	s8 =	simm.s32 @!p0 $0x1BF5;
	p2 =	por !p2, p0  }
0x20: {  	[sflag:s8] =	ssyncset.s32 @!p0 $0xFFFFF086;
	s6 =	sadd.s32 @!p0 s3, s7;
	s7 =	simm.s32 @!p0 $0x108  }
0x21: {  	s3 =	sadd.s32 s3, s9;
	s6 =	sadd.s32 @!p0 $0x88, s6;
	s7 =	simm.s32 @p2 $0x1082  }
0x22: {  	[simem:s7], [sflag:s8] =	dma.local @!p0 [hbm:s6], $0xF7A  }
0x23: {  	s9 =	sor.u32 $0xD0000000, s2;
	s6 =	simm.s32 $0x108;
	_ =	swait.ge @!p0 [sflag:s8], $0x0  }
0x24: {  	s3 =	sadd.s32 $0x88, s3;
	s6 =	simm.s32 @!p1 $0x1082;
	[sflag:s4] =	ssyncset.s32 $0xFFFFF086  }
0x25: {  	[simem:s6], [sflag:s4] =	dma.local [hbm:s3], $0xF7A  }
0x26: {  	[smem:$0x3F8E] =	sst s1;
	(tag) =	ssettag s2;
	_ =	strace s9  }
0x27: {  	s1 =	sld [smem:$0x3F9E]  }
0x28: {  	s2 =	sld [smem:$0x3F9F]  }
0x29: {  	s4 =	sld [smem:$0x3FA1]  }
0x2a: {  	p0 =	seq.s32 s5, $0x0;
	s5 =	sld [smem:$0x3FA2]  }
0x2b: {  	s6 =	sld [smem:$0x3FA3]  }
0x2c: {  	s7 =	sld [smem:$0x3FA4]  }
0x2d: {  	s3 =	simm.s32 $0x108;
	s8 =	sld [smem:$0x3FA5]  }
0x2e: {  	s3 =	simm.s32 @!p0 $0x1082;
	s9 =	sld [smem:$0x3FA6]  }
0x2f: {  	lr =	sadd.s32 s0, s3;
	s0 =	sld [smem:$0x3F9D]  }
0x30: {  	s3 =	sld [smem:$0x3FA0]  }
0x31: {  	[smem:$0x3FA9] =	sst s10  }
0x32: {  	s10 =	sld [smem:$0x3FA7];
	_ =	sdelay $0x3  }
0x33: {  	p0 =	seq.s32 s10, $0x1;
	s10 =	sld [smem:$0x3FA9];
	_ =	sdelay $0x3  }
0x34: {  	[smem:$0x3FA9] =	sst s10  }
0x35: {  	s10 =	sld [smem:$0x3FA8];
	_ =	sdelay $0x3  }
0x36: {  	p1 =	seq.s32 s10, $0x1;
	s10 =	sld [smem:$0x3FA9];
	_ =	sdelay $0x3  }
0x37: {  	[smem:$0x3FA9] =	sst s10  }
0x38: {  	s10 =	sld [smem:$0x3FAA]  }
0x39: {  	_ = 	snop;
	(pc) =	sbr.ind lr, $3  }
0x3a: {  	_ = 	snop  }
0x3b: {  	_ = 	snop  }
0x3c: {  	p2 =	seq.s32 s10, $0x1;
	s10 =	sld [smem:$0x3FA9]  }
0x3d: {  	_ =	shalt  }
0x3e: {  	_ =	shalt  }
0x3f: {  	_ =	shalt  }
0x40: {  	_ =	shalt  }
0x41: {  	_ =	shalt  }
0x42: {  	_ =	shalt  }
0x43: {  	_ =	shalt  }
0x44: {  	_ =	shalt  }
0x45: {  	_ =	shalt  }
0x46: {  	_ =	shalt  }
0x47: {  	_ =	shalt  }
0x48: {  	_ =	shalt  }
0x49: {  	_ =	shalt  }
0x4a: {  	_ =	shalt  }
0x4b: {  	_ =	shalt  }
0x4c: {  	_ =	shalt  }
0x4d: {  	_ =	shalt  }
0x4e: {  	_ =	shalt  }
0x4f: {  	_ =	shalt  }
0x50: {  	_ =	shalt  }
0x51: {  	_ =	shalt  }
0x52: {  	_ =	shalt  }
0x53: {  	_ =	shalt  }
0x54: {  	_ =	shalt  }
0x55: {  	_ =	shalt  }
0x56: {  	_ =	shalt  }
0x57: {  	_ =	shalt  }
0x58: {  	_ =	shalt  }
0x59: {  	_ =	shalt  }
0x5a: {  	_ =	shalt  }
0x5b: {  	_ =	shalt  }
0x5c: {  	_ =	shalt  }
0x5d: {  	_ =	shalt  }
0x5e: {  	_ =	shalt  }
0x5f: {  	_ =	shalt  }
0x60: {  	_ =	shalt  }
0x61: {  	_ =	shalt  }
0x62: {  	_ =	shalt  }
0x63: {  	_ =	shalt  }
0x64: {  	_ =	shalt  }
0x65: {  	_ =	shalt  }
0x66: {  	_ =	shalt  }
0x67: {  	_ =	shalt  }
0x68: {  	_ =	shalt  }
0x69: {  	_ =	shalt  }
0x6a: {  	_ =	shalt  }
0x6b: {  	_ =	shalt  }
0x6c: {  	_ =	shalt  }
0x6d: {  	_ =	shalt  }
0x6e: {  	_ =	shalt  }
0x6f: {  	_ =	shalt  }
0x70: {  	_ =	shalt  }
0x71: {  	_ =	shalt  }
0x72: {  	_ =	shalt  }
0x73: {  	_ =	shalt  }
0x74: {  	_ =	shalt  }
0x75: {  	_ =	shalt  }
0x76: {  	_ =	shalt  }
0x77: {  	_ =	shalt  }
0x78: {  	_ =	shalt  }
0x79: {  	_ =	shalt  }
0x7a: {  	_ =	shalt  }
0x7b: {  	_ =	shalt  }
0x7c: {  	_ =	shalt  }
0x7d: {  	_ =	shalt  }
0x7e: {  	_ =	shalt  }
0x7f: {  	_ =	shalt  }
0x80: {  	_ =	shalt  }
0x81: {  	_ =	shalt  }
0x82: {  	_ =	shalt  }
0x83: {  	_ =	shalt  }
0x84: {  	_ =	shalt  }
0x85: {  	_ =	shalt  }
0x86: {  	_ =	shalt  }
0x87: {  	_ =	shalt  }
.Lfunc_end0:
.L_simem_size_0:
called_computation.1_lowered:
.L_overlay_start_0:
0x88: {  	s2 =	sld [smem:$0x3FD9]  }
0x89: {  	s3 =	sld [smem:$0x3FFE];
	_ =	sdelay $0x1  }
0x8a: {  	s1 =	srdreg.scid  }
0x8b: {  	s0 =	sand.u32 $0x1, s1  }
0x8c: {  	s17 =	sshll.u32 s0, $0xA;
	s2 =	sadd.s32 s3, s2  }
0x8d: {  	s2 =	sadd.s32 s2, s17  }
0x8e: {  	[smem:$0x3FB5] =	sst s2  }
0x8f: {  	_ = 	snop  }
0x90: {  	(tm) =	ssettm $0x1  }
0x91: {  	s18 =	sld [smem:$0x3FFB];
	_ =	sdelay $0x3  }
0x92: {  	_ =	strace s18  }
0x93: {  	s2 =	sld [smem:$0x3FFC];
	_ =	sdelay $0x3  }
0x94: {  	_ =	strace s2  }
0x95: {  	s2 =	sld [smem:$0x3FFD];
	_ =	sdelay $0x3  }
0x96: {  	_ =	strace s2  }
0x97: {  	_ =	strace $0x8FFFFFFF  }
0x98: {  	s19 =	sld [smem:$0x3FDB];
	_ =	sdelay $0x1  }
0x99: {  	s20 =	simm.s32 $_scs_section_size  }
0x9a: {  	s4 =	simm.s32 $_size__tile_overlayer_lowered;
	s5 =	simm.s32 $_tile_overlayer_lowered  }
0x9b: {  	s6 =	simm.s32 $0x1BFF;
	s21 =	sshll.u32 s5, $0x1;
	s3 =	sadd.s32 s20, s19  }
0x9c: {  	s22 =	simm.s32 $0x0;
	s4 =	sshll.u32 s4, $0x1;
	s5 =	sadd.s32 s21, s3  }
0x9d: {  	[timem:s22], [sflag:s6] =	dma.local [hbm:s5], s4  }
0x9e: {  	_ =	swait.ge [sflag:s6], s4  }
0x9f: {  	s4 =	ssub.s32 $0x0, s4;
	[sflag:s6] =	ssyncset.done $0x0  }
0xa0: {  	[sflag:s6] =	ssyncadd.s32 s4;
	_ =	sdelay $0x1  }
0xa1: {  	s23 =	simm.s32 $0x1B8B  }
0xa2: {  	_ =	swait.ge [sflag:s23], $0x1  }
0xa3: {  	[sflag:s23] =	ssyncset.done $0x0  }
0xa4: {  	[sflag:s23] =	ssyncadd.s32 $0xFFFFFFFF  }
0xa5: {  	s4 =	sld [smem:$0x0]  }
0xa6: {  	s5 =	sand.u32 $0xFFFFFFFE, s1  }
0xa7: {  	p0 =	sne.s32 s1, s5  }
0xa8: {  	s5 =	sshll.u32 @p0 s5, $0xE  }
0xa9: {  	s5 =	sadd.s32 @p0 $0x11B8D, s5;
	s6 =	sshll.u32 @p0 s4, $0x11  }
0xaa: {  	s5 =	sor.u32 @p0 s6, s5  }
0xab: {  	[sflag:s5] =	ssyncadd.remote.s32 @p0 $0x1;
	_ =	sdelay $0x1  }
0xac: {  	s5 =	simm.s32 @p0 $0x1B8D  }
0xad: {  	_ =	swait.eq @p0 [sflag:s5], $0x1  }
0xae: {  	[sflag:s5] =	ssyncadd.s32 @p0 $0xFFFFFFFF  }
0xaf: {  	s6 =	sshll.u32 @!p0 s1, $0xE  }
0xb0: {  	s6 =	sor.u32 @!p0 $0x4000, s6;
	s5 =	simm.s32 @!p0 $0x1B8D  }
0xb1: {  	s4 =	sshll.u32 @!p0 s4, $0x11;
	s6 =	sadd.s32 @!p0 $0x11B8D, s6;
	_ =	swait.eq @!p0 [sflag:s5], $0x1  }
0xb2: {  	s4 =	sor.u32 @!p0 s4, s6;
	[sflag:s5] =	ssyncadd.s32 @!p0 $0xFFFFFFFF  }
0xb3: {  	s25 =	simm.s32 $0x1B8E;
	s24 =	sld [smem:$0x3FFE];
	[sflag:s4] =	ssyncadd.remote.s32 @!p0 $0x1  }
0xb4: {  	s26 =	simm.s32 $execute0_lowered;
	[smem:$0x3FD2] =	sst s25  }
0xb5: {  	s5 =	sshll.u32 s26, $0x1;
	_ =	strace $0x80000049;
	[dreg:$0x1] =	wrdreg $0xFFFFFFFF  }
0xb6: {  	s28 =	simm.s32 $_size_execute0_lowered;
	s3 =	sadd.s32 s3, s5;
	[dreg:$0x0] =	wrdreg $0x0  }
0xb7: {  	s5 =	sshll.u32 s28, $0x1;
	[dreg:$0x2] =	wrdreg s3  }
0xb8: {  	[dreg:$0x3] =	wrdreg s5  }
0xb9: {  	[dreg:$0x4] =	wrdreg $0xC0  }
0xba: {  	_ =	task [dreg:s22], $0x5FFFF  }
0xbb: {  	[dreg:$0x1] =	wrdreg $0xFFFFFFFF  }
0xbc: {  	[dreg:$0x0] =	wrdreg $0x60  }
0xbd: {  	[dreg:$0x2] =	wrdreg s24  }
0xbe: {  	[dreg:$0x3] =	wrdreg $0x0  }
0xbf: {  	[dreg:$0x4] =	wrdreg $0xA  }
0xc0: {  	_ =	task.clear_ibuf [dreg:s22], $0x5FFFF;
	_ =	strace $0x90000049  }
0xc1: {  	s29 =	simm.s32 $0xA;
	_ =	strace $0x8000004B  }
0xc2: {  	_ =	swait.ge [sflag:s29], $0x1  }
0xc3: {  	[sflag:s29] =	ssyncadd.s32 $0xFFFFFFFF  }
0xc4: {  	_ =	strace $0x9000004B  }
0xc5: {  	_ =	sfence  }
0xc6: {  	s30 =	sld [smem:$0x0];
	_ =	sdelay $0x2  }
0xc7: {  	s31 =	sshll.u32 s1, $0xD;
	s1 =	sshrl.u32 s1, $0x2  }
0xc8: {  	s4 =	sand.u32 $0x4000, s31;
	s1 =	sadd.s32 s1, s30  }
0xc9: {  	s0 =	sor.u32 s4, s0;
	s1 =	sshll.u32 s1, $0x11  }
0xca: {  	s0 =	sor.u32 s1, s0  }
0xcb: {  	s0 =	sadd.s32 $0x8F2B, s0  }
0xcc: {  	[sflag:s0] =	ssyncadd.remote.s32 $0x1  }
0xcd: {  	_ =	sfence.sel $0xFFFF  }
0xce: {  	[dreg:$0x0] =	wrdreg $0xFFFFFFFF;
	(pc) =	sbr.abs _section_cstart, $3  }
0xcf: {  	[dreg:$0x1] =	wrdreg $0xFFFFFFFF  }
0xd0: {  	_ =	task.clear_ibuf [dreg:s22], $0x2FFFF;
	_ =	strace $0x9FFFFFFF  }
0xd1: {  	(tm) =	ssettm $0x7FFFFFFF  }
tec
execute0_lowered:
.L_overlay_start_1:
0x0: {  	(tag) =	ssettag $0x1  }
0x1: {  	s0 =	rddreg [dreg:$0x0]  }
0x2: {  	s1 =	rddreg [dreg:$0x1]  }
0x3: {  	s2 =	simm.s32 $0x0;
	s4 =	srdreg.scid;
	s22 =	stileid.u32  }
0x4: {  	s28 =	simm.s32 $0x68;
	s29 =	simm.s32 $0x13A00;
	s30 =	simm.s32 $0x13880  }
0x5: {  	s31 =	simm.s32 $0x50;
	[smem:$0x7FF] =	sst s2;
	s3 =	sadd.s32 $0x3C00, s0  }
0x6: {  	s5 =	sadd.s32 $0x1DA00, s0;
	s6 =	sadd.s32 $0x1E000, s0;
	s4 =	sand.u32 $0x1, s4  }
0x7: {  	s18 =	sadd.s32 $0x6CA00, s0;
	s13 =	smul.u32 $0x270, s22;
	s14 =	sadd.s32 $0x6D000, s0  }
0x8: {  	_ =	strace $0x8000004A;
	[dreg:$0x3] =	wrdreg s6;
	s19 =	ssub.s32 $0x2, s4  }
0x9: {  	[dreg:$0x4] =	wrdreg s18;
	s8 =	sshll.u32 s4, $0x4;
	s7 =	sshrl.u32 s19, $0x1  }
0xa: {  	s10 =	sor.u32 s22, s8;
	s20 =	sshrl.u32 s13, $0x3;
	s16 =	sadd.s32 $0x68, s13  }
0xb: {  	s17 =	sadd.s32 $0xD0, s13;
	s18 =	sadd.s32 $0x138, s13;
	s6 =	ssub.s32 s19, s7  }
0xc: {  	s7 =	sadd.s32 s5, s20;
	s21 =	sshrl.u32 s16, $0x3;
	s9 =	sshrl.u32 s17, $0x3  }
0xd: {  	s11 =	sshrl.u32 s18, $0x3;
	s19 =	sadd.s32 $0x1A0, s13;
	s15 =	smul.u32 $0x2710, s10  }
0xe: {  	s20 =	sadd.s32 $0x208, s13;
	s8 =	sadd.s32 s5, s21;
	s12 =	sshrl.u32 s19, $0x3  }
0xf: {  	s21 =	smul.u32 $0x2710, s4;
	s10 =	sadd.s32 s5, s11;
	s23 =	sshrl.u32 s20, $0x3  }
0x10: {  	s11 =	sadd.s32 s5, s12;
	s12 =	sadd.s32 s5, s23;
	s23 =	smul.u32 $0x138800, s4  }
0x11: {  	s9 =	sadd.s32 s5, s9;
	s24 =	sshrl.u32 s15, $0x3;
	s4 =	smul.u32 $0x27100, s4  }
0x12: {  	s25 =	sadd.s32 s13, s21;
	s13 =	sadd.s32 $0x1DED5, s0;
	s26 =	sadd.s32 s3, s24  }
0x13: {  	s15 =	sadd.s32 s21, s16;
	s16 =	sadd.s32 s21, s17;
	s18 =	sadd.s32 s21, s18  }
0x14: {  	s19 =	sadd.s32 s21, s19;
	s24 =	sadd.s32 s21, s20;
	[dreg:$0x5] =	wrdreg s26  }
0x15: {  	s5 =	sshll.u32 s25, $0x4;
	s18 =	sshll.u32 s18, $0x4;
	s20 =	sshll.u32 s24, $0x4  }
0x16: {  	s24 =	simm.s32 $0x16200;
	s0 =	sadd.s32 s14, s5;
	s5 =	sshll.u32 s16, $0x4  }
0x17: {  	s20 =	sadd.s32 s14, s20;
	[dreg:$0x6] =	wrdreg s0;
	s0 =	sshll.u32 s15, $0x4  }
0x18: {  	s17 =	sadd.s32 s14, s5;
	s5 =	sshrl.u32 s23, $0x3;
	s23 =	smul.u32 $0x2710, s22  }
0x19: {  	s22 =	smax.u32 s6, $0x1;
	s0 =	sadd.s32 s14, s0;
	[dreg:$0x8] =	wrdreg s17  }
0x1a: {  	s25 =	sadd.s32 s14, s5;
	[dreg:$0x7] =	wrdreg s0;
	s0 =	sadd.s32 s14, s18  }
0x1b: {  	s21 =	sadd.s32 $0x26A80, s25;
	s26 =	sadd.s32 s23, s4;
	s25 =	simm.s32 $0x3  }
0x1c: {  	[dreg:$0x9] =	wrdreg s0;
	s0 =	sshll.u32 s19, $0x4;
	s23 =	sadd.s32 $0x50, s26  }
0x1d: {  	s26 =	simm.s32 $0x13980;
	s19 =	sadd.s32 s14, s0;
	s0 =	simm.s32 $0x0  }
.LBB2_1:
0x1e: {  	s4 =	rddreg [dreg:$0x3]  }
0x1f: {  	[tilespmem:s24], [sflag:$0x3] =	stream.linear.gather [hbm4b:s4+s2], $0x3400, $0x38;
	[tilespmem:$0x19600] =	vst v63  }
0x20: {  	_ =	swait.ge [sflag:s25], $0x3400  }
0x21: {  	[sflag:s25] =	ssyncset.done $0x0  }
0x22: {  	[sflag:s25] =	ssyncadd.s32 $0xFFFFCC00  }
0x23: {  	[tilespmem:s26], [sflag:$0x3] =	stream.linear.gather [hbm4b:s7+s2], $0x68, $0x38;
	[tilespmem:$0x19600] =	vst v63  }
0x24: {  	_ =	swait.ge [sflag:s25], $0x68  }
0x25: {  	[sflag:s25] =	ssyncset.done $0x0  }
0x26: {  	[sflag:s25] =	ssyncadd.s32 $0xFFFFFF98  }
0x27: {  	[spmem:s1] =	stream.indirect.scatter [tilespmem:s24], [sflag:$0x3], $0x80, s26, s28, $0xb8;
	[tilespmem:$0x19600] =	vst v63  }
0x28: {  	_ =	swait.ge [sflag:s25], $0x3400  }
0x29: {  	[sflag:s25] =	ssyncset.done $0x0  }
0x2a: {  	[sflag:s25] =	ssyncadd.s32 $0xFFFFCC00  }
0x2b: {  	[tilespmem:s26], [sflag:$0x3] =	stream.linear.gather [hbm4b:s8+s2], $0x68, $0x38;
	[tilespmem:$0x19600] =	vst v63  }
0x2c: {  	_ =	swait.ge [sflag:s25], $0x68  }
0x2d: {  	[sflag:s25] =	ssyncset.done $0x0  }
0x2e: {  	[sflag:s25] =	ssyncadd.s32 $0xFFFFFF98  }
0x2f: {  	[spmem:s1] =	stream.indirect.scatter [tilespmem:s24], [sflag:$0x3], $0x80, s26, s28, $0xb8;
	[tilespmem:$0x19600] =	vst v63  }
0x30: {  	_ =	swait.ge [sflag:s25], $0x3400  }
0x31: {  	[sflag:s25] =	ssyncset.done $0x0  }
0x32: {  	[sflag:s25] =	ssyncadd.s32 $0xFFFFCC00  }
0x33: {  	[tilespmem:s26], [sflag:$0x3] =	stream.linear.gather [hbm4b:s9+s2], $0x68, $0x38;
	[tilespmem:$0x19600] =	vst v63  }
0x34: {  	_ =	swait.ge [sflag:s25], $0x68  }
0x35: {  	[sflag:s25] =	ssyncset.done $0x0  }
0x36: {  	[sflag:s25] =	ssyncadd.s32 $0xFFFFFF98  }
0x37: {  	[spmem:s1] =	stream.indirect.scatter [tilespmem:s24], [sflag:$0x3], $0x80, s26, s28, $0xb8;
	[tilespmem:$0x19600] =	vst v63  }
0x38: {  	_ =	swait.ge [sflag:s25], $0x3400  }
0x39: {  	[sflag:s25] =	ssyncset.done $0x0  }
0x3a: {  	[sflag:s25] =	ssyncadd.s32 $0xFFFFCC00  }
0x3b: {  	[tilespmem:s26], [sflag:$0x3] =	stream.linear.gather [hbm4b:s10+s2], $0x68, $0x38;
	[tilespmem:$0x19600] =	vst v63  }
0x3c: {  	_ =	swait.ge [sflag:s25], $0x68  }
0x3d: {  	[sflag:s25] =	ssyncset.done $0x0  }
0x3e: {  	[sflag:s25] =	ssyncadd.s32 $0xFFFFFF98  }
0x3f: {  	[spmem:s1] =	stream.indirect.scatter [tilespmem:s24], [sflag:$0x3], $0x80, s26, s28, $0xb8;
	[tilespmem:$0x19600] =	vst v63  }
0x40: {  	_ =	swait.ge [sflag:s25], $0x3400  }
0x41: {  	[sflag:s25] =	ssyncset.done $0x0  }
0x42: {  	[sflag:s25] =	ssyncadd.s32 $0xFFFFCC00  }
0x43: {  	[tilespmem:s26], [sflag:$0x3] =	stream.linear.gather [hbm4b:s11+s2], $0x68, $0x38;
	[tilespmem:$0x19600] =	vst v63  }
0x44: {  	_ =	swait.ge [sflag:s25], $0x68  }
0x45: {  	[sflag:s25] =	ssyncset.done $0x0  }
0x46: {  	[sflag:s25] =	ssyncadd.s32 $0xFFFFFF98  }
0x47: {  	[spmem:s1] =	stream.indirect.scatter [tilespmem:s24], [sflag:$0x3], $0x80, s26, s28, $0xb8;
	[tilespmem:$0x19600] =	vst v63  }
0x48: {  	_ =	swait.ge [sflag:s25], $0x3400  }
0x49: {  	[sflag:s25] =	ssyncset.done $0x0  }
0x4a: {  	[sflag:s25] =	ssyncadd.s32 $0xFFFFCC00  }
0x4b: {  	[tilespmem:s26], [sflag:$0x3] =	stream.linear.gather [hbm4b:s12+s2], $0x68, $0x38;
	[tilespmem:$0x19600] =	vst v63  }
0x4c: {  	_ =	swait.ge [sflag:s25], $0x68  }
0x4d: {  	[sflag:s25] =	ssyncset.done $0x0  }
0x4e: {  	[sflag:s25] =	ssyncadd.s32 $0xFFFFFF98  }
0x4f: {  	[spmem:s1] =	stream.indirect.scatter [tilespmem:s24], [sflag:$0x3], $0x80, s26, s28, $0xb8;
	[tilespmem:$0x19600] =	vst v63  }
0x50: {  	_ =	swait.ge [sflag:s25], $0x3400  }
0x51: {  	[sflag:s25] =	ssyncset.done $0x0  }
0x52: {  	[sflag:s25] =	ssyncadd.s32 $0xFFFFCC00  }
0x53: {  	[tilespmem:s26], [sflag:$0x3] =	stream.linear.gather [hbm4b:s13+s2], $0x68, $0x38;
	[tilespmem:$0x19600] =	vst v63  }
0x54: {  	_ =	swait.ge [sflag:s25], $0x68  }
0x55: {  	[sflag:s25] =	ssyncset.done $0x0  }
0x56: {  	[sflag:s25] =	ssyncadd.s32 $0xFFFFFF98  }
0x57: {  	[spmem:s1] =	stream.indirect.scatter [tilespmem:s24], [sflag:$0x3], $0x80, s26, s28, $0xb8;
	[tilespmem:$0x19600] =	vst v63  }
0x58: {  	_ =	swait.ge [sflag:s25], $0x3400  }
0x59: {  	[sflag:s25] =	ssyncset.done $0x0  }
0x5a: {  	s14 =	rddreg [dreg:$0x4];
	[sflag:s25] =	ssyncadd.s32 $0xFFFFCC00  }
0x5b: {  	[tilespmem:s29], [sflag:$0x3] =	stream.linear.gather [hbm4b:s14+s2], $0x2800, $0x38;
	[tilespmem:$0x19600] =	vst v63  }
0x5c: {  	_ =	swait.ge [sflag:s25], $0x2800  }
0x5d: {  	[sflag:s25] =	ssyncset.done $0x0  }
0x5e: {  	[sflag:s25] =	ssyncadd.s32 $0xFFFFD800  }
0x5f: {  	[bflag:$0x0] =	sbarrier.arrive $0xFFFF  }
0x60: {  	s15 =	rddreg [dreg:$0x5]  }
0x61: {  	[tilespmem:s30], [sflag:$0x3] =	stream.linear.gather [hbm4b:s15+s2], $0x50, $0x38;
	[tilespmem:$0x19600] =	vst v63  }
0x62: {  	s16 =	sand.u32 $0x1, s2;
	s17 =	sshrl.u32 s23, $0x3;
	_ =	swait.ge [sflag:s25], $0x50  }
0x63: {  	p0 =	seq.s32 s16, $0x1;
	s4 =	sadd.s32 s3, s17;
	[sflag:s25] =	ssyncset.done $0x0  }
0x64: {  	s5 =	simm.s32 @p0 $0x0;
	s6 =	simm.s32 @p0 $0x13880;
	[sflag:s25] =	ssyncadd.s32 $0xFFFFFFB0  }
0x65: {  	[tilespmem:s6], [sflag:$0x1] =	stream.linear.gather @p0 [hbm4b:s4+s5], $0x50, $0x38;
	[tilespmem:$0x19600] =	vst v63  }
0x66: {  	s14 =	simm.s32 @!p0 $0x13900;
	s5 =	simm.s32 @!p0 $0x0;
	s6 =	simm.s32 @!p0 $0x13880  }
0x67: {  	[tilespmem:s14], [sflag:$0x2] =	stream.linear.gather @!p0 [hbm4b:s4+s5], $0x50, $0x38;
	[tilespmem:$0x19600] =	vst v63  }
0x68: {  	s6 =	simm.s32 @p0 $0x13900  }
0x69: {  	[spmem:s1] =	stream.indirect.scatter.add.f32 [tilespmem:s29], [sflag:$0x3], $0x80, s6, s31, $0xb8;
	[tilespmem:$0x19600] =	vst v63  }
0x6a: {  	_ =	swait.ge [sflag:s25], $0x2800  }
0x6b: {  	s18 =	simm.s32 $0x1;
	s6 =	simm.s32 @!p0 $0x2;
	[sflag:s25] =	ssyncset.done $0x0  }
0x6c: {  	s4 =	simm.s32 $0x2;
	s6 =	simm.s32 @p0 $0x1;
	[sflag:s25] =	ssyncadd.s32 $0xFFFFD800  }
0x6d: {  	s14 =	sand.u32 $0x1, s18;
	s5 =	sadd.s32 $0x50, s23;
	_ =	swait.ge [sflag:s6], $0x50  }
.LBB2_2:
0x6e: {  	p0 =	seq.s32 s14, $0x1  }
0x6f: {  	s14 =	sshrl.u32 s5, $0x3;
	[sflag:s6] =	ssyncset.done $0x0;
	s15 =	smov.u32 s4  }
0x70: {  	s16 =	simm.s32 @p0 $0x0;
	s17 =	simm.s32 @p0 $0x13880;
	[sflag:s6] =	ssyncadd.s32 $0xFFFFFFB0  }
0x71: {  	s6 =	sadd.s32 s3, s14;
	s14 =	simm.s32 @!p0 $0x0;
	s18 =	simm.s32 @!p0 $0x13880  }
0x72: {  	[tilespmem:s17], [sflag:$0x1] =	stream.linear.gather @p0 [hbm4b:s6+s16], $0x50, $0x38;
	[tilespmem:$0x19600] =	vst v63  }
0x73: {  	s4 =	sadd.s32 $0x1, s4;
	s18 =	simm.s32 @p0 $0x13900;
	s16 =	simm.s32 @!p0 $0x13900  }
0x74: {  	[tilespmem:s16], [sflag:$0x2] =	stream.linear.gather @!p0 [hbm4b:s6+s14], $0x50, $0x38;
	[tilespmem:$0x19600] =	vst v63  }
0x75: {  	p1 =	sne.s32 s4, $0x7C  }
0x76: {  	[spmem:s1] =	stream.indirect.scatter.add.f32 [tilespmem:s29], [sflag:$0x3], $0x80, s18, s31, $0xb8;
	[tilespmem:$0x19600] =	vst v63  }
.Ltmp0:
0x77: {  	_ = 	snop;
	(pc) =	sbr.rel @p1 .LBB2_2-.Ltmp0, $4  }
0x78: {  	s6 =	simm.s32 @!p0 $0x2;
	_ =	swait.ge [sflag:s25], $0x2800  }
0x79: {  	s6 =	simm.s32 @p0 $0x1;
	[sflag:s25] =	ssyncset.done $0x0  }
0x7a: {  	[sflag:s25] =	ssyncadd.s32 $0xFFFFD800  }
0x7b: {  	s5 =	sadd.s32 $0x50, s5;
	s14 =	sand.u32 $0x1, s15;
	_ =	swait.ge [sflag:s6], $0x50  }
0x7c: {  	p0 =	seq.s32 s14, $0x1  }
0x7d: {  	s4 =	sshrl.u32 s5, $0x3;
	[sflag:s6] =	ssyncset.done $0x0;
	s5 =	simm.s32 @p0 $0x0  }
0x7e: {  	[sflag:s6] =	ssyncadd.s32 $0xFFFFFFB0;
	s6 =	simm.s32 @p0 $0x13880;
	s4 =	sadd.s32 s3, s4  }
0x7f: {  	[tilespmem:s6], [sflag:$0x1] =	stream.linear.gather @p0 [hbm4b:s4+s5], $0x50, $0x38;
	[tilespmem:$0x19600] =	vst v63  }
0x80: {  	s5 =	simm.s32 @!p0 $0x0;
	s6 =	simm.s32 @!p0 $0x13900  }
0x81: {  	[tilespmem:s6], [sflag:$0x2] =	stream.linear.gather @!p0 [hbm4b:s4+s5], $0x50, $0x38;
	[tilespmem:$0x19600] =	vst v63  }
0x82: {  	s4 =	simm.s32 @!p0 $0x13880  }
0x83: {  	s4 =	simm.s32 @p0 $0x13900  }
0x84: {  	[spmem:s1] =	stream.indirect.scatter.add.f32 [tilespmem:s29], [sflag:$0x3], $0x80, s4, s31, $0xb8;
	[tilespmem:$0x19600] =	vst v63  }
0x85: {  	_ =	swait.ge [sflag:s25], $0x2800  }
0x86: {  	s4 =	simm.s32 @!p0 $0x2;
	[sflag:s25] =	ssyncset.done $0x0  }
0x87: {  	s4 =	simm.s32 @p0 $0x1;
	[sflag:s25] =	ssyncadd.s32 $0xFFFFD800  }
0x88: {  	_ =	swait.ge [sflag:s4], $0x50  }
0x89: {  	[sflag:s4] =	ssyncset.done $0x0  }
0x8a: {  	[sflag:s4] =	ssyncadd.s32 $0xFFFFFFB0  }
0x8b: {  	[spmem:s1] =	stream.indirect.scatter.add.f32 [tilespmem:s29], [sflag:$0x3], $0x80, s30, s31, $0xb8;
	[tilespmem:$0x19600] =	vst v63  }
0x8c: {  	_ =	swait.ge [sflag:s25], $0x2800  }
0x8d: {  	[sflag:s25] =	ssyncset.done $0x0  }
0x8e: {  	[sflag:s25] =	ssyncadd.s32 $0xFFFFD800  }
0x8f: {  	[bflag:$0x0] =	sbarrier.arrive $0xFFFF  }
0x90: {  	[tilespmem:s26], [sflag:$0x3] =	stream.linear.gather [hbm4b:s7+s2], $0x68, $0x38;
	[tilespmem:$0x19600] =	vst v63  }
0x91: {  	_ =	swait.ge [sflag:s25], $0x68  }
0x92: {  	[sflag:s25] =	ssyncset.done $0x0  }
0x93: {  	[sflag:s25] =	ssyncadd.s32 $0xFFFFFF98  }
0x94: {  	[tilespmem:s24], [sflag:$0x3] =	stream.indirect.gather [spmem:s1], $0x80, s26, s28, $0xb8;
	[tilespmem:$0x19600] =	vst v63  }
0x95: {  	_ =	swait.ge [sflag:s25], $0x3400  }
0x96: {  	[sflag:s25] =	ssyncset.done $0x0  }
0x97: {  	s15 =	rddreg [dreg:$0x6];
	[sflag:s25] =	ssyncadd.s32 $0xFFFFCC00  }
0x98: {  	[hbm4b:s15+s2] =	stream.linear.scatter [tilespmem:s24], [sflag:$0x3], $0x3400, $0x38;
	[tilespmem:$0x19600] =	vst v63  }
0x99: {  	_ =	swait.ge [sflag:s25], $0x3400  }
0x9a: {  	[sflag:s25] =	ssyncset.done $0x0  }
0x9b: {  	[sflag:s25] =	ssyncadd.s32 $0xFFFFCC00  }
0x9c: {  	[tilespmem:s26], [sflag:$0x3] =	stream.linear.gather [hbm4b:s8+s2], $0x68, $0x38;
	[tilespmem:$0x19600] =	vst v63  }
0x9d: {  	_ =	swait.ge [sflag:s25], $0x68  }
0x9e: {  	[sflag:s25] =	ssyncset.done $0x0  }
0x9f: {  	[sflag:s25] =	ssyncadd.s32 $0xFFFFFF98  }
0xa0: {  	[tilespmem:s24], [sflag:$0x3] =	stream.indirect.gather [spmem:s1], $0x80, s26, s28, $0xb8;
	[tilespmem:$0x19600] =	vst v63  }
0xa1: {  	_ =	swait.ge [sflag:s25], $0x3400  }
0xa2: {  	[sflag:s25] =	ssyncset.done $0x0  }
0xa3: {  	s16 =	rddreg [dreg:$0x7];
	[sflag:s25] =	ssyncadd.s32 $0xFFFFCC00  }
0xa4: {  	[hbm4b:s16+s2] =	stream.linear.scatter [tilespmem:s24], [sflag:$0x3], $0x3400, $0x38;
	[tilespmem:$0x19600] =	vst v63  }
0xa5: {  	_ =	swait.ge [sflag:s25], $0x3400  }
0xa6: {  	[sflag:s25] =	ssyncset.done $0x0  }
0xa7: {  	[sflag:s25] =	ssyncadd.s32 $0xFFFFCC00  }
0xa8: {  	[tilespmem:s26], [sflag:$0x3] =	stream.linear.gather [hbm4b:s9+s2], $0x68, $0x38;
	[tilespmem:$0x19600] =	vst v63  }
0xa9: {  	_ =	swait.ge [sflag:s25], $0x68  }
0xaa: {  	[sflag:s25] =	ssyncset.done $0x0  }
0xab: {  	[sflag:s25] =	ssyncadd.s32 $0xFFFFFF98  }
0xac: {  	[tilespmem:s24], [sflag:$0x3] =	stream.indirect.gather [spmem:s1], $0x80, s26, s28, $0xb8;
	[tilespmem:$0x19600] =	vst v63  }
0xad: {  	_ =	swait.ge [sflag:s25], $0x3400  }
0xae: {  	[sflag:s25] =	ssyncset.done $0x0  }
0xaf: {  	s17 =	rddreg [dreg:$0x8];
	[sflag:s25] =	ssyncadd.s32 $0xFFFFCC00  }
0xb0: {  	[hbm4b:s17+s2] =	stream.linear.scatter [tilespmem:s24], [sflag:$0x3], $0x3400, $0x38;
	[tilespmem:$0x19600] =	vst v63  }
0xb1: {  	_ =	swait.ge [sflag:s25], $0x3400  }
0xb2: {  	[sflag:s25] =	ssyncset.done $0x0  }
0xb3: {  	[sflag:s25] =	ssyncadd.s32 $0xFFFFCC00  }
0xb4: {  	[tilespmem:s26], [sflag:$0x3] =	stream.linear.gather [hbm4b:s10+s2], $0x68, $0x38;
	[tilespmem:$0x19600] =	vst v63  }
0xb5: {  	_ =	swait.ge [sflag:s25], $0x68  }
0xb6: {  	[sflag:s25] =	ssyncset.done $0x0  }
0xb7: {  	[sflag:s25] =	ssyncadd.s32 $0xFFFFFF98  }
0xb8: {  	[tilespmem:s24], [sflag:$0x3] =	stream.indirect.gather [spmem:s1], $0x80, s26, s28, $0xb8;
	[tilespmem:$0x19600] =	vst v63  }
0xb9: {  	_ =	swait.ge [sflag:s25], $0x3400  }
0xba: {  	[sflag:s25] =	ssyncset.done $0x0  }
0xbb: {  	s18 =	rddreg [dreg:$0x9];
	[sflag:s25] =	ssyncadd.s32 $0xFFFFCC00  }
0xbc: {  	[hbm4b:s18+s2] =	stream.linear.scatter [tilespmem:s24], [sflag:$0x3], $0x3400, $0x38;
	[tilespmem:$0x19600] =	vst v63  }
0xbd: {  	_ =	swait.ge [sflag:s25], $0x3400  }
0xbe: {  	[sflag:s25] =	ssyncset.done $0x0  }
0xbf: {  	[sflag:s25] =	ssyncadd.s32 $0xFFFFCC00  }
0xc0: {  	[tilespmem:s26], [sflag:$0x3] =	stream.linear.gather [hbm4b:s11+s2], $0x68, $0x38;
	[tilespmem:$0x19600] =	vst v63  }
0xc1: {  	_ =	swait.ge [sflag:s25], $0x68  }
0xc2: {  	[sflag:s25] =	ssyncset.done $0x0  }
0xc3: {  	[sflag:s25] =	ssyncadd.s32 $0xFFFFFF98  }
0xc4: {  	[tilespmem:s24], [sflag:$0x3] =	stream.indirect.gather [spmem:s1], $0x80, s26, s28, $0xb8;
	[tilespmem:$0x19600] =	vst v63  }
0xc5: {  	_ =	swait.ge [sflag:s25], $0x3400  }
0xc6: {  	[sflag:s25] =	ssyncset.done $0x0  }
0xc7: {  	[sflag:s25] =	ssyncadd.s32 $0xFFFFCC00  }
0xc8: {  	[hbm4b:s19+s2] =	stream.linear.scatter [tilespmem:s24], [sflag:$0x3], $0x3400, $0x38;
	[tilespmem:$0x19600] =	vst v63  }
0xc9: {  	_ =	swait.ge [sflag:s25], $0x3400  }
0xca: {  	[sflag:s25] =	ssyncset.done $0x0  }
0xcb: {  	[sflag:s25] =	ssyncadd.s32 $0xFFFFCC00  }
0xcc: {  	[tilespmem:s26], [sflag:$0x3] =	stream.linear.gather [hbm4b:s12+s2], $0x68, $0x38;
	[tilespmem:$0x19600] =	vst v63  }
0xcd: {  	_ =	swait.ge [sflag:s25], $0x68  }
0xce: {  	[sflag:s25] =	ssyncset.done $0x0  }
0xcf: {  	[sflag:s25] =	ssyncadd.s32 $0xFFFFFF98  }
0xd0: {  	[tilespmem:s24], [sflag:$0x3] =	stream.indirect.gather [spmem:s1], $0x80, s26, s28, $0xb8;
	[tilespmem:$0x19600] =	vst v63  }
0xd1: {  	_ =	swait.ge [sflag:s25], $0x3400  }
0xd2: {  	[sflag:s25] =	ssyncset.done $0x0  }
0xd3: {  	[sflag:s25] =	ssyncadd.s32 $0xFFFFCC00  }
0xd4: {  	[hbm4b:s20+s2] =	stream.linear.scatter [tilespmem:s24], [sflag:$0x3], $0x3400, $0x38;
	[tilespmem:$0x19600] =	vst v63  }
0xd5: {  	_ =	swait.ge [sflag:s25], $0x3400  }
0xd6: {  	[sflag:s25] =	ssyncset.done $0x0  }
0xd7: {  	[sflag:s25] =	ssyncadd.s32 $0xFFFFCC00  }
0xd8: {  	[tilespmem:s26], [sflag:$0x3] =	stream.linear.gather [hbm4b:s13+s2], $0x68, $0x38;
	[tilespmem:$0x19600] =	vst v63  }
0xd9: {  	_ =	swait.ge [sflag:s25], $0x68  }
0xda: {  	[sflag:s25] =	ssyncset.done $0x0  }
0xdb: {  	[sflag:s25] =	ssyncadd.s32 $0xFFFFFF98  }
0xdc: {  	[tilespmem:s24], [sflag:$0x3] =	stream.indirect.gather [spmem:s1], $0x80, s26, s28, $0xb8;
	[tilespmem:$0x19600] =	vst v63  }
0xdd: {  	s0 =	sadd.s32 $0x1, s0;
	_ =	swait.ge [sflag:s25], $0x3400  }
0xde: {  	p0 =	sne.s32 s0, s22;
	[sflag:s25] =	ssyncset.done $0x0  }
.Ltmp1:
0xdf: {  	[sflag:s25] =	ssyncadd.s32 $0xFFFFCC00;
	(pc) =	sbr.rel @p0 .LBB2_1-.Ltmp1, $4  }
0xe0: {  	[hbm4b:s21+s2] =	stream.linear.scatter [tilespmem:s24], [sflag:$0x3], $0x3400, $0x38;
	[tilespmem:$0x19600] =	vst v63  }
0xe1: {  	_ =	swait.ge [sflag:s25], $0x3400  }
0xe2: {  	[sflag:s25] =	ssyncset.done $0x0  }
0xe3: {  	[sflag:s25] =	ssyncadd.s32 $0xFFFFCC00  }
0xe4: {  	_ =	sfence.sel $0x180000  }
0xe5: {  	[bflag:$0x0] =	sbarrier.arrive $0xFFFF  }
0xe6: {  	_ =	strace $0x9000004A  }
0xe7: {  	s0 =	stileid.u32;
	[bflag:$0x2] =	sbarrier.arrive $0xFFFF  }
0xe8: {  	p0 =	sne.s32 s0, $0x0;
	s0 =	rddreg [dreg:$0x2]  }
0xe9: {  	s0 =	sadd.s32 @!p0 $0x100000, s0  }
0xea: {  	[sflag:s0] =	ssyncadd.tile.s32 @!p0 $0x1;
	_ =	shalt  }
.Lfunc_end2:
_tile_overlayer_lowered:
.L_overlay_start_2:
0xeb: {  	(tag) =	ssettag $0x2  }
0xec: {  	s0 =	rddreg [dreg:$0x0];
	s2 =	stileid.u32  }
0xed: {  	s1 =	rddreg [dreg:$0x1];
	p0 =	sne.s32 s2, $0x0  }
0xee: {  	s3 =	rddreg [dreg:$0x2];
	[bflag:$0x3] =	sbarrier.arrive $0xFFFF;
	s2 =	simm.s32 @!p0 $0x1C03  }
0xef: {  	[timem:s3], [sflag:s2] =	dma.local @!p0 [hbm:s0], s1  }
0xf0: {  	s0 =	simm.s32 @!p0 $0x3  }
0xf1: {  	_ =	swait.ge @!p0 [sflag:s0], s1  }
0xf2: {  	s1 =	ssub.s32 @!p0 $0x0, s1;
	[sflag:s0] =	ssyncset.done @!p0 $0x0  }
0xf3: {  	[sflag:s0] =	ssyncadd.s32 @!p0 s1  }
0xf4: {  	[bflag:$0x3] =	sbarrier.arrive $0xFFFF  }
0xf5: {  	_ =	shalt  }

// kernel: kernel.18.cloned.1.call-start
scs
__scs_entry_jumppad:
0x0: {  	(pc) =	sbr.rel $0x88, $3  }
0x1: {  	(tag) =	ssettag $0x0;
	lr =	simm.s32 $0x1  }
0x2: {  	[smem:$0x3F8E] =	sst lr;
	_ =	strace $0xD0000000  }
0x3: {  	_ = 	snop  }
0x4: {  	_ = 	snop  }
0x5: {  	_ = 	snop  }
0x6: {  	_ = 	snop  }
0x7: {  	_ = 	snop  }
__scs_overlays_trampoline_lowered:
0x8: {  	[smem:$0x3F9D] =	sst s0  }
0x9: {  	[smem:$0x3F9E] =	sst s1  }
0xa: {  	[smem:$0x3F9F] =	sst s2  }
0xb: {  	[smem:$0x3FA0] =	sst s3  }
0xc: {  	[smem:$0x3FA1] =	sst s4  }
0xd: {  	[smem:$0x3FA2] =	sst s5  }
0xe: {  	[smem:$0x3FA3] =	sst s6  }
0xf: {  	[smem:$0x3FA4] =	sst s7  }
0x10: {  	[smem:$0x3FA5] =	sst s8  }
0x11: {  	[smem:$0x3FA6] =	sst s9;
	s0 =	simm.s32 @!p0 $0x0  }
0x12: {  	s1 =	sld [smem:$0x3F8C];
	s0 =	simm.s32 @p0 $0x1  }
0x13: {  	[smem:$0x3FA7] =	sst s0;
	s0 =	simm.s32 @!p1 $0x0  }
0x14: {  	s2 =	sld [smem:$0x3F8B];
	s0 =	simm.s32 @p1 $0x1  }
0x15: {  	[smem:$0x3FA8] =	sst s0;
	s0 =	simm.s32 @!p2 $0x0  }
0x16: {  	s3 =	sld [smem:$0x3FDB];
	s0 =	simm.s32 @p2 $0x1  }
0x17: {  	s4 =	simm.s32 $0x1BF5;
	[smem:$0x3FAA] =	sst s0  }
0x18: {  	s0 =	sld [smem:$0x3F8D];
	_ =	swait.ge [sflag:s4], $0x0  }
0x19: {  	s7 =	sld [smem:$0x3F8E]  }
0x1a: {  	s8 =	sadd.s32 $0xFFFFE003, lr  }
0x1b: {  	s9 =	sadd.s32 $0xFFFFFEF7, lr;
	s5 =	simm.s32 $0xFFFFFFFF;
	p2 =	slt.u32 s8, $0xFFFFF086  }
0x1c: {  	p1 =	slt.u32 s9, $0xF7A;
	s5 =	simm.s32 @!p2 $0x0  }
0x1d: {  	s5 =	simm.s32 @p1 $0x1;
	p0 =	seq.s32 s7, s2  }
0x1e: {  	s7 =	smul.u32 @!p0 $0xF7A, s2;
	p2 =	seq.s32 @!p0 s5, $0x0  }
0x1f: {  	s9 =	smul.u32 $0xF7A, s1;
	s8 =	simm.s32 @!p0 $0x1BF5;
	p2 =	por !p2, p0  }
0x20: {  	[sflag:s8] =	ssyncset.s32 @!p0 $0xFFFFF086;
	s6 =	sadd.s32 @!p0 s3, s7;
	s7 =	simm.s32 @!p0 $0x108  }
0x21: {  	s3 =	sadd.s32 s3, s9;
	s6 =	sadd.s32 @!p0 $0x88, s6;
	s7 =	simm.s32 @p2 $0x1082  }
0x22: {  	[simem:s7], [sflag:s8] =	dma.local @!p0 [hbm:s6], $0xF7A  }
0x23: {  	s9 =	sor.u32 $0xD0000000, s2;
	s6 =	simm.s32 $0x108;
	_ =	swait.ge @!p0 [sflag:s8], $0x0  }
0x24: {  	s3 =	sadd.s32 $0x88, s3;
	s6 =	simm.s32 @!p1 $0x1082;
	[sflag:s4] =	ssyncset.s32 $0xFFFFF086  }
0x25: {  	[simem:s6], [sflag:s4] =	dma.local [hbm:s3], $0xF7A  }
0x26: {  	[smem:$0x3F8E] =	sst s1;
	(tag) =	ssettag s2;
	_ =	strace s9  }
0x27: {  	s1 =	sld [smem:$0x3F9E]  }
0x28: {  	s2 =	sld [smem:$0x3F9F]  }
0x29: {  	s4 =	sld [smem:$0x3FA1]  }
0x2a: {  	p0 =	seq.s32 s5, $0x0;
	s5 =	sld [smem:$0x3FA2]  }
0x2b: {  	s6 =	sld [smem:$0x3FA3]  }
0x2c: {  	s7 =	sld [smem:$0x3FA4]  }
0x2d: {  	s3 =	simm.s32 $0x108;
	s8 =	sld [smem:$0x3FA5]  }
0x2e: {  	s3 =	simm.s32 @!p0 $0x1082;
	s9 =	sld [smem:$0x3FA6]  }
0x2f: {  	lr =	sadd.s32 s0, s3;
	s0 =	sld [smem:$0x3F9D]  }
0x30: {  	s3 =	sld [smem:$0x3FA0]  }
0x31: {  	[smem:$0x3FA9] =	sst s10  }
0x32: {  	s10 =	sld [smem:$0x3FA7];
	_ =	sdelay $0x3  }
0x33: {  	p0 =	seq.s32 s10, $0x1;
	s10 =	sld [smem:$0x3FA9];
	_ =	sdelay $0x3  }
0x34: {  	[smem:$0x3FA9] =	sst s10  }
0x35: {  	s10 =	sld [smem:$0x3FA8];
	_ =	sdelay $0x3  }
0x36: {  	p1 =	seq.s32 s10, $0x1;
	s10 =	sld [smem:$0x3FA9];
	_ =	sdelay $0x3  }
0x37: {  	[smem:$0x3FA9] =	sst s10  }
0x38: {  	s10 =	sld [smem:$0x3FAA]  }
0x39: {  	_ = 	snop;
	(pc) =	sbr.ind lr, $3  }
0x3a: {  	_ = 	snop  }
0x3b: {  	_ = 	snop  }
0x3c: {  	p2 =	seq.s32 s10, $0x1;
	s10 =	sld [smem:$0x3FA9]  }
0x3d: {  	_ =	shalt  }
0x3e: {  	_ =	shalt  }
0x3f: {  	_ =	shalt  }
0x40: {  	_ =	shalt  }
0x41: {  	_ =	shalt  }
0x42: {  	_ =	shalt  }
0x43: {  	_ =	shalt  }
0x44: {  	_ =	shalt  }
0x45: {  	_ =	shalt  }
0x46: {  	_ =	shalt  }
0x47: {  	_ =	shalt  }
0x48: {  	_ =	shalt  }
0x49: {  	_ =	shalt  }
0x4a: {  	_ =	shalt  }
0x4b: {  	_ =	shalt  }
0x4c: {  	_ =	shalt  }
0x4d: {  	_ =	shalt  }
0x4e: {  	_ =	shalt  }
0x4f: {  	_ =	shalt  }
0x50: {  	_ =	shalt  }
0x51: {  	_ =	shalt  }
0x52: {  	_ =	shalt  }
0x53: {  	_ =	shalt  }
0x54: {  	_ =	shalt  }
0x55: {  	_ =	shalt  }
0x56: {  	_ =	shalt  }
0x57: {  	_ =	shalt  }
0x58: {  	_ =	shalt  }
0x59: {  	_ =	shalt  }
0x5a: {  	_ =	shalt  }
0x5b: {  	_ =	shalt  }
0x5c: {  	_ =	shalt  }
0x5d: {  	_ =	shalt  }
0x5e: {  	_ =	shalt  }
0x5f: {  	_ =	shalt  }
0x60: {  	_ =	shalt  }
0x61: {  	_ =	shalt  }
0x62: {  	_ =	shalt  }
0x63: {  	_ =	shalt  }
0x64: {  	_ =	shalt  }
0x65: {  	_ =	shalt  }
0x66: {  	_ =	shalt  }
0x67: {  	_ =	shalt  }
0x68: {  	_ =	shalt  }
0x69: {  	_ =	shalt  }
0x6a: {  	_ =	shalt  }
0x6b: {  	_ =	shalt  }
0x6c: {  	_ =	shalt  }
0x6d: {  	_ =	shalt  }
0x6e: {  	_ =	shalt  }
0x6f: {  	_ =	shalt  }
0x70: {  	_ =	shalt  }
0x71: {  	_ =	shalt  }
0x72: {  	_ =	shalt  }
0x73: {  	_ =	shalt  }
0x74: {  	_ =	shalt  }
0x75: {  	_ =	shalt  }
0x76: {  	_ =	shalt  }
0x77: {  	_ =	shalt  }
0x78: {  	_ =	shalt  }
0x79: {  	_ =	shalt  }
0x7a: {  	_ =	shalt  }
0x7b: {  	_ =	shalt  }
0x7c: {  	_ =	shalt  }
0x7d: {  	_ =	shalt  }
0x7e: {  	_ =	shalt  }
0x7f: {  	_ =	shalt  }
0x80: {  	_ =	shalt  }
0x81: {  	_ =	shalt  }
0x82: {  	_ =	shalt  }
0x83: {  	_ =	shalt  }
0x84: {  	_ =	shalt  }
0x85: {  	_ =	shalt  }
0x86: {  	_ =	shalt  }
0x87: {  	_ =	shalt  }
.Lfunc_end0:
.L_simem_size_0:
called_computation.2_lowered:
.L_overlay_start_0:
0x88: {  	s2 =	sld [smem:$0x3FD9]  }
0x89: {  	s3 =	sld [smem:$0x3FFE];
	_ =	sdelay $0x1  }
0x8a: {  	s1 =	srdreg.scid  }
0x8b: {  	s0 =	sand.u32 $0x1, s1  }
0x8c: {  	s16 =	sshll.u32 s0, $0xA;
	s2 =	sadd.s32 s3, s2  }
0x8d: {  	s2 =	sadd.s32 s2, s16  }
0x8e: {  	[smem:$0x3FB5] =	sst s2  }
0x8f: {  	_ = 	snop  }
0x90: {  	(tm) =	ssettm $0x1  }
0x91: {  	s17 =	sld [smem:$0x3FFB];
	_ =	sdelay $0x3  }
0x92: {  	_ =	strace s17  }
0x93: {  	s2 =	sld [smem:$0x3FFC];
	_ =	sdelay $0x3  }
0x94: {  	_ =	strace s2  }
0x95: {  	s2 =	sld [smem:$0x3FFD];
	_ =	sdelay $0x3  }
0x96: {  	_ =	strace s2  }
0x97: {  	_ =	strace $0x8FFFFFFF  }
0x98: {  	s18 =	sld [smem:$0x3FDB];
	_ =	sdelay $0x1  }
0x99: {  	s19 =	simm.s32 $_scs_section_size  }
0x9a: {  	s4 =	simm.s32 $_size__tile_overlayer_lowered;
	s5 =	simm.s32 $_tile_overlayer_lowered  }
0x9b: {  	s22 =	simm.s32 $0x1BFF;
	s21 =	sshll.u32 s5, $0x1;
	s2 =	sadd.s32 s19, s18  }
0x9c: {  	s6 =	simm.s32 $0x0;
	s20 =	sshll.u32 s4, $0x1;
	s4 =	sadd.s32 s21, s2  }
0x9d: {  	[timem:s6], [sflag:s22] =	dma.local [hbm:s4], s20  }
0x9e: {  	_ =	swait.ge [sflag:s22], s20  }
0x9f: {  	s3 =	ssub.s32 $0x0, s20;
	[sflag:s22] =	ssyncset.done $0x0  }
0xa0: {  	[sflag:s22] =	ssyncadd.s32 s3;
	_ =	sdelay $0x1  }
0xa1: {  	s23 =	simm.s32 $0x1B8B  }
0xa2: {  	_ =	swait.ge [sflag:s23], $0x1  }
0xa3: {  	[sflag:s23] =	ssyncset.done $0x0  }
0xa4: {  	s25 =	simm.s32 $0x1B8E;
	s24 =	sld [smem:$0x3FFE];
	[sflag:s23] =	ssyncadd.s32 $0xFFFFFFFF  }
0xa5: {  	s26 =	simm.s32 $execute0_lowered;
	[smem:$0x3FD2] =	sst s25  }
0xa6: {  	s4 =	sshll.u32 s26, $0x1;
	_ =	strace $0x8000004C;
	[dreg:$0x1] =	wrdreg $0xFFFFFFFF  }
0xa7: {  	s28 =	simm.s32 $_size_execute0_lowered;
	s2 =	sadd.s32 s2, s4;
	[dreg:$0x0] =	wrdreg $0x0  }
0xa8: {  	s4 =	sshll.u32 s28, $0x1;
	[dreg:$0x2] =	wrdreg s2  }
0xa9: {  	[dreg:$0x3] =	wrdreg s4  }
0xaa: {  	[dreg:$0x4] =	wrdreg $0xC0  }
0xab: {  	_ =	task [dreg:s6], $0x5FFFF  }
0xac: {  	[dreg:$0x1] =	wrdreg $0xFFFFFFFF  }
0xad: {  	[dreg:$0x0] =	wrdreg $0x60  }
0xae: {  	[dreg:$0x2] =	wrdreg s24  }
0xaf: {  	[dreg:$0x3] =	wrdreg $0x0  }
0xb0: {  	[dreg:$0x4] =	wrdreg $0x9  }
0xb1: {  	_ =	task.clear_ibuf [dreg:s6], $0x5FFFF;
	_ =	strace $0x9000004C  }
0xb2: {  	s29 =	simm.s32 $0x9;
	_ =	strace $0x8000004E  }
0xb3: {  	_ =	swait.ge [sflag:s29], $0x1  }
0xb4: {  	[sflag:s29] =	ssyncadd.s32 $0xFFFFFFFF  }
0xb5: {  	_ =	strace $0x9000004E  }
0xb6: {  	_ =	sfence  }
0xb7: {  	s30 =	sld [smem:$0x0];
	_ =	sdelay $0x2  }
0xb8: {  	s31 =	sshll.u32 s1, $0xD;
	s1 =	sshrl.u32 s1, $0x2  }
0xb9: {  	s3 =	sand.u32 $0x4000, s31;
	s1 =	sadd.s32 s1, s30  }
0xba: {  	s0 =	sor.u32 s3, s0;
	s1 =	sshll.u32 s1, $0x11  }
0xbb: {  	s0 =	sor.u32 s1, s0  }
0xbc: {  	s0 =	sadd.s32 $0x8F2B, s0  }
0xbd: {  	[sflag:s0] =	ssyncadd.remote.s32 $0x1  }
0xbe: {  	_ =	sfence.sel $0xFFFF  }
0xbf: {  	[dreg:$0x0] =	wrdreg $0xFFFFFFFF;
	(pc) =	sbr.abs _section_cstart, $3  }
0xc0: {  	[dreg:$0x1] =	wrdreg $0xFFFFFFFF  }
0xc1: {  	_ =	task.clear_ibuf [dreg:s6], $0x2FFFF;
	_ =	strace $0x9FFFFFFF  }
0xc2: {  	(tm) =	ssettm $0x7FFFFFFF  }
0xc3: {  	_ =	shalt  }
tec
execute0_lowered:
.L_overlay_start_1:
0x0: {  	(tag) =	ssettag $0x1  }
0x1: {  	s0 =	rddreg [dreg:$0x0]  }
0x2: {  	s1 =	rddreg [dreg:$0x1];
	s2 =	srdreg.scid;
	s3 =	simm.s32 $0x0  }
0x3: {  	s23 =	stileid.u32;
	s28 =	simm.s32 $0x17980;
	s29 =	simm.s32 $0x68  }
0x4: {  	s2 =	sand.u32 $0x1, s2;
	[smem:$0x7FF] =	sst s3;
	s14 =	smul.u32 $0x270, s23  }
0x5: {  	s12 =	sadd.s32 $0x1DA00, s0;
	s9 =	sadd.s32 $0x1E000, s0;
	s21 =	smul.u32 $0x2710, s2  }
0x6: {  	s4 =	sshll.u32 s2, $0x4;
	_ =	strace $0x8000004D;
	s31 =	smul.u32 $0x138800, s2  }
0x7: {  	s7 =	ssub.s32 $0x2, s2;
	[dreg:$0x3] =	wrdreg s9;
	s2 =	smul.u32 $0x27100, s2  }
0x8: {  	s6 =	sor.u32 s23, s4;
	s4 =	sadd.s32 $0x1E800, s0;
	s8 =	sshrl.u32 s7, $0x1  }
0x9: {  	s9 =	sshrl.u32 s14, $0x3;
	s16 =	sadd.s32 $0x68, s14;
	s17 =	sadd.s32 $0xD0, s14  }
0xa: {  	s18 =	sadd.s32 $0x138, s14;
	s19 =	sadd.s32 $0x1A0, s14;
	s20 =	sadd.s32 $0x208, s14  }
0xb: {  	s23 =	smul.u32 $0x2710, s23;
	s5 =	sshll.u32 s6, $0xB;
	s15 =	ssub.s32 s7, s8  }
0xc: {  	s7 =	sadd.s32 s12, s9;
	s10 =	sshrl.u32 s16, $0x3;
	s11 =	sshrl.u32 s17, $0x3  }
0xd: {  	s22 =	sshrl.u32 s20, $0x3;
	s14 =	sadd.s32 s14, s21;
	s16 =	sadd.s32 s21, s16  }
0xe: {  	s6 =	smul.u32 $0x2710, s6;
	s24 =	sadd.s32 s21, s17;
	s25 =	sadd.s32 s21, s18  }
0xf: {  	s26 =	sadd.s32 s21, s19;
	s30 =	sadd.s32 s21, s20;
	s21 =	sshrl.u32 s31, $0x3  }
0x10: {  	s13 =	sadd.s32 s5, s0;
	s5 =	sadd.s32 $0x3C00, s0;
	s8 =	sadd.s32 s12, s10  }
0x11: {  	s9 =	sadd.s32 s12, s11;
	s10 =	sshrl.u32 s18, $0x3;
	s11 =	sshrl.u32 s19, $0x3  }
0x12: {  	s14 =	sshll.u32 s14, $0x4;
	s16 =	sshll.u32 s16, $0x4;
	s17 =	sshll.u32 s26, $0x4  }
0x13: {  	s20 =	sshll.u32 s30, $0x4;
	s19 =	sadd.s32 $0x1DED5, s0;
	s30 =	sadd.s32 s23, s2  }
0x14: {  	s31 =	smax.u32 s15, $0x1;
	s2 =	simm.s32 $0x17A00;
	s10 =	sadd.s32 s12, s10  }
0x15: {  	s11 =	sadd.s32 s12, s11;
	s12 =	sadd.s32 s12, s22;
	s22 =	sadd.s32 $0x45A00, s0  }
0x16: {  	[dreg:$0xd] =	wrdreg s31;
	s14 =	sadd.s32 s22, s14;
	s17 =	sadd.s32 s22, s17  }
0x17: {  	[dreg:$0x4] =	wrdreg s14;
	s14 =	sadd.s32 s22, s16;
	s16 =	sshll.u32 s25, $0x4  }
0x18: {  	[dreg:$0x8] =	wrdreg s17;
	s25 =	sshrl.u32 s6, $0x3;
	s6 =	simm.s32 $0x1  }
0x19: {  	[dreg:$0x5] =	wrdreg s14;
	s14 =	sshll.u32 s24, $0x4;
	s16 =	sadd.s32 s22, s16  }
0x1a: {  	s24 =	sadd.s32 $0xDA00, s13;
	s0 =	sadd.s32 s5, s25;
	[dreg:$0x7] =	wrdreg s16  }
0x1b: {  	s25 =	simm.s32 $0x1CA00;
	s13 =	simm.s32 $0x0;
	[dreg:$0xa] =	wrdreg s24  }
0x1c: {  	s14 =	sadd.s32 s22, s14;
	[dreg:$0xb] =	wrdreg s0;
	s24 =	sadd.s32 $0x50, s30  }
0x1d: {  	[dreg:$0x6] =	wrdreg s14;
	s14 =	sadd.s32 s22, s20;
	s22 =	sadd.s32 s22, s21  }
0x1e: {  	s16 =	simm.s32 $0x17880;
	[dreg:$0x9] =	wrdreg s14;
	s26 =	sadd.s32 $0x26A80, s22  }
0x1f: {  	s0 =	simm.s32 $0x50;
	[dreg:$0xc] =	wrdreg s26;
	s26 =	simm.s32 $0x5  }
.LBB2_1:
0x20: {  	s14 =	rddreg [dreg:$0x3]  }
0x21: {  	[tilespmem:s25], [sflag:$0x5] =	stream.linear.gather [hbm4b:s14+s3], $0x3400, $0x38;
	[tilespmem:$0x1FE00] =	vst v63  }
0x22: {  	_ =	swait.ge [sflag:s26], $0x3400  }
0x23: {  	[sflag:s26] =	ssyncset.done $0x0  }
0x24: {  	[sflag:s26] =	ssyncadd.s32 $0xFFFFCC00  }
0x25: {  	[tilespmem:s28], [sflag:$0x5] =	stream.linear.gather [hbm4b:s7+s3], $0x68, $0x38;
	[tilespmem:$0x1FE00] =	vst v63  }
0x26: {  	_ =	swait.ge [sflag:s26], $0x68  }
0x27: {  	[sflag:s26] =	ssyncset.done $0x0  }
0x28: {  	[sflag:s26] =	ssyncadd.s32 $0xFFFFFF98  }
0x29: {  	[spmem:s1] =	stream.indirect.scatter [tilespmem:s25], [sflag:$0x5], $0x80, s28, s29, $0xb8;
	[tilespmem:$0x1FE00] =	vst v63  }
0x2a: {  	_ =	swait.ge [sflag:s26], $0x3400  }
0x2b: {  	[sflag:s26] =	ssyncset.done $0x0  }
0x2c: {  	[sflag:s26] =	ssyncadd.s32 $0xFFFFCC00  }
0x2d: {  	[tilespmem:s28], [sflag:$0x5] =	stream.linear.gather [hbm4b:s8+s3], $0x68, $0x38;
	[tilespmem:$0x1FE00] =	vst v63  }
0x2e: {  	_ =	swait.ge [sflag:s26], $0x68  }
0x2f: {  	[sflag:s26] =	ssyncset.done $0x0  }
0x30: {  	[sflag:s26] =	ssyncadd.s32 $0xFFFFFF98  }
0x31: {  	[spmem:s1] =	stream.indirect.scatter [tilespmem:s25], [sflag:$0x5], $0x80, s28, s29, $0xb8;
	[tilespmem:$0x1FE00] =	vst v63  }
0x32: {  	_ =	swait.ge [sflag:s26], $0x3400  }
0x33: {  	[sflag:s26] =	ssyncset.done $0x0  }
0x34: {  	[sflag:s26] =	ssyncadd.s32 $0xFFFFCC00  }
0x35: {  	[tilespmem:s28], [sflag:$0x5] =	stream.linear.gather [hbm4b:s9+s3], $0x68, $0x38;
	[tilespmem:$0x1FE00] =	vst v63  }
0x36: {  	_ =	swait.ge [sflag:s26], $0x68  }
0x37: {  	[sflag:s26] =	ssyncset.done $0x0  }
0x38: {  	[sflag:s26] =	ssyncadd.s32 $0xFFFFFF98  }
0x39: {  	[spmem:s1] =	stream.indirect.scatter [tilespmem:s25], [sflag:$0x5], $0x80, s28, s29, $0xb8;
	[tilespmem:$0x1FE00] =	vst v63  }
0x3a: {  	_ =	swait.ge [sflag:s26], $0x3400  }
0x3b: {  	[sflag:s26] =	ssyncset.done $0x0  }
0x3c: {  	[sflag:s26] =	ssyncadd.s32 $0xFFFFCC00  }
0x3d: {  	[tilespmem:s28], [sflag:$0x5] =	stream.linear.gather [hbm4b:s10+s3], $0x68, $0x38;
	[tilespmem:$0x1FE00] =	vst v63  }
0x3e: {  	_ =	swait.ge [sflag:s26], $0x68  }
0x3f: {  	[sflag:s26] =	ssyncset.done $0x0  }
0x40: {  	[sflag:s26] =	ssyncadd.s32 $0xFFFFFF98  }
0x41: {  	[spmem:s1] =	stream.indirect.scatter [tilespmem:s25], [sflag:$0x5], $0x80, s28, s29, $0xb8;
	[tilespmem:$0x1FE00] =	vst v63  }
0x42: {  	_ =	swait.ge [sflag:s26], $0x3400  }
0x43: {  	[sflag:s26] =	ssyncset.done $0x0  }
0x44: {  	[sflag:s26] =	ssyncadd.s32 $0xFFFFCC00  }
0x45: {  	[tilespmem:s28], [sflag:$0x5] =	stream.linear.gather [hbm4b:s11+s3], $0x68, $0x38;
	[tilespmem:$0x1FE00] =	vst v63  }
0x46: {  	_ =	swait.ge [sflag:s26], $0x68  }
0x47: {  	[sflag:s26] =	ssyncset.done $0x0  }
0x48: {  	[sflag:s26] =	ssyncadd.s32 $0xFFFFFF98  }
0x49: {  	[spmem:s1] =	stream.indirect.scatter [tilespmem:s25], [sflag:$0x5], $0x80, s28, s29, $0xb8;
	[tilespmem:$0x1FE00] =	vst v63  }
0x4a: {  	_ =	swait.ge [sflag:s26], $0x3400  }
0x4b: {  	[sflag:s26] =	ssyncset.done $0x0  }
0x4c: {  	[sflag:s26] =	ssyncadd.s32 $0xFFFFCC00  }
0x4d: {  	[tilespmem:s28], [sflag:$0x5] =	stream.linear.gather [hbm4b:s12+s3], $0x68, $0x38;
	[tilespmem:$0x1FE00] =	vst v63  }
0x4e: {  	_ =	swait.ge [sflag:s26], $0x68  }
0x4f: {  	[sflag:s26] =	ssyncset.done $0x0  }
0x50: {  	[sflag:s26] =	ssyncadd.s32 $0xFFFFFF98  }
0x51: {  	[spmem:s1] =	stream.indirect.scatter [tilespmem:s25], [sflag:$0x5], $0x80, s28, s29, $0xb8;
	[tilespmem:$0x1FE00] =	vst v63  }
0x52: {  	_ =	swait.ge [sflag:s26], $0x3400  }
0x53: {  	[sflag:s26] =	ssyncset.done $0x0  }
0x54: {  	[sflag:s26] =	ssyncadd.s32 $0xFFFFCC00  }
0x55: {  	[tilespmem:s28], [sflag:$0x5] =	stream.linear.gather [hbm4b:s19+s3], $0x68, $0x38;
	[tilespmem:$0x1FE00] =	vst v63  }
0x56: {  	_ =	swait.ge [sflag:s26], $0x68  }
0x57: {  	[sflag:s26] =	ssyncset.done $0x0  }
0x58: {  	[sflag:s26] =	ssyncadd.s32 $0xFFFFFF98  }
0x59: {  	[spmem:s1] =	stream.indirect.scatter [tilespmem:s25], [sflag:$0x5], $0x80, s28, s29, $0xb8;
	[tilespmem:$0x1FE00] =	vst v63  }
0x5a: {  	_ =	swait.ge [sflag:s26], $0x3400  }
0x5b: {  	[sflag:s26] =	ssyncset.done $0x0  }
0x5c: {  	s15 =	simm.s32 $0x13880;
	s22 =	rddreg [dreg:$0xa];
	[sflag:s26] =	ssyncadd.s32 $0xFFFFCC00  }
0x5d: {  	[tilespmem:s15], [sflag:$0x5] =	stream.linear.gather [hbm4b:s22+s3], $0x3E80, $0x38;
	[tilespmem:$0x1FE00] =	vst v63  }
0x5e: {  	_ =	swait.ge [sflag:s26], $0x3E80  }
0x5f: {  	[sflag:s26] =	ssyncset.done $0x0  }
0x60: {  	[sflag:s26] =	ssyncadd.s32 $0xFFFFC180  }
0x61: {  	[bflag:$0x0] =	sbarrier.arrive $0xFFFF  }
0x62: {  	s23 =	rddreg [dreg:$0xb]  }
0x63: {  	[tilespmem:s16], [sflag:$0x5] =	stream.linear.gather [hbm4b:s23+s3], $0x50, $0x38;
	[tilespmem:$0x1FE00] =	vst v63  }
0x64: {  	s30 =	sand.u32 $0x1, s3;
	_ =	swait.ge [sflag:s26], $0x50  }
0x65: {  	p0 =	seq.s32 s30, $0x1;
	[sflag:s26] =	ssyncset.done $0x0  }
0x66: {  	s14 =	simm.s32 @p0 $0x50;
	[sflag:s26] =	ssyncadd.s32 $0xFFFFFFB0  }
0x67: {  	[tilespmem:s2], [sflag:$0x1] =	stream.indirect.gather [hbm4b:s4+s0], $0x80, s15, s0, $0xb8;
	[tilespmem:$0x1FE00] =	vst v63  }
0x68: {  	s17 =	sshrl.u32 @p0 s24, $0x3;
	s16 =	simm.s32 @p0 $0x17A00;
	s15 =	simm.s32 $0x13900  }
0x69: {  	[tilespmem:s16], [sflag:$0x1] =	stream.indirect.gather @p0 [hbm4b:s4+s14], $0x80, s15, s14, $0xb8;
	[tilespmem:$0x1FE00] =	vst v63  }
0x6a: {  	s18 =	simm.s32 @p0 $0x17880;
	s16 =	sadd.s32 @p0 s5, s17;
	s17 =	simm.s32 @p0 $0x0  }
0x6b: {  	[tilespmem:s18], [sflag:$0x3] =	stream.linear.gather @p0 [hbm4b:s16+s17], $0x50, $0x38;
	[tilespmem:$0x1FE00] =	vst v63  }
0x6c: {  	s16 =	simm.s32 @p0 $0x2  }
0x6d: {  	_ =	swait.ge @p0 [sflag:s16], $0x2800  }
0x6e: {  	s17 =	sshrl.u32 @!p0 s24, $0x3;
	[sflag:s16] =	ssyncset.done @p0 $0x0  }
0x6f: {  	s18 =	simm.s32 @p0 $0x17900;
	[sflag:s16] =	ssyncadd.s32 @p0 $0xFFFFD800;
	s16 =	simm.s32 @p0 $0x1A200  }
0x70: {  	[spmem:s1] =	stream.indirect.scatter.add.f32 @p0 [tilespmem:s16], [sflag:$0x5], $0x80, s18, s14, $0xb8;
	[tilespmem:$0x1FE00] =	vst v63  }
0x71: {  	s14 =	sadd.s32 @!p0 s5, s17;
	s16 =	simm.s32 @!p0 $0x50;
	s17 =	simm.s32 @!p0 $0x1A200  }
0x72: {  	[tilespmem:s17], [sflag:$0x2] =	stream.indirect.gather @!p0 [hbm4b:s4+s16], $0x80, s15, s16, $0xb8;
	[tilespmem:$0x1FE00] =	vst v63  }
0x73: {  	s18 =	simm.s32 @!p0 $0x1;
	s15 =	simm.s32 @!p0 $0x0;
	s17 =	simm.s32 @!p0 $0x17900  }
0x74: {  	[tilespmem:s17], [sflag:$0x4] =	stream.linear.gather @!p0 [hbm4b:s14+s15], $0x50, $0x38;
	[tilespmem:$0x1FE00] =	vst v63  }
0x75: {  	_ =	swait.ge @!p0 [sflag:s18], $0x2800  }
0x76: {  	s31 =	simm.s32 $0x1;
	[sflag:s18] =	ssyncset.done @!p0 $0x0  }
0x77: {  	s14 =	simm.s32 @!p0 $0x17880;
	s17 =	simm.s32 @!p0 $0x17A00;
	[sflag:s18] =	ssyncadd.s32 @!p0 $0xFFFFD800  }
0x78: {  	[spmem:s1] =	stream.indirect.scatter.add.f32 @!p0 [tilespmem:s17], [sflag:$0x5], $0x80, s14, s16, $0xb8;
	[tilespmem:$0x1FE00] =	vst v63  }
0x79: {  	s15 =	simm.s32 $0x13980;
	s18 =	sand.u32 $0x1, s31;
	_ =	swait.ge [sflag:s26], $0x2800  }
0x7a: {  	s16 =	simm.s32 $0x2;
	s17 =	simm.s32 @!p0 $0x4;
	[sflag:s26] =	ssyncset.done $0x0  }
0x7b: {  	s14 =	sadd.s32 $0x50, s24;
	s17 =	simm.s32 @p0 $0x3;
	[sflag:s26] =	ssyncadd.s32 $0xFFFFD800  }
.LBB2_2:
0x7c: {  	p0 =	seq.s32 s18, $0x1  }
0x7d: {  	_ =	swait.ge [sflag:s17], $0x50;
	s18 =	smov.u32 s16;
	s16 =	sadd.s32 $0x1, s16  }
0x7e: {  	s20 =	simm.s32 @p0 $0x50;
	s21 =	simm.s32 @p0 $0x17A00;
	[sflag:s17] =	ssyncset.done $0x0  }
0x7f: {  	s22 =	sshrl.u32 @p0 s14, $0x3;
	s23 =	sshrl.u32 @!p0 s14, $0x3;
	[sflag:s17] =	ssyncadd.s32 $0xFFFFFFB0  }
0x80: {  	s30 =	simm.s32 @p0 $0x0;
	s31 =	simm.s32 @p0 $0x2;
	s22 =	sadd.s32 @p0 s5, s22  }
0x81: {  	[tilespmem:s21], [sflag:$0x1] =	stream.indirect.gather @p0 [hbm4b:s4+s20], $0x80, s15, s20, $0xb8;
	[tilespmem:$0x1FE00] =	vst v63  }
0x82: {  	s23 =	sadd.s32 @!p0 s5, s23;
	s17 =	simm.s32 @!p0 $0x4;
	s21 =	simm.s32 @p0 $0x17880  }
0x83: {  	[tilespmem:s21], [sflag:$0x3] =	stream.linear.gather @p0 [hbm4b:s22+s30], $0x50, $0x38;
	[tilespmem:$0x1FE00] =	vst v63  }
0x84: {  	s21 =	simm.s32 @p0 $0x17900;
	s22 =	simm.s32 @p0 $0x1A200;
	_ =	swait.ge @p0 [sflag:s31], $0x2800  }
0x85: {  	p1 =	sne.s32 s16, $0x7C;
	[sflag:s31] =	ssyncset.done @p0 $0x0  }
0x86: {  	s30 =	simm.s32 @!p0 $0x50;
	[sflag:s31] =	ssyncadd.s32 @p0 $0xFFFFD800;
	s31 =	simm.s32 @!p0 $0x1A200  }
0x87: {  	[spmem:s1] =	stream.indirect.scatter.add.f32 @p0 [tilespmem:s22], [sflag:$0x5], $0x80, s21, s20, $0xb8;
	[tilespmem:$0x1FE00] =	vst v63  }
0x88: {  	s20 =	simm.s32 @!p0 $0x0;
	s21 =	simm.s32 @!p0 $0x17900;
	s22 =	simm.s32 @!p0 $0x1  }
0x89: {  	[tilespmem:s31], [sflag:$0x2] =	stream.indirect.gather @!p0 [hbm4b:s4+s30], $0x80, s15, s30, $0xb8;
	[tilespmem:$0x1FE00] =	vst v63  }
0x8a: {  	_ = 	snop  }
0x8b: {  	[tilespmem:s21], [sflag:$0x4] =	stream.linear.gather @!p0 [hbm4b:s23+s20], $0x50, $0x38;
	[tilespmem:$0x1FE00] =	vst v63  }
0x8c: {  	s20 =	simm.s32 @!p0 $0x17880;
	s21 =	simm.s32 @!p0 $0x17A00;
	_ =	swait.ge @!p0 [sflag:s22], $0x2800  }
0x8d: {  	[sflag:s22] =	ssyncset.done @!p0 $0x0  }
.Ltmp0:
0x8e: {  	[sflag:s22] =	ssyncadd.s32 @!p0 $0xFFFFD800;
	(pc) =	sbr.rel @p1 .LBB2_2-.Ltmp0, $4  }
0x8f: {  	[spmem:s1] =	stream.indirect.scatter.add.f32 @!p0 [tilespmem:s21], [sflag:$0x5], $0x80, s20, s30, $0xb8;
	[tilespmem:$0x1FE00] =	vst v63  }
0x90: {  	s17 =	simm.s32 @p0 $0x3;
	_ =	swait.ge [sflag:s26], $0x2800  }
0x91: {  	s14 =	sadd.s32 $0x50, s14;
	[sflag:s26] =	ssyncset.done $0x0  }
0x92: {  	s18 =	sand.u32 $0x1, s18;
	s15 =	sadd.s32 $0x80, s15;
	[sflag:s26] =	ssyncadd.s32 $0xFFFFD800  }
0x93: {  	p0 =	seq.s32 s18, $0x1;
	_ =	swait.ge [sflag:s17], $0x50  }
0x94: {  	s16 =	simm.s32 @p0 $0x50;
	[sflag:s17] =	ssyncset.done $0x0  }
0x95: {  	s18 =	simm.s32 @p0 $0x17A00;
	s20 =	sshrl.u32 @p0 s14, $0x3;
	[sflag:s17] =	ssyncadd.s32 $0xFFFFFFB0  }
0x96: {  	[tilespmem:s18], [sflag:$0x1] =	stream.indirect.gather @p0 [hbm4b:s4+s16], $0x80, s15, s16, $0xb8;
	[tilespmem:$0x1FE00] =	vst v63  }
0x97: {  	s17 =	sadd.s32 @p0 s5, s20;
	s20 =	simm.s32 @p0 $0x17880;
	s18 =	simm.s32 @p0 $0x0  }
0x98: {  	[tilespmem:s20], [sflag:$0x3] =	stream.linear.gather @p0 [hbm4b:s17+s18], $0x50, $0x38;
	[tilespmem:$0x1FE00] =	vst v63  }
0x99: {  	s17 =	simm.s32 @p0 $0x2  }
0x9a: {  	_ =	swait.ge @p0 [sflag:s17], $0x2800  }
0x9b: {  	[sflag:s17] =	ssyncset.done @p0 $0x0  }
0x9c: {  	s18 =	simm.s32 @p0 $0x17900;
	[sflag:s17] =	ssyncadd.s32 @p0 $0xFFFFD800;
	s17 =	simm.s32 @p0 $0x1A200  }
0x9d: {  	[spmem:s1] =	stream.indirect.scatter.add.f32 @p0 [tilespmem:s17], [sflag:$0x5], $0x80, s18, s16, $0xb8;
	[tilespmem:$0x1FE00] =	vst v63  }
0x9e: {  	s14 =	sshrl.u32 @!p0 s14, $0x3;
	s16 =	simm.s32 @!p0 $0x50;
	s17 =	simm.s32 @!p0 $0x1A200  }
0x9f: {  	[tilespmem:s17], [sflag:$0x2] =	stream.indirect.gather @!p0 [hbm4b:s4+s16], $0x80, s15, s16, $0xb8;
	[tilespmem:$0x1FE00] =	vst v63  }
0xa0: {  	s14 =	sadd.s32 @!p0 s5, s14;
	s15 =	simm.s32 @!p0 $0x0;
	s17 =	simm.s32 @!p0 $0x17900  }
0xa1: {  	[tilespmem:s17], [sflag:$0x4] =	stream.linear.gather @!p0 [hbm4b:s14+s15], $0x50, $0x38;
	[tilespmem:$0x1FE00] =	vst v63  }
0xa2: {  	s14 =	simm.s32 @!p0 $0x1  }
0xa3: {  	_ =	swait.ge @!p0 [sflag:s14], $0x2800  }
0xa4: {  	[sflag:s14] =	ssyncset.done @!p0 $0x0  }
0xa5: {  	s15 =	simm.s32 @!p0 $0x17880;
	[sflag:s14] =	ssyncadd.s32 @!p0 $0xFFFFD800;
	s14 =	simm.s32 @!p0 $0x17A00  }
0xa6: {  	[spmem:s1] =	stream.indirect.scatter.add.f32 @!p0 [tilespmem:s14], [sflag:$0x5], $0x80, s15, s16, $0xb8;
	[tilespmem:$0x1FE00] =	vst v63  }
0xa7: {  	_ =	swait.ge [sflag:s26], $0x2800  }
0xa8: {  	s14 =	simm.s32 @!p0 $0x4;
	[sflag:s26] =	ssyncset.done $0x0  }
0xa9: {  	s14 =	simm.s32 @p0 $0x3;
	[sflag:s26] =	ssyncadd.s32 $0xFFFFD800  }
0xaa: {  	_ =	swait.ge [sflag:s14], $0x50  }
0xab: {  	[sflag:s14] =	ssyncset.done $0x0  }
0xac: {  	[sflag:s14] =	ssyncadd.s32 $0xFFFFFFB0  }
0xad: {  	_ =	swait.ge [sflag:s6], $0x2800  }
0xae: {  	[sflag:s6] =	ssyncset.done $0x0  }
0xaf: {  	s16 =	simm.s32 $0x17880;
	[sflag:s6] =	ssyncadd.s32 $0xFFFFD800  }
0xb0: {  	[spmem:s1] =	stream.indirect.scatter.add.f32 [tilespmem:s2], [sflag:$0x5], $0x80, s16, s0, $0xb8;
	[tilespmem:$0x1FE00] =	vst v63  }
0xb1: {  	_ =	swait.ge [sflag:s26], $0x2800  }
0xb2: {  	[sflag:s26] =	ssyncset.done $0x0  }
0xb3: {  	[sflag:s26] =	ssyncadd.s32 $0xFFFFD800  }
0xb4: {  	[bflag:$0x0] =	sbarrier.arrive $0xFFFF  }
0xb5: {  	[tilespmem:s28], [sflag:$0x5] =	stream.linear.gather [hbm4b:s7+s3], $0x68, $0x38;
	[tilespmem:$0x1FE00] =	vst v63  }
0xb6: {  	_ =	swait.ge [sflag:s26], $0x68  }
0xb7: {  	[sflag:s26] =	ssyncset.done $0x0  }
0xb8: {  	[sflag:s26] =	ssyncadd.s32 $0xFFFFFF98  }
0xb9: {  	[tilespmem:s25], [sflag:$0x5] =	stream.indirect.gather [spmem:s1], $0x80, s28, s29, $0xb8;
	[tilespmem:$0x1FE00] =	vst v63  }
0xba: {  	_ =	swait.ge [sflag:s26], $0x3400  }
0xbb: {  	[sflag:s26] =	ssyncset.done $0x0  }
0xbc: {  	s17 =	rddreg [dreg:$0x4];
	[sflag:s26] =	ssyncadd.s32 $0xFFFFCC00  }
0xbd: {  	[hbm4b:s17+s3] =	stream.linear.scatter [tilespmem:s25], [sflag:$0x5], $0x3400, $0x38;
	[tilespmem:$0x1FE00] =	vst v63  }
0xbe: {  	_ =	swait.ge [sflag:s26], $0x3400  }
0xbf: {  	[sflag:s26] =	ssyncset.done $0x0  }
0xc0: {  	[sflag:s26] =	ssyncadd.s32 $0xFFFFCC00  }
0xc1: {  	[tilespmem:s28], [sflag:$0x5] =	stream.linear.gather [hbm4b:s8+s3], $0x68, $0x38;
	[tilespmem:$0x1FE00] =	vst v63  }
0xc2: {  	_ =	swait.ge [sflag:s26], $0x68  }
0xc3: {  	[sflag:s26] =	ssyncset.done $0x0  }
0xc4: {  	[sflag:s26] =	ssyncadd.s32 $0xFFFFFF98  }
0xc5: {  	[tilespmem:s25], [sflag:$0x5] =	stream.indirect.gather [spmem:s1], $0x80, s28, s29, $0xb8;
	[tilespmem:$0x1FE00] =	vst v63  }
0xc6: {  	_ =	swait.ge [sflag:s26], $0x3400  }
0xc7: {  	[sflag:s26] =	ssyncset.done $0x0  }
0xc8: {  	s18 =	rddreg [dreg:$0x5];
	[sflag:s26] =	ssyncadd.s32 $0xFFFFCC00  }
0xc9: {  	[hbm4b:s18+s3] =	stream.linear.scatter [tilespmem:s25], [sflag:$0x5], $0x3400, $0x38;
	[tilespmem:$0x1FE00] =	vst v63  }
0xca: {  	_ =	swait.ge [sflag:s26], $0x3400  }
0xcb: {  	[sflag:s26] =	ssyncset.done $0x0  }
0xcc: {  	[sflag:s26] =	ssyncadd.s32 $0xFFFFCC00  }
0xcd: {  	[tilespmem:s28], [sflag:$0x5] =	stream.linear.gather [hbm4b:s9+s3], $0x68, $0x38;
	[tilespmem:$0x1FE00] =	vst v63  }
0xce: {  	_ =	swait.ge [sflag:s26], $0x68  }
0xcf: {  	[sflag:s26] =	ssyncset.done $0x0  }
0xd0: {  	[sflag:s26] =	ssyncadd.s32 $0xFFFFFF98  }
0xd1: {  	[tilespmem:s25], [sflag:$0x5] =	stream.indirect.gather [spmem:s1], $0x80, s28, s29, $0xb8;
	[tilespmem:$0x1FE00] =	vst v63  }
0xd2: {  	_ =	swait.ge [sflag:s26], $0x3400  }
0xd3: {  	[sflag:s26] =	ssyncset.done $0x0  }
0xd4: {  	s20 =	rddreg [dreg:$0x6];
	[sflag:s26] =	ssyncadd.s32 $0xFFFFCC00  }
0xd5: {  	[hbm4b:s20+s3] =	stream.linear.scatter [tilespmem:s25], [sflag:$0x5], $0x3400, $0x38;
	[tilespmem:$0x1FE00] =	vst v63  }
0xd6: {  	_ =	swait.ge [sflag:s26], $0x3400  }
0xd7: {  	[sflag:s26] =	ssyncset.done $0x0  }
0xd8: {  	[sflag:s26] =	ssyncadd.s32 $0xFFFFCC00  }
0xd9: {  	[tilespmem:s28], [sflag:$0x5] =	stream.linear.gather [hbm4b:s10+s3], $0x68, $0x38;
	[tilespmem:$0x1FE00] =	vst v63  }
0xda: {  	_ =	swait.ge [sflag:s26], $0x68  }
0xdb: {  	[sflag:s26] =	ssyncset.done $0x0  }
0xdc: {  	[sflag:s26] =	ssyncadd.s32 $0xFFFFFF98  }
0xdd: {  	[tilespmem:s25], [sflag:$0x5] =	stream.indirect.gather [spmem:s1], $0x80, s28, s29, $0xb8;
	[tilespmem:$0x1FE00] =	vst v63  }
0xde: {  	_ =	swait.ge [sflag:s26], $0x3400  }
0xdf: {  	[sflag:s26] =	ssyncset.done $0x0  }
0xe0: {  	s21 =	rddreg [dreg:$0x7];
	[sflag:s26] =	ssyncadd.s32 $0xFFFFCC00  }
0xe1: {  	[hbm4b:s21+s3] =	stream.linear.scatter [tilespmem:s25], [sflag:$0x5], $0x3400, $0x38;
	[tilespmem:$0x1FE00] =	vst v63  }
0xe2: {  	_ =	swait.ge [sflag:s26], $0x3400  }
0xe3: {  	[sflag:s26] =	ssyncset.done $0x0  }
0xe4: {  	[sflag:s26] =	ssyncadd.s32 $0xFFFFCC00  }
0xe5: {  	[tilespmem:s28], [sflag:$0x5] =	stream.linear.gather [hbm4b:s11+s3], $0x68, $0x38;
	[tilespmem:$0x1FE00] =	vst v63  }
0xe6: {  	_ =	swait.ge [sflag:s26], $0x68  }
0xe7: {  	[sflag:s26] =	ssyncset.done $0x0  }
0xe8: {  	[sflag:s26] =	ssyncadd.s32 $0xFFFFFF98  }
0xe9: {  	[tilespmem:s25], [sflag:$0x5] =	stream.indirect.gather [spmem:s1], $0x80, s28, s29, $0xb8;
	[tilespmem:$0x1FE00] =	vst v63  }
0xea: {  	_ =	swait.ge [sflag:s26], $0x3400  }
0xeb: {  	[sflag:s26] =	ssyncset.done $0x0  }
0xec: {  	s22 =	rddreg [dreg:$0x8];
	[sflag:s26] =	ssyncadd.s32 $0xFFFFCC00  }
0xed: {  	[hbm4b:s22+s3] =	stream.linear.scatter [tilespmem:s25], [sflag:$0x5], $0x3400, $0x38;
	[tilespmem:$0x1FE00] =	vst v63  }
0xee: {  	_ =	swait.ge [sflag:s26], $0x3400  }
0xef: {  	[sflag:s26] =	ssyncset.done $0x0  }
0xf0: {  	[sflag:s26] =	ssyncadd.s32 $0xFFFFCC00  }
0xf1: {  	[tilespmem:s28], [sflag:$0x5] =	stream.linear.gather [hbm4b:s12+s3], $0x68, $0x38;
	[tilespmem:$0x1FE00] =	vst v63  }
0xf2: {  	_ =	swait.ge [sflag:s26], $0x68  }
0xf3: {  	[sflag:s26] =	ssyncset.done $0x0  }
0xf4: {  	[sflag:s26] =	ssyncadd.s32 $0xFFFFFF98  }
0xf5: {  	[tilespmem:s25], [sflag:$0x5] =	stream.indirect.gather [spmem:s1], $0x80, s28, s29, $0xb8;
	[tilespmem:$0x1FE00] =	vst v63  }
0xf6: {  	_ =	swait.ge [sflag:s26], $0x3400  }
0xf7: {  	[sflag:s26] =	ssyncset.done $0x0  }
0xf8: {  	s23 =	rddreg [dreg:$0x9];
	[sflag:s26] =	ssyncadd.s32 $0xFFFFCC00  }
0xf9: {  	[hbm4b:s23+s3] =	stream.linear.scatter [tilespmem:s25], [sflag:$0x5], $0x3400, $0x38;
	[tilespmem:$0x1FE00] =	vst v63  }
0xfa: {  	_ =	swait.ge [sflag:s26], $0x3400  }
0xfb: {  	[sflag:s26] =	ssyncset.done $0x0  }
0xfc: {  	[sflag:s26] =	ssyncadd.s32 $0xFFFFCC00  }
0xfd: {  	[tilespmem:s28], [sflag:$0x5] =	stream.linear.gather [hbm4b:s19+s3], $0x68, $0x38;
	[tilespmem:$0x1FE00] =	vst v63  }
0xfe: {  	_ =	swait.ge [sflag:s26], $0x68  }
0xff: {  	[sflag:s26] =	ssyncset.done $0x0  }
0x100: {  	[sflag:s26] =	ssyncadd.s32 $0xFFFFFF98  }
0x101: {  	[tilespmem:s25], [sflag:$0x5] =	stream.indirect.gather [spmem:s1], $0x80, s28, s29, $0xb8;
	[tilespmem:$0x1FE00] =	vst v63  }
0x102: {  	_ =	swait.ge [sflag:s26], $0x3400  }
0x103: {  	[sflag:s26] =	ssyncset.done $0x0  }
0x104: {  	s30 =	rddreg [dreg:$0xc];
	[sflag:s26] =	ssyncadd.s32 $0xFFFFCC00  }
0x105: {  	[hbm4b:s30+s3] =	stream.linear.scatter [tilespmem:s25], [sflag:$0x5], $0x3400, $0x38;
	[tilespmem:$0x1FE00] =	vst v63  }
0x106: {  	_ =	swait.ge [sflag:s26], $0x3400  }
0x107: {  	s13 =	sadd.s32 $0x1, s13;
	s31 =	rddreg [dreg:$0xd]  }
0x108: {  	p0 =	sne.s32 s13, s31  }
.Ltmp1:
0x109: {  	_ = 	snop;
	(pc) =	sbr.rel @p0 .LBB2_1-.Ltmp1, $3  }
0x10a: {  	_ =	sdelay $0x1  }
0x10b: {  	[sflag:s26] =	ssyncset.done $0x0  }
0x10c: {  	[sflag:s26] =	ssyncadd.s32 $0xFFFFCC00  }
0x10d: {  	_ =	sfence.sel $0x180000  }
0x10e: {  	[bflag:$0x0] =	sbarrier.arrive $0xFFFF  }
0x10f: {  	_ =	strace $0x9000004D  }
0x110: {  	s0 =	stileid.u32;
	[bflag:$0x2] =	sbarrier.arrive $0xFFFF  }
0x111: {  	p0 =	sne.s32 s0, $0x0;
	s0 =	rddreg [dreg:$0x2]  }
0x112: {  	s0 =	sadd.s32 @!p0 $0x100000, s0  }
0x113: {  	[sflag:s0] =	ssyncadd.tile.s32 @!p0 $0x1;
	_ =	shalt  }
.Lfunc_end2:
_tile_overlayer_lowered:
.L_overlay_start_2:
0x114: {  	(tag) =	ssettag $0x2  }
0x115: {  	s0 =	rddreg [dreg:$0x0];
	s2 =	stileid.u32  }
0x116: {  	s1 =	rddreg [dreg:$0x1];
	p0 =	sne.s32 s2, $0x0  }
0x117: {  	s3 =	rddreg [dreg:$0x2];
	[bflag:$0x3] =	sbarrier.arrive $0xFFFF;
	s2 =	simm.s32 @!p0 $0x1C05  }
0x118: {  	[timem:s3], [sflag:s2] =	dma.local @!p0 [hbm:s0], s1  }
0x119: {  	s0 =	simm.s32 @!p0 $0x5  }
0x11a: {  	_ =	swait.ge @!p0 [sflag:s0], s1  }
0x11b: {  	s1 =	ssub.s32 @!p0 $0x0, s1;
	[sflag:s0] =	ssyncset.done @!p0 $0x0  }
0x11c: {  	[sflag:s0] =	ssyncadd.s32 @!p0 s1  }
0x11d: {  	[bflag:$0x3] =	sbarrier.arrive $0xFFFF  }
0x11e: {  	_ =	shalt  }

// kernel: kernel.21.cloned.1.call-start
scs
__scs_entry_jumppad:
0x0: {  	(pc) =	sbr.rel $0x88, $3  }
0x1: {  	(tag) =	ssettag $0x0;
	lr =	simm.s32 $0x1  }
0x2: {  	[smem:$0x3F8E] =	sst lr;
	_ =	strace $0xD0000000  }
0x3: {  	_ = 	snop  }
0x4: {  	_ = 	snop  }
0x5: {  	_ = 	snop  }
0x6: {  	_ = 	snop  }
0x7: {  	_ = 	snop  }
__scs_overlays_trampoline_lowered:
0x8: {  	[smem:$0x3F9D] =	sst s0  }
0x9: {  	[smem:$0x3F9E] =	sst s1  }
0xa: {  	[smem:$0x3F9F] =	sst s2  }
0xb: {  	[smem:$0x3FA0] =	sst s3  }
0xc: {  	[smem:$0x3FA1] =	sst s4  }
0xd: {  	[smem:$0x3FA2] =	sst s5  }
0xe: {  	[smem:$0x3FA3] =	sst s6  }
0xf: {  	[smem:$0x3FA4] =	sst s7  }
0x10: {  	[smem:$0x3FA5] =	sst s8  }
0x11: {  	[smem:$0x3FA6] =	sst s9;
	s0 =	simm.s32 @!p0 $0x0  }
0x12: {  	s1 =	sld [smem:$0x3F8C];
	s0 =	simm.s32 @p0 $0x1  }
0x13: {  	[smem:$0x3FA7] =	sst s0;
	s0 =	simm.s32 @!p1 $0x0  }
0x14: {  	s2 =	sld [smem:$0x3F8B];
	s0 =	simm.s32 @p1 $0x1  }
0x15: {  	[smem:$0x3FA8] =	sst s0;
	s0 =	simm.s32 @!p2 $0x0  }
0x16: {  	s3 =	sld [smem:$0x3FDB];
	s0 =	simm.s32 @p2 $0x1  }
0x17: {  	s4 =	simm.s32 $0x1BF5;
	[smem:$0x3FAA] =	sst s0  }
0x18: {  	s0 =	sld [smem:$0x3F8D];
	_ =	swait.ge [sflag:s4], $0x0  }
0x19: {  	s7 =	sld [smem:$0x3F8E]  }
0x1a: {  	s8 =	sadd.s32 $0xFFFFE003, lr  }
0x1b: {  	s9 =	sadd.s32 $0xFFFFFEF7, lr;
	s5 =	simm.s32 $0xFFFFFFFF;
	p2 =	slt.u32 s8, $0xFFFFF086  }
0x1c: {  	p1 =	slt.u32 s9, $0xF7A;
	s5 =	simm.s32 @!p2 $0x0  }
0x1d: {  	s5 =	simm.s32 @p1 $0x1;
	p0 =	seq.s32 s7, s2  }
0x1e: {  	s7 =	smul.u32 @!p0 $0xF7A, s2;
	p2 =	seq.s32 @!p0 s5, $0x0  }
0x1f: {  	s9 =	smul.u32 $0xF7A, s1;
	s8 =	simm.s32 @!p0 $0x1BF5;
	p2 =	por !p2, p0  }
0x20: {  	[sflag:s8] =	ssyncset.s32 @!p0 $0xFFFFF086;
	s6 =	sadd.s32 @!p0 s3, s7;
	s7 =	simm.s32 @!p0 $0x108  }
0x21: {  	s3 =	sadd.s32 s3, s9;
	s6 =	sadd.s32 @!p0 $0x88, s6;
	s7 =	simm.s32 @p2 $0x1082  }
0x22: {  	[simem:s7], [sflag:s8] =	dma.local @!p0 [hbm:s6], $0xF7A  }
0x23: {  	s9 =	sor.u32 $0xD0000000, s2;
	s6 =	simm.s32 $0x108;
	_ =	swait.ge @!p0 [sflag:s8], $0x0  }
0x24: {  	s3 =	sadd.s32 $0x88, s3;
	s6 =	simm.s32 @!p1 $0x1082;
	[sflag:s4] =	ssyncset.s32 $0xFFFFF086  }
0x25: {  	[simem:s6], [sflag:s4] =	dma.local [hbm:s3], $0xF7A  }
0x26: {  	[smem:$0x3F8E] =	sst s1;
	(tag) =	ssettag s2;
	_ =	strace s9  }
0x27: {  	s1 =	sld [smem:$0x3F9E]  }
0x28: {  	s2 =	sld [smem:$0x3F9F]  }
0x29: {  	s4 =	sld [smem:$0x3FA1]  }
0x2a: {  	p0 =	seq.s32 s5, $0x0;
	s5 =	sld [smem:$0x3FA2]  }
0x2b: {  	s6 =	sld [smem:$0x3FA3]  }
0x2c: {  	s7 =	sld [smem:$0x3FA4]  }
0x2d: {  	s3 =	simm.s32 $0x108;
	s8 =	sld [smem:$0x3FA5]  }
0x2e: {  	s3 =	simm.s32 @!p0 $0x1082;
	s9 =	sld [smem:$0x3FA6]  }
0x2f: {  	lr =	sadd.s32 s0, s3;
	s0 =	sld [smem:$0x3F9D]  }
0x30: {  	s3 =	sld [smem:$0x3FA0]  }
0x31: {  	[smem:$0x3FA9] =	sst s10  }
0x32: {  	s10 =	sld [smem:$0x3FA7];
	_ =	sdelay $0x3  }
0x33: {  	p0 =	seq.s32 s10, $0x1;
	s10 =	sld [smem:$0x3FA9];
	_ =	sdelay $0x3  }
0x34: {  	[smem:$0x3FA9] =	sst s10  }
0x35: {  	s10 =	sld [smem:$0x3FA8];
	_ =	sdelay $0x3  }
0x36: {  	p1 =	seq.s32 s10, $0x1;
	s10 =	sld [smem:$0x3FA9];
	_ =	sdelay $0x3  }
0x37: {  	[smem:$0x3FA9] =	sst s10  }
0x38: {  	s10 =	sld [smem:$0x3FAA]  }
0x39: {  	_ = 	snop;
	(pc) =	sbr.ind lr, $3  }
0x3a: {  	_ = 	snop  }
0x3b: {  	_ = 	snop  }
0x3c: {  	p2 =	seq.s32 s10, $0x1;
	s10 =	sld [smem:$0x3FA9]  }
0x3d: {  	_ =	shalt  }
0x3e: {  	_ =	shalt  }
0x3f: {  	_ =	shalt  }
0x40: {  	_ =	shalt  }
0x41: {  	_ =	shalt  }
0x42: {  	_ =	shalt  }
0x43: {  	_ =	shalt  }
0x44: {  	_ =	shalt  }
0x45: {  	_ =	shalt  }
0x46: {  	_ =	shalt  }
0x47: {  	_ =	shalt  }
0x48: {  	_ =	shalt  }
0x49: {  	_ =	shalt  }
0x4a: {  	_ =	shalt  }
0x4b: {  	_ =	shalt  }
0x4c: {  	_ =	shalt  }
0x4d: {  	_ =	shalt  }
0x4e: {  	_ =	shalt  }
0x4f: {  	_ =	shalt  }
0x50: {  	_ =	shalt  }
0x51: {  	_ =	shalt  }
0x52: {  	_ =	shalt  }
0x53: {  	_ =	shalt  }
0x54: {  	_ =	shalt  }
0x55: {  	_ =	shalt  }
0x56: {  	_ =	shalt  }
0x57: {  	_ =	shalt  }
0x58: {  	_ =	shalt  }
0x59: {  	_ =	shalt  }
0x5a: {  	_ =	shalt  }
0x5b: {  	_ =	shalt  }
0x5c: {  	_ =	shalt  }
0x5d: {  	_ =	shalt  }
0x5e: {  	_ =	shalt  }
0x5f: {  	_ =	shalt  }
0x60: {  	_ =	shalt  }
0x61: {  	_ =	shalt  }
0x62: {  	_ =	shalt  }
0x63: {  	_ =	shalt  }
0x64: {  	_ =	shalt  }
0x65: {  	_ =	shalt  }
0x66: {  	_ =	shalt  }
0x67: {  	_ =	shalt  }
0x68: {  	_ =	shalt  }
0x69: {  	_ =	shalt  }
0x6a: {  	_ =	shalt  }
0x6b: {  	_ =	shalt  }
0x6c: {  	_ =	shalt  }
0x6d: {  	_ =	shalt  }
0x6e: {  	_ =	shalt  }
0x6f: {  	_ =	shalt  }
0x70: {  	_ =	shalt  }
0x71: {  	_ =	shalt  }
0x72: {  	_ =	shalt  }
0x73: {  	_ =	shalt  }
0x74: {  	_ =	shalt  }
0x75: {  	_ =	shalt  }
0x76: {  	_ =	shalt  }
0x77: {  	_ =	shalt  }
0x78: {  	_ =	shalt  }
0x79: {  	_ =	shalt  }
0x7a: {  	_ =	shalt  }
0x7b: {  	_ =	shalt  }
0x7c: {  	_ =	shalt  }
0x7d: {  	_ =	shalt  }
0x7e: {  	_ =	shalt  }
0x7f: {  	_ =	shalt  }
0x80: {  	_ =	shalt  }
0x81: {  	_ =	shalt  }
0x82: {  	_ =	shalt  }
0x83: {  	_ =	shalt  }
0x84: {  	_ =	shalt  }
0x85: {  	_ =	shalt  }
0x86: {  	_ =	shalt  }
0x87: {  	_ =	shalt  }
.Lfunc_end0:
.L_simem_size_0:
called_computation.3_lowered:
.L_overlay_start_0:
0x88: {  	s2 =	sld [smem:$0x3FD9]  }
0x89: {  	s3 =	sld [smem:$0x3FFE];
	_ =	sdelay $0x1  }
0x8a: {  	s1 =	srdreg.scid  }
0x8b: {  	s0 =	sand.u32 $0x1, s1  }
0x8c: {  	s16 =	sshll.u32 s0, $0xA;
	s2 =	sadd.s32 s3, s2  }
0x8d: {  	s2 =	sadd.s32 s2, s16  }
0x8e: {  	[smem:$0x3FB5] =	sst s2  }
0x8f: {  	_ = 	snop  }
0x90: {  	(tm) =	ssettm $0x1  }
0x91: {  	s17 =	sld [smem:$0x3FFB];
	_ =	sdelay $0x3  }
0x92: {  	_ =	strace s17  }
0x93: {  	s2 =	sld [smem:$0x3FFC];
	_ =	sdelay $0x3  }
0x94: {  	_ =	strace s2  }
0x95: {  	s2 =	sld [smem:$0x3FFD];
	_ =	sdelay $0x3  }
0x96: {  	_ =	strace s2  }
0x97: {  	_ =	strace $0x8FFFFFFF  }
0x98: {  	s18 =	sld [smem:$0x3FDB];
	_ =	sdelay $0x1  }
0x99: {  	s19 =	simm.s32 $_scs_section_size  }
0x9a: {  	s4 =	simm.s32 $_size__tile_overlayer_lowered;
	s5 =	simm.s32 $_tile_overlayer_lowered  }
0x9b: {  	s22 =	simm.s32 $0x1BFF;
	s21 =	sshll.u32 s5, $0x1;
	s2 =	sadd.s32 s19, s18  }
0x9c: {  	s6 =	simm.s32 $0x0;
	s20 =	sshll.u32 s4, $0x1;
	s4 =	sadd.s32 s21, s2  }
0x9d: {  	[timem:s6], [sflag:s22] =	dma.local [hbm:s4], s20  }
0x9e: {  	_ =	swait.ge [sflag:s22], s20  }
0x9f: {  	s3 =	ssub.s32 $0x0, s20;
	[sflag:s22] =	ssyncset.done $0x0  }
0xa0: {  	[sflag:s22] =	ssyncadd.s32 s3;
	_ =	sdelay $0x1  }
0xa1: {  	s23 =	simm.s32 $0x1B8B  }
0xa2: {  	_ =	swait.ge [sflag:s23], $0x1  }
0xa3: {  	[sflag:s23] =	ssyncset.done $0x0  }
0xa4: {  	s25 =	simm.s32 $0x1B8E;
	s24 =	sld [smem:$0x3FFE];
	[sflag:s23] =	ssyncadd.s32 $0xFFFFFFFF  }
0xa5: {  	s26 =	simm.s32 $execute0_lowered;
	[smem:$0x3FD2] =	sst s25  }
0xa6: {  	s4 =	sshll.u32 s26, $0x1;
	_ =	strace $0x8000004F;
	[dreg:$0x1] =	wrdreg $0xFFFFFFFF  }
0xa7: {  	s28 =	simm.s32 $_size_execute0_lowered;
	s2 =	sadd.s32 s2, s4;
	[dreg:$0x0] =	wrdreg $0x0  }
0xa8: {  	s4 =	sshll.u32 s28, $0x1;
	[dreg:$0x2] =	wrdreg s2  }
0xa9: {  	[dreg:$0x3] =	wrdreg s4  }
0xaa: {  	[dreg:$0x4] =	wrdreg $0xC0  }
0xab: {  	_ =	task [dreg:s6], $0x5FFFF  }
0xac: {  	[dreg:$0x1] =	wrdreg $0xFFFFFFFF  }
0xad: {  	[dreg:$0x0] =	wrdreg $0x60  }
0xae: {  	[dreg:$0x2] =	wrdreg s24  }
0xaf: {  	[dreg:$0x3] =	wrdreg $0x0  }
0xb0: {  	[dreg:$0x4] =	wrdreg $0x9  }
0xb1: {  	_ =	task.clear_ibuf [dreg:s6], $0x5FFFF;
	_ =	strace $0x9000004F  }
0xb2: {  	s29 =	simm.s32 $0x9;
	_ =	strace $0x80000051  }
0xb3: {  	_ =	swait.ge [sflag:s29], $0x1  }
0xb4: {  	[sflag:s29] =	ssyncadd.s32 $0xFFFFFFFF  }
0xb5: {  	_ =	strace $0x90000051  }
0xb6: {  	_ =	sfence  }
0xb7: {  	s30 =	sld [smem:$0x0];
	_ =	sdelay $0x2  }
0xb8: {  	s31 =	sshll.u32 s1, $0xD;
	s1 =	sshrl.u32 s1, $0x2  }
0xb9: {  	s3 =	sand.u32 $0x4000, s31;
	s1 =	sadd.s32 s1, s30  }
0xba: {  	s0 =	sor.u32 s3, s0;
	s1 =	sshll.u32 s1, $0x11  }
0xbb: {  	s0 =	sor.u32 s1, s0  }
0xbc: {  	s0 =	sadd.s32 $0x8F2B, s0  }
0xbd: {  	[sflag:s0] =	ssyncadd.remote.s32 $0x1  }
0xbe: {  	_ =	sfence.sel $0xFFFF  }
0xbf: {  	[dreg:$0x0] =	wrdreg $0xFFFFFFFF;
	(pc) =	sbr.abs _section_cstart, $3  }
0xc0: {  	[dreg:$0x1] =	wrdreg $0xFFFFFFFF  }
0xc1: {  	_ =	task.clear_ibuf [dreg:s6], $0x2FFFF;
	_ =	strace $0x9FFFFFFF  }
0xc2: {  	(tm) =	ssettm $0x7FFFFFFF  }
0xc3: {  	_ =	shalt  }
tec
execute0_lowered:
.L_overlay_start_1:
0x0: {  	(tag) =	ssettag $0x1  }
0x1: {  	s0 =	rddreg [dreg:$0x0]  }
0x2: {  	s1 =	rddreg [dreg:$0x1];
	s2 =	srdreg.scid;
	s3 =	simm.s32 $0x0  }
0x3: {  	s23 =	stileid.u32;
	s28 =	simm.s32 $0x17980;
	s29 =	simm.s32 $0x68  }
0x4: {  	s2 =	sand.u32 $0x1, s2;
	[smem:$0x7FF] =	sst s3;
	s14 =	smul.u32 $0x270, s23  }
0x5: {  	s12 =	sadd.s32 $0x1DA00, s0;
	s9 =	sadd.s32 $0x1E000, s0;
	s21 =	smul.u32 $0x2710, s2  }
0x6: {  	s4 =	sshll.u32 s2, $0x4;
	_ =	strace $0x80000050;
	s31 =	smul.u32 $0x138800, s2  }
0x7: {  	s7 =	ssub.s32 $0x2, s2;
	[dreg:$0x3] =	wrdreg s9;
	s2 =	smul.u32 $0x27100, s2  }
0x8: {  	s6 =	sor.u32 s23, s4;
	s4 =	sadd.s32 $0x1E800, s0;
	s8 =	sshrl.u32 s7, $0x1  }
0x9: {  	s9 =	sshrl.u32 s14, $0x3;
	s16 =	sadd.s32 $0x68, s14;
	s17 =	sadd.s32 $0xD0, s14  }
0xa: {  	s18 =	sadd.s32 $0x138, s14;
	s19 =	sadd.s32 $0x1A0, s14;
	s20 =	sadd.s32 $0x208, s14  }
0xb: {  	s23 =	smul.u32 $0x2710, s23;
	s5 =	sshll.u32 s6, $0xB;
	s15 =	ssub.s32 s7, s8  }
0xc: {  	s7 =	sadd.s32 s12, s9;
	s10 =	sshrl.u32 s16, $0x3;
	s11 =	sshrl.u32 s17, $0x3  }
0xd: {  	s22 =	sshrl.u32 s20, $0x3;
	s14 =	sadd.s32 s14, s21;
	s16 =	sadd.s32 s21, s16  }
0xe: {  	s6 =	smul.u32 $0x2710, s6;
	s24 =	sadd.s32 s21, s17;
	s25 =	sadd.s32 s21, s18  }
0xf: {  	s26 =	sadd.s32 s21, s19;
	s30 =	sadd.s32 s21, s20;
	s21 =	sshrl.u32 s31, $0x3  }
0x10: {  	s13 =	sadd.s32 s5, s0;
	s5 =	sadd.s32 $0x3C00, s0;
	s8 =	sadd.s32 s12, s10  }
0x11: {  	s9 =	sadd.s32 s12, s11;
	s10 =	sshrl.u32 s18, $0x3;
	s11 =	sshrl.u32 s19, $0x3  }
0x12: {  	s14 =	sshll.u32 s14, $0x4;
	s16 =	sshll.u32 s16, $0x4;
	s17 =	sshll.u32 s26, $0x4  }
0x13: {  	s20 =	sshll.u32 s30, $0x4;
	s19 =	sadd.s32 $0x1DED5, s0;
	s30 =	sadd.s32 s23, s2  }
0x14: {  	s31 =	smax.u32 s15, $0x1;
	s2 =	simm.s32 $0x17A00;
	s10 =	sadd.s32 s12, s10  }
0x15: {  	s11 =	sadd.s32 s12, s11;
	s12 =	sadd.s32 s12, s22;
	s22 =	sadd.s32 $0x45A00, s0  }
0x16: {  	[dreg:$0xd] =	wrdreg s31;
	s14 =	sadd.s32 s22, s14;
	s17 =	sadd.s32 s22, s17  }
0x17: {  	[dreg:$0x4] =	wrdreg s14;
	s14 =	sadd.s32 s22, s16;
	s16 =	sshll.u32 s25, $0x4  }
0x18: {  	[dreg:$0x8] =	wrdreg s17;
	s25 =	sshrl.u32 s6, $0x3;
	s6 =	simm.s32 $0x1  }
0x19: {  	[dreg:$0x5] =	wrdreg s14;
	s14 =	sshll.u32 s24, $0x4;
	s16 =	sadd.s32 s22, s16  }
0x1a: {  	s24 =	sadd.s32 $0xDA00, s13;
	s0 =	sadd.s32 s5, s25;
	[dreg:$0x7] =	wrdreg s16  }
0x1b: {  	s25 =	simm.s32 $0x1CA00;
	s13 =	simm.s32 $0x0;
	[dreg:$0xa] =	wrdreg s24  }
0x1c: {  	s14 =	sadd.s32 s22, s14;
	[dreg:$0xb] =	wrdreg s0;
	s24 =	sadd.s32 $0x50, s30  }
0x1d: {  	[dreg:$0x6] =	wrdreg s14;
	s14 =	sadd.s32 s22, s20;
	s22 =	sadd.s32 s22, s21  }
0x1e: {  	s16 =	simm.s32 $0x17880;
	[dreg:$0x9] =	wrdreg s14;
	s26 =	sadd.s32 $0x26A80, s22  }
0x1f: {  	s0 =	simm.s32 $0x50;
	[dreg:$0xc] =	wrdreg s26;
	s26 =	simm.s32 $0x5  }
.LBB2_1:
0x20: {  	s14 =	rddreg [dreg:$0x3]  }
0x21: {  	[tilespmem:s25], [sflag:$0x5] =	stream.linear.gather [hbm4b:s14+s3], $0x3400, $0x38;
	[tilespmem:$0x1FE00] =	vst v63  }
0x22: {  	_ =	swait.ge [sflag:s26], $0x3400  }
0x23: {  	[sflag:s26] =	ssyncset.done $0x0  }
0x24: {  	[sflag:s26] =	ssyncadd.s32 $0xFFFFCC00  }
0x25: {  	[tilespmem:s28], [sflag:$0x5] =	stream.linear.gather [hbm4b:s7+s3], $0x68, $0x38;
	[tilespmem:$0x1FE00] =	vst v63  }
0x26: {  	_ =	swait.ge [sflag:s26], $0x68  }
0x27: {  	[sflag:s26] =	ssyncset.done $0x0  }
0x28: {  	[sflag:s26] =	ssyncadd.s32 $0xFFFFFF98  }
0x29: {  	[spmem:s1] =	stream.indirect.scatter [tilespmem:s25], [sflag:$0x5], $0x80, s28, s29, $0xb8;
	[tilespmem:$0x1FE00] =	vst v63  }
0x2a: {  	_ =	swait.ge [sflag:s26], $0x3400  }
0x2b: {  	[sflag:s26] =	ssyncset.done $0x0  }
0x2c: {  	[sflag:s26] =	ssyncadd.s32 $0xFFFFCC00  }
0x2d: {  	[tilespmem:s28], [sflag:$0x5] =	stream.linear.gather [hbm4b:s8+s3], $0x68, $0x38;
	[tilespmem:$0x1FE00] =	vst v63  }
0x2e: {  	_ =	swait.ge [sflag:s26], $0x68  }
0x2f: {  	[sflag:s26] =	ssyncset.done $0x0  }
0x30: {  	[sflag:s26] =	ssyncadd.s32 $0xFFFFFF98  }
0x31: {  	[spmem:s1] =	stream.indirect.scatter [tilespmem:s25], [sflag:$0x5], $0x80, s28, s29, $0xb8;
	[tilespmem:$0x1FE00] =	vst v63  }
0x32: {  	_ =	swait.ge [sflag:s26], $0x3400  }
0x33: {  	[sflag:s26] =	ssyncset.done $0x0  }
0x34: {  	[sflag:s26] =	ssyncadd.s32 $0xFFFFCC00  }
0x35: {  	[tilespmem:s28], [sflag:$0x5] =	stream.linear.gather [hbm4b:s9+s3], $0x68, $0x38;
	[tilespmem:$0x1FE00] =	vst v63  }
0x36: {  	_ =	swait.ge [sflag:s26], $0x68  }
0x37: {  	[sflag:s26] =	ssyncset.done $0x0  }
0x38: {  	[sflag:s26] =	ssyncadd.s32 $0xFFFFFF98  }
0x39: {  	[spmem:s1] =	stream.indirect.scatter [tilespmem:s25], [sflag:$0x5], $0x80, s28, s29, $0xb8;
	[tilespmem:$0x1FE00] =	vst v63  }
0x3a: {  	_ =	swait.ge [sflag:s26], $0x3400  }
0x3b: {  	[sflag:s26] =	ssyncset.done $0x0  }
0x3c: {  	[sflag:s26] =	ssyncadd.s32 $0xFFFFCC00  }
0x3d: {  	[tilespmem:s28], [sflag:$0x5] =	stream.linear.gather [hbm4b:s10+s3], $0x68, $0x38;
	[tilespmem:$0x1FE00] =	vst v63  }
0x3e: {  	_ =	swait.ge [sflag:s26], $0x68  }
0x3f: {  	[sflag:s26] =	ssyncset.done $0x0  }
0x40: {  	[sflag:s26] =	ssyncadd.s32 $0xFFFFFF98  }
0x41: {  	[spmem:s1] =	stream.indirect.scatter [tilespmem:s25], [sflag:$0x5], $0x80, s28, s29, $0xb8;
	[tilespmem:$0x1FE00] =	vst v63  }
0x42: {  	_ =	swait.ge [sflag:s26], $0x3400  }
0x43: {  	[sflag:s26] =	ssyncset.done $0x0  }
0x44: {  	[sflag:s26] =	ssyncadd.s32 $0xFFFFCC00  }
0x45: {  	[tilespmem:s28], [sflag:$0x5] =	stream.linear.gather [hbm4b:s11+s3], $0x68, $0x38;
	[tilespmem:$0x1FE00] =	vst v63  }
0x46: {  	_ =	swait.ge [sflag:s26], $0x68  }
0x47: {  	[sflag:s26] =	ssyncset.done $0x0  }
0x48: {  	[sflag:s26] =	ssyncadd.s32 $0xFFFFFF98  }
0x49: {  	[spmem:s1] =	stream.indirect.scatter [tilespmem:s25], [sflag:$0x5], $0x80, s28, s29, $0xb8;
	[tilespmem:$0x1FE00] =	vst v63  }
0x4a: {  	_ =	swait.ge [sflag:s26], $0x3400  }
0x4b: {  	[sflag:s26] =	ssyncset.done $0x0  }
0x4c: {  	[sflag:s26] =	ssyncadd.s32 $0xFFFFCC00  }
0x4d: {  	[tilespmem:s28], [sflag:$0x5] =	stream.linear.gather [hbm4b:s12+s3], $0x68, $0x38;
	[tilespmem:$0x1FE00] =	vst v63  }
0x4e: {  	_ =	swait.ge [sflag:s26], $0x68  }
0x4f: {  	[sflag:s26] =	ssyncset.done $0x0  }
0x50: {  	[sflag:s26] =	ssyncadd.s32 $0xFFFFFF98  }
0x51: {  	[spmem:s1] =	stream.indirect.scatter [tilespmem:s25], [sflag:$0x5], $0x80, s28, s29, $0xb8;
	[tilespmem:$0x1FE00] =	vst v63  }
0x52: {  	_ =	swait.ge [sflag:s26], $0x3400  }
0x53: {  	[sflag:s26] =	ssyncset.done $0x0  }
0x54: {  	[sflag:s26] =	ssyncadd.s32 $0xFFFFCC00  }
0x55: {  	[tilespmem:s28], [sflag:$0x5] =	stream.linear.gather [hbm4b:s19+s3], $0x68, $0x38;
	[tilespmem:$0x1FE00] =	vst v63  }
0x56: {  	_ =	swait.ge [sflag:s26], $0x68  }
0x57: {  	[sflag:s26] =	ssyncset.done $0x0  }
0x58: {  	[sflag:s26] =	ssyncadd.s32 $0xFFFFFF98  }
0x59: {  	[spmem:s1] =	stream.indirect.scatter [tilespmem:s25], [sflag:$0x5], $0x80, s28, s29, $0xb8;
	[tilespmem:$0x1FE00] =	vst v63  }
0x5a: {  	_ =	swait.ge [sflag:s26], $0x3400  }
0x5b: {  	[sflag:s26] =	ssyncset.done $0x0  }
0x5c: {  	s15 =	simm.s32 $0x13880;
	s22 =	rddreg [dreg:$0xa];
	[sflag:s26] =	ssyncadd.s32 $0xFFFFCC00  }
0x5d: {  	[tilespmem:s15], [sflag:$0x5] =	stream.linear.gather [hbm4b:s22+s3], $0x3E80, $0x38;
	[tilespmem:$0x1FE00] =	vst v63  }
0x5e: {  	_ =	swait.ge [sflag:s26], $0x3E80  }
0x5f: {  	[sflag:s26] =	ssyncset.done $0x0  }
0x60: {  	[sflag:s26] =	ssyncadd.s32 $0xFFFFC180  }
0x61: {  	[bflag:$0x0] =	sbarrier.arrive $0xFFFF  }
0x62: {  	s23 =	rddreg [dreg:$0xb]  }
0x63: {  	[tilespmem:s16], [sflag:$0x5] =	stream.linear.gather [hbm4b:s23+s3], $0x50, $0x38;
	[tilespmem:$0x1FE00] =	vst v63  }
0x64: {  	s30 =	sand.u32 $0x1, s3;
	_ =	swait.ge [sflag:s26], $0x50  }
0x65: {  	p0 =	seq.s32 s30, $0x1;
	[sflag:s26] =	ssyncset.done $0x0  }
0x66: {  	s14 =	simm.s32 @p0 $0x50;
	[sflag:s26] =	ssyncadd.s32 $0xFFFFFFB0  }
0x67: {  	[tilespmem:s2], [sflag:$0x1] =	stream.indirect.gather [hbm4b:s4+s0], $0x80, s15, s0, $0xb8;
	[tilespmem:$0x1FE00] =	vst v63  }
0x68: {  	s17 =	sshrl.u32 @p0 s24, $0x3;
	s16 =	simm.s32 @p0 $0x17A00;
	s15 =	simm.s32 $0x13900  }
0x69: {  	[tilespmem:s16], [sflag:$0x1] =	stream.indirect.gather @p0 [hbm4b:s4+s14], $0x80, s15, s14, $0xb8;
	[tilespmem:$0x1FE00] =	vst v63  }
0x6a: {  	s18 =	simm.s32 @p0 $0x17880;
	s16 =	sadd.s32 @p0 s5, s17;
	s17 =	simm.s32 @p0 $0x0  }
0x6b: {  	[tilespmem:s18], [sflag:$0x3] =	stream.linear.gather @p0 [hbm4b:s16+s17], $0x50, $0x38;
	[tilespmem:$0x1FE00] =	vst v63  }
0x6c: {  	s16 =	simm.s32 @p0 $0x2  }
0x6d: {  	_ =	swait.ge @p0 [sflag:s16], $0x2800  }
0x6e: {  	s17 =	sshrl.u32 @!p0 s24, $0x3;
	[sflag:s16] =	ssyncset.done @p0 $0x0  }
0x6f: {  	s18 =	simm.s32 @p0 $0x17900;
	[sflag:s16] =	ssyncadd.s32 @p0 $0xFFFFD800;
	s16 =	simm.s32 @p0 $0x1A200  }
0x70: {  	[spmem:s1] =	stream.indirect.scatter.add.f32 @p0 [tilespmem:s16], [sflag:$0x5], $0x80, s18, s14, $0xb8;
	[tilespmem:$0x1FE00] =	vst v63  }
0x71: {  	s14 =	sadd.s32 @!p0 s5, s17;
	s16 =	simm.s32 @!p0 $0x50;
	s17 =	simm.s32 @!p0 $0x1A200  }
0x72: {  	[tilespmem:s17], [sflag:$0x2] =	stream.indirect.gather @!p0 [hbm4b:s4+s16], $0x80, s15, s16, $0xb8;
	[tilespmem:$0x1FE00] =	vst v63  }
0x73: {  	s18 =	simm.s32 @!p0 $0x1;
	s15 =	simm.s32 @!p0 $0x0;
	s17 =	simm.s32 @!p0 $0x17900  }
0x74: {  	[tilespmem:s17], [sflag:$0x4] =	stream.linear.gather @!p0 [hbm4b:s14+s15], $0x50, $0x38;
	[tilespmem:$0x1FE00] =	vst v63  }
0x75: {  	_ =	swait.ge @!p0 [sflag:s18], $0x2800  }
0x76: {  	s31 =	simm.s32 $0x1;
	[sflag:s18] =	ssyncset.done @!p0 $0x0  }
0x77: {  	s14 =	simm.s32 @!p0 $0x17880;
	s17 =	simm.s32 @!p0 $0x17A00;
	[sflag:s18] =	ssyncadd.s32 @!p0 $0xFFFFD800  }
0x78: {  	[spmem:s1] =	stream.indirect.scatter.add.f32 @!p0 [tilespmem:s17], [sflag:$0x5], $0x80, s14, s16, $0xb8;
	[tilespmem:$0x1FE00] =	vst v63  }
0x79: {  	s15 =	simm.s32 $0x13980;
	s18 =	sand.u32 $0x1, s31;
	_ =	swait.ge [sflag:s26], $0x2800  }
0x7a: {  	s16 =	simm.s32 $0x2;
	s17 =	simm.s32 @!p0 $0x4;
	[sflag:s26] =	ssyncset.done $0x0  }
0x7b: {  	s14 =	sadd.s32 $0x50, s24;
	s17 =	simm.s32 @p0 $0x3;
	[sflag:s26] =	ssyncadd.s32 $0xFFFFD800  }
.LBB2_2:
0x7c: {  	p0 =	seq.s32 s18, $0x1  }
0x7d: {  	_ =	swait.ge [sflag:s17], $0x50;
	s18 =	smov.u32 s16;
	s16 =	sadd.s32 $0x1, s16  }
0x7e: {  	s20 =	simm.s32 @p0 $0x50;
	s21 =	simm.s32 @p0 $0x17A00;
	[sflag:s17] =	ssyncset.done $0x0  }
0x7f: {  	s22 =	sshrl.u32 @p0 s14, $0x3;
	s23 =	sshrl.u32 @!p0 s14, $0x3;
	[sflag:s17] =	ssyncadd.s32 $0xFFFFFFB0  }
0x80: {  	s30 =	simm.s32 @p0 $0x0;
	s31 =	simm.s32 @p0 $0x2;
	s22 =	sadd.s32 @p0 s5, s22  }
0x81: {  	[tilespmem:s21], [sflag:$0x1] =	stream.indirect.gather @p0 [hbm4b:s4+s20], $0x80, s15, s20, $0xb8;
	[tilespmem:$0x1FE00] =	vst v63  }
0x82: {  	s23 =	sadd.s32 @!p0 s5, s23;
	s17 =	simm.s32 @!p0 $0x4;
	s21 =	simm.s32 @p0 $0x17880  }
0x83: {  	[tilespmem:s21], [sflag:$0x3] =	stream.linear.gather @p0 [hbm4b:s22+s30], $0x50, $0x38;
	[tilespmem:$0x1FE00] =	vst v63  }
0x84: {  	s21 =	simm.s32 @p0 $0x17900;
	s22 =	simm.s32 @p0 $0x1A200;
	_ =	swait.ge @p0 [sflag:s31], $0x2800  }
0x85: {  	p1 =	sne.s32 s16, $0x7C;
	[sflag:s31] =	ssyncset.done @p0 $0x0  }
0x86: {  	s30 =	simm.s32 @!p0 $0x50;
	[sflag:s31] =	ssyncadd.s32 @p0 $0xFFFFD800;
	s31 =	simm.s32 @!p0 $0x1A200  }
0x87: {  	[spmem:s1] =	stream.indirect.scatter.add.f32 @p0 [tilespmem:s22], [sflag:$0x5], $0x80, s21, s20, $0xb8;
	[tilespmem:$0x1FE00] =	vst v63  }
0x88: {  	s20 =	simm.s32 @!p0 $0x0;
	s21 =	simm.s32 @!p0 $0x17900;
	s22 =	simm.s32 @!p0 $0x1  }
0x89: {  	[tilespmem:s31], [sflag:$0x2] =	stream.indirect.gather @!p0 [hbm4b:s4+s30], $0x80, s15, s30, $0xb8;
	[tilespmem:$0x1FE00] =	vst v63  }
0x8a: {  	_ = 	snop  }
0x8b: {  	[tilespmem:s21], [sflag:$0x4] =	stream.linear.gather @!p0 [hbm4b:s23+s20], $0x50, $0x38;
	[tilespmem:$0x1FE00] =	vst v63  }
0x8c: {  	s20 =	simm.s32 @!p0 $0x17880;
	s21 =	simm.s32 @!p0 $0x17A00;
	_ =	swait.ge @!p0 [sflag:s22], $0x2800  }
0x8d: {  	[sflag:s22] =	ssyncset.done @!p0 $0x0  }
.Ltmp0:
0x8e: {  	[sflag:s22] =	ssyncadd.s32 @!p0 $0xFFFFD800;
	(pc) =	sbr.rel @p1 .LBB2_2-.Ltmp0, $4  }
0x8f: {  	[spmem:s1] =	stream.indirect.scatter.add.f32 @!p0 [tilespmem:s21], [sflag:$0x5], $0x80, s20, s30, $0xb8;
	[tilespmem:$0x1FE00] =	vst v63  }
0x90: {  	s17 =	simm.s32 @p0 $0x3;
	_ =	swait.ge [sflag:s26], $0x2800  }
0x91: {  	s14 =	sadd.s32 $0x50, s14;
	[sflag:s26] =	ssyncset.done $0x0  }
0x92: {  	s18 =	sand.u32 $0x1, s18;
	s15 =	sadd.s32 $0x80, s15;
	[sflag:s26] =	ssyncadd.s32 $0xFFFFD800  }
0x93: {  	p0 =	seq.s32 s18, $0x1;
	_ =	swait.ge [sflag:s17], $0x50  }
0x94: {  	s16 =	simm.s32 @p0 $0x50;
	[sflag:s17] =	ssyncset.done $0x0  }
0x95: {  	s18 =	simm.s32 @p0 $0x17A00;
	s20 =	sshrl.u32 @p0 s14, $0x3;
	[sflag:s17] =	ssyncadd.s32 $0xFFFFFFB0  }
0x96: {  	[tilespmem:s18], [sflag:$0x1] =	stream.indirect.gather @p0 [hbm4b:s4+s16], $0x80, s15, s16, $0xb8;
	[tilespmem:$0x1FE00] =	vst v63  }
0x97: {  	s17 =	sadd.s32 @p0 s5, s20;
	s20 =	simm.s32 @p0 $0x17880;
	s18 =	simm.s32 @p0 $0x0  }
0x98: {  	[tilespmem:s20], [sflag:$0x3] =	stream.linear.gather @p0 [hbm4b:s17+s18], $0x50, $0x38;
	[tilespmem:$0x1FE00] =	vst v63  }
0x99: {  	s17 =	simm.s32 @p0 $0x2  }
0x9a: {  	_ =	swait.ge @p0 [sflag:s17], $0x2800  }
0x9b: {  	[sflag:s17] =	ssyncset.done @p0 $0x0  }
0x9c: {  	s18 =	simm.s32 @p0 $0x17900;
	[sflag:s17] =	ssyncadd.s32 @p0 $0xFFFFD800;
	s17 =	simm.s32 @p0 $0x1A200  }
0x9d: {  	[spmem:s1] =	stream.indirect.scatter.add.f32 @p0 [tilespmem:s17], [sflag:$0x5], $0x80, s18, s16, $0xb8;
	[tilespmem:$0x1FE00] =	vst v63  }
0x9e: {  	s14 =	sshrl.u32 @!p0 s14, $0x3;
	s16 =	simm.s32 @!p0 $0x50;
	s17 =	simm.s32 @!p0 $0x1A200  }
0x9f: {  	[tilespmem:s17], [sflag:$0x2] =	stream.indirect.gather @!p0 [hbm4b:s4+s16], $0x80, s15, s16, $0xb8;
	[tilespmem:$0x1FE00] =	vst v63  }
0xa0: {  	s14 =	sadd.s32 @!p0 s5, s14;
	s15 =	simm.s32 @!p0 $0x0;
	s17 =	simm.s32 @!p0 $0x17900  }
0xa1: {  	[tilespmem:s17], [sflag:$0x4] =	stream.linear.gather @!p0 [hbm4b:s14+s15], $0x50, $0x38;
	[tilespmem:$0x1FE00] =	vst v63  }
0xa2: {  	s14 =	simm.s32 @!p0 $0x1  }
0xa3: {  	_ =	swait.ge @!p0 [sflag:s14], $0x2800  }
0xa4: {  	[sflag:s14] =	ssyncset.done @!p0 $0x0  }
0xa5: {  	s15 =	simm.s32 @!p0 $0x17880;
	[sflag:s14] =	ssyncadd.s32 @!p0 $0xFFFFD800;
	s14 =	simm.s32 @!p0 $0x17A00  }
0xa6: {  	[spmem:s1] =	stream.indirect.scatter.add.f32 @!p0 [tilespmem:s14], [sflag:$0x5], $0x80, s15, s16, $0xb8;
	[tilespmem:$0x1FE00] =	vst v63  }
0xa7: {  	_ =	swait.ge [sflag:s26], $0x2800  }
0xa8: {  	s14 =	simm.s32 @!p0 $0x4;
	[sflag:s26] =	ssyncset.done $0x0  }
0xa9: {  	s14 =	simm.s32 @p0 $0x3;
	[sflag:s26] =	ssyncadd.s32 $0xFFFFD800  }
0xaa: {  	_ =	swait.ge [sflag:s14], $0x50  }
0xab: {  	[sflag:s14] =	ssyncset.done $0x0  }
0xac: {  	[sflag:s14] =	ssyncadd.s32 $0xFFFFFFB0  }
0xad: {  	_ =	swait.ge [sflag:s6], $0x2800  }
0xae: {  	[sflag:s6] =	ssyncset.done $0x0  }
0xaf: {  	s16 =	simm.s32 $0x17880;
	[sflag:s6] =	ssyncadd.s32 $0xFFFFD800  }
0xb0: {  	[spmem:s1] =	stream.indirect.scatter.add.f32 [tilespmem:s2], [sflag:$0x5], $0x80, s16, s0, $0xb8;
	[tilespmem:$0x1FE00] =	vst v63  }
0xb1: {  	_ =	swait.ge [sflag:s26], $0x2800  }
0xb2: {  	[sflag:s26] =	ssyncset.done $0x0  }
0xb3: {  	[sflag:s26] =	ssyncadd.s32 $0xFFFFD800  }
0xb4: {  	[bflag:$0x0] =	sbarrier.arrive $0xFFFF  }
0xb5: {  	[tilespmem:s28], [sflag:$0x5] =	stream.linear.gather [hbm4b:s7+s3], $0x68, $0x38;
	[tilespmem:$0x1FE00] =	vst v63  }
0xb6: {  	_ =	swait.ge [sflag:s26], $0x68  }
0xb7: {  	[sflag:s26] =	ssyncset.done $0x0  }
0xb8: {  	[sflag:s26] =	ssyncadd.s32 $0xFFFFFF98  }
0xb9: {  	[tilespmem:s25], [sflag:$0x5] =	stream.indirect.gather [spmem:s1], $0x80, s28, s29, $0xb8;
	[tilespmem:$0x1FE00] =	vst v63  }
0xba: {  	_ =	swait.ge [sflag:s26], $0x3400  }
0xbb: {  	[sflag:s26] =	ssyncset.done $0x0  }
0xbc: {  	s17 =	rddreg [dreg:$0x4];
	[sflag:s26] =	ssyncadd.s32 $0xFFFFCC00  }
0xbd: {  	[hbm4b:s17+s3] =	stream.linear.scatter [tilespmem:s25], [sflag:$0x5], $0x3400, $0x38;
	[tilespmem:$0x1FE00] =	vst v63  }
0xbe: {  	_ =	swait.ge [sflag:s26], $0x3400  }
0xbf: {  	[sflag:s26] =	ssyncset.done $0x0  }
0xc0: {  	[sflag:s26] =	ssyncadd.s32 $0xFFFFCC00  }
0xc1: {  	[tilespmem:s28], [sflag:$0x5] =	stream.linear.gather [hbm4b:s8+s3], $0x68, $0x38;
	[tilespmem:$0x1FE00] =	vst v63  }
0xc2: {  	_ =	swait.ge [sflag:s26], $0x68  }
0xc3: {  	[sflag:s26] =	ssyncset.done $0x0  }
0xc4: {  	[sflag:s26] =	ssyncadd.s32 $0xFFFFFF98  }
0xc5: {  	[tilespmem:s25], [sflag:$0x5] =	stream.indirect.gather [spmem:s1], $0x80, s28, s29, $0xb8;
	[tilespmem:$0x1FE00] =	vst v63  }
0xc6: {  	_ =	swait.ge [sflag:s26], $0x3400  }
0xc7: {  	[sflag:s26] =	ssyncset.done $0x0  }
0xc8: {  	s18 =	rddreg [dreg:$0x5];
	[sflag:s26] =	ssyncadd.s32 $0xFFFFCC00  }
0xc9: {  	[hbm4b:s18+s3] =	stream.linear.scatter [tilespmem:s25], [sflag:$0x5], $0x3400, $0x38;
	[tilespmem:$0x1FE00] =	vst v63  }
0xca: {  	_ =	swait.ge [sflag:s26], $0x3400  }
0xcb: {  	[sflag:s26] =	ssyncset.done $0x0  }
0xcc: {  	[sflag:s26] =	ssyncadd.s32 $0xFFFFCC00  }
0xcd: {  	[tilespmem:s28], [sflag:$0x5] =	stream.linear.gather [hbm4b:s9+s3], $0x68, $0x38;
	[tilespmem:$0x1FE00] =	vst v63  }
0xce: {  	_ =	swait.ge [sflag:s26], $0x68  }
0xcf: {  	[sflag:s26] =	ssyncset.done $0x0  }
0xd0: {  	[sflag:s26] =	ssyncadd.s32 $0xFFFFFF98  }
0xd1: {  	[tilespmem:s25], [sflag:$0x5] =	stream.indirect.gather [spmem:s1], $0x80, s28, s29, $0xb8;
	[tilespmem:$0x1FE00] =	vst v63  }
0xd2: {  	_ =	swait.ge [sflag:s26], $0x3400  }
0xd3: {  	[sflag:s26] =	ssyncset.done $0x0  }
0xd4: {  	s20 =	rddreg [dreg:$0x6];
	[sflag:s26] =	ssyncadd.s32 $0xFFFFCC00  }
0xd5: {  	[hbm4b:s20+s3] =	stream.linear.scatter [tilespmem:s25], [sflag:$0x5], $0x3400, $0x38;
	[tilespmem:$0x1FE00] =	vst v63  }
0xd6: {  	_ =	swait.ge [sflag:s26], $0x3400  }
0xd7: {  	[sflag:s26] =	ssyncset.done $0x0  }
0xd8: {  	[sflag:s26] =	ssyncadd.s32 $0xFFFFCC00  }
0xd9: {  	[tilespmem:s28], [sflag:$0x5] =	stream.linear.gather [hbm4b:s10+s3], $0x68, $0x38;
	[tilespmem:$0x1FE00] =	vst v63  }
0xda: {  	_ =	swait.ge [sflag:s26], $0x68  }
0xdb: {  	[sflag:s26] =	ssyncset.done $0x0  }
0xdc: {  	[sflag:s26] =	ssyncadd.s32 $0xFFFFFF98  }
0xdd: {  	[tilespmem:s25], [sflag:$0x5] =	stream.indirect.gather [spmem:s1], $0x80, s28, s29, $0xb8;
	[tilespmem:$0x1FE00] =	vst v63  }
0xde: {  	_ =	swait.ge [sflag:s26], $0x3400  }
0xdf: {  	[sflag:s26] =	ssyncset.done $0x0  }
0xe0: {  	s21 =	rddreg [dreg:$0x7];
	[sflag:s26] =	ssyncadd.s32 $0xFFFFCC00  }
0xe1: {  	[hbm4b:s21+s3] =	stream.linear.scatter [tilespmem:s25], [sflag:$0x5], $0x3400, $0x38;
	[tilespmem:$0x1FE00] =	vst v63  }
0xe2: {  	_ =	swait.ge [sflag:s26], $0x3400  }
0xe3: {  	[sflag:s26] =	ssyncset.done $0x0  }
0xe4: {  	[sflag:s26] =	ssyncadd.s32 $0xFFFFCC00  }
0xe5: {  	[tilespmem:s28], [sflag:$0x5] =	stream.linear.gather [hbm4b:s11+s3], $0x68, $0x38;
	[tilespmem:$0x1FE00] =	vst v63  }
0xe6: {  	_ =	swait.ge [sflag:s26], $0x68  }
0xe7: {  	[sflag:s26] =	ssyncset.done $0x0  }
0xe8: {  	[sflag:s26] =	ssyncadd.s32 $0xFFFFFF98  }
0xe9: {  	[tilespmem:s25], [sflag:$0x5] =	stream.indirect.gather [spmem:s1], $0x80, s28, s29, $0xb8;
	[tilespmem:$0x1FE00] =	vst v63  }
0xea: {  	_ =	swait.ge [sflag:s26], $0x3400  }
0xeb: {  	[sflag:s26] =	ssyncset.done $0x0  }
0xec: {  	s22 =	rddreg [dreg:$0x8];
	[sflag:s26] =	ssyncadd.s32 $0xFFFFCC00  }
0xed: {  	[hbm4b:s22+s3] =	stream.linear.scatter [tilespmem:s25], [sflag:$0x5], $0x3400, $0x38;
	[tilespmem:$0x1FE00] =	vst v63  }
0xee: {  	_ =	swait.ge [sflag:s26], $0x3400  }
0xef: {  	[sflag:s26] =	ssyncset.done $0x0  }
0xf0: {  	[sflag:s26] =	ssyncadd.s32 $0xFFFFCC00  }
0xf1: {  	[tilespmem:s28], [sflag:$0x5] =	stream.linear.gather [hbm4b:s12+s3], $0x68, $0x38;
	[tilespmem:$0x1FE00] =	vst v63  }
0xf2: {  	_ =	swait.ge [sflag:s26], $0x68  }
0xf3: {  	[sflag:s26] =	ssyncset.done $0x0  }
0xf4: {  	[sflag:s26] =	ssyncadd.s32 $0xFFFFFF98  }
0xf5: {  	[tilespmem:s25], [sflag:$0x5] =	stream.indirect.gather [spmem:s1], $0x80, s28, s29, $0xb8;
	[tilespmem:$0x1FE00] =	vst v63  }
0xf6: {  	_ =	swait.ge [sflag:s26], $0x3400  }
0xf7: {  	[sflag:s26] =	ssyncset.done $0x0  }
0xf8: {  	s23 =	rddreg [dreg:$0x9];
	[sflag:s26] =	ssyncadd.s32 $0xFFFFCC00  }
0xf9: {  	[hbm4b:s23+s3] =	stream.linear.scatter [tilespmem:s25], [sflag:$0x5], $0x3400, $0x38;
	[tilespmem:$0x1FE00] =	vst v63  }
0xfa: {  	_ =	swait.ge [sflag:s26], $0x3400  }
0xfb: {  	[sflag:s26] =	ssyncset.done $0x0  }
0xfc: {  	[sflag:s26] =	ssyncadd.s32 $0xFFFFCC00  }
0xfd: {  	[tilespmem:s28], [sflag:$0x5] =	stream.linear.gather [hbm4b:s19+s3], $0x68, $0x38;
	[tilespmem:$0x1FE00] =	vst v63  }
0xfe: {  	_ =	swait.ge [sflag:s26], $0x68  }
0xff: {  	[sflag:s26] =	ssyncset.done $0x0  }
0x100: {  	[sflag:s26] =	ssyncadd.s32 $0xFFFFFF98  }
0x101: {  	[tilespmem:s25], [sflag:$0x5] =	stream.indirect.gather [spmem:s1], $0x80, s28, s29, $0xb8;
	[tilespmem:$0x1FE00] =	vst v63  }
0x102: {  	_ =	swait.ge [sflag:s26], $0x3400  }
0x103: {  	[sflag:s26] =	ssyncset.done $0x0  }
0x104: {  	s30 =	rddreg [dreg:$0xc];
	[sflag:s26] =	ssyncadd.s32 $0xFFFFCC00  }
0x105: {  	[hbm4b:s30+s3] =	stream.linear.scatter [tilespmem:s25], [sflag:$0x5], $0x3400, $0x38;
	[tilespmem:$0x1FE00] =	vst v63  }
0x106: {  	_ =	swait.ge [sflag:s26], $0x3400  }
0x107: {  	s13 =	sadd.s32 $0x1, s13;
	s31 =	rddreg [dreg:$0xd]  }
0x108: {  	p0 =	sne.s32 s13, s31  }
.Ltmp1:
0x109: {  	_ = 	snop;
	(pc) =	sbr.rel @p0 .LBB2_1-.Ltmp1, $3  }
0x10a: {  	_ =	sdelay $0x1  }
0x10b: {  	[sflag:s26] =	ssyncset.done $0x0  }
0x10c: {  	[sflag:s26] =	ssyncadd.s32 $0xFFFFCC00  }
0x10d: {  	_ =	sfence.sel $0x180000  }
0x10e: {  	[bflag:$0x0] =	sbarrier.arrive $0xFFFF  }
0x10f: {  	_ =	strace $0x90000050  }
0x110: {  	s0 =	stileid.u32;
	[bflag:$0x2] =	sbarrier.arrive $0xFFFF  }
0x111: {  	p0 =	sne.s32 s0, $0x0;
	s0 =	rddreg [dreg:$0x2]  }
0x112: {  	s0 =	sadd.s32 @!p0 $0x100000, s0  }
0x113: {  	[sflag:s0] =	ssyncadd.tile.s32 @!p0 $0x1;
	_ =	shalt  }
.Lfunc_end2:
_tile_overlayer_lowered:
.L_overlay_start_2:
0x114: {  	(tag) =	ssettag $0x2  }
0x115: {  	s0 =	rddreg [dreg:$0x0];
	s2 =	stileid.u32  }
0x116: {  	s1 =	rddreg [dreg:$0x1];
	p0 =	sne.s32 s2, $0x0  }
0x117: {  	s3 =	rddreg [dreg:$0x2];
	[bflag:$0x3] =	sbarrier.arrive $0xFFFF;
	s2 =	simm.s32 @!p0 $0x1C05  }
0x118: {  	[timem:s3], [sflag:s2] =	dma.local @!p0 [hbm:s0], s1  }
0x119: {  	s0 =	simm.s32 @!p0 $0x5  }
0x11a: {  	_ =	swait.ge @!p0 [sflag:s0], s1  }
0x11b: {  	s1 =	ssub.s32 @!p0 $0x0, s1;
	[sflag:s0] =	ssyncset.done @!p0 $0x0  }
0x11c: {  	[sflag:s0] =	ssyncadd.s32 @!p0 s1  }
0x11d: {  	[bflag:$0x3] =	sbarrier.arrive $0xFFFF  }
0x11e: {  	_ =	shalt  }

</sc_bundles>
